<compile_context>
chip_gen: v7x
topology: tpu7x:2x2x1
jax: 0.10.2.dev20260603
libtpu: 0.0.44.dev20260713+nightly
codegen_flags: <defaults>
</compile_context>

<pallas_src>
import functools

import jax
import jax.numpy as jnp
from jax import lax
from jax.experimental import pallas as pl
from jax.experimental.pallas import tpu as pltpu
from jax.experimental.pallas import tpu_sc as plsc

NUM_EMB = 1000000
D = 64
BATCH = 16384
HIST = 50
IW = 128
NC, NS = 2, 16
NW = NC * NS
B_PER_W = BATCH // NW
JB = B_PER_W // IW
NU = HIST * JB

_mesh = plsc.VectorSubcoreMesh(
    core_axis_name="c", subcore_axis_name="s", num_cores=NC, num_subcores=NS
)


@functools.partial(
    pl.kernel,
    out_type=jax.ShapeDtypeStruct((HIST, D // 8, BATCH // 128, 8, 128),
                                  jnp.float32),
    mesh=_mesh,
    scratch_types=[
        pltpu.VMEM((HIST, B_PER_W), jnp.int32),
        pltpu.VMEM((IW, D), jnp.float32),
        pltpu.VMEM((IW, D), jnp.float32),
        pltpu.VMEM((IW, D), jnp.float32),
        pltpu.VMEM((IW, D), jnp.float32),
        pltpu.VMEM((D // 8, 8, IW), jnp.float32),
        pltpu.VMEM((D // 8, 8, IW), jnp.float32),
        pltpu.SemaphoreType.DMA,
        pltpu.SemaphoreType.DMA,
        pltpu.SemaphoreType.DMA,
        pltpu.SemaphoreType.DMA,
        pltpu.SemaphoreType.DMA,
        pltpu.SemaphoreType.DMA,
    ],
    compiler_params=pltpu.CompilerParams(
        use_tc_tiling_on_sc=False, needs_layout_passes=False
    ),
)
def _gather_kernel(idx_hbm, table_hbm, out_hbm, idx_v, a0, a1, a2, a3,
                   b0, b1, ga0, ga1, ga2, ga3, sb0, sb1):
    wid = lax.axis_index("s") * NC + lax.axis_index("c")
    col0 = wid * B_PER_W

    pltpu.sync_copy(idx_hbm.at[:, pl.ds(col0, B_PER_W)], idx_v)

    def fire_gather(u, buf, sem):
        h = lax.shift_right_logical(u, 2)
        j = lax.bitwise_and(u, 3)
        pltpu.async_copy(
            table_hbm.at[idx_v.at[h, pl.ds(j * IW, IW)]], buf, sem
        )

    def wait_gather(buf, sem):
        pltpu.make_async_copy(table_hbm.at[pl.ds(0, IW)], buf, sem).wait()

    lanes = jnp.arange(16, dtype=jnp.int32)
    zeros16 = jnp.zeros((16,), jnp.int32)
    diag_src = [lanes * D + ((lanes + k) & 15) for k in range(16)]
    diag_dst = [((lanes + k) & 15) * IW + lanes for k in range(16)]

    def transpose(src, dst):
        @plsc.parallel_loop(0, (IW // 16) * (D // 16), unroll=2)
        def _blk(t):
            rb = lax.shift_right_logical(t, 2)
            cb = lax.bitwise_and(t, 3)
            soff = rb * (16 * D) + cb * 16
            doff = cb * (16 * IW) + rb * 16
            for k in range(16):
                v = plsc.load_gather(src, [zeros16, diag_src[k] + soff])
                plsc.store_scatter(dst, [zeros16, zeros16, diag_dst[k] + doff], v)

    def fire_store(u, buf, sem):
        h = lax.shift_right_logical(u, 2)
        j = lax.bitwise_and(u, 3)
        ct = wid * JB + j
        pltpu.async_copy(
            buf, out_hbm.at[h, :, ct], sem
        )

    def wait_store(buf, sem):
        pltpu.make_async_copy(buf, out_hbm.at[0, :, 0], sem).wait()

    abufs = (a0, a1, a2, a3)
    asems = (ga0, ga1, ga2, ga3)
    bbufs = (b0, b1)
    bsems = (sb0, sb1)

    for i in range(4):
        fire_gather(jnp.int32(i), abufs[i], asems[i])

    @pl.loop(0, NU, step=4)
    def _quad(u):
        for i in range(4):
            wait_gather(abufs[i], asems[i])

            @pl.when(u + i >= 2)
            def _():
                wait_store(bbufs[i % 2], bsems[i % 2])

            transpose(abufs[i], bbufs[i % 2])
            fire_store(u + i, bbufs[i % 2], bsems[i % 2])

            @pl.when(u + i + 4 < NU)
            def _():
                fire_gather(u + i + 4, abufs[i], asems[i])

    wait_store(b0, sb0)
    wait_store(b1, sb1)


def kernel(idx, table):
    idx_t = idx.T * 2
    tpad = jnp.pad(table, ((0, 0), (0, D))).reshape(2 * NUM_EMB, D)
    out5 = _gather_kernel(idx_t, tpad)
    out = out5.transpose(2, 4, 0, 1, 3).reshape(BATCH, HIST, D)
    return out

# --- scband reference (transcript-rebuilt; emitter-appended) ---
"""Pipeline reference for scband-word-vec-lookup-60000693125672 (READ-ONLY COPY).

The authoritative reference and input builder live on the scoring server;
editing this copy changes nothing except your own understanding.
"""

import jax, jax.numpy as jnp
import numpy as np

NUM_EMBEDDINGS = 1000000
EMBED_DIM = 64
BATCH = 16384
HIST = 50

def setup_inputs(seed: int = 0) -> dict:
    key = jax.random.key(seed)
    k_idx, k_tab = jax.random.split(key)
    idx = jax.random.randint(k_idx, (BATCH, HIST), 0, NUM_EMBEDDINGS, dtype=jnp.int64 if jax.config.jax_enable_x64 else jnp.int32)
    table = jax.random.normal(k_tab, (NUM_EMBEDDINGS, EMBED_DIM), dtype=jnp.float32) * 0.02
    return {"idx": idx, "table": table}

def reference(idx, table):
    # nn.Embedding forward: gather rows of the embedding table
    return jnp.take(table, idx, axis=0)

if __name__ == "__main__":
    import jax
    _d = setup_inputs()
    print(jax.jit(kernel)(*tuple(_d.values())))

</pallas_src>

<mosaic_0001>
#map = affine_map<(d0, d1) -> (0, 0)>
#map1 = affine_map<(d0, d1) -> (0, 0, 0, 0, 0)>
module attributes {stable_mosaic.version = 14 : i64} {
  func.func @_gather_kernel(%arg0: i32, %arg1: i32, %arg2: memref<50x16384xi32, #tpu.memory_space<hbm>>, %arg3: memref<2000000x64xf32, #tpu.memory_space<hbm>>, %arg4: memref<50x8x128x8x128xf32, #tpu.memory_space<hbm>>, %arg5: memref<50x512xi32, #tpu.memory_space<vmem>>, %arg6: memref<128x64xf32, #tpu.memory_space<vmem>>, %arg7: memref<128x64xf32, #tpu.memory_space<vmem>>, %arg8: memref<128x64xf32, #tpu.memory_space<vmem>>, %arg9: memref<128x64xf32, #tpu.memory_space<vmem>>, %arg10: memref<8x8x128xf32, #tpu.memory_space<vmem>>, %arg11: memref<8x8x128xf32, #tpu.memory_space<vmem>>, %arg12: memref<!tpu.dma_semaphore, #tpu.memory_space<semaphore_mem>>, %arg13: memref<!tpu.dma_semaphore, #tpu.memory_space<semaphore_mem>>, %arg14: memref<!tpu.dma_semaphore, #tpu.memory_space<semaphore_mem>>, %arg15: memref<!tpu.dma_semaphore, #tpu.memory_space<semaphore_mem>>, %arg16: memref<!tpu.dma_semaphore, #tpu.memory_space<semaphore_mem>>, %arg17: memref<!tpu.dma_semaphore, #tpu.memory_space<semaphore_mem>>) attributes {dimension_semantics = [#tpu.dimension_semantics<core_parallel>, #tpu.dimension_semantics<subcore_parallel>], iteration_bounds = array<i64: 2, 16>, scalar_prefetch = 0 : i64, scratch_operands = 13 : i64, tpu.core_type = #tpu.core_type<sc_vector_subcore>, window_params = [{transform_indices = #map}, {transform_indices = #map}, {transform_indices = #map1}]} {
    %mul3A = arith.constant 2 : i32
    %mul3A_0 = arith.muli %arg1, %mul3A : i32
    %add3A = arith.addi %mul3A_0, %arg0 : i32
    %mul3A_1 = arith.constant 512 : i32
    %mul3A_2 = arith.muli %add3A, %mul3A_1 : i32
    "tpu.region"() ({
      %run_scoped3A = tpu.sem_alloc : memref<!tpu.dma_semaphore, #tpu.memory_space<semaphore_mem>>
      %dma_start3A_400 = arith.constant 0 : i32
      %dma_start3A_401 = tpu.memref_slice %arg2[%dma_start3A_400, %mul3A_2] : memref<50x16384xi32, #tpu.memory_space<hbm>> -> memref<50x512xi32, #tpu.memory_space<hbm>>
      %dma_start3A_402 = arith.constant 0 : i32
      %dma_start3A_403 = tpu.memref_slice %arg2[%dma_start3A_402, %mul3A_2] : memref<50x16384xi32, #tpu.memory_space<hbm>> -> memref<50x512xi32, #tpu.memory_space<hbm>>
      tpu.enqueue_dma source(%dma_start3A_403 : memref<50x512xi32, #tpu.memory_space<hbm>>) target(%arg5 : memref<50x512xi32, #tpu.memory_space<vmem>>) target_semaphore(%run_scoped3A : memref<!tpu.dma_semaphore, #tpu.memory_space<semaphore_mem>>)
      %dma_wait3A_404 = arith.constant 0 : i32
      %dma_wait3A_405 = tpu.memref_slice %arg2[%dma_wait3A_404, %mul3A_2] : memref<50x16384xi32, #tpu.memory_space<hbm>> -> memref<50x512xi32, #tpu.memory_space<hbm>>
      %dma_wait3A_406 = arith.constant 0 : i32
      %dma_wait3A_407 = tpu.memref_slice %arg2[%dma_wait3A_406, %mul3A_2] : memref<50x16384xi32, #tpu.memory_space<hbm>> -> memref<50x512xi32, #tpu.memory_space<hbm>>
      tpu.wait_dma2 semaphore(%run_scoped3A : memref<!tpu.dma_semaphore, #tpu.memory_space<semaphore_mem>>) src(%dma_wait3A_407 : memref<50x512xi32, #tpu.memory_space<hbm>>) dst(%arg5 : memref<50x512xi32, #tpu.memory_space<vmem>>)
      tpu.yield
    }) : () -> ()
    %iota3A = tpu.iota {dimensions = array<i32: 0>} : vector<16xi32>
    %broadcast_in_dim3A = arith.constant 0 : i32
    %broadcast_in_dim3A_3 = vector.broadcast %broadcast_in_dim3A : i32 to vector<16xi32>
    %mul3A_4 = arith.constant 64 : i32
    %mul3A_5 = vector.broadcast %mul3A_4 : i32 to vector<16xi32>
    %mul3A_6 = arith.muli %iota3A, %mul3A_5 : vector<16xi32>
    %add3A_7 = arith.constant 0 : i32
    %add3A_8 = vector.broadcast %add3A_7 : i32 to vector<16xi32>
    %add3A_9 = arith.addi %iota3A, %add3A_8 : vector<16xi32>
    %and3A = arith.constant 15 : i32
    %and3A_10 = vector.broadcast %and3A : i32 to vector<16xi32>
    %and3A_11 = arith.andi %add3A_9, %and3A_10 : vector<16xi32>
    %add3A_12 = arith.addi %mul3A_6, %and3A_11 : vector<16xi32>
    %mul3A_13 = arith.constant 64 : i32
    %mul3A_14 = vector.broadcast %mul3A_13 : i32 to vector<16xi32>
    %mul3A_15 = arith.muli %iota3A, %mul3A_14 : vector<16xi32>
    %add3A_16 = arith.constant 1 : i32
    %add3A_17 = vector.broadcast %add3A_16 : i32 to vector<16xi32>
    %add3A_18 = arith.addi %iota3A, %add3A_17 : vector<16xi32>
    %and3A_19 = arith.constant 15 : i32
    %and3A_20 = vector.broadcast %and3A_19 : i32 to vector<16xi32>
    %and3A_21 = arith.andi %add3A_18, %and3A_20 : vector<16xi32>
    %add3A_22 = arith.addi %mul3A_15, %and3A_21 : vector<16xi32>
    %mul3A_23 = arith.constant 64 : i32
    %mul3A_24 = vector.broadcast %mul3A_23 : i32 to vector<16xi32>
    %mul3A_25 = arith.muli %iota3A, %mul3A_24 : vector<16xi32>
    %add3A_26 = arith.constant 2 : i32
    %add3A_27 = vector.broadcast %add3A_26 : i32 to vector<16xi32>
    %add3A_28 = arith.addi %iota3A, %add3A_27 : vector<16xi32>
    %and3A_29 = arith.constant 15 : i32
    %and3A_30 = vector.broadcast %and3A_29 : i32 to vector<16xi32>
    %and3A_31 = arith.andi %add3A_28, %and3A_30 : vector<16xi32>
    %add3A_32 = arith.addi %mul3A_25, %and3A_31 : vector<16xi32>
    %mul3A_33 = arith.constant 64 : i32
    %mul3A_34 = vector.broadcast %mul3A_33 : i32 to vector<16xi32>
    %mul3A_35 = arith.muli %iota3A, %mul3A_34 : vector<16xi32>
    %add3A_36 = arith.constant 3 : i32
    %add3A_37 = vector.broadcast %add3A_36 : i32 to vector<16xi32>
    %add3A_38 = arith.addi %iota3A, %add3A_37 : vector<16xi32>
    %and3A_39 = arith.constant 15 : i32
    %and3A_40 = vector.broadcast %and3A_39 : i32 to vector<16xi32>
    %and3A_41 = arith.andi %add3A_38, %and3A_40 : vector<16xi32>
    %add3A_42 = arith.addi %mul3A_35, %and3A_41 : vector<16xi32>
    %mul3A_43 = arith.constant 64 : i32
    %mul3A_44 = vector.broadcast %mul3A_43 : i32 to vector<16xi32>
    %mul3A_45 = arith.muli %iota3A, %mul3A_44 : vector<16xi32>
    %add3A_46 = arith.constant 4 : i32
    %add3A_47 = vector.broadcast %add3A_46 : i32 to vector<16xi32>
    %add3A_48 = arith.addi %iota3A, %add3A_47 : vector<16xi32>
    %and3A_49 = arith.constant 15 : i32
    %and3A_50 = vector.broadcast %and3A_49 : i32 to vector<16xi32>
    %and3A_51 = arith.andi %add3A_48, %and3A_50 : vector<16xi32>
    %add3A_52 = arith.addi %mul3A_45, %and3A_51 : vector<16xi32>
    %mul3A_53 = arith.constant 64 : i32
    %mul3A_54 = vector.broadcast %mul3A_53 : i32 to vector<16xi32>
    %mul3A_55 = arith.muli %iota3A, %mul3A_54 : vector<16xi32>
    %add3A_56 = arith.constant 5 : i32
    %add3A_57 = vector.broadcast %add3A_56 : i32 to vector<16xi32>
    %add3A_58 = arith.addi %iota3A, %add3A_57 : vector<16xi32>
    %and3A_59 = arith.constant 15 : i32
    %and3A_60 = vector.broadcast %and3A_59 : i32 to vector<16xi32>
    %and3A_61 = arith.andi %add3A_58, %and3A_60 : vector<16xi32>
    %add3A_62 = arith.addi %mul3A_55, %and3A_61 : vector<16xi32>
    %mul3A_63 = arith.constant 64 : i32
    %mul3A_64 = vector.broadcast %mul3A_63 : i32 to vector<16xi32>
    %mul3A_65 = arith.muli %iota3A, %mul3A_64 : vector<16xi32>
    %add3A_66 = arith.constant 6 : i32
    %add3A_67 = vector.broadcast %add3A_66 : i32 to vector<16xi32>
    %add3A_68 = arith.addi %iota3A, %add3A_67 : vector<16xi32>
    %and3A_69 = arith.constant 15 : i32
    %and3A_70 = vector.broadcast %and3A_69 : i32 to vector<16xi32>
    %and3A_71 = arith.andi %add3A_68, %and3A_70 : vector<16xi32>
    %add3A_72 = arith.addi %mul3A_65, %and3A_71 : vector<16xi32>
    %mul3A_73 = arith.constant 64 : i32
    %mul3A_74 = vector.broadcast %mul3A_73 : i32 to vector<16xi32>
    %mul3A_75 = arith.muli %iota3A, %mul3A_74 : vector<16xi32>
    %add3A_76 = arith.constant 7 : i32
    %add3A_77 = vector.broadcast %add3A_76 : i32 to vector<16xi32>
    %add3A_78 = arith.addi %iota3A, %add3A_77 : vector<16xi32>
    %and3A_79 = arith.constant 15 : i32
    %and3A_80 = vector.broadcast %and3A_79 : i32 to vector<16xi32>
    %and3A_81 = arith.andi %add3A_78, %and3A_80 : vector<16xi32>
    %add3A_82 = arith.addi %mul3A_75, %and3A_81 : vector<16xi32>
    %mul3A_83 = arith.constant 64 : i32
    %mul3A_84 = vector.broadcast %mul3A_83 : i32 to vector<16xi32>
    %mul3A_85 = arith.muli %iota3A, %mul3A_84 : vector<16xi32>
    %add3A_86 = arith.constant 8 : i32
    %add3A_87 = vector.broadcast %add3A_86 : i32 to vector<16xi32>
    %add3A_88 = arith.addi %iota3A, %add3A_87 : vector<16xi32>
    %and3A_89 = arith.constant 15 : i32
    %and3A_90 = vector.broadcast %and3A_89 : i32 to vector<16xi32>
    %and3A_91 = arith.andi %add3A_88, %and3A_90 : vector<16xi32>
    %add3A_92 = arith.addi %mul3A_85, %and3A_91 : vector<16xi32>
    %mul3A_93 = arith.constant 64 : i32
    %mul3A_94 = vector.broadcast %mul3A_93 : i32 to vector<16xi32>
    %mul3A_95 = arith.muli %iota3A, %mul3A_94 : vector<16xi32>
    %add3A_96 = arith.constant 9 : i32
    %add3A_97 = vector.broadcast %add3A_96 : i32 to vector<16xi32>
    %add3A_98 = arith.addi %iota3A, %add3A_97 : vector<16xi32>
    %and3A_99 = arith.constant 15 : i32
    %and3A_100 = vector.broadcast %and3A_99 : i32 to vector<16xi32>
    %and3A_101 = arith.andi %add3A_98, %and3A_100 : vector<16xi32>
    %add3A_102 = arith.addi %mul3A_95, %and3A_101 : vector<16xi32>
    %mul3A_103 = arith.constant 64 : i32
    %mul3A_104 = vector.broadcast %mul3A_103 : i32 to vector<16xi32>
    %mul3A_105 = arith.muli %iota3A, %mul3A_104 : vector<16xi32>
    %add3A_106 = arith.constant 10 : i32
    %add3A_107 = vector.broadcast %add3A_106 : i32 to vector<16xi32>
    %add3A_108 = arith.addi %iota3A, %add3A_107 : vector<16xi32>
    %and3A_109 = arith.constant 15 : i32
    %and3A_110 = vector.broadcast %and3A_109 : i32 to vector<16xi32>
    %and3A_111 = arith.andi %add3A_108, %and3A_110 : vector<16xi32>
    %add3A_112 = arith.addi %mul3A_105, %and3A_111 : vector<16xi32>
    %mul3A_113 = arith.constant 64 : i32
    %mul3A_114 = vector.broadcast %mul3A_113 : i32 to vector<16xi32>
    %mul3A_115 = arith.muli %iota3A, %mul3A_114 : vector<16xi32>
    %add3A_116 = arith.constant 11 : i32
    %add3A_117 = vector.broadcast %add3A_116 : i32 to vector<16xi32>
    %add3A_118 = arith.addi %iota3A, %add3A_117 : vector<16xi32>
    %and3A_119 = arith.constant 15 : i32
    %and3A_120 = vector.broadcast %and3A_119 : i32 to vector<16xi32>
    %and3A_121 = arith.andi %add3A_118, %and3A_120 : vector<16xi32>
    %add3A_122 = arith.addi %mul3A_115, %and3A_121 : vector<16xi32>
    %mul3A_123 = arith.constant 64 : i32
    %mul3A_124 = vector.broadcast %mul3A_123 : i32 to vector<16xi32>
    %mul3A_125 = arith.muli %iota3A, %mul3A_124 : vector<16xi32>
    %add3A_126 = arith.constant 12 : i32
    %add3A_127 = vector.broadcast %add3A_126 : i32 to vector<16xi32>
    %add3A_128 = arith.addi %iota3A, %add3A_127 : vector<16xi32>
    %and3A_129 = arith.constant 15 : i32
    %and3A_130 = vector.broadcast %and3A_129 : i32 to vector<16xi32>
    %and3A_131 = arith.andi %add3A_128, %and3A_130 : vector<16xi32>
    %add3A_132 = arith.addi %mul3A_125, %and3A_131 : vector<16xi32>
    %mul3A_133 = arith.constant 64 : i32
    %mul3A_134 = vector.broadcast %mul3A_133 : i32 to vector<16xi32>
    %mul3A_135 = arith.muli %iota3A, %mul3A_134 : vector<16xi32>
    %add3A_136 = arith.constant 13 : i32
    %add3A_137 = vector.broadcast %add3A_136 : i32 to vector<16xi32>
    %add3A_138 = arith.addi %iota3A, %add3A_137 : vector<16xi32>
    %and3A_139 = arith.constant 15 : i32
    %and3A_140 = vector.broadcast %and3A_139 : i32 to vector<16xi32>
    %and3A_141 = arith.andi %add3A_138, %and3A_140 : vector<16xi32>
    %add3A_142 = arith.addi %mul3A_135, %and3A_141 : vector<16xi32>
    %mul3A_143 = arith.constant 64 : i32
    %mul3A_144 = vector.broadcast %mul3A_143 : i32 to vector<16xi32>
    %mul3A_145 = arith.muli %iota3A, %mul3A_144 : vector<16xi32>
    %add3A_146 = arith.constant 14 : i32
    %add3A_147 = vector.broadcast %add3A_146 : i32 to vector<16xi32>
    %add3A_148 = arith.addi %iota3A, %add3A_147 : vector<16xi32>
    %and3A_149 = arith.constant 15 : i32
    %and3A_150 = vector.broadcast %and3A_149 : i32 to vector<16xi32>
    %and3A_151 = arith.andi %add3A_148, %and3A_150 : vector<16xi32>
    %add3A_152 = arith.addi %mul3A_145, %and3A_151 : vector<16xi32>
    %mul3A_153 = arith.constant 64 : i32
    %mul3A_154 = vector.broadcast %mul3A_153 : i32 to vector<16xi32>
    %mul3A_155 = arith.muli %iota3A, %mul3A_154 : vector<16xi32>
    %add3A_156 = arith.constant 15 : i32
    %add3A_157 = vector.broadcast %add3A_156 : i32 to vector<16xi32>
    %add3A_158 = arith.addi %iota3A, %add3A_157 : vector<16xi32>
    %and3A_159 = arith.constant 15 : i32
    %and3A_160 = vector.broadcast %and3A_159 : i32 to vector<16xi32>
    %and3A_161 = arith.andi %add3A_158, %and3A_160 : vector<16xi32>
    %add3A_162 = arith.addi %mul3A_155, %and3A_161 : vector<16xi32>
    %add3A_163 = arith.constant 0 : i32
    %add3A_164 = vector.broadcast %add3A_163 : i32 to vector<16xi32>
    %add3A_165 = arith.addi %iota3A, %add3A_164 : vector<16xi32>
    %and3A_166 = arith.constant 15 : i32
    %and3A_167 = vector.broadcast %and3A_166 : i32 to vector<16xi32>
    %and3A_168 = arith.andi %add3A_165, %and3A_167 : vector<16xi32>
    %mul3A_169 = arith.constant 128 : i32
    %mul3A_170 = vector.broadcast %mul3A_169 : i32 to vector<16xi32>
    %mul3A_171 = arith.muli %and3A_168, %mul3A_170 : vector<16xi32>
    %add3A_172 = arith.addi %mul3A_171, %iota3A : vector<16xi32>
    %add3A_173 = arith.constant 1 : i32
    %add3A_174 = vector.broadcast %add3A_173 : i32 to vector<16xi32>
    %add3A_175 = arith.addi %iota3A, %add3A_174 : vector<16xi32>
    %and3A_176 = arith.constant 15 : i32
    %and3A_177 = vector.broadcast %and3A_176 : i32 to vector<16xi32>
    %and3A_178 = arith.andi %add3A_175, %and3A_177 : vector<16xi32>
    %mul3A_179 = arith.constant 128 : i32
    %mul3A_180 = vector.broadcast %mul3A_179 : i32 to vector<16xi32>
    %mul3A_181 = arith.muli %and3A_178, %mul3A_180 : vector<16xi32>
    %add3A_182 = arith.addi %mul3A_181, %iota3A : vector<16xi32>
    %add3A_183 = arith.constant 2 : i32
    %add3A_184 = vector.broadcast %add3A_183 : i32 to vector<16xi32>
    %add3A_185 = arith.addi %iota3A, %add3A_184 : vector<16xi32>
    %and3A_186 = arith.constant 15 : i32
    %and3A_187 = vector.broadcast %and3A_186 : i32 to vector<16xi32>
    %and3A_188 = arith.andi %add3A_185, %and3A_187 : vector<16xi32>
    %mul3A_189 = arith.constant 128 : i32
    %mul3A_190 = vector.broadcast %mul3A_189 : i32 to vector<16xi32>
    %mul3A_191 = arith.muli %and3A_188, %mul3A_190 : vector<16xi32>
    %add3A_192 = arith.addi %mul3A_191, %iota3A : vector<16xi32>
    %add3A_193 = arith.constant 3 : i32
    %add3A_194 = vector.broadcast %add3A_193 : i32 to vector<16xi32>
    %add3A_195 = arith.addi %iota3A, %add3A_194 : vector<16xi32>
    %and3A_196 = arith.constant 15 : i32
    %and3A_197 = vector.broadcast %and3A_196 : i32 to vector<16xi32>
    %and3A_198 = arith.andi %add3A_195, %and3A_197 : vector<16xi32>
    %mul3A_199 = arith.constant 128 : i32
    %mul3A_200 = vector.broadcast %mul3A_199 : i32 to vector<16xi32>
    %mul3A_201 = arith.muli %and3A_198, %mul3A_200 : vector<16xi32>
    %add3A_202 = arith.addi %mul3A_201, %iota3A : vector<16xi32>
    %add3A_203 = arith.constant 4 : i32
    %add3A_204 = vector.broadcast %add3A_203 : i32 to vector<16xi32>
    %add3A_205 = arith.addi %iota3A, %add3A_204 : vector<16xi32>
    %and3A_206 = arith.constant 15 : i32
    %and3A_207 = vector.broadcast %and3A_206 : i32 to vector<16xi32>
    %and3A_208 = arith.andi %add3A_205, %and3A_207 : vector<16xi32>
    %mul3A_209 = arith.constant 128 : i32
    %mul3A_210 = vector.broadcast %mul3A_209 : i32 to vector<16xi32>
    %mul3A_211 = arith.muli %and3A_208, %mul3A_210 : vector<16xi32>
    %add3A_212 = arith.addi %mul3A_211, %iota3A : vector<16xi32>
    %add3A_213 = arith.constant 5 : i32
    %add3A_214 = vector.broadcast %add3A_213 : i32 to vector<16xi32>
    %add3A_215 = arith.addi %iota3A, %add3A_214 : vector<16xi32>
    %and3A_216 = arith.constant 15 : i32
    %and3A_217 = vector.broadcast %and3A_216 : i32 to vector<16xi32>
    %and3A_218 = arith.andi %add3A_215, %and3A_217 : vector<16xi32>
    %mul3A_219 = arith.constant 128 : i32
    %mul3A_220 = vector.broadcast %mul3A_219 : i32 to vector<16xi32>
    %mul3A_221 = arith.muli %and3A_218, %mul3A_220 : vector<16xi32>
    %add3A_222 = arith.addi %mul3A_221, %iota3A : vector<16xi32>
    %add3A_223 = arith.constant 6 : i32
    %add3A_224 = vector.broadcast %add3A_223 : i32 to vector<16xi32>
    %add3A_225 = arith.addi %iota3A, %add3A_224 : vector<16xi32>
    %and3A_226 = arith.constant 15 : i32
    %and3A_227 = vector.broadcast %and3A_226 : i32 to vector<16xi32>
    %and3A_228 = arith.andi %add3A_225, %and3A_227 : vector<16xi32>
    %mul3A_229 = arith.constant 128 : i32
    %mul3A_230 = vector.broadcast %mul3A_229 : i32 to vector<16xi32>
    %mul3A_231 = arith.muli %and3A_228, %mul3A_230 : vector<16xi32>
    %add3A_232 = arith.addi %mul3A_231, %iota3A : vector<16xi32>
    %add3A_233 = arith.constant 7 : i32
    %add3A_234 = vector.broadcast %add3A_233 : i32 to vector<16xi32>
    %add3A_235 = arith.addi %iota3A, %add3A_234 : vector<16xi32>
    %and3A_236 = arith.constant 15 : i32
    %and3A_237 = vector.broadcast %and3A_236 : i32 to vector<16xi32>
    %and3A_238 = arith.andi %add3A_235, %and3A_237 : vector<16xi32>
    %mul3A_239 = arith.constant 128 : i32
    %mul3A_240 = vector.broadcast %mul3A_239 : i32 to vector<16xi32>
    %mul3A_241 = arith.muli %and3A_238, %mul3A_240 : vector<16xi32>
    %add3A_242 = arith.addi %mul3A_241, %iota3A : vector<16xi32>
    %add3A_243 = arith.constant 8 : i32
    %add3A_244 = vector.broadcast %add3A_243 : i32 to vector<16xi32>
    %add3A_245 = arith.addi %iota3A, %add3A_244 : vector<16xi32>
    %and3A_246 = arith.constant 15 : i32
    %and3A_247 = vector.broadcast %and3A_246 : i32 to vector<16xi32>
    %and3A_248 = arith.andi %add3A_245, %and3A_247 : vector<16xi32>
    %mul3A_249 = arith.constant 128 : i32
    %mul3A_250 = vector.broadcast %mul3A_249 : i32 to vector<16xi32>
    %mul3A_251 = arith.muli %and3A_248, %mul3A_250 : vector<16xi32>
    %add3A_252 = arith.addi %mul3A_251, %iota3A : vector<16xi32>
    %add3A_253 = arith.constant 9 : i32
    %add3A_254 = vector.broadcast %add3A_253 : i32 to vector<16xi32>
    %add3A_255 = arith.addi %iota3A, %add3A_254 : vector<16xi32>
    %and3A_256 = arith.constant 15 : i32
    %and3A_257 = vector.broadcast %and3A_256 : i32 to vector<16xi32>
    %and3A_258 = arith.andi %add3A_255, %and3A_257 : vector<16xi32>
    %mul3A_259 = arith.constant 128 : i32
    %mul3A_260 = vector.broadcast %mul3A_259 : i32 to vector<16xi32>
    %mul3A_261 = arith.muli %and3A_258, %mul3A_260 : vector<16xi32>
    %add3A_262 = arith.addi %mul3A_261, %iota3A : vector<16xi32>
    %add3A_263 = arith.constant 10 : i32
    %add3A_264 = vector.broadcast %add3A_263 : i32 to vector<16xi32>
    %add3A_265 = arith.addi %iota3A, %add3A_264 : vector<16xi32>
    %and3A_266 = arith.constant 15 : i32
    %and3A_267 = vector.broadcast %and3A_266 : i32 to vector<16xi32>
    %and3A_268 = arith.andi %add3A_265, %and3A_267 : vector<16xi32>
    %mul3A_269 = arith.constant 128 : i32
    %mul3A_270 = vector.broadcast %mul3A_269 : i32 to vector<16xi32>
    %mul3A_271 = arith.muli %and3A_268, %mul3A_270 : vector<16xi32>
    %add3A_272 = arith.addi %mul3A_271, %iota3A : vector<16xi32>
    %add3A_273 = arith.constant 11 : i32
    %add3A_274 = vector.broadcast %add3A_273 : i32 to vector<16xi32>
    %add3A_275 = arith.addi %iota3A, %add3A_274 : vector<16xi32>
    %and3A_276 = arith.constant 15 : i32
    %and3A_277 = vector.broadcast %and3A_276 : i32 to vector<16xi32>
    %and3A_278 = arith.andi %add3A_275, %and3A_277 : vector<16xi32>
    %mul3A_279 = arith.constant 128 : i32
    %mul3A_280 = vector.broadcast %mul3A_279 : i32 to vector<16xi32>
    %mul3A_281 = arith.muli %and3A_278, %mul3A_280 : vector<16xi32>
    %add3A_282 = arith.addi %mul3A_281, %iota3A : vector<16xi32>
    %add3A_283 = arith.constant 12 : i32
    %add3A_284 = vector.broadcast %add3A_283 : i32 to vector<16xi32>
    %add3A_285 = arith.addi %iota3A, %add3A_284 : vector<16xi32>
    %and3A_286 = arith.constant 15 : i32
    %and3A_287 = vector.broadcast %and3A_286 : i32 to vector<16xi32>
    %and3A_288 = arith.andi %add3A_285, %and3A_287 : vector<16xi32>
    %mul3A_289 = arith.constant 128 : i32
    %mul3A_290 = vector.broadcast %mul3A_289 : i32 to vector<16xi32>
    %mul3A_291 = arith.muli %and3A_288, %mul3A_290 : vector<16xi32>
    %add3A_292 = arith.addi %mul3A_291, %iota3A : vector<16xi32>
    %add3A_293 = arith.constant 13 : i32
    %add3A_294 = vector.broadcast %add3A_293 : i32 to vector<16xi32>
    %add3A_295 = arith.addi %iota3A, %add3A_294 : vector<16xi32>
    %and3A_296 = arith.constant 15 : i32
    %and3A_297 = vector.broadcast %and3A_296 : i32 to vector<16xi32>
    %and3A_298 = arith.andi %add3A_295, %and3A_297 : vector<16xi32>
    %mul3A_299 = arith.constant 128 : i32
    %mul3A_300 = vector.broadcast %mul3A_299 : i32 to vector<16xi32>
    %mul3A_301 = arith.muli %and3A_298, %mul3A_300 : vector<16xi32>
    %add3A_302 = arith.addi %mul3A_301, %iota3A : vector<16xi32>
    %add3A_303 = arith.constant 14 : i32
    %add3A_304 = vector.broadcast %add3A_303 : i32 to vector<16xi32>
    %add3A_305 = arith.addi %iota3A, %add3A_304 : vector<16xi32>
    %and3A_306 = arith.constant 15 : i32
    %and3A_307 = vector.broadcast %and3A_306 : i32 to vector<16xi32>
    %and3A_308 = arith.andi %add3A_305, %and3A_307 : vector<16xi32>
    %mul3A_309 = arith.constant 128 : i32
    %mul3A_310 = vector.broadcast %mul3A_309 : i32 to vector<16xi32>
    %mul3A_311 = arith.muli %and3A_308, %mul3A_310 : vector<16xi32>
    %add3A_312 = arith.addi %mul3A_311, %iota3A : vector<16xi32>
    %add3A_313 = arith.constant 15 : i32
    %add3A_314 = vector.broadcast %add3A_313 : i32 to vector<16xi32>
    %add3A_315 = arith.addi %iota3A, %add3A_314 : vector<16xi32>
    %and3A_316 = arith.constant 15 : i32
    %and3A_317 = vector.broadcast %and3A_316 : i32 to vector<16xi32>
    %and3A_318 = arith.andi %add3A_315, %and3A_317 : vector<16xi32>
    %mul3A_319 = arith.constant 128 : i32
    %mul3A_320 = vector.broadcast %mul3A_319 : i32 to vector<16xi32>
    %mul3A_321 = arith.muli %and3A_318, %mul3A_320 : vector<16xi32>
    %add3A_322 = arith.addi %mul3A_321, %iota3A : vector<16xi32>
    %shift_right_logical3A = arith.constant 0 : i32
    %shift_right_logical3A_323 = arith.constant 2 : i32
    %shift_right_logical3A_324 = arith.shrui %shift_right_logical3A, %shift_right_logical3A_323 : i32
    %and3A_325 = arith.constant 0 : i32
    %and3A_326 = arith.constant 3 : i32
    %and3A_327 = arith.andi %and3A_325, %and3A_326 : i32
    %mul3A_328 = arith.constant 128 : i32
    %mul3A_329 = arith.muli %and3A_327, %mul3A_328 : i32
    %dma_start3A = tpu.memref_slice %arg5[%shift_right_logical3A_324, %mul3A_329] : memref<50x512xi32, #tpu.memory_space<vmem>> -> memref<1x128xi32, #tpu.memory_space<vmem>>
    %dma_start3A_330 = tpu.memref_squeeze %dma_start3A : memref<1x128xi32, #tpu.memory_space<vmem>> -> memref<128xi32, #tpu.memory_space<vmem>>
    %dma_start3A_331 = arith.constant 0 : i32
    %dma_start3A_332 = arith.constant 0 : i32
    %dma_start3A_333 = tpu.memref_slice %arg3[%dma_start3A_331, %dma_start3A_332] : memref<2000000x64xf32, #tpu.memory_space<hbm>> -> memref<2000000x64xf32, #tpu.memory_space<hbm>>
    tpu.enqueue_indirect_dma source(%dma_start3A_333 : memref<2000000x64xf32, #tpu.memory_space<hbm>>) target(%arg6 : memref<128x64xf32, #tpu.memory_space<vmem>>) offsets(%dma_start3A_330 : memref<128xi32, #tpu.memory_space<vmem>>) semaphore(%arg12 : memref<!tpu.dma_semaphore, #tpu.memory_space<semaphore_mem>>)
    %shift_right_logical3A_334 = arith.constant 1 : i32
    %shift_right_logical3A_335 = arith.constant 2 : i32
    %shift_right_logical3A_336 = arith.shrui %shift_right_logical3A_334, %shift_right_logical3A_335 : i32
    %and3A_337 = arith.constant 1 : i32
    %and3A_338 = arith.constant 3 : i32
    %and3A_339 = arith.andi %and3A_337, %and3A_338 : i32
    %mul3A_340 = arith.constant 128 : i32
    %mul3A_341 = arith.muli %and3A_339, %mul3A_340 : i32
    %dma_start3A_342 = tpu.memref_slice %arg5[%shift_right_logical3A_336, %mul3A_341] : memref<50x512xi32, #tpu.memory_space<vmem>> -> memref<1x128xi32, #tpu.memory_space<vmem>>
    %dma_start3A_343 = tpu.memref_squeeze %dma_start3A_342 : memref<1x128xi32, #tpu.memory_space<vmem>> -> memref<128xi32, #tpu.memory_space<vmem>>
    %dma_start3A_344 = arith.constant 0 : i32
    %dma_start3A_345 = arith.constant 0 : i32
    %dma_start3A_346 = tpu.memref_slice %arg3[%dma_start3A_344, %dma_start3A_345] : memref<2000000x64xf32, #tpu.memory_space<hbm>> -> memref<2000000x64xf32, #tpu.memory_space<hbm>>
    tpu.enqueue_indirect_dma source(%dma_start3A_346 : memref<2000000x64xf32, #tpu.memory_space<hbm>>) target(%arg7 : memref<128x64xf32, #tpu.memory_space<vmem>>) offsets(%dma_start3A_343 : memref<128xi32, #tpu.memory_space<vmem>>) semaphore(%arg13 : memref<!tpu.dma_semaphore, #tpu.memory_space<semaphore_mem>>)
    %shift_right_logical3A_347 = arith.constant 2 : i32
    %shift_right_logical3A_348 = arith.constant 2 : i32
    %shift_right_logical3A_349 = arith.shrui %shift_right_logical3A_347, %shift_right_logical3A_348 : i32
    %and3A_350 = arith.constant 2 : i32
    %and3A_351 = arith.constant 3 : i32
    %and3A_352 = arith.andi %and3A_350, %and3A_351 : i32
    %mul3A_353 = arith.constant 128 : i32
    %mul3A_354 = arith.muli %and3A_352, %mul3A_353 : i32
    %dma_start3A_355 = tpu.memref_slice %arg5[%shift_right_logical3A_349, %mul3A_354] : memref<50x512xi32, #tpu.memory_space<vmem>> -> memref<1x128xi32, #tpu.memory_space<vmem>>
    %dma_start3A_356 = tpu.memref_squeeze %dma_start3A_355 : memref<1x128xi32, #tpu.memory_space<vmem>> -> memref<128xi32, #tpu.memory_space<vmem>>
    %dma_start3A_357 = arith.constant 0 : i32
    %dma_start3A_358 = arith.constant 0 : i32
    %dma_start3A_359 = tpu.memref_slice %arg3[%dma_start3A_357, %dma_start3A_358] : memref<2000000x64xf32, #tpu.memory_space<hbm>> -> memref<2000000x64xf32, #tpu.memory_space<hbm>>
    tpu.enqueue_indirect_dma source(%dma_start3A_359 : memref<2000000x64xf32, #tpu.memory_space<hbm>>) target(%arg8 : memref<128x64xf32, #tpu.memory_space<vmem>>) offsets(%dma_start3A_356 : memref<128xi32, #tpu.memory_space<vmem>>) semaphore(%arg14 : memref<!tpu.dma_semaphore, #tpu.memory_space<semaphore_mem>>)
    %shift_right_logical3A_360 = arith.constant 3 : i32
    %shift_right_logical3A_361 = arith.constant 2 : i32
    %shift_right_logical3A_362 = arith.shrui %shift_right_logical3A_360, %shift_right_logical3A_361 : i32
    %and3A_363 = arith.constant 3 : i32
    %and3A_364 = arith.constant 3 : i32
    %and3A_365 = arith.andi %and3A_363, %and3A_364 : i32
    %mul3A_366 = arith.constant 128 : i32
    %mul3A_367 = arith.muli %and3A_365, %mul3A_366 : i32
    %dma_start3A_368 = tpu.memref_slice %arg5[%shift_right_logical3A_362, %mul3A_367] : memref<50x512xi32, #tpu.memory_space<vmem>> -> memref<1x128xi32, #tpu.memory_space<vmem>>
    %dma_start3A_369 = tpu.memref_squeeze %dma_start3A_368 : memref<1x128xi32, #tpu.memory_space<vmem>> -> memref<128xi32, #tpu.memory_space<vmem>>
    %dma_start3A_370 = arith.constant 0 : i32
    %dma_start3A_371 = arith.constant 0 : i32
    %dma_start3A_372 = tpu.memref_slice %arg3[%dma_start3A_370, %dma_start3A_371] : memref<2000000x64xf32, #tpu.memory_space<hbm>> -> memref<2000000x64xf32, #tpu.memory_space<hbm>>
    tpu.enqueue_indirect_dma source(%dma_start3A_372 : memref<2000000x64xf32, #tpu.memory_space<hbm>>) target(%arg9 : memref<128x64xf32, #tpu.memory_space<vmem>>) offsets(%dma_start3A_369 : memref<128xi32, #tpu.memory_space<vmem>>) semaphore(%arg15 : memref<!tpu.dma_semaphore, #tpu.memory_space<semaphore_mem>>)
    %scan3A = arith.constant 0 : i32
    %scan3A_373 = arith.constant 50 : i32
    %scan3A_374 = arith.addi %scan3A, %scan3A_373 : i32
    %scan3A_375 = arith.constant 1 : i32
    scf.for %scan3A_400 = %scan3A to %scan3A_374 step %scan3A_375  : i32 {
      %mul3A_401 = arith.constant 4 : i32
      %mul3A_402 = arith.muli %scan3A_400, %mul3A_401 : i32
      %add3A_403 = arith.constant 0 : i32
      %add3A_404 = arith.addi %add3A_403, %mul3A_402 : i32
      %dma_wait3A_405 = arith.constant 0 : i32
      %dma_wait3A_406 = arith.constant 0 : i32
      %dma_wait3A_407 = tpu.memref_slice %arg3[%dma_wait3A_405, %dma_wait3A_406] : memref<2000000x64xf32, #tpu.memory_space<hbm>> -> memref<128x64xf32, #tpu.memory_space<hbm>>
      %dma_wait3A_408 = arith.constant 0 : i32
      %dma_wait3A_409 = arith.constant 0 : i32
      %dma_wait3A_410 = tpu.memref_slice %arg3[%dma_wait3A_408, %dma_wait3A_409] : memref<2000000x64xf32, #tpu.memory_space<hbm>> -> memref<128x64xf32, #tpu.memory_space<hbm>>
      tpu.wait_dma2 semaphore(%arg12 : memref<!tpu.dma_semaphore, #tpu.memory_space<semaphore_mem>>) src(%dma_wait3A_410 : memref<128x64xf32, #tpu.memory_space<hbm>>) dst(%arg6 : memref<128x64xf32, #tpu.memory_space<vmem>>)
      %add3A_411 = arith.constant 0 : i32
      %add3A_412 = arith.addi %add3A_404, %add3A_411 : i32
      %ge3A = arith.constant 2 : i32
      %ge3A_413 = arith.cmpi sge, %add3A_412, %ge3A : i32
      %convert_element_type3A = arith.extui %ge3A_413 : i1 to i32
      %cond3A = arith.constant 0 : i32
      %cond3A_414 = arith.cmpi ne, %convert_element_type3A, %cond3A : i32
      scf.if %cond3A_414 {
        %dma_wait3A_576 = arith.constant 0 : i32
        %dma_wait3A_577 = arith.constant 0 : i32
        %dma_wait3A_578 = arith.constant 0 : i32
        %dma_wait3A_579 = arith.constant 0 : i32
        %dma_wait3A_580 = arith.constant 0 : i32
        %dma_wait3A_581 = tpu.memref_slice %arg4[%dma_wait3A_576, %dma_wait3A_578, %dma_wait3A_577, %dma_wait3A_579, %dma_wait3A_580] : memref<50x8x128x8x128xf32, #tpu.memory_space<hbm>> -> memref<1x8x1x8x128xf32, #tpu.memory_space<hbm>>
        %dma_wait3A_582 = tpu.memref_squeeze %dma_wait3A_581 : memref<1x8x1x8x128xf32, #tpu.memory_space<hbm>> -> memref<8x8x128xf32, #tpu.memory_space<hbm>>
        %dma_wait3A_583 = arith.constant 0 : i32
        %dma_wait3A_584 = arith.constant 0 : i32
        %dma_wait3A_585 = arith.constant 0 : i32
        %dma_wait3A_586 = tpu.memref_slice %arg4[%dma_wait3A_576, %dma_wait3A_583, %dma_wait3A_577, %dma_wait3A_584, %dma_wait3A_585] : memref<50x8x128x8x128xf32, #tpu.memory_space<hbm>> -> memref<1x8x1x8x128xf32, #tpu.memory_space<hbm>>
        %dma_wait3A_587 = tpu.memref_squeeze %dma_wait3A_586 : memref<1x8x1x8x128xf32, #tpu.memory_space<hbm>> -> memref<8x8x128xf32, #tpu.memory_space<hbm>>
        tpu.wait_dma2 semaphore(%arg16 : memref<!tpu.dma_semaphore, #tpu.memory_space<semaphore_mem>>) src(%arg10 : memref<8x8x128xf32, #tpu.memory_space<vmem>>) dst(%dma_wait3A_587 : memref<8x8x128xf32, #tpu.memory_space<hbm>>)
      } else {
      }
      %parallel_loop3A = arith.constant 0 : i32
      %parallel_loop3A_415 = arith.constant 32 : i32
      %parallel_loop3A_416 = arith.constant 1 : i32
      scf.for %parallel_loop3A_576 = %parallel_loop3A to %parallel_loop3A_415 step %parallel_loop3A_416  : i32 {
        %parallel_loop3A_577 = arith.constant 2 : i32
        %parallel_loop3A_578 = arith.shrui %parallel_loop3A_576, %parallel_loop3A_577 : i32
        %parallel_loop3A_579 = arith.constant 3 : i32
        %parallel_loop3A_580 = arith.andi %parallel_loop3A_576, %parallel_loop3A_579 : i32
        %parallel_loop3A_581 = arith.constant 1024 : i32
        %parallel_loop3A_582 = arith.muli %parallel_loop3A_578, %parallel_loop3A_581 : i32
        %parallel_loop3A_583 = arith.constant 16 : i32
        %parallel_loop3A_584 = arith.muli %parallel_loop3A_580, %parallel_loop3A_583 : i32
        %parallel_loop3A_585 = arith.addi %parallel_loop3A_582, %parallel_loop3A_584 : i32
        %parallel_loop3A_586 = arith.constant 2048 : i32
        %parallel_loop3A_587 = arith.muli %parallel_loop3A_580, %parallel_loop3A_586 : i32
        %parallel_loop3A_588 = arith.constant 16 : i32
        %parallel_loop3A_589 = arith.muli %parallel_loop3A_578, %parallel_loop3A_588 : i32
        %parallel_loop3A_590 = arith.addi %parallel_loop3A_587, %parallel_loop3A_589 : i32
        %parallel_loop3A_591 = vector.broadcast %parallel_loop3A_585 : i32 to vector<16xi32>
        %parallel_loop3A_592 = arith.addi %add3A_12, %parallel_loop3A_591 : vector<16xi32>
        %parallel_loop3A_593 = tpu.vector_load_idx %arg6[%broadcast_in_dim3A_3, %parallel_loop3A_592] : memref<128x64xf32, #tpu.memory_space<vmem>>[vector<16xi32>, vector<16xi32>], vector<16xf32>,
        %parallel_loop3A_594 = vector.broadcast %parallel_loop3A_590 : i32 to vector<16xi32>
        %parallel_loop3A_595 = arith.addi %add3A_172, %parallel_loop3A_594 : vector<16xi32>
        tpu.vector_store_idx %arg10[%broadcast_in_dim3A_3, %broadcast_in_dim3A_3, %parallel_loop3A_595], %parallel_loop3A_593 : memref<8x8x128xf32, #tpu.memory_space<vmem>>[vector<16xi32>, vector<16xi32>, vector<16xi32>], vector<16xf32>,
        %parallel_loop3A_596 = vector.broadcast %parallel_loop3A_585 : i32 to vector<16xi32>
        %parallel_loop3A_597 = arith.addi %add3A_22, %parallel_loop3A_596 : vector<16xi32>
        %parallel_loop3A_598 = tpu.vector_load_idx %arg6[%broadcast_in_dim3A_3, %parallel_loop3A_597] : memref<128x64xf32, #tpu.memory_space<vmem>>[vector<16xi32>, vector<16xi32>], vector<16xf32>,
        %parallel_loop3A_599 = vector.broadcast %parallel_loop3A_590 : i32 to vector<16xi32>
        %parallel_loop3A_600 = arith.addi %add3A_182, %parallel_loop3A_599 : vector<16xi32>
        tpu.vector_store_idx %arg10[%broadcast_in_dim3A_3, %broadcast_in_dim3A_3, %parallel_loop3A_600], %parallel_loop3A_598 : memref<8x8x128xf32, #tpu.memory_space<vmem>>[vector<16xi32>, vector<16xi32>, vector<16xi32>], vector<16xf32>,
        %parallel_loop3A_601 = vector.broadcast %parallel_loop3A_585 : i32 to vector<16xi32>
        %parallel_loop3A_602 = arith.addi %add3A_32, %parallel_loop3A_601 : vector<16xi32>
        %parallel_loop3A_603 = tpu.vector_load_idx %arg6[%broadcast_in_dim3A_3, %parallel_loop3A_602] : memref<128x64xf32, #tpu.memory_space<vmem>>[vector<16xi32>, vector<16xi32>], vector<16xf32>,
        %parallel_loop3A_604 = vector.broadcast %parallel_loop3A_590 : i32 to vector<16xi32>
        %parallel_loop3A_605 = arith.addi %add3A_192, %parallel_loop3A_604 : vector<16xi32>
        tpu.vector_store_idx %arg10[%broadcast_in_dim3A_3, %broadcast_in_dim3A_3, %parallel_loop3A_605], %parallel_loop3A_603 : memref<8x8x128xf32, #tpu.memory_space<vmem>>[vector<16xi32>, vector<16xi32>, vector<16xi32>], vector<16xf32>,
        %parallel_loop3A_606 = vector.broadcast %parallel_loop3A_585 : i32 to vector<16xi32>
        %parallel_loop3A_607 = arith.addi %add3A_42, %parallel_loop3A_606 : vector<16xi32>
        %parallel_loop3A_608 = tpu.vector_load_idx %arg6[%broadcast_in_dim3A_3, %parallel_loop3A_607] : memref<128x64xf32, #tpu.memory_space<vmem>>[vector<16xi32>, vector<16xi32>], vector<16xf32>,
        %parallel_loop3A_609 = vector.broadcast %parallel_loop3A_590 : i32 to vector<16xi32>
        %parallel_loop3A_610 = arith.addi %add3A_202, %parallel_loop3A_609 : vector<16xi32>
        tpu.vector_store_idx %arg10[%broadcast_in_dim3A_3, %broadcast_in_dim3A_3, %parallel_loop3A_610], %parallel_loop3A_608 : memref<8x8x128xf32, #tpu.memory_space<vmem>>[vector<16xi32>, vector<16xi32>, vector<16xi32>], vector<16xf32>,
        %parallel_loop3A_611 = vector.broadcast %parallel_loop3A_585 : i32 to vector<16xi32>
        %parallel_loop3A_612 = arith.addi %add3A_52, %parallel_loop3A_611 : vector<16xi32>
        %parallel_loop3A_613 = tpu.vector_load_idx %arg6[%broadcast_in_dim3A_3, %parallel_loop3A_612] : memref<128x64xf32, #tpu.memory_space<vmem>>[vector<16xi32>, vector<16xi32>], vector<16xf32>,
        %parallel_loop3A_614 = vector.broadcast %parallel_loop3A_590 : i32 to vector<16xi32>
        %parallel_loop3A_615 = arith.addi %add3A_212, %parallel_loop3A_614 : vector<16xi32>
        tpu.vector_store_idx %arg10[%broadcast_in_dim3A_3, %broadcast_in_dim3A_3, %parallel_loop3A_615], %parallel_loop3A_613 : memref<8x8x128xf32, #tpu.memory_space<vmem>>[vector<16xi32>, vector<16xi32>, vector<16xi32>], vector<16xf32>,
        %parallel_loop3A_616 = vector.broadcast %parallel_loop3A_585 : i32 to vector<16xi32>
        %parallel_loop3A_617 = arith.addi %add3A_62, %parallel_loop3A_616 : vector<16xi32>
        %parallel_loop3A_618 = tpu.vector_load_idx %arg6[%broadcast_in_dim3A_3, %parallel_loop3A_617] : memref<128x64xf32, #tpu.memory_space<vmem>>[vector<16xi32>, vector<16xi32>], vector<16xf32>,
        %parallel_loop3A_619 = vector.broadcast %parallel_loop3A_590 : i32 to vector<16xi32>
        %parallel_loop3A_620 = arith.addi %add3A_222, %parallel_loop3A_619 : vector<16xi32>
        tpu.vector_store_idx %arg10[%broadcast_in_dim3A_3, %broadcast_in_dim3A_3, %parallel_loop3A_620], %parallel_loop3A_618 : memref<8x8x128xf32, #tpu.memory_space<vmem>>[vector<16xi32>, vector<16xi32>, vector<16xi32>], vector<16xf32>,
        %parallel_loop3A_621 = vector.broadcast %parallel_loop3A_585 : i32 to vector<16xi32>
        %parallel_loop3A_622 = arith.addi %add3A_72, %parallel_loop3A_621 : vector<16xi32>
        %parallel_loop3A_623 = tpu.vector_load_idx %arg6[%broadcast_in_dim3A_3, %parallel_loop3A_622] : memref<128x64xf32, #tpu.memory_space<vmem>>[vector<16xi32>, vector<16xi32>], vector<16xf32>,
        %parallel_loop3A_624 = vector.broadcast %parallel_loop3A_590 : i32 to vector<16xi32>
        %parallel_loop3A_625 = arith.addi %add3A_232, %parallel_loop3A_624 : vector<16xi32>
        tpu.vector_store_idx %arg10[%broadcast_in_dim3A_3, %broadcast_in_dim3A_3, %parallel_loop3A_625], %parallel_loop3A_623 : memref<8x8x128xf32, #tpu.memory_space<vmem>>[vector<16xi32>, vector<16xi32>, vector<16xi32>], vector<16xf32>,
        %parallel_loop3A_626 = vector.broadcast %parallel_loop3A_585 : i32 to vector<16xi32>
        %parallel_loop3A_627 = arith.addi %add3A_82, %parallel_loop3A_626 : vector<16xi32>
        %parallel_loop3A_628 = tpu.vector_load_idx %arg6[%broadcast_in_dim3A_3, %parallel_loop3A_627] : memref<128x64xf32, #tpu.memory_space<vmem>>[vector<16xi32>, vector<16xi32>], vector<16xf32>,
        %parallel_loop3A_629 = vector.broadcast %parallel_loop3A_590 : i32 to vector<16xi32>
        %parallel_loop3A_630 = arith.addi %add3A_242, %parallel_loop3A_629 : vector<16xi32>
        tpu.vector_store_idx %arg10[%broadcast_in_dim3A_3, %broadcast_in_dim3A_3, %parallel_loop3A_630], %parallel_loop3A_628 : memref<8x8x128xf32, #tpu.memory_space<vmem>>[vector<16xi32>, vector<16xi32>, vector<16xi32>], vector<16xf32>,
        %parallel_loop3A_631 = vector.broadcast %parallel_loop3A_585 : i32 to vector<16xi32>
        %parallel_loop3A_632 = arith.addi %add3A_92, %parallel_loop3A_631 : vector<16xi32>
        %parallel_loop3A_633 = tpu.vector_load_idx %arg6[%broadcast_in_dim3A_3, %parallel_loop3A_632] : memref<128x64xf32, #tpu.memory_space<vmem>>[vector<16xi32>, vector<16xi32>], vector<16xf32>,
        %parallel_loop3A_634 = vector.broadcast %parallel_loop3A_590 : i32 to vector<16xi32>
        %parallel_loop3A_635 = arith.addi %add3A_252, %parallel_loop3A_634 : vector<16xi32>
        tpu.vector_store_idx %arg10[%broadcast_in_dim3A_3, %broadcast_in_dim3A_3, %parallel_loop3A_635], %parallel_loop3A_633 : memref<8x8x128xf32, #tpu.memory_space<vmem>>[vector<16xi32>, vector<16xi32>, vector<16xi32>], vector<16xf32>,
        %parallel_loop3A_636 = vector.broadcast %parallel_loop3A_585 : i32 to vector<16xi32>
        %parallel_loop3A_637 = arith.addi %add3A_102, %parallel_loop3A_636 : vector<16xi32>
        %parallel_loop3A_638 = tpu.vector_load_idx %arg6[%broadcast_in_dim3A_3, %parallel_loop3A_637] : memref<128x64xf32, #tpu.memory_space<vmem>>[vector<16xi32>, vector<16xi32>], vector<16xf32>,
        %parallel_loop3A_639 = vector.broadcast %parallel_loop3A_590 : i32 to vector<16xi32>
        %parallel_loop3A_640 = arith.addi %add3A_262, %parallel_loop3A_639 : vector<16xi32>
        tpu.vector_store_idx %arg10[%broadcast_in_dim3A_3, %broadcast_in_dim3A_3, %parallel_loop3A_640], %parallel_loop3A_638 : memref<8x8x128xf32, #tpu.memory_space<vmem>>[vector<16xi32>, vector<16xi32>, vector<16xi32>], vector<16xf32>,
        %parallel_loop3A_641 = vector.broadcast %parallel_loop3A_585 : i32 to vector<16xi32>
        %parallel_loop3A_642 = arith.addi %add3A_112, %parallel_loop3A_641 : vector<16xi32>
        %parallel_loop3A_643 = tpu.vector_load_idx %arg6[%broadcast_in_dim3A_3, %parallel_loop3A_642] : memref<128x64xf32, #tpu.memory_space<vmem>>[vector<16xi32>, vector<16xi32>], vector<16xf32>,
        %parallel_loop3A_644 = vector.broadcast %parallel_loop3A_590 : i32 to vector<16xi32>
        %parallel_loop3A_645 = arith.addi %add3A_272, %parallel_loop3A_644 : vector<16xi32>
        tpu.vector_store_idx %arg10[%broadcast_in_dim3A_3, %broadcast_in_dim3A_3, %parallel_loop3A_645], %parallel_loop3A_643 : memref<8x8x128xf32, #tpu.memory_space<vmem>>[vector<16xi32>, vector<16xi32>, vector<16xi32>], vector<16xf32>,
        %parallel_loop3A_646 = vector.broadcast %parallel_loop3A_585 : i32 to vector<16xi32>
        %parallel_loop3A_647 = arith.addi %add3A_122, %parallel_loop3A_646 : vector<16xi32>
        %parallel_loop3A_648 = tpu.vector_load_idx %arg6[%broadcast_in_dim3A_3, %parallel_loop3A_647] : memref<128x64xf32, #tpu.memory_space<vmem>>[vector<16xi32>, vector<16xi32>], vector<16xf32>,
        %parallel_loop3A_649 = vector.broadcast %parallel_loop3A_590 : i32 to vector<16xi32>
        %parallel_loop3A_650 = arith.addi %add3A_282, %parallel_loop3A_649 : vector<16xi32>
        tpu.vector_store_idx %arg10[%broadcast_in_dim3A_3, %broadcast_in_dim3A_3, %parallel_loop3A_650], %parallel_loop3A_648 : memref<8x8x128xf32, #tpu.memory_space<vmem>>[vector<16xi32>, vector<16xi32>, vector<16xi32>], vector<16xf32>,
        %parallel_loop3A_651 = vector.broadcast %parallel_loop3A_585 : i32 to vector<16xi32>
        %parallel_loop3A_652 = arith.addi %add3A_132, %parallel_loop3A_651 : vector<16xi32>
        %parallel_loop3A_653 = tpu.vector_load_idx %arg6[%broadcast_in_dim3A_3, %parallel_loop3A_652] : memref<128x64xf32, #tpu.memory_space<vmem>>[vector<16xi32>, vector<16xi32>], vector<16xf32>,
        %parallel_loop3A_654 = vector.broadcast %parallel_loop3A_590 : i32 to vector<16xi32>
        %parallel_loop3A_655 = arith.addi %add3A_292, %parallel_loop3A_654 : vector<16xi32>
        tpu.vector_store_idx %arg10[%broadcast_in_dim3A_3, %broadcast_in_dim3A_3, %parallel_loop3A_655], %parallel_loop3A_653 : memref<8x8x128xf32, #tpu.memory_space<vmem>>[vector<16xi32>, vector<16xi32>, vector<16xi32>], vector<16xf32>,
        %parallel_loop3A_656 = vector.broadcast %parallel_loop3A_585 : i32 to vector<16xi32>
        %parallel_loop3A_657 = arith.addi %add3A_142, %parallel_loop3A_656 : vector<16xi32>
        %parallel_loop3A_658 = tpu.vector_load_idx %arg6[%broadcast_in_dim3A_3, %parallel_loop3A_657] : memref<128x64xf32, #tpu.memory_space<vmem>>[vector<16xi32>, vector<16xi32>], vector<16xf32>,
        %parallel_loop3A_659 = vector.broadcast %parallel_loop3A_590 : i32 to vector<16xi32>
        %parallel_loop3A_660 = arith.addi %add3A_302, %parallel_loop3A_659 : vector<16xi32>
        tpu.vector_store_idx %arg10[%broadcast_in_dim3A_3, %broadcast_in_dim3A_3, %parallel_loop3A_660], %parallel_loop3A_658 : memref<8x8x128xf32, #tpu.memory_space<vmem>>[vector<16xi32>, vector<16xi32>, vector<16xi32>], vector<16xf32>,
        %parallel_loop3A_661 = vector.broadcast %parallel_loop3A_585 : i32 to vector<16xi32>
        %parallel_loop3A_662 = arith.addi %add3A_152, %parallel_loop3A_661 : vector<16xi32>
        %parallel_loop3A_663 = tpu.vector_load_idx %arg6[%broadcast_in_dim3A_3, %parallel_loop3A_662] : memref<128x64xf32, #tpu.memory_space<vmem>>[vector<16xi32>, vector<16xi32>], vector<16xf32>,
        %parallel_loop3A_664 = vector.broadcast %parallel_loop3A_590 : i32 to vector<16xi32>
        %parallel_loop3A_665 = arith.addi %add3A_312, %parallel_loop3A_664 : vector<16xi32>
        tpu.vector_store_idx %arg10[%broadcast_in_dim3A_3, %broadcast_in_dim3A_3, %parallel_loop3A_665], %parallel_loop3A_663 : memref<8x8x128xf32, #tpu.memory_space<vmem>>[vector<16xi32>, vector<16xi32>, vector<16xi32>], vector<16xf32>,
        %parallel_loop3A_666 = vector.broadcast %parallel_loop3A_585 : i32 to vector<16xi32>
        %parallel_loop3A_667 = arith.addi %add3A_162, %parallel_loop3A_666 : vector<16xi32>
        %parallel_loop3A_668 = tpu.vector_load_idx %arg6[%broadcast_in_dim3A_3, %parallel_loop3A_667] : memref<128x64xf32, #tpu.memory_space<vmem>>[vector<16xi32>, vector<16xi32>], vector<16xf32>,
        %parallel_loop3A_669 = vector.broadcast %parallel_loop3A_590 : i32 to vector<16xi32>
        %parallel_loop3A_670 = arith.addi %add3A_322, %parallel_loop3A_669 : vector<16xi32>
        tpu.vector_store_idx %arg10[%broadcast_in_dim3A_3, %broadcast_in_dim3A_3, %parallel_loop3A_670], %parallel_loop3A_668 : memref<8x8x128xf32, #tpu.memory_space<vmem>>[vector<16xi32>, vector<16xi32>, vector<16xi32>], vector<16xf32>,
      } {sc.loop_unroll_factor = 2 : i64, sc.parallel_access}
      %add3A_417 = arith.constant 0 : i32
      %add3A_418 = arith.addi %add3A_404, %add3A_417 : i32
      %shift_right_logical3A_419 = arith.constant 2 : i32
      %shift_right_logical3A_420 = arith.shrui %add3A_418, %shift_right_logical3A_419 : i32
      %and3A_421 = arith.constant 3 : i32
      %and3A_422 = arith.andi %add3A_418, %and3A_421 : i32
      %mul3A_423 = arith.constant 4 : i32
      %mul3A_424 = arith.muli %add3A, %mul3A_423 : i32
      %add3A_425 = arith.addi %mul3A_424, %and3A_422 : i32
      %dma_start3A_426 = arith.constant 0 : i32
      %dma_start3A_427 = arith.constant 0 : i32
      %dma_start3A_428 = arith.constant 0 : i32
      %dma_start3A_429 = tpu.memref_slice %arg4[%shift_right_logical3A_420, %dma_start3A_426, %add3A_425, %dma_start3A_427, %dma_start3A_428] : memref<50x8x128x8x128xf32, #tpu.memory_space<hbm>> -> memref<1x8x1x8x128xf32, #tpu.memory_space<hbm>>
      %dma_start3A_430 = tpu.memref_squeeze %dma_start3A_429 : memref<1x8x1x8x128xf32, #tpu.memory_space<hbm>> -> memref<8x8x128xf32, #tpu.memory_space<hbm>>
      %dma_start3A_431 = arith.constant 0 : i32
      %dma_start3A_432 = arith.constant 0 : i32
      %dma_start3A_433 = arith.constant 0 : i32
      %dma_start3A_434 = tpu.memref_slice %arg4[%shift_right_logical3A_420, %dma_start3A_431, %add3A_425, %dma_start3A_432, %dma_start3A_433] : memref<50x8x128x8x128xf32, #tpu.memory_space<hbm>> -> memref<1x8x1x8x128xf32, #tpu.memory_space<hbm>>
      %dma_start3A_435 = tpu.memref_squeeze %dma_start3A_434 : memref<1x8x1x8x128xf32, #tpu.memory_space<hbm>> -> memref<8x8x128xf32, #tpu.memory_space<hbm>>
      tpu.enqueue_dma source(%arg10 : memref<8x8x128xf32, #tpu.memory_space<vmem>>) target(%dma_start3A_435 : memref<8x8x128xf32, #tpu.memory_space<hbm>>) target_semaphore(%arg16 : memref<!tpu.dma_semaphore, #tpu.memory_space<semaphore_mem>>)
      %add3A_436 = arith.constant 0 : i32
      %add3A_437 = arith.addi %add3A_404, %add3A_436 : i32
      %add3A_438 = arith.constant 4 : i32
      %add3A_439 = arith.addi %add3A_437, %add3A_438 : i32
      %lt3A = arith.constant 200 : i32
      %lt3A_440 = arith.cmpi slt, %add3A_439, %lt3A : i32
      %convert_element_type3A_441 = arith.extui %lt3A_440 : i1 to i32
      %cond3A_442 = arith.constant 0 : i32
      %cond3A_443 = arith.cmpi ne, %convert_element_type3A_441, %cond3A_442 : i32
      scf.if %cond3A_443 {
        %add3A_576 = arith.constant 0 : i32
        %add3A_577 = arith.addi %add3A_404, %add3A_576 : i32
        %add3A_578 = arith.constant 4 : i32
        %add3A_579 = arith.addi %add3A_577, %add3A_578 : i32
        %shift_right_logical3A_580 = arith.constant 2 : i32
        %shift_right_logical3A_581 = arith.shrui %add3A_579, %shift_right_logical3A_580 : i32
        %and3A_582 = arith.constant 3 : i32
        %and3A_583 = arith.andi %add3A_579, %and3A_582 : i32
        %mul3A_584 = arith.constant 128 : i32
        %mul3A_585 = arith.muli %and3A_583, %mul3A_584 : i32
        %dma_start3A_586 = tpu.memref_slice %arg5[%shift_right_logical3A_581, %mul3A_585] : memref<50x512xi32, #tpu.memory_space<vmem>> -> memref<1x128xi32, #tpu.memory_space<vmem>>
        %dma_start3A_587 = tpu.memref_squeeze %dma_start3A_586 : memref<1x128xi32, #tpu.memory_space<vmem>> -> memref<128xi32, #tpu.memory_space<vmem>>
        %dma_start3A_588 = arith.constant 0 : i32
        %dma_start3A_589 = arith.constant 0 : i32
        %dma_start3A_590 = tpu.memref_slice %arg3[%dma_start3A_588, %dma_start3A_589] : memref<2000000x64xf32, #tpu.memory_space<hbm>> -> memref<2000000x64xf32, #tpu.memory_space<hbm>>
        tpu.enqueue_indirect_dma source(%dma_start3A_590 : memref<2000000x64xf32, #tpu.memory_space<hbm>>) target(%arg6 : memref<128x64xf32, #tpu.memory_space<vmem>>) offsets(%dma_start3A_587 : memref<128xi32, #tpu.memory_space<vmem>>) semaphore(%arg12 : memref<!tpu.dma_semaphore, #tpu.memory_space<semaphore_mem>>)
      } else {
      }
      %dma_wait3A_444 = arith.constant 0 : i32
      %dma_wait3A_445 = arith.constant 0 : i32
      %dma_wait3A_446 = tpu.memref_slice %arg3[%dma_wait3A_444, %dma_wait3A_445] : memref<2000000x64xf32, #tpu.memory_space<hbm>> -> memref<128x64xf32, #tpu.memory_space<hbm>>
      %dma_wait3A_447 = arith.constant 0 : i32
      %dma_wait3A_448 = arith.constant 0 : i32
      %dma_wait3A_449 = tpu.memref_slice %arg3[%dma_wait3A_447, %dma_wait3A_448] : memref<2000000x64xf32, #tpu.memory_space<hbm>> -> memref<128x64xf32, #tpu.memory_space<hbm>>
      tpu.wait_dma2 semaphore(%arg13 : memref<!tpu.dma_semaphore, #tpu.memory_space<semaphore_mem>>) src(%dma_wait3A_449 : memref<128x64xf32, #tpu.memory_space<hbm>>) dst(%arg7 : memref<128x64xf32, #tpu.memory_space<vmem>>)
      %add3A_450 = arith.constant 1 : i32
      %add3A_451 = arith.addi %add3A_404, %add3A_450 : i32
      %ge3A_452 = arith.constant 2 : i32
      %ge3A_453 = arith.cmpi sge, %add3A_451, %ge3A_452 : i32
      %convert_element_type3A_454 = arith.extui %ge3A_453 : i1 to i32
      %cond3A_455 = arith.constant 0 : i32
      %cond3A_456 = arith.cmpi ne, %convert_element_type3A_454, %cond3A_455 : i32
      scf.if %cond3A_456 {
        %dma_wait3A_576 = arith.constant 0 : i32
        %dma_wait3A_577 = arith.constant 0 : i32
        %dma_wait3A_578 = arith.constant 0 : i32
        %dma_wait3A_579 = arith.constant 0 : i32
        %dma_wait3A_580 = arith.constant 0 : i32
        %dma_wait3A_581 = tpu.memref_slice %arg4[%dma_wait3A_576, %dma_wait3A_578, %dma_wait3A_577, %dma_wait3A_579, %dma_wait3A_580] : memref<50x8x128x8x128xf32, #tpu.memory_space<hbm>> -> memref<1x8x1x8x128xf32, #tpu.memory_space<hbm>>
        %dma_wait3A_582 = tpu.memref_squeeze %dma_wait3A_581 : memref<1x8x1x8x128xf32, #tpu.memory_space<hbm>> -> memref<8x8x128xf32, #tpu.memory_space<hbm>>
        %dma_wait3A_583 = arith.constant 0 : i32
        %dma_wait3A_584 = arith.constant 0 : i32
        %dma_wait3A_585 = arith.constant 0 : i32
        %dma_wait3A_586 = tpu.memref_slice %arg4[%dma_wait3A_576, %dma_wait3A_583, %dma_wait3A_577, %dma_wait3A_584, %dma_wait3A_585] : memref<50x8x128x8x128xf32, #tpu.memory_space<hbm>> -> memref<1x8x1x8x128xf32, #tpu.memory_space<hbm>>
        %dma_wait3A_587 = tpu.memref_squeeze %dma_wait3A_586 : memref<1x8x1x8x128xf32, #tpu.memory_space<hbm>> -> memref<8x8x128xf32, #tpu.memory_space<hbm>>
        tpu.wait_dma2 semaphore(%arg17 : memref<!tpu.dma_semaphore, #tpu.memory_space<semaphore_mem>>) src(%arg11 : memref<8x8x128xf32, #tpu.memory_space<vmem>>) dst(%dma_wait3A_587 : memref<8x8x128xf32, #tpu.memory_space<hbm>>)
      } else {
      }
      %parallel_loop3A_457 = arith.constant 0 : i32
      %parallel_loop3A_458 = arith.constant 32 : i32
      %parallel_loop3A_459 = arith.constant 1 : i32
      scf.for %parallel_loop3A_576 = %parallel_loop3A_457 to %parallel_loop3A_458 step %parallel_loop3A_459  : i32 {
        %parallel_loop3A_577 = arith.constant 2 : i32
        %parallel_loop3A_578 = arith.shrui %parallel_loop3A_576, %parallel_loop3A_577 : i32
        %parallel_loop3A_579 = arith.constant 3 : i32
        %parallel_loop3A_580 = arith.andi %parallel_loop3A_576, %parallel_loop3A_579 : i32
        %parallel_loop3A_581 = arith.constant 1024 : i32
        %parallel_loop3A_582 = arith.muli %parallel_loop3A_578, %parallel_loop3A_581 : i32
        %parallel_loop3A_583 = arith.constant 16 : i32
        %parallel_loop3A_584 = arith.muli %parallel_loop3A_580, %parallel_loop3A_583 : i32
        %parallel_loop3A_585 = arith.addi %parallel_loop3A_582, %parallel_loop3A_584 : i32
        %parallel_loop3A_586 = arith.constant 2048 : i32
        %parallel_loop3A_587 = arith.muli %parallel_loop3A_580, %parallel_loop3A_586 : i32
        %parallel_loop3A_588 = arith.constant 16 : i32
        %parallel_loop3A_589 = arith.muli %parallel_loop3A_578, %parallel_loop3A_588 : i32
        %parallel_loop3A_590 = arith.addi %parallel_loop3A_587, %parallel_loop3A_589 : i32
        %parallel_loop3A_591 = vector.broadcast %parallel_loop3A_585 : i32 to vector<16xi32>
        %parallel_loop3A_592 = arith.addi %add3A_12, %parallel_loop3A_591 : vector<16xi32>
        %parallel_loop3A_593 = tpu.vector_load_idx %arg7[%broadcast_in_dim3A_3, %parallel_loop3A_592] : memref<128x64xf32, #tpu.memory_space<vmem>>[vector<16xi32>, vector<16xi32>], vector<16xf32>,
        %parallel_loop3A_594 = vector.broadcast %parallel_loop3A_590 : i32 to vector<16xi32>
        %parallel_loop3A_595 = arith.addi %add3A_172, %parallel_loop3A_594 : vector<16xi32>
        tpu.vector_store_idx %arg11[%broadcast_in_dim3A_3, %broadcast_in_dim3A_3, %parallel_loop3A_595], %parallel_loop3A_593 : memref<8x8x128xf32, #tpu.memory_space<vmem>>[vector<16xi32>, vector<16xi32>, vector<16xi32>], vector<16xf32>,
        %parallel_loop3A_596 = vector.broadcast %parallel_loop3A_585 : i32 to vector<16xi32>
        %parallel_loop3A_597 = arith.addi %add3A_22, %parallel_loop3A_596 : vector<16xi32>
        %parallel_loop3A_598 = tpu.vector_load_idx %arg7[%broadcast_in_dim3A_3, %parallel_loop3A_597] : memref<128x64xf32, #tpu.memory_space<vmem>>[vector<16xi32>, vector<16xi32>], vector<16xf32>,
        %parallel_loop3A_599 = vector.broadcast %parallel_loop3A_590 : i32 to vector<16xi32>
        %parallel_loop3A_600 = arith.addi %add3A_182, %parallel_loop3A_599 : vector<16xi32>
        tpu.vector_store_idx %arg11[%broadcast_in_dim3A_3, %broadcast_in_dim3A_3, %parallel_loop3A_600], %parallel_loop3A_598 : memref<8x8x128xf32, #tpu.memory_space<vmem>>[vector<16xi32>, vector<16xi32>, vector<16xi32>], vector<16xf32>,
        %parallel_loop3A_601 = vector.broadcast %parallel_loop3A_585 : i32 to vector<16xi32>
        %parallel_loop3A_602 = arith.addi %add3A_32, %parallel_loop3A_601 : vector<16xi32>
        %parallel_loop3A_603 = tpu.vector_load_idx %arg7[%broadcast_in_dim3A_3, %parallel_loop3A_602] : memref<128x64xf32, #tpu.memory_space<vmem>>[vector<16xi32>, vector<16xi32>], vector<16xf32>,
        %parallel_loop3A_604 = vector.broadcast %parallel_loop3A_590 : i32 to vector<16xi32>
        %parallel_loop3A_605 = arith.addi %add3A_192, %parallel_loop3A_604 : vector<16xi32>
        tpu.vector_store_idx %arg11[%broadcast_in_dim3A_3, %broadcast_in_dim3A_3, %parallel_loop3A_605], %parallel_loop3A_603 : memref<8x8x128xf32, #tpu.memory_space<vmem>>[vector<16xi32>, vector<16xi32>, vector<16xi32>], vector<16xf32>,
        %parallel_loop3A_606 = vector.broadcast %parallel_loop3A_585 : i32 to vector<16xi32>
        %parallel_loop3A_607 = arith.addi %add3A_42, %parallel_loop3A_606 : vector<16xi32>
        %parallel_loop3A_608 = tpu.vector_load_idx %arg7[%broadcast_in_dim3A_3, %parallel_loop3A_607] : memref<128x64xf32, #tpu.memory_space<vmem>>[vector<16xi32>, vector<16xi32>], vector<16xf32>,
        %parallel_loop3A_609 = vector.broadcast %parallel_loop3A_590 : i32 to vector<16xi32>
        %parallel_loop3A_610 = arith.addi %add3A_202, %parallel_loop3A_609 : vector<16xi32>
        tpu.vector_store_idx %arg11[%broadcast_in_dim3A_3, %broadcast_in_dim3A_3, %parallel_loop3A_610], %parallel_loop3A_608 : memref<8x8x128xf32, #tpu.memory_space<vmem>>[vector<16xi32>, vector<16xi32>, vector<16xi32>], vector<16xf32>,
        %parallel_loop3A_611 = vector.broadcast %parallel_loop3A_585 : i32 to vector<16xi32>
        %parallel_loop3A_612 = arith.addi %add3A_52, %parallel_loop3A_611 : vector<16xi32>
        %parallel_loop3A_613 = tpu.vector_load_idx %arg7[%broadcast_in_dim3A_3, %parallel_loop3A_612] : memref<128x64xf32, #tpu.memory_space<vmem>>[vector<16xi32>, vector<16xi32>], vector<16xf32>,
        %parallel_loop3A_614 = vector.broadcast %parallel_loop3A_590 : i32 to vector<16xi32>
        %parallel_loop3A_615 = arith.addi %add3A_212, %parallel_loop3A_614 : vector<16xi32>
        tpu.vector_store_idx %arg11[%broadcast_in_dim3A_3, %broadcast_in_dim3A_3, %parallel_loop3A_615], %parallel_loop3A_613 : memref<8x8x128xf32, #tpu.memory_space<vmem>>[vector<16xi32>, vector<16xi32>, vector<16xi32>], vector<16xf32>,
        %parallel_loop3A_616 = vector.broadcast %parallel_loop3A_585 : i32 to vector<16xi32>
        %parallel_loop3A_617 = arith.addi %add3A_62, %parallel_loop3A_616 : vector<16xi32>
        %parallel_loop3A_618 = tpu.vector_load_idx %arg7[%broadcast_in_dim3A_3, %parallel_loop3A_617] : memref<128x64xf32, #tpu.memory_space<vmem>>[vector<16xi32>, vector<16xi32>], vector<16xf32>,
        %parallel_loop3A_619 = vector.broadcast %parallel_loop3A_590 : i32 to vector<16xi32>
        %parallel_loop3A_620 = arith.addi %add3A_222, %parallel_loop3A_619 : vector<16xi32>
        tpu.vector_store_idx %arg11[%broadcast_in_dim3A_3, %broadcast_in_dim3A_3, %parallel_loop3A_620], %parallel_loop3A_618 : memref<8x8x128xf32, #tpu.memory_space<vmem>>[vector<16xi32>, vector<16xi32>, vector<16xi32>], vector<16xf32>,
        %parallel_loop3A_621 = vector.broadcast %parallel_loop3A_585 : i32 to vector<16xi32>
        %parallel_loop3A_622 = arith.addi %add3A_72, %parallel_loop3A_621 : vector<16xi32>
        %parallel_loop3A_623 = tpu.vector_load_idx %arg7[%broadcast_in_dim3A_3, %parallel_loop3A_622] : memref<128x64xf32, #tpu.memory_space<vmem>>[vector<16xi32>, vector<16xi32>], vector<16xf32>,
        %parallel_loop3A_624 = vector.broadcast %parallel_loop3A_590 : i32 to vector<16xi32>
        %parallel_loop3A_625 = arith.addi %add3A_232, %parallel_loop3A_624 : vector<16xi32>
        tpu.vector_store_idx %arg11[%broadcast_in_dim3A_3, %broadcast_in_dim3A_3, %parallel_loop3A_625], %parallel_loop3A_623 : memref<8x8x128xf32, #tpu.memory_space<vmem>>[vector<16xi32>, vector<16xi32>, vector<16xi32>], vector<16xf32>,
        %parallel_loop3A_626 = vector.broadcast %parallel_loop3A_585 : i32 to vector<16xi32>
        %parallel_loop3A_627 = arith.addi %add3A_82, %parallel_loop3A_626 : vector<16xi32>
        %parallel_loop3A_628 = tpu.vector_load_idx %arg7[%broadcast_in_dim3A_3, %parallel_loop3A_627] : memref<128x64xf32, #tpu.memory_space<vmem>>[vector<16xi32>, vector<16xi32>], vector<16xf32>,
        %parallel_loop3A_629 = vector.broadcast %parallel_loop3A_590 : i32 to vector<16xi32>
        %parallel_loop3A_630 = arith.addi %add3A_242, %parallel_loop3A_629 : vector<16xi32>
        tpu.vector_store_idx %arg11[%broadcast_in_dim3A_3, %broadcast_in_dim3A_3, %parallel_loop3A_630], %parallel_loop3A_628 : memref<8x8x128xf32, #tpu.memory_space<vmem>>[vector<16xi32>, vector<16xi32>, vector<16xi32>], vector<16xf32>,
        %parallel_loop3A_631 = vector.broadcast %parallel_loop3A_585 : i32 to vector<16xi32>
        %parallel_loop3A_632 = arith.addi %add3A_92, %parallel_loop3A_631 : vector<16xi32>
        %parallel_loop3A_633 = tpu.vector_load_idx %arg7[%broadcast_in_dim3A_3, %parallel_loop3A_632] : memref<128x64xf32, #tpu.memory_space<vmem>>[vector<16xi32>, vector<16xi32>], vector<16xf32>,
        %parallel_loop3A_634 = vector.broadcast %parallel_loop3A_590 : i32 to vector<16xi32>
        %parallel_loop3A_635 = arith.addi %add3A_252, %parallel_loop3A_634 : vector<16xi32>
        tpu.vector_store_idx %arg11[%broadcast_in_dim3A_3, %broadcast_in_dim3A_3, %parallel_loop3A_635], %parallel_loop3A_633 : memref<8x8x128xf32, #tpu.memory_space<vmem>>[vector<16xi32>, vector<16xi32>, vector<16xi32>], vector<16xf32>,
        %parallel_loop3A_636 = vector.broadcast %parallel_loop3A_585 : i32 to vector<16xi32>
        %parallel_loop3A_637 = arith.addi %add3A_102, %parallel_loop3A_636 : vector<16xi32>
        %parallel_loop3A_638 = tpu.vector_load_idx %arg7[%broadcast_in_dim3A_3, %parallel_loop3A_637] : memref<128x64xf32, #tpu.memory_space<vmem>>[vector<16xi32>, vector<16xi32>], vector<16xf32>,
        %parallel_loop3A_639 = vector.broadcast %parallel_loop3A_590 : i32 to vector<16xi32>
        %parallel_loop3A_640 = arith.addi %add3A_262, %parallel_loop3A_639 : vector<16xi32>
        tpu.vector_store_idx %arg11[%broadcast_in_dim3A_3, %broadcast_in_dim3A_3, %parallel_loop3A_640], %parallel_loop3A_638 : memref<8x8x128xf32, #tpu.memory_space<vmem>>[vector<16xi32>, vector<16xi32>, vector<16xi32>], vector<16xf32>,
        %parallel_loop3A_641 = vector.broadcast %parallel_loop3A_585 : i32 to vector<16xi32>
        %parallel_loop3A_642 = arith.addi %add3A_112, %parallel_loop3A_641 : vector<16xi32>
        %parallel_loop3A_643 = tpu.vector_load_idx %arg7[%broadcast_in_dim3A_3, %parallel_loop3A_642] : memref<128x64xf32, #tpu.memory_space<vmem>>[vector<16xi32>, vector<16xi32>], vector<16xf32>,
        %parallel_loop3A_644 = vector.broadcast %parallel_loop3A_590 : i32 to vector<16xi32>
        %parallel_loop3A_645 = arith.addi %add3A_272, %parallel_loop3A_644 : vector<16xi32>
        tpu.vector_store_idx %arg11[%broadcast_in_dim3A_3, %broadcast_in_dim3A_3, %parallel_loop3A_645], %parallel_loop3A_643 : memref<8x8x128xf32, #tpu.memory_space<vmem>>[vector<16xi32>, vector<16xi32>, vector<16xi32>], vector<16xf32>,
        %parallel_loop3A_646 = vector.broadcast %parallel_loop3A_585 : i32 to vector<16xi32>
        %parallel_loop3A_647 = arith.addi %add3A_122, %parallel_loop3A_646 : vector<16xi32>
        %parallel_loop3A_648 = tpu.vector_load_idx %arg7[%broadcast_in_dim3A_3, %parallel_loop3A_647] : memref<128x64xf32, #tpu.memory_space<vmem>>[vector<16xi32>, vector<16xi32>], vector<16xf32>,
        %parallel_loop3A_649 = vector.broadcast %parallel_loop3A_590 : i32 to vector<16xi32>
        %parallel_loop3A_650 = arith.addi %add3A_282, %parallel_loop3A_649 : vector<16xi32>
        tpu.vector_store_idx %arg11[%broadcast_in_dim3A_3, %broadcast_in_dim3A_3, %parallel_loop3A_650], %parallel_loop3A_648 : memref<8x8x128xf32, #tpu.memory_space<vmem>>[vector<16xi32>, vector<16xi32>, vector<16xi32>], vector<16xf32>,
        %parallel_loop3A_651 = vector.broadcast %parallel_loop3A_585 : i32 to vector<16xi32>
        %parallel_loop3A_652 = arith.addi %add3A_132, %parallel_loop3A_651 : vector<16xi32>
        %parallel_loop3A_653 = tpu.vector_load_idx %arg7[%broadcast_in_dim3A_3, %parallel_loop3A_652] : memref<128x64xf32, #tpu.memory_space<vmem>>[vector<16xi32>, vector<16xi32>], vector<16xf32>,
        %parallel_loop3A_654 = vector.broadcast %parallel_loop3A_590 : i32 to vector<16xi32>
        %parallel_loop3A_655 = arith.addi %add3A_292, %parallel_loop3A_654 : vector<16xi32>
        tpu.vector_store_idx %arg11[%broadcast_in_dim3A_3, %broadcast_in_dim3A_3, %parallel_loop3A_655], %parallel_loop3A_653 : memref<8x8x128xf32, #tpu.memory_space<vmem>>[vector<16xi32>, vector<16xi32>, vector<16xi32>], vector<16xf32>,
        %parallel_loop3A_656 = vector.broadcast %parallel_loop3A_585 : i32 to vector<16xi32>
        %parallel_loop3A_657 = arith.addi %add3A_142, %parallel_loop3A_656 : vector<16xi32>
        %parallel_loop3A_658 = tpu.vector_load_idx %arg7[%broadcast_in_dim3A_3, %parallel_loop3A_657] : memref<128x64xf32, #tpu.memory_space<vmem>>[vector<16xi32>, vector<16xi32>], vector<16xf32>,
        %parallel_loop3A_659 = vector.broadcast %parallel_loop3A_590 : i32 to vector<16xi32>
        %parallel_loop3A_660 = arith.addi %add3A_302, %parallel_loop3A_659 : vector<16xi32>
        tpu.vector_store_idx %arg11[%broadcast_in_dim3A_3, %broadcast_in_dim3A_3, %parallel_loop3A_660], %parallel_loop3A_658 : memref<8x8x128xf32, #tpu.memory_space<vmem>>[vector<16xi32>, vector<16xi32>, vector<16xi32>], vector<16xf32>,
        %parallel_loop3A_661 = vector.broadcast %parallel_loop3A_585 : i32 to vector<16xi32>
        %parallel_loop3A_662 = arith.addi %add3A_152, %parallel_loop3A_661 : vector<16xi32>
        %parallel_loop3A_663 = tpu.vector_load_idx %arg7[%broadcast_in_dim3A_3, %parallel_loop3A_662] : memref<128x64xf32, #tpu.memory_space<vmem>>[vector<16xi32>, vector<16xi32>], vector<16xf32>,
        %parallel_loop3A_664 = vector.broadcast %parallel_loop3A_590 : i32 to vector<16xi32>
        %parallel_loop3A_665 = arith.addi %add3A_312, %parallel_loop3A_664 : vector<16xi32>
        tpu.vector_store_idx %arg11[%broadcast_in_dim3A_3, %broadcast_in_dim3A_3, %parallel_loop3A_665], %parallel_loop3A_663 : memref<8x8x128xf32, #tpu.memory_space<vmem>>[vector<16xi32>, vector<16xi32>, vector<16xi32>], vector<16xf32>,
        %parallel_loop3A_666 = vector.broadcast %parallel_loop3A_585 : i32 to vector<16xi32>
        %parallel_loop3A_667 = arith.addi %add3A_162, %parallel_loop3A_666 : vector<16xi32>
        %parallel_loop3A_668 = tpu.vector_load_idx %arg7[%broadcast_in_dim3A_3, %parallel_loop3A_667] : memref<128x64xf32, #tpu.memory_space<vmem>>[vector<16xi32>, vector<16xi32>], vector<16xf32>,
        %parallel_loop3A_669 = vector.broadcast %parallel_loop3A_590 : i32 to vector<16xi32>
        %parallel_loop3A_670 = arith.addi %add3A_322, %parallel_loop3A_669 : vector<16xi32>
        tpu.vector_store_idx %arg11[%broadcast_in_dim3A_3, %broadcast_in_dim3A_3, %parallel_loop3A_670], %parallel_loop3A_668 : memref<8x8x128xf32, #tpu.memory_space<vmem>>[vector<16xi32>, vector<16xi32>, vector<16xi32>], vector<16xf32>,
      } {sc.loop_unroll_factor = 2 : i64, sc.parallel_access}
      %add3A_460 = arith.constant 1 : i32
      %add3A_461 = arith.addi %add3A_404, %add3A_460 : i32
      %shift_right_logical3A_462 = arith.constant 2 : i32
      %shift_right_logical3A_463 = arith.shrui %add3A_461, %shift_right_logical3A_462 : i32
      %and3A_464 = arith.constant 3 : i32
      %and3A_465 = arith.andi %add3A_461, %and3A_464 : i32
      %mul3A_466 = arith.constant 4 : i32
      %mul3A_467 = arith.muli %add3A, %mul3A_466 : i32
      %add3A_468 = arith.addi %mul3A_467, %and3A_465 : i32
      %dma_start3A_469 = arith.constant 0 : i32
      %dma_start3A_470 = arith.constant 0 : i32
      %dma_start3A_471 = arith.constant 0 : i32
      %dma_start3A_472 = tpu.memref_slice %arg4[%shift_right_logical3A_463, %dma_start3A_469, %add3A_468, %dma_start3A_470, %dma_start3A_471] : memref<50x8x128x8x128xf32, #tpu.memory_space<hbm>> -> memref<1x8x1x8x128xf32, #tpu.memory_space<hbm>>
      %dma_start3A_473 = tpu.memref_squeeze %dma_start3A_472 : memref<1x8x1x8x128xf32, #tpu.memory_space<hbm>> -> memref<8x8x128xf32, #tpu.memory_space<hbm>>
      %dma_start3A_474 = arith.constant 0 : i32
      %dma_start3A_475 = arith.constant 0 : i32
      %dma_start3A_476 = arith.constant 0 : i32
      %dma_start3A_477 = tpu.memref_slice %arg4[%shift_right_logical3A_463, %dma_start3A_474, %add3A_468, %dma_start3A_475, %dma_start3A_476] : memref<50x8x128x8x128xf32, #tpu.memory_space<hbm>> -> memref<1x8x1x8x128xf32, #tpu.memory_space<hbm>>
      %dma_start3A_478 = tpu.memref_squeeze %dma_start3A_477 : memref<1x8x1x8x128xf32, #tpu.memory_space<hbm>> -> memref<8x8x128xf32, #tpu.memory_space<hbm>>
      tpu.enqueue_dma source(%arg11 : memref<8x8x128xf32, #tpu.memory_space<vmem>>) target(%dma_start3A_478 : memref<8x8x128xf32, #tpu.memory_space<hbm>>) target_semaphore(%arg17 : memref<!tpu.dma_semaphore, #tpu.memory_space<semaphore_mem>>)
      %add3A_479 = arith.constant 1 : i32
      %add3A_480 = arith.addi %add3A_404, %add3A_479 : i32
      %add3A_481 = arith.constant 4 : i32
      %add3A_482 = arith.addi %add3A_480, %add3A_481 : i32
      %lt3A_483 = arith.constant 200 : i32
      %lt3A_484 = arith.cmpi slt, %add3A_482, %lt3A_483 : i32
      %convert_element_type3A_485 = arith.extui %lt3A_484 : i1 to i32
      %cond3A_486 = arith.constant 0 : i32
      %cond3A_487 = arith.cmpi ne, %convert_element_type3A_485, %cond3A_486 : i32
      scf.if %cond3A_487 {
        %add3A_576 = arith.constant 1 : i32
        %add3A_577 = arith.addi %add3A_404, %add3A_576 : i32
        %add3A_578 = arith.constant 4 : i32
        %add3A_579 = arith.addi %add3A_577, %add3A_578 : i32
        %shift_right_logical3A_580 = arith.constant 2 : i32
        %shift_right_logical3A_581 = arith.shrui %add3A_579, %shift_right_logical3A_580 : i32
        %and3A_582 = arith.constant 3 : i32
        %and3A_583 = arith.andi %add3A_579, %and3A_582 : i32
        %mul3A_584 = arith.constant 128 : i32
        %mul3A_585 = arith.muli %and3A_583, %mul3A_584 : i32
        %dma_start3A_586 = tpu.memref_slice %arg5[%shift_right_logical3A_581, %mul3A_585] : memref<50x512xi32, #tpu.memory_space<vmem>> -> memref<1x128xi32, #tpu.memory_space<vmem>>
        %dma_start3A_587 = tpu.memref_squeeze %dma_start3A_586 : memref<1x128xi32, #tpu.memory_space<vmem>> -> memref<128xi32, #tpu.memory_space<vmem>>
        %dma_start3A_588 = arith.constant 0 : i32
        %dma_start3A_589 = arith.constant 0 : i32
        %dma_start3A_590 = tpu.memref_slice %arg3[%dma_start3A_588, %dma_start3A_589] : memref<2000000x64xf32, #tpu.memory_space<hbm>> -> memref<2000000x64xf32, #tpu.memory_space<hbm>>
        tpu.enqueue_indirect_dma source(%dma_start3A_590 : memref<2000000x64xf32, #tpu.memory_space<hbm>>) target(%arg7 : memref<128x64xf32, #tpu.memory_space<vmem>>) offsets(%dma_start3A_587 : memref<128xi32, #tpu.memory_space<vmem>>) semaphore(%arg13 : memref<!tpu.dma_semaphore, #tpu.memory_space<semaphore_mem>>)
      } else {
      }
      %dma_wait3A_488 = arith.constant 0 : i32
      %dma_wait3A_489 = arith.constant 0 : i32
      %dma_wait3A_490 = tpu.memref_slice %arg3[%dma_wait3A_488, %dma_wait3A_489] : memref<2000000x64xf32, #tpu.memory_space<hbm>> -> memref<128x64xf32, #tpu.memory_space<hbm>>
      %dma_wait3A_491 = arith.constant 0 : i32
      %dma_wait3A_492 = arith.constant 0 : i32
      %dma_wait3A_493 = tpu.memref_slice %arg3[%dma_wait3A_491, %dma_wait3A_492] : memref<2000000x64xf32, #tpu.memory_space<hbm>> -> memref<128x64xf32, #tpu.memory_space<hbm>>
      tpu.wait_dma2 semaphore(%arg14 : memref<!tpu.dma_semaphore, #tpu.memory_space<semaphore_mem>>) src(%dma_wait3A_493 : memref<128x64xf32, #tpu.memory_space<hbm>>) dst(%arg8 : memref<128x64xf32, #tpu.memory_space<vmem>>)
      %add3A_494 = arith.constant 2 : i32
      %add3A_495 = arith.addi %add3A_404, %add3A_494 : i32
      %ge3A_496 = arith.constant 2 : i32
      %ge3A_497 = arith.cmpi sge, %add3A_495, %ge3A_496 : i32
      %convert_element_type3A_498 = arith.extui %ge3A_497 : i1 to i32
      %cond3A_499 = arith.constant 0 : i32
      %cond3A_500 = arith.cmpi ne, %convert_element_type3A_498, %cond3A_499 : i32
      scf.if %cond3A_500 {
        %dma_wait3A_576 = arith.constant 0 : i32
        %dma_wait3A_577 = arith.constant 0 : i32
        %dma_wait3A_578 = arith.constant 0 : i32
        %dma_wait3A_579 = arith.constant 0 : i32
        %dma_wait3A_580 = arith.constant 0 : i32
        %dma_wait3A_581 = tpu.memref_slice %arg4[%dma_wait3A_576, %dma_wait3A_578, %dma_wait3A_577, %dma_wait3A_579, %dma_wait3A_580] : memref<50x8x128x8x128xf32, #tpu.memory_space<hbm>> -> memref<1x8x1x8x128xf32, #tpu.memory_space<hbm>>
        %dma_wait3A_582 = tpu.memref_squeeze %dma_wait3A_581 : memref<1x8x1x8x128xf32, #tpu.memory_space<hbm>> -> memref<8x8x128xf32, #tpu.memory_space<hbm>>
        %dma_wait3A_583 = arith.constant 0 : i32
        %dma_wait3A_584 = arith.constant 0 : i32
        %dma_wait3A_585 = arith.constant 0 : i32
        %dma_wait3A_586 = tpu.memref_slice %arg4[%dma_wait3A_576, %dma_wait3A_583, %dma_wait3A_577, %dma_wait3A_584, %dma_wait3A_585] : memref<50x8x128x8x128xf32, #tpu.memory_space<hbm>> -> memref<1x8x1x8x128xf32, #tpu.memory_space<hbm>>
        %dma_wait3A_587 = tpu.memref_squeeze %dma_wait3A_586 : memref<1x8x1x8x128xf32, #tpu.memory_space<hbm>> -> memref<8x8x128xf32, #tpu.memory_space<hbm>>
        tpu.wait_dma2 semaphore(%arg16 : memref<!tpu.dma_semaphore, #tpu.memory_space<semaphore_mem>>) src(%arg10 : memref<8x8x128xf32, #tpu.memory_space<vmem>>) dst(%dma_wait3A_587 : memref<8x8x128xf32, #tpu.memory_space<hbm>>)
      } else {
      }
      %parallel_loop3A_501 = arith.constant 0 : i32
      %parallel_loop3A_502 = arith.constant 32 : i32
      %parallel_loop3A_503 = arith.constant 1 : i32
      scf.for %parallel_loop3A_576 = %parallel_loop3A_501 to %parallel_loop3A_502 step %parallel_loop3A_503  : i32 {
        %parallel_loop3A_577 = arith.constant 2 : i32
        %parallel_loop3A_578 = arith.shrui %parallel_loop3A_576, %parallel_loop3A_577 : i32
        %parallel_loop3A_579 = arith.constant 3 : i32
        %parallel_loop3A_580 = arith.andi %parallel_loop3A_576, %parallel_loop3A_579 : i32
        %parallel_loop3A_581 = arith.constant 1024 : i32
        %parallel_loop3A_582 = arith.muli %parallel_loop3A_578, %parallel_loop3A_581 : i32
        %parallel_loop3A_583 = arith.constant 16 : i32
        %parallel_loop3A_584 = arith.muli %parallel_loop3A_580, %parallel_loop3A_583 : i32
        %parallel_loop3A_585 = arith.addi %parallel_loop3A_582, %parallel_loop3A_584 : i32
        %parallel_loop3A_586 = arith.constant 2048 : i32
        %parallel_loop3A_587 = arith.muli %parallel_loop3A_580, %parallel_loop3A_586 : i32
        %parallel_loop3A_588 = arith.constant 16 : i32
        %parallel_loop3A_589 = arith.muli %parallel_loop3A_578, %parallel_loop3A_588 : i32
        %parallel_loop3A_590 = arith.addi %parallel_loop3A_587, %parallel_loop3A_589 : i32
        %parallel_loop3A_591 = vector.broadcast %parallel_loop3A_585 : i32 to vector<16xi32>
        %parallel_loop3A_592 = arith.addi %add3A_12, %parallel_loop3A_591 : vector<16xi32>
        %parallel_loop3A_593 = tpu.vector_load_idx %arg8[%broadcast_in_dim3A_3, %parallel_loop3A_592] : memref<128x64xf32, #tpu.memory_space<vmem>>[vector<16xi32>, vector<16xi32>], vector<16xf32>,
        %parallel_loop3A_594 = vector.broadcast %parallel_loop3A_590 : i32 to vector<16xi32>
        %parallel_loop3A_595 = arith.addi %add3A_172, %parallel_loop3A_594 : vector<16xi32>
        tpu.vector_store_idx %arg10[%broadcast_in_dim3A_3, %broadcast_in_dim3A_3, %parallel_loop3A_595], %parallel_loop3A_593 : memref<8x8x128xf32, #tpu.memory_space<vmem>>[vector<16xi32>, vector<16xi32>, vector<16xi32>], vector<16xf32>,
        %parallel_loop3A_596 = vector.broadcast %parallel_loop3A_585 : i32 to vector<16xi32>
        %parallel_loop3A_597 = arith.addi %add3A_22, %parallel_loop3A_596 : vector<16xi32>
        %parallel_loop3A_598 = tpu.vector_load_idx %arg8[%broadcast_in_dim3A_3, %parallel_loop3A_597] : memref<128x64xf32, #tpu.memory_space<vmem>>[vector<16xi32>, vector<16xi32>], vector<16xf32>,
        %parallel_loop3A_599 = vector.broadcast %parallel_loop3A_590 : i32 to vector<16xi32>
        %parallel_loop3A_600 = arith.addi %add3A_182, %parallel_loop3A_599 : vector<16xi32>
        tpu.vector_store_idx %arg10[%broadcast_in_dim3A_3, %broadcast_in_dim3A_3, %parallel_loop3A_600], %parallel_loop3A_598 : memref<8x8x128xf32, #tpu.memory_space<vmem>>[vector<16xi32>, vector<16xi32>, vector<16xi32>], vector<16xf32>,
        %parallel_loop3A_601 = vector.broadcast %parallel_loop3A_585 : i32 to vector<16xi32>
        %parallel_loop3A_602 = arith.addi %add3A_32, %parallel_loop3A_601 : vector<16xi32>
        %parallel_loop3A_603 = tpu.vector_load_idx %arg8[%broadcast_in_dim3A_3, %parallel_loop3A_602] : memref<128x64xf32, #tpu.memory_space<vmem>>[vector<16xi32>, vector<16xi32>], vector<16xf32>,
        %parallel_loop3A_604 = vector.broadcast %parallel_loop3A_590 : i32 to vector<16xi32>
        %parallel_loop3A_605 = arith.addi %add3A_192, %parallel_loop3A_604 : vector<16xi32>
        tpu.vector_store_idx %arg10[%broadcast_in_dim3A_3, %broadcast_in_dim3A_3, %parallel_loop3A_605], %parallel_loop3A_603 : memref<8x8x128xf32, #tpu.memory_space<vmem>>[vector<16xi32>, vector<16xi32>, vector<16xi32>], vector<16xf32>,
        %parallel_loop3A_606 = vector.broadcast %parallel_loop3A_585 : i32 to vector<16xi32>
        %parallel_loop3A_607 = arith.addi %add3A_42, %parallel_loop3A_606 : vector<16xi32>
        %parallel_loop3A_608 = tpu.vector_load_idx %arg8[%broadcast_in_dim3A_3, %parallel_loop3A_607] : memref<128x64xf32, #tpu.memory_space<vmem>>[vector<16xi32>, vector<16xi32>], vector<16xf32>,
        %parallel_loop3A_609 = vector.broadcast %parallel_loop3A_590 : i32 to vector<16xi32>
        %parallel_loop3A_610 = arith.addi %add3A_202, %parallel_loop3A_609 : vector<16xi32>
        tpu.vector_store_idx %arg10[%broadcast_in_dim3A_3, %broadcast_in_dim3A_3, %parallel_loop3A_610], %parallel_loop3A_608 : memref<8x8x128xf32, #tpu.memory_space<vmem>>[vector<16xi32>, vector<16xi32>, vector<16xi32>], vector<16xf32>,
        %parallel_loop3A_611 = vector.broadcast %parallel_loop3A_585 : i32 to vector<16xi32>
        %parallel_loop3A_612 = arith.addi %add3A_52, %parallel_loop3A_611 : vector<16xi32>
        %parallel_loop3A_613 = tpu.vector_load_idx %arg8[%broadcast_in_dim3A_3, %parallel_loop3A_612] : memref<128x64xf32, #tpu.memory_space<vmem>>[vector<16xi32>, vector<16xi32>], vector<16xf32>,
        %parallel_loop3A_614 = vector.broadcast %parallel_loop3A_590 : i32 to vector<16xi32>
        %parallel_loop3A_615 = arith.addi %add3A_212, %parallel_loop3A_614 : vector<16xi32>
        tpu.vector_store_idx %arg10[%broadcast_in_dim3A_3, %broadcast_in_dim3A_3, %parallel_loop3A_615], %parallel_loop3A_613 : memref<8x8x128xf32, #tpu.memory_space<vmem>>[vector<16xi32>, vector<16xi32>, vector<16xi32>], vector<16xf32>,
        %parallel_loop3A_616 = vector.broadcast %parallel_loop3A_585 : i32 to vector<16xi32>
        %parallel_loop3A_617 = arith.addi %add3A_62, %parallel_loop3A_616 : vector<16xi32>
        %parallel_loop3A_618 = tpu.vector_load_idx %arg8[%broadcast_in_dim3A_3, %parallel_loop3A_617] : memref<128x64xf32, #tpu.memory_space<vmem>>[vector<16xi32>, vector<16xi32>], vector<16xf32>,
        %parallel_loop3A_619 = vector.broadcast %parallel_loop3A_590 : i32 to vector<16xi32>
        %parallel_loop3A_620 = arith.addi %add3A_222, %parallel_loop3A_619 : vector<16xi32>
        tpu.vector_store_idx %arg10[%broadcast_in_dim3A_3, %broadcast_in_dim3A_3, %parallel_loop3A_620], %parallel_loop3A_618 : memref<8x8x128xf32, #tpu.memory_space<vmem>>[vector<16xi32>, vector<16xi32>, vector<16xi32>], vector<16xf32>,
        %parallel_loop3A_621 = vector.broadcast %parallel_loop3A_585 : i32 to vector<16xi32>
        %parallel_loop3A_622 = arith.addi %add3A_72, %parallel_loop3A_621 : vector<16xi32>
        %parallel_loop3A_623 = tpu.vector_load_idx %arg8[%broadcast_in_dim3A_3, %parallel_loop3A_622] : memref<128x64xf32, #tpu.memory_space<vmem>>[vector<16xi32>, vector<16xi32>], vector<16xf32>,
        %parallel_loop3A_624 = vector.broadcast %parallel_loop3A_590 : i32 to vector<16xi32>
        %parallel_loop3A_625 = arith.addi %add3A_232, %parallel_loop3A_624 : vector<16xi32>
        tpu.vector_store_idx %arg10[%broadcast_in_dim3A_3, %broadcast_in_dim3A_3, %parallel_loop3A_625], %parallel_loop3A_623 : memref<8x8x128xf32, #tpu.memory_space<vmem>>[vector<16xi32>, vector<16xi32>, vector<16xi32>], vector<16xf32>,
        %parallel_loop3A_626 = vector.broadcast %parallel_loop3A_585 : i32 to vector<16xi32>
        %parallel_loop3A_627 = arith.addi %add3A_82, %parallel_loop3A_626 : vector<16xi32>
        %parallel_loop3A_628 = tpu.vector_load_idx %arg8[%broadcast_in_dim3A_3, %parallel_loop3A_627] : memref<128x64xf32, #tpu.memory_space<vmem>>[vector<16xi32>, vector<16xi32>], vector<16xf32>,
        %parallel_loop3A_629 = vector.broadcast %parallel_loop3A_590 : i32 to vector<16xi32>
        %parallel_loop3A_630 = arith.addi %add3A_242, %parallel_loop3A_629 : vector<16xi32>
        tpu.vector_store_idx %arg10[%broadcast_in_dim3A_3, %broadcast_in_dim3A_3, %parallel_loop3A_630], %parallel_loop3A_628 : memref<8x8x128xf32, #tpu.memory_space<vmem>>[vector<16xi32>, vector<16xi32>, vector<16xi32>], vector<16xf32>,
        %parallel_loop3A_631 = vector.broadcast %parallel_loop3A_585 : i32 to vector<16xi32>
        %parallel_loop3A_632 = arith.addi %add3A_92, %parallel_loop3A_631 : vector<16xi32>
        %parallel_loop3A_633 = tpu.vector_load_idx %arg8[%broadcast_in_dim3A_3, %parallel_loop3A_632] : memref<128x64xf32, #tpu.memory_space<vmem>>[vector<16xi32>, vector<16xi32>], vector<16xf32>,
        %parallel_loop3A_634 = vector.broadcast %parallel_loop3A_590 : i32 to vector<16xi32>
        %parallel_loop3A_635 = arith.addi %add3A_252, %parallel_loop3A_634 : vector<16xi32>
        tpu.vector_store_idx %arg10[%broadcast_in_dim3A_3, %broadcast_in_dim3A_3, %parallel_loop3A_635], %parallel_loop3A_633 : memref<8x8x128xf32, #tpu.memory_space<vmem>>[vector<16xi32>, vector<16xi32>, vector<16xi32>], vector<16xf32>,
        %parallel_loop3A_636 = vector.broadcast %parallel_loop3A_585 : i32 to vector<16xi32>
        %parallel_loop3A_637 = arith.addi %add3A_102, %parallel_loop3A_636 : vector<16xi32>
        %parallel_loop3A_638 = tpu.vector_load_idx %arg8[%broadcast_in_dim3A_3, %parallel_loop3A_637] : memref<128x64xf32, #tpu.memory_space<vmem>>[vector<16xi32>, vector<16xi32>], vector<16xf32>,
        %parallel_loop3A_639 = vector.broadcast %parallel_loop3A_590 : i32 to vector<16xi32>
        %parallel_loop3A_640 = arith.addi %add3A_262, %parallel_loop3A_639 : vector<16xi32>
        tpu.vector_store_idx %arg10[%broadcast_in_dim3A_3, %broadcast_in_dim3A_3, %parallel_loop3A_640], %parallel_loop3A_638 : memref<8x8x128xf32, #tpu.memory_space<vmem>>[vector<16xi32>, vector<16xi32>, vector<16xi32>], vector<16xf32>,
        %parallel_loop3A_641 = vector.broadcast %parallel_loop3A_585 : i32 to vector<16xi32>
        %parallel_loop3A_642 = arith.addi %add3A_112, %parallel_loop3A_641 : vector<16xi32>
        %parallel_loop3A_643 = tpu.vector_load_idx %arg8[%broadcast_in_dim3A_3, %parallel_loop3A_642] : memref<128x64xf32, #tpu.memory_space<vmem>>[vector<16xi32>, vector<16xi32>], vector<16xf32>,
        %parallel_loop3A_644 = vector.broadcast %parallel_loop3A_590 : i32 to vector<16xi32>
        %parallel_loop3A_645 = arith.addi %add3A_272, %parallel_loop3A_644 : vector<16xi32>
        tpu.vector_store_idx %arg10[%broadcast_in_dim3A_3, %broadcast_in_dim3A_3, %parallel_loop3A_645], %parallel_loop3A_643 : memref<8x8x128xf32, #tpu.memory_space<vmem>>[vector<16xi32>, vector<16xi32>, vector<16xi32>], vector<16xf32>,
        %parallel_loop3A_646 = vector.broadcast %parallel_loop3A_585 : i32 to vector<16xi32>
        %parallel_loop3A_647 = arith.addi %add3A_122, %parallel_loop3A_646 : vector<16xi32>
        %parallel_loop3A_648 = tpu.vector_load_idx %arg8[%broadcast_in_dim3A_3, %parallel_loop3A_647] : memref<128x64xf32, #tpu.memory_space<vmem>>[vector<16xi32>, vector<16xi32>], vector<16xf32>,
        %parallel_loop3A_649 = vector.broadcast %parallel_loop3A_590 : i32 to vector<16xi32>
        %parallel_loop3A_650 = arith.addi %add3A_282, %parallel_loop3A_649 : vector<16xi32>
        tpu.vector_store_idx %arg10[%broadcast_in_dim3A_3, %broadcast_in_dim3A_3, %parallel_loop3A_650], %parallel_loop3A_648 : memref<8x8x128xf32, #tpu.memory_space<vmem>>[vector<16xi32>, vector<16xi32>, vector<16xi32>], vector<16xf32>,
        %parallel_loop3A_651 = vector.broadcast %parallel_loop3A_585 : i32 to vector<16xi32>
        %parallel_loop3A_652 = arith.addi %add3A_132, %parallel_loop3A_651 : vector<16xi32>
        %parallel_loop3A_653 = tpu.vector_load_idx %arg8[%broadcast_in_dim3A_3, %parallel_loop3A_652] : memref<128x64xf32, #tpu.memory_space<vmem>>[vector<16xi32>, vector<16xi32>], vector<16xf32>,
        %parallel_loop3A_654 = vector.broadcast %parallel_loop3A_590 : i32 to vector<16xi32>
        %parallel_loop3A_655 = arith.addi %add3A_292, %parallel_loop3A_654 : vector<16xi32>
        tpu.vector_store_idx %arg10[%broadcast_in_dim3A_3, %broadcast_in_dim3A_3, %parallel_loop3A_655], %parallel_loop3A_653 : memref<8x8x128xf32, #tpu.memory_space<vmem>>[vector<16xi32>, vector<16xi32>, vector<16xi32>], vector<16xf32>,
        %parallel_loop3A_656 = vector.broadcast %parallel_loop3A_585 : i32 to vector<16xi32>
        %parallel_loop3A_657 = arith.addi %add3A_142, %parallel_loop3A_656 : vector<16xi32>
        %parallel_loop3A_658 = tpu.vector_load_idx %arg8[%broadcast_in_dim3A_3, %parallel_loop3A_657] : memref<128x64xf32, #tpu.memory_space<vmem>>[vector<16xi32>, vector<16xi32>], vector<16xf32>,
        %parallel_loop3A_659 = vector.broadcast %parallel_loop3A_590 : i32 to vector<16xi32>
        %parallel_loop3A_660 = arith.addi %add3A_302, %parallel_loop3A_659 : vector<16xi32>
        tpu.vector_store_idx %arg10[%broadcast_in_dim3A_3, %broadcast_in_dim3A_3, %parallel_loop3A_660], %parallel_loop3A_658 : memref<8x8x128xf32, #tpu.memory_space<vmem>>[vector<16xi32>, vector<16xi32>, vector<16xi32>], vector<16xf32>,
        %parallel_loop3A_661 = vector.broadcast %parallel_loop3A_585 : i32 to vector<16xi32>
        %parallel_loop3A_662 = arith.addi %add3A_152, %parallel_loop3A_661 : vector<16xi32>
        %parallel_loop3A_663 = tpu.vector_load_idx %arg8[%broadcast_in_dim3A_3, %parallel_loop3A_662] : memref<128x64xf32, #tpu.memory_space<vmem>>[vector<16xi32>, vector<16xi32>], vector<16xf32>,
        %parallel_loop3A_664 = vector.broadcast %parallel_loop3A_590 : i32 to vector<16xi32>
        %parallel_loop3A_665 = arith.addi %add3A_312, %parallel_loop3A_664 : vector<16xi32>
        tpu.vector_store_idx %arg10[%broadcast_in_dim3A_3, %broadcast_in_dim3A_3, %parallel_loop3A_665], %parallel_loop3A_663 : memref<8x8x128xf32, #tpu.memory_space<vmem>>[vector<16xi32>, vector<16xi32>, vector<16xi32>], vector<16xf32>,
        %parallel_loop3A_666 = vector.broadcast %parallel_loop3A_585 : i32 to vector<16xi32>
        %parallel_loop3A_667 = arith.addi %add3A_162, %parallel_loop3A_666 : vector<16xi32>
        %parallel_loop3A_668 = tpu.vector_load_idx %arg8[%broadcast_in_dim3A_3, %parallel_loop3A_667] : memref<128x64xf32, #tpu.memory_space<vmem>>[vector<16xi32>, vector<16xi32>], vector<16xf32>,
        %parallel_loop3A_669 = vector.broadcast %parallel_loop3A_590 : i32 to vector<16xi32>
        %parallel_loop3A_670 = arith.addi %add3A_322, %parallel_loop3A_669 : vector<16xi32>
        tpu.vector_store_idx %arg10[%broadcast_in_dim3A_3, %broadcast_in_dim3A_3, %parallel_loop3A_670], %parallel_loop3A_668 : memref<8x8x128xf32, #tpu.memory_space<vmem>>[vector<16xi32>, vector<16xi32>, vector<16xi32>], vector<16xf32>,
      } {sc.loop_unroll_factor = 2 : i64, sc.parallel_access}
      %add3A_504 = arith.constant 2 : i32
      %add3A_505 = arith.addi %add3A_404, %add3A_504 : i32
      %shift_right_logical3A_506 = arith.constant 2 : i32
      %shift_right_logical3A_507 = arith.shrui %add3A_505, %shift_right_logical3A_506 : i32
      %and3A_508 = arith.constant 3 : i32
      %and3A_509 = arith.andi %add3A_505, %and3A_508 : i32
      %mul3A_510 = arith.constant 4 : i32
      %mul3A_511 = arith.muli %add3A, %mul3A_510 : i32
      %add3A_512 = arith.addi %mul3A_511, %and3A_509 : i32
      %dma_start3A_513 = arith.constant 0 : i32
      %dma_start3A_514 = arith.constant 0 : i32
      %dma_start3A_515 = arith.constant 0 : i32
      %dma_start3A_516 = tpu.memref_slice %arg4[%shift_right_logical3A_507, %dma_start3A_513, %add3A_512, %dma_start3A_514, %dma_start3A_515] : memref<50x8x128x8x128xf32, #tpu.memory_space<hbm>> -> memref<1x8x1x8x128xf32, #tpu.memory_space<hbm>>
      %dma_start3A_517 = tpu.memref_squeeze %dma_start3A_516 : memref<1x8x1x8x128xf32, #tpu.memory_space<hbm>> -> memref<8x8x128xf32, #tpu.memory_space<hbm>>
      %dma_start3A_518 = arith.constant 0 : i32
      %dma_start3A_519 = arith.constant 0 : i32
      %dma_start3A_520 = arith.constant 0 : i32
      %dma_start3A_521 = tpu.memref_slice %arg4[%shift_right_logical3A_507, %dma_start3A_518, %add3A_512, %dma_start3A_519, %dma_start3A_520] : memref<50x8x128x8x128xf32, #tpu.memory_space<hbm>> -> memref<1x8x1x8x128xf32, #tpu.memory_space<hbm>>
      %dma_start3A_522 = tpu.memref_squeeze %dma_start3A_521 : memref<1x8x1x8x128xf32, #tpu.memory_space<hbm>> -> memref<8x8x128xf32, #tpu.memory_space<hbm>>
      tpu.enqueue_dma source(%arg10 : memref<8x8x128xf32, #tpu.memory_space<vmem>>) target(%dma_start3A_522 : memref<8x8x128xf32, #tpu.memory_space<hbm>>) target_semaphore(%arg16 : memref<!tpu.dma_semaphore, #tpu.memory_space<semaphore_mem>>)
      %add3A_523 = arith.constant 2 : i32
      %add3A_524 = arith.addi %add3A_404, %add3A_523 : i32
      %add3A_525 = arith.constant 4 : i32
      %add3A_526 = arith.addi %add3A_524, %add3A_525 : i32
      %lt3A_527 = arith.constant 200 : i32
      %lt3A_528 = arith.cmpi slt, %add3A_526, %lt3A_527 : i32
      %convert_element_type3A_529 = arith.extui %lt3A_528 : i1 to i32
      %cond3A_530 = arith.constant 0 : i32
      %cond3A_531 = arith.cmpi ne, %convert_element_type3A_529, %cond3A_530 : i32
      scf.if %cond3A_531 {
        %add3A_576 = arith.constant 2 : i32
        %add3A_577 = arith.addi %add3A_404, %add3A_576 : i32
        %add3A_578 = arith.constant 4 : i32
        %add3A_579 = arith.addi %add3A_577, %add3A_578 : i32
        %shift_right_logical3A_580 = arith.constant 2 : i32
        %shift_right_logical3A_581 = arith.shrui %add3A_579, %shift_right_logical3A_580 : i32
        %and3A_582 = arith.constant 3 : i32
        %and3A_583 = arith.andi %add3A_579, %and3A_582 : i32
        %mul3A_584 = arith.constant 128 : i32
        %mul3A_585 = arith.muli %and3A_583, %mul3A_584 : i32
        %dma_start3A_586 = tpu.memref_slice %arg5[%shift_right_logical3A_581, %mul3A_585] : memref<50x512xi32, #tpu.memory_space<vmem>> -> memref<1x128xi32, #tpu.memory_space<vmem>>
        %dma_start3A_587 = tpu.memref_squeeze %dma_start3A_586 : memref<1x128xi32, #tpu.memory_space<vmem>> -> memref<128xi32, #tpu.memory_space<vmem>>
        %dma_start3A_588 = arith.constant 0 : i32
        %dma_start3A_589 = arith.constant 0 : i32
        %dma_start3A_590 = tpu.memref_slice %arg3[%dma_start3A_588, %dma_start3A_589] : memref<2000000x64xf32, #tpu.memory_space<hbm>> -> memref<2000000x64xf32, #tpu.memory_space<hbm>>
        tpu.enqueue_indirect_dma source(%dma_start3A_590 : memref<2000000x64xf32, #tpu.memory_space<hbm>>) target(%arg8 : memref<128x64xf32, #tpu.memory_space<vmem>>) offsets(%dma_start3A_587 : memref<128xi32, #tpu.memory_space<vmem>>) semaphore(%arg14 : memref<!tpu.dma_semaphore, #tpu.memory_space<semaphore_mem>>)
      } else {
      }
      %dma_wait3A_532 = arith.constant 0 : i32
      %dma_wait3A_533 = arith.constant 0 : i32
      %dma_wait3A_534 = tpu.memref_slice %arg3[%dma_wait3A_532, %dma_wait3A_533] : memref<2000000x64xf32, #tpu.memory_space<hbm>> -> memref<128x64xf32, #tpu.memory_space<hbm>>
      %dma_wait3A_535 = arith.constant 0 : i32
      %dma_wait3A_536 = arith.constant 0 : i32
      %dma_wait3A_537 = tpu.memref_slice %arg3[%dma_wait3A_535, %dma_wait3A_536] : memref<2000000x64xf32, #tpu.memory_space<hbm>> -> memref<128x64xf32, #tpu.memory_space<hbm>>
      tpu.wait_dma2 semaphore(%arg15 : memref<!tpu.dma_semaphore, #tpu.memory_space<semaphore_mem>>) src(%dma_wait3A_537 : memref<128x64xf32, #tpu.memory_space<hbm>>) dst(%arg9 : memref<128x64xf32, #tpu.memory_space<vmem>>)
      %add3A_538 = arith.constant 3 : i32
      %add3A_539 = arith.addi %add3A_404, %add3A_538 : i32
      %ge3A_540 = arith.constant 2 : i32
      %ge3A_541 = arith.cmpi sge, %add3A_539, %ge3A_540 : i32
      %convert_element_type3A_542 = arith.extui %ge3A_541 : i1 to i32
      %cond3A_543 = arith.constant 0 : i32
      %cond3A_544 = arith.cmpi ne, %convert_element_type3A_542, %cond3A_543 : i32
      scf.if %cond3A_544 {
        %dma_wait3A_576 = arith.constant 0 : i32
        %dma_wait3A_577 = arith.constant 0 : i32
        %dma_wait3A_578 = arith.constant 0 : i32
        %dma_wait3A_579 = arith.constant 0 : i32
        %dma_wait3A_580 = arith.constant 0 : i32
        %dma_wait3A_581 = tpu.memref_slice %arg4[%dma_wait3A_576, %dma_wait3A_578, %dma_wait3A_577, %dma_wait3A_579, %dma_wait3A_580] : memref<50x8x128x8x128xf32, #tpu.memory_space<hbm>> -> memref<1x8x1x8x128xf32, #tpu.memory_space<hbm>>
        %dma_wait3A_582 = tpu.memref_squeeze %dma_wait3A_581 : memref<1x8x1x8x128xf32, #tpu.memory_space<hbm>> -> memref<8x8x128xf32, #tpu.memory_space<hbm>>
        %dma_wait3A_583 = arith.constant 0 : i32
        %dma_wait3A_584 = arith.constant 0 : i32
        %dma_wait3A_585 = arith.constant 0 : i32
        %dma_wait3A_586 = tpu.memref_slice %arg4[%dma_wait3A_576, %dma_wait3A_583, %dma_wait3A_577, %dma_wait3A_584, %dma_wait3A_585] : memref<50x8x128x8x128xf32, #tpu.memory_space<hbm>> -> memref<1x8x1x8x128xf32, #tpu.memory_space<hbm>>
        %dma_wait3A_587 = tpu.memref_squeeze %dma_wait3A_586 : memref<1x8x1x8x128xf32, #tpu.memory_space<hbm>> -> memref<8x8x128xf32, #tpu.memory_space<hbm>>
        tpu.wait_dma2 semaphore(%arg17 : memref<!tpu.dma_semaphore, #tpu.memory_space<semaphore_mem>>) src(%arg11 : memref<8x8x128xf32, #tpu.memory_space<vmem>>) dst(%dma_wait3A_587 : memref<8x8x128xf32, #tpu.memory_space<hbm>>)
      } else {
      }
      %parallel_loop3A_545 = arith.constant 0 : i32
      %parallel_loop3A_546 = arith.constant 32 : i32
      %parallel_loop3A_547 = arith.constant 1 : i32
      scf.for %parallel_loop3A_576 = %parallel_loop3A_545 to %parallel_loop3A_546 step %parallel_loop3A_547  : i32 {
        %parallel_loop3A_577 = arith.constant 2 : i32
        %parallel_loop3A_578 = arith.shrui %parallel_loop3A_576, %parallel_loop3A_577 : i32
        %parallel_loop3A_579 = arith.constant 3 : i32
        %parallel_loop3A_580 = arith.andi %parallel_loop3A_576, %parallel_loop3A_579 : i32
        %parallel_loop3A_581 = arith.constant 1024 : i32
        %parallel_loop3A_582 = arith.muli %parallel_loop3A_578, %parallel_loop3A_581 : i32
        %parallel_loop3A_583 = arith.constant 16 : i32
        %parallel_loop3A_584 = arith.muli %parallel_loop3A_580, %parallel_loop3A_583 : i32
        %parallel_loop3A_585 = arith.addi %parallel_loop3A_582, %parallel_loop3A_584 : i32
        %parallel_loop3A_586 = arith.constant 2048 : i32
        %parallel_loop3A_587 = arith.muli %parallel_loop3A_580, %parallel_loop3A_586 : i32
        %parallel_loop3A_588 = arith.constant 16 : i32
        %parallel_loop3A_589 = arith.muli %parallel_loop3A_578, %parallel_loop3A_588 : i32
        %parallel_loop3A_590 = arith.addi %parallel_loop3A_587, %parallel_loop3A_589 : i32
        %parallel_loop3A_591 = vector.broadcast %parallel_loop3A_585 : i32 to vector<16xi32>
        %parallel_loop3A_592 = arith.addi %add3A_12, %parallel_loop3A_591 : vector<16xi32>
        %parallel_loop3A_593 = tpu.vector_load_idx %arg9[%broadcast_in_dim3A_3, %parallel_loop3A_592] : memref<128x64xf32, #tpu.memory_space<vmem>>[vector<16xi32>, vector<16xi32>], vector<16xf32>,
        %parallel_loop3A_594 = vector.broadcast %parallel_loop3A_590 : i32 to vector<16xi32>
        %parallel_loop3A_595 = arith.addi %add3A_172, %parallel_loop3A_594 : vector<16xi32>
        tpu.vector_store_idx %arg11[%broadcast_in_dim3A_3, %broadcast_in_dim3A_3, %parallel_loop3A_595], %parallel_loop3A_593 : memref<8x8x128xf32, #tpu.memory_space<vmem>>[vector<16xi32>, vector<16xi32>, vector<16xi32>], vector<16xf32>,
        %parallel_loop3A_596 = vector.broadcast %parallel_loop3A_585 : i32 to vector<16xi32>
        %parallel_loop3A_597 = arith.addi %add3A_22, %parallel_loop3A_596 : vector<16xi32>
        %parallel_loop3A_598 = tpu.vector_load_idx %arg9[%broadcast_in_dim3A_3, %parallel_loop3A_597] : memref<128x64xf32, #tpu.memory_space<vmem>>[vector<16xi32>, vector<16xi32>], vector<16xf32>,
        %parallel_loop3A_599 = vector.broadcast %parallel_loop3A_590 : i32 to vector<16xi32>
        %parallel_loop3A_600 = arith.addi %add3A_182, %parallel_loop3A_599 : vector<16xi32>
        tpu.vector_store_idx %arg11[%broadcast_in_dim3A_3, %broadcast_in_dim3A_3, %parallel_loop3A_600], %parallel_loop3A_598 : memref<8x8x128xf32, #tpu.memory_space<vmem>>[vector<16xi32>, vector<16xi32>, vector<16xi32>], vector<16xf32>,
        %parallel_loop3A_601 = vector.broadcast %parallel_loop3A_585 : i32 to vector<16xi32>
        %parallel_loop3A_602 = arith.addi %add3A_32, %parallel_loop3A_601 : vector<16xi32>
        %parallel_loop3A_603 = tpu.vector_load_idx %arg9[%broadcast_in_dim3A_3, %parallel_loop3A_602] : memref<128x64xf32, #tpu.memory_space<vmem>>[vector<16xi32>, vector<16xi32>], vector<16xf32>,
        %parallel_loop3A_604 = vector.broadcast %parallel_loop3A_590 : i32 to vector<16xi32>
        %parallel_loop3A_605 = arith.addi %add3A_192, %parallel_loop3A_604 : vector<16xi32>
        tpu.vector_store_idx %arg11[%broadcast_in_dim3A_3, %broadcast_in_dim3A_3, %parallel_loop3A_605], %parallel_loop3A_603 : memref<8x8x128xf32, #tpu.memory_space<vmem>>[vector<16xi32>, vector<16xi32>, vector<16xi32>], vector<16xf32>,
        %parallel_loop3A_606 = vector.broadcast %parallel_loop3A_585 : i32 to vector<16xi32>
        %parallel_loop3A_607 = arith.addi %add3A_42, %parallel_loop3A_606 : vector<16xi32>
        %parallel_loop3A_608 = tpu.vector_load_idx %arg9[%broadcast_in_dim3A_3, %parallel_loop3A_607] : memref<128x64xf32, #tpu.memory_space<vmem>>[vector<16xi32>, vector<16xi32>], vector<16xf32>,
        %parallel_loop3A_609 = vector.broadcast %parallel_loop3A_590 : i32 to vector<16xi32>
        %parallel_loop3A_610 = arith.addi %add3A_202, %parallel_loop3A_609 : vector<16xi32>
        tpu.vector_store_idx %arg11[%broadcast_in_dim3A_3, %broadcast_in_dim3A_3, %parallel_loop3A_610], %parallel_loop3A_608 : memref<8x8x128xf32, #tpu.memory_space<vmem>>[vector<16xi32>, vector<16xi32>, vector<16xi32>], vector<16xf32>,
        %parallel_loop3A_611 = vector.broadcast %parallel_loop3A_585 : i32 to vector<16xi32>
        %parallel_loop3A_612 = arith.addi %add3A_52, %parallel_loop3A_611 : vector<16xi32>
        %parallel_loop3A_613 = tpu.vector_load_idx %arg9[%broadcast_in_dim3A_3, %parallel_loop3A_612] : memref<128x64xf32, #tpu.memory_space<vmem>>[vector<16xi32>, vector<16xi32>], vector<16xf32>,
        %parallel_loop3A_614 = vector.broadcast %parallel_loop3A_590 : i32 to vector<16xi32>
        %parallel_loop3A_615 = arith.addi %add3A_212, %parallel_loop3A_614 : vector<16xi32>
        tpu.vector_store_idx %arg11[%broadcast_in_dim3A_3, %broadcast_in_dim3A_3, %parallel_loop3A_615], %parallel_loop3A_613 : memref<8x8x128xf32, #tpu.memory_space<vmem>>[vector<16xi32>, vector<16xi32>, vector<16xi32>], vector<16xf32>,
        %parallel_loop3A_616 = vector.broadcast %parallel_loop3A_585 : i32 to vector<16xi32>
        %parallel_loop3A_617 = arith.addi %add3A_62, %parallel_loop3A_616 : vector<16xi32>
        %parallel_loop3A_618 = tpu.vector_load_idx %arg9[%broadcast_in_dim3A_3, %parallel_loop3A_617] : memref<128x64xf32, #tpu.memory_space<vmem>>[vector<16xi32>, vector<16xi32>], vector<16xf32>,
        %parallel_loop3A_619 = vector.broadcast %parallel_loop3A_590 : i32 to vector<16xi32>
        %parallel_loop3A_620 = arith.addi %add3A_222, %parallel_loop3A_619 : vector<16xi32>
        tpu.vector_store_idx %arg11[%broadcast_in_dim3A_3, %broadcast_in_dim3A_3, %parallel_loop3A_620], %parallel_loop3A_618 : memref<8x8x128xf32, #tpu.memory_space<vmem>>[vector<16xi32>, vector<16xi32>, vector<16xi32>], vector<16xf32>,
        %parallel_loop3A_621 = vector.broadcast %parallel_loop3A_585 : i32 to vector<16xi32>
        %parallel_loop3A_622 = arith.addi %add3A_72, %parallel_loop3A_621 : vector<16xi32>
        %parallel_loop3A_623 = tpu.vector_load_idx %arg9[%broadcast_in_dim3A_3, %parallel_loop3A_622] : memref<128x64xf32, #tpu.memory_space<vmem>>[vector<16xi32>, vector<16xi32>], vector<16xf32>,
        %parallel_loop3A_624 = vector.broadcast %parallel_loop3A_590 : i32 to vector<16xi32>
        %parallel_loop3A_625 = arith.addi %add3A_232, %parallel_loop3A_624 : vector<16xi32>
        tpu.vector_store_idx %arg11[%broadcast_in_dim3A_3, %broadcast_in_dim3A_3, %parallel_loop3A_625], %parallel_loop3A_623 : memref<8x8x128xf32, #tpu.memory_space<vmem>>[vector<16xi32>, vector<16xi32>, vector<16xi32>], vector<16xf32>,
        %parallel_loop3A_626 = vector.broadcast %parallel_loop3A_585 : i32 to vector<16xi32>
        %parallel_loop3A_627 = arith.addi %add3A_82, %parallel_loop3A_626 : vector<16xi32>
        %parallel_loop3A_628 = tpu.vector_load_idx %arg9[%broadcast_in_dim3A_3, %parallel_loop3A_627] : memref<128x64xf32, #tpu.memory_space<vmem>>[vector<16xi32>, vector<16xi32>], vector<16xf32>,
        %parallel_loop3A_629 = vector.broadcast %parallel_loop3A_590 : i32 to vector<16xi32>
        %parallel_loop3A_630 = arith.addi %add3A_242, %parallel_loop3A_629 : vector<16xi32>
        tpu.vector_store_idx %arg11[%broadcast_in_dim3A_3, %broadcast_in_dim3A_3, %parallel_loop3A_630], %parallel_loop3A_628 : memref<8x8x128xf32, #tpu.memory_space<vmem>>[vector<16xi32>, vector<16xi32>, vector<16xi32>], vector<16xf32>,
        %parallel_loop3A_631 = vector.broadcast %parallel_loop3A_585 : i32 to vector<16xi32>
        %parallel_loop3A_632 = arith.addi %add3A_92, %parallel_loop3A_631 : vector<16xi32>
        %parallel_loop3A_633 = tpu.vector_load_idx %arg9[%broadcast_in_dim3A_3, %parallel_loop3A_632] : memref<128x64xf32, #tpu.memory_space<vmem>>[vector<16xi32>, vector<16xi32>], vector<16xf32>,
        %parallel_loop3A_634 = vector.broadcast %parallel_loop3A_590 : i32 to vector<16xi32>
        %parallel_loop3A_635 = arith.addi %add3A_252, %parallel_loop3A_634 : vector<16xi32>
        tpu.vector_store_idx %arg11[%broadcast_in_dim3A_3, %broadcast_in_dim3A_3, %parallel_loop3A_635], %parallel_loop3A_633 : memref<8x8x128xf32, #tpu.memory_space<vmem>>[vector<16xi32>, vector<16xi32>, vector<16xi32>], vector<16xf32>,
        %parallel_loop3A_636 = vector.broadcast %parallel_loop3A_585 : i32 to vector<16xi32>
        %parallel_loop3A_637 = arith.addi %add3A_102, %parallel_loop3A_636 : vector<16xi32>
        %parallel_loop3A_638 = tpu.vector_load_idx %arg9[%broadcast_in_dim3A_3, %parallel_loop3A_637] : memref<128x64xf32, #tpu.memory_space<vmem>>[vector<16xi32>, vector<16xi32>], vector<16xf32>,
        %parallel_loop3A_639 = vector.broadcast %parallel_loop3A_590 : i32 to vector<16xi32>
        %parallel_loop3A_640 = arith.addi %add3A_262, %parallel_loop3A_639 : vector<16xi32>
        tpu.vector_store_idx %arg11[%broadcast_in_dim3A_3, %broadcast_in_dim3A_3, %parallel_loop3A_640], %parallel_loop3A_638 : memref<8x8x128xf32, #tpu.memory_space<vmem>>[vector<16xi32>, vector<16xi32>, vector<16xi32>], vector<16xf32>,
        %parallel_loop3A_641 = vector.broadcast %parallel_loop3A_585 : i32 to vector<16xi32>
        %parallel_loop3A_642 = arith.addi %add3A_112, %parallel_loop3A_641 : vector<16xi32>
        %parallel_loop3A_643 = tpu.vector_load_idx %arg9[%broadcast_in_dim3A_3, %parallel_loop3A_642] : memref<128x64xf32, #tpu.memory_space<vmem>>[vector<16xi32>, vector<16xi32>], vector<16xf32>,
        %parallel_loop3A_644 = vector.broadcast %parallel_loop3A_590 : i32 to vector<16xi32>
        %parallel_loop3A_645 = arith.addi %add3A_272, %parallel_loop3A_644 : vector<16xi32>
        tpu.vector_store_idx %arg11[%broadcast_in_dim3A_3, %broadcast_in_dim3A_3, %parallel_loop3A_645], %parallel_loop3A_643 : memref<8x8x128xf32, #tpu.memory_space<vmem>>[vector<16xi32>, vector<16xi32>, vector<16xi32>], vector<16xf32>,
        %parallel_loop3A_646 = vector.broadcast %parallel_loop3A_585 : i32 to vector<16xi32>
        %parallel_loop3A_647 = arith.addi %add3A_122, %parallel_loop3A_646 : vector<16xi32>
        %parallel_loop3A_648 = tpu.vector_load_idx %arg9[%broadcast_in_dim3A_3, %parallel_loop3A_647] : memref<128x64xf32, #tpu.memory_space<vmem>>[vector<16xi32>, vector<16xi32>], vector<16xf32>,
        %parallel_loop3A_649 = vector.broadcast %parallel_loop3A_590 : i32 to vector<16xi32>
        %parallel_loop3A_650 = arith.addi %add3A_282, %parallel_loop3A_649 : vector<16xi32>
        tpu.vector_store_idx %arg11[%broadcast_in_dim3A_3, %broadcast_in_dim3A_3, %parallel_loop3A_650], %parallel_loop3A_648 : memref<8x8x128xf32, #tpu.memory_space<vmem>>[vector<16xi32>, vector<16xi32>, vector<16xi32>], vector<16xf32>,
        %parallel_loop3A_651 = vector.broadcast %parallel_loop3A_585 : i32 to vector<16xi32>
        %parallel_loop3A_652 = arith.addi %add3A_132, %parallel_loop3A_651 : vector<16xi32>
        %parallel_loop3A_653 = tpu.vector_load_idx %arg9[%broadcast_in_dim3A_3, %parallel_loop3A_652] : memref<128x64xf32, #tpu.memory_space<vmem>>[vector<16xi32>, vector<16xi32>], vector<16xf32>,
        %parallel_loop3A_654 = vector.broadcast %parallel_loop3A_590 : i32 to vector<16xi32>
        %parallel_loop3A_655 = arith.addi %add3A_292, %parallel_loop3A_654 : vector<16xi32>
        tpu.vector_store_idx %arg11[%broadcast_in_dim3A_3, %broadcast_in_dim3A_3, %parallel_loop3A_655], %parallel_loop3A_653 : memref<8x8x128xf32, #tpu.memory_space<vmem>>[vector<16xi32>, vector<16xi32>, vector<16xi32>], vector<16xf32>,
        %parallel_loop3A_656 = vector.broadcast %parallel_loop3A_585 : i32 to vector<16xi32>
        %parallel_loop3A_657 = arith.addi %add3A_142, %parallel_loop3A_656 : vector<16xi32>
        %parallel_loop3A_658 = tpu.vector_load_idx %arg9[%broadcast_in_dim3A_3, %parallel_loop3A_657] : memref<128x64xf32, #tpu.memory_space<vmem>>[vector<16xi32>, vector<16xi32>], vector<16xf32>,
        %parallel_loop3A_659 = vector.broadcast %parallel_loop3A_590 : i32 to vector<16xi32>
        %parallel_loop3A_660 = arith.addi %add3A_302, %parallel_loop3A_659 : vector<16xi32>
        tpu.vector_store_idx %arg11[%broadcast_in_dim3A_3, %broadcast_in_dim3A_3, %parallel_loop3A_660], %parallel_loop3A_658 : memref<8x8x128xf32, #tpu.memory_space<vmem>>[vector<16xi32>, vector<16xi32>, vector<16xi32>], vector<16xf32>,
        %parallel_loop3A_661 = vector.broadcast %parallel_loop3A_585 : i32 to vector<16xi32>
        %parallel_loop3A_662 = arith.addi %add3A_152, %parallel_loop3A_661 : vector<16xi32>
        %parallel_loop3A_663 = tpu.vector_load_idx %arg9[%broadcast_in_dim3A_3, %parallel_loop3A_662] : memref<128x64xf32, #tpu.memory_space<vmem>>[vector<16xi32>, vector<16xi32>], vector<16xf32>,
        %parallel_loop3A_664 = vector.broadcast %parallel_loop3A_590 : i32 to vector<16xi32>
        %parallel_loop3A_665 = arith.addi %add3A_312, %parallel_loop3A_664 : vector<16xi32>
        tpu.vector_store_idx %arg11[%broadcast_in_dim3A_3, %broadcast_in_dim3A_3, %parallel_loop3A_665], %parallel_loop3A_663 : memref<8x8x128xf32, #tpu.memory_space<vmem>>[vector<16xi32>, vector<16xi32>, vector<16xi32>], vector<16xf32>,
        %parallel_loop3A_666 = vector.broadcast %parallel_loop3A_585 : i32 to vector<16xi32>
        %parallel_loop3A_667 = arith.addi %add3A_162, %parallel_loop3A_666 : vector<16xi32>
        %parallel_loop3A_668 = tpu.vector_load_idx %arg9[%broadcast_in_dim3A_3, %parallel_loop3A_667] : memref<128x64xf32, #tpu.memory_space<vmem>>[vector<16xi32>, vector<16xi32>], vector<16xf32>,
        %parallel_loop3A_669 = vector.broadcast %parallel_loop3A_590 : i32 to vector<16xi32>
        %parallel_loop3A_670 = arith.addi %add3A_322, %parallel_loop3A_669 : vector<16xi32>
        tpu.vector_store_idx %arg11[%broadcast_in_dim3A_3, %broadcast_in_dim3A_3, %parallel_loop3A_670], %parallel_loop3A_668 : memref<8x8x128xf32, #tpu.memory_space<vmem>>[vector<16xi32>, vector<16xi32>, vector<16xi32>], vector<16xf32>,
      } {sc.loop_unroll_factor = 2 : i64, sc.parallel_access}
      %add3A_548 = arith.constant 3 : i32
      %add3A_549 = arith.addi %add3A_404, %add3A_548 : i32
      %shift_right_logical3A_550 = arith.constant 2 : i32
      %shift_right_logical3A_551 = arith.shrui %add3A_549, %shift_right_logical3A_550 : i32
      %and3A_552 = arith.constant 3 : i32
      %and3A_553 = arith.andi %add3A_549, %and3A_552 : i32
      %mul3A_554 = arith.constant 4 : i32
      %mul3A_555 = arith.muli %add3A, %mul3A_554 : i32
      %add3A_556 = arith.addi %mul3A_555, %and3A_553 : i32
      %dma_start3A_557 = arith.constant 0 : i32
      %dma_start3A_558 = arith.constant 0 : i32
      %dma_start3A_559 = arith.constant 0 : i32
      %dma_start3A_560 = tpu.memref_slice %arg4[%shift_right_logical3A_551, %dma_start3A_557, %add3A_556, %dma_start3A_558, %dma_start3A_559] : memref<50x8x128x8x128xf32, #tpu.memory_space<hbm>> -> memref<1x8x1x8x128xf32, #tpu.memory_space<hbm>>
      %dma_start3A_561 = tpu.memref_squeeze %dma_start3A_560 : memref<1x8x1x8x128xf32, #tpu.memory_space<hbm>> -> memref<8x8x128xf32, #tpu.memory_space<hbm>>
      %dma_start3A_562 = arith.constant 0 : i32
      %dma_start3A_563 = arith.constant 0 : i32
      %dma_start3A_564 = arith.constant 0 : i32
      %dma_start3A_565 = tpu.memref_slice %arg4[%shift_right_logical3A_551, %dma_start3A_562, %add3A_556, %dma_start3A_563, %dma_start3A_564] : memref<50x8x128x8x128xf32, #tpu.memory_space<hbm>> -> memref<1x8x1x8x128xf32, #tpu.memory_space<hbm>>
      %dma_start3A_566 = tpu.memref_squeeze %dma_start3A_565 : memref<1x8x1x8x128xf32, #tpu.memory_space<hbm>> -> memref<8x8x128xf32, #tpu.memory_space<hbm>>
      tpu.enqueue_dma source(%arg11 : memref<8x8x128xf32, #tpu.memory_space<vmem>>) target(%dma_start3A_566 : memref<8x8x128xf32, #tpu.memory_space<hbm>>) target_semaphore(%arg17 : memref<!tpu.dma_semaphore, #tpu.memory_space<semaphore_mem>>)
      %add3A_567 = arith.constant 3 : i32
      %add3A_568 = arith.addi %add3A_404, %add3A_567 : i32
      %add3A_569 = arith.constant 4 : i32
      %add3A_570 = arith.addi %add3A_568, %add3A_569 : i32
      %lt3A_571 = arith.constant 200 : i32
      %lt3A_572 = arith.cmpi slt, %add3A_570, %lt3A_571 : i32
      %convert_element_type3A_573 = arith.extui %lt3A_572 : i1 to i32
      %cond3A_574 = arith.constant 0 : i32
      %cond3A_575 = arith.cmpi ne, %convert_element_type3A_573, %cond3A_574 : i32
      scf.if %cond3A_575 {
        %add3A_576 = arith.constant 3 : i32
        %add3A_577 = arith.addi %add3A_404, %add3A_576 : i32
        %add3A_578 = arith.constant 4 : i32
        %add3A_579 = arith.addi %add3A_577, %add3A_578 : i32
        %shift_right_logical3A_580 = arith.constant 2 : i32
        %shift_right_logical3A_581 = arith.shrui %add3A_579, %shift_right_logical3A_580 : i32
        %and3A_582 = arith.constant 3 : i32
        %and3A_583 = arith.andi %add3A_579, %and3A_582 : i32
        %mul3A_584 = arith.constant 128 : i32
        %mul3A_585 = arith.muli %and3A_583, %mul3A_584 : i32
        %dma_start3A_586 = tpu.memref_slice %arg5[%shift_right_logical3A_581, %mul3A_585] : memref<50x512xi32, #tpu.memory_space<vmem>> -> memref<1x128xi32, #tpu.memory_space<vmem>>
        %dma_start3A_587 = tpu.memref_squeeze %dma_start3A_586 : memref<1x128xi32, #tpu.memory_space<vmem>> -> memref<128xi32, #tpu.memory_space<vmem>>
        %dma_start3A_588 = arith.constant 0 : i32
        %dma_start3A_589 = arith.constant 0 : i32
        %dma_start3A_590 = tpu.memref_slice %arg3[%dma_start3A_588, %dma_start3A_589] : memref<2000000x64xf32, #tpu.memory_space<hbm>> -> memref<2000000x64xf32, #tpu.memory_space<hbm>>
        tpu.enqueue_indirect_dma source(%dma_start3A_590 : memref<2000000x64xf32, #tpu.memory_space<hbm>>) target(%arg9 : memref<128x64xf32, #tpu.memory_space<vmem>>) offsets(%dma_start3A_587 : memref<128xi32, #tpu.memory_space<vmem>>) semaphore(%arg15 : memref<!tpu.dma_semaphore, #tpu.memory_space<semaphore_mem>>)
      } else {
      }
    }
    %scan3A_376 = arith.constant 50 : i32
    %dma_wait3A = arith.constant 0 : i32
    %dma_wait3A_377 = arith.constant 0 : i32
    %dma_wait3A_378 = arith.constant 0 : i32
    %dma_wait3A_379 = arith.constant 0 : i32
    %dma_wait3A_380 = arith.constant 0 : i32
    %dma_wait3A_381 = tpu.memref_slice %arg4[%dma_wait3A, %dma_wait3A_378, %dma_wait3A_377, %dma_wait3A_379, %dma_wait3A_380] : memref<50x8x128x8x128xf32, #tpu.memory_space<hbm>> -> memref<1x8x1x8x128xf32, #tpu.memory_space<hbm>>
    %dma_wait3A_382 = tpu.memref_squeeze %dma_wait3A_381 : memref<1x8x1x8x128xf32, #tpu.memory_space<hbm>> -> memref<8x8x128xf32, #tpu.memory_space<hbm>>
    %dma_wait3A_383 = arith.constant 0 : i32
    %dma_wait3A_384 = arith.constant 0 : i32
    %dma_wait3A_385 = arith.constant 0 : i32
    %dma_wait3A_386 = tpu.memref_slice %arg4[%dma_wait3A, %dma_wait3A_383, %dma_wait3A_377, %dma_wait3A_384, %dma_wait3A_385] : memref<50x8x128x8x128xf32, #tpu.memory_space<hbm>> -> memref<1x8x1x8x128xf32, #tpu.memory_space<hbm>>
    %dma_wait3A_387 = tpu.memref_squeeze %dma_wait3A_386 : memref<1x8x1x8x128xf32, #tpu.memory_space<hbm>> -> memref<8x8x128xf32, #tpu.memory_space<hbm>>
    tpu.wait_dma2 semaphore(%arg16 : memref<!tpu.dma_semaphore, #tpu.memory_space<semaphore_mem>>) src(%arg10 : memref<8x8x128xf32, #tpu.memory_space<vmem>>) dst(%dma_wait3A_387 : memref<8x8x128xf32, #tpu.memory_space<hbm>>)
    %dma_wait3A_388 = arith.constant 0 : i32
    %dma_wait3A_389 = arith.constant 0 : i32
    %dma_wait3A_390 = arith.constant 0 : i32
    %dma_wait3A_391 = arith.constant 0 : i32
    %dma_wait3A_392 = arith.constant 0 : i32
    %dma_wait3A_393 = tpu.memref_slice %arg4[%dma_wait3A_388, %dma_wait3A_390, %dma_wait3A_389, %dma_wait3A_391, %dma_wait3A_392] : memref<50x8x128x8x128xf32, #tpu.memory_space<hbm>> -> memref<1x8x1x8x128xf32, #tpu.memory_space<hbm>>
    %dma_wait3A_394 = tpu.memref_squeeze %dma_wait3A_393 : memref<1x8x1x8x128xf32, #tpu.memory_space<hbm>> -> memref<8x8x128xf32, #tpu.memory_space<hbm>>
    %dma_wait3A_395 = arith.constant 0 : i32
    %dma_wait3A_396 = arith.constant 0 : i32
    %dma_wait3A_397 = arith.constant 0 : i32
    %dma_wait3A_398 = tpu.memref_slice %arg4[%dma_wait3A_388, %dma_wait3A_395, %dma_wait3A_389, %dma_wait3A_396, %dma_wait3A_397] : memref<50x8x128x8x128xf32, #tpu.memory_space<hbm>> -> memref<1x8x1x8x128xf32, #tpu.memory_space<hbm>>
    %dma_wait3A_399 = tpu.memref_squeeze %dma_wait3A_398 : memref<1x8x1x8x128xf32, #tpu.memory_space<hbm>> -> memref<8x8x128xf32, #tpu.memory_space<hbm>>
    tpu.wait_dma2 semaphore(%arg17 : memref<!tpu.dma_semaphore, #tpu.memory_space<semaphore_mem>>) src(%arg11 : memref<8x8x128xf32, #tpu.memory_space<vmem>>) dst(%dma_wait3A_399 : memref<8x8x128xf32, #tpu.memory_space<hbm>>)
    return
  }
}

</mosaic_0001>

<sc_bundles>
// kernel: kernel.3.cloned.1.call-start
scs
__scs_entry_jumppad:
0x0: {  	(pc) =	sbr.rel $0x88, $3  }
0x1: {  	(tag) =	ssettag $0x0;
	lr =	simm.s32 $0x1  }
0x2: {  	[smem:$0x3F9F] =	sst lr;
	_ =	strace $0xD0000000  }
0x3: {  	_ = 	snop  }
0x4: {  	_ = 	snop  }
0x5: {  	_ = 	snop  }
0x6: {  	_ = 	snop  }
0x7: {  	_ = 	snop  }
__scs_overlays_trampoline_lowered:
0x8: {  	[smem:$0x3FAE] =	sst s0  }
0x9: {  	[smem:$0x3FAF] =	sst s1  }
0xa: {  	[smem:$0x3FB0] =	sst s2  }
0xb: {  	[smem:$0x3FB1] =	sst s3  }
0xc: {  	[smem:$0x3FB2] =	sst s4  }
0xd: {  	[smem:$0x3FB3] =	sst s5  }
0xe: {  	[smem:$0x3FB4] =	sst s6  }
0xf: {  	[smem:$0x3FB5] =	sst s7  }
0x10: {  	[smem:$0x3FB6] =	sst s8  }
0x11: {  	[smem:$0x3FB7] =	sst s9;
	s0 =	simm.s32 @!p0 $0x0  }
0x12: {  	s1 =	sld [smem:$0x3F9D];
	s0 =	simm.s32 @p0 $0x1  }
0x13: {  	[smem:$0x3FB8] =	sst s0;
	s0 =	simm.s32 @!p1 $0x0  }
0x14: {  	s2 =	sld [smem:$0x3F9C];
	s0 =	simm.s32 @p1 $0x1  }
0x15: {  	[smem:$0x3FB9] =	sst s0;
	s0 =	simm.s32 @!p2 $0x0  }
0x16: {  	s3 =	sld [smem:$0x3FDB];
	s0 =	simm.s32 @p2 $0x1  }
0x17: {  	s4 =	simm.s32 $0x1BF5;
	[smem:$0x3FBB] =	sst s0  }
0x18: {  	s0 =	sld [smem:$0x3F9E];
	_ =	swait.ge [sflag:s4], $0x0  }
0x19: {  	s7 =	sld [smem:$0x3F9F]  }
0x1a: {  	s8 =	sadd.s32 $0xFFFFE003, lr  }
0x1b: {  	s9 =	sadd.s32 $0xFFFFFEF7, lr;
	s5 =	simm.s32 $0xFFFFFFFF;
	p2 =	slt.u32 s8, $0xFFFFF086  }
0x1c: {  	p1 =	slt.u32 s9, $0xF7A;
	s5 =	simm.s32 @!p2 $0x0  }
0x1d: {  	s5 =	simm.s32 @p1 $0x1;
	p0 =	seq.s32 s7, s2  }
0x1e: {  	s7 =	smul.u32 @!p0 $0xF7A, s2;
	p2 =	seq.s32 @!p0 s5, $0x0  }
0x1f: {  	s9 =	smul.u32 $0xF7A, s1;
	s8 =	simm.s32 @!p0 $0x1BF5;
	p2 =	por !p2, p0  }
0x20: {  	[sflag:s8] =	ssyncset.s32 @!p0 $0xFFFFF086;
	s6 =	sadd.s32 @!p0 s3, s7;
	s7 =	simm.s32 @!p0 $0x108  }
0x21: {  	s3 =	sadd.s32 s3, s9;
	s6 =	sadd.s32 @!p0 $0x88, s6;
	s7 =	simm.s32 @p2 $0x1082  }
0x22: {  	[simem:s7], [sflag:s8] =	dma.local @!p0 [hbm:s6], $0xF7A  }
0x23: {  	s9 =	sor.u32 $0xD0000000, s2;
	s6 =	simm.s32 $0x108;
	_ =	swait.ge @!p0 [sflag:s8], $0x0  }
0x24: {  	s3 =	sadd.s32 $0x88, s3;
	s6 =	simm.s32 @!p1 $0x1082;
	[sflag:s4] =	ssyncset.s32 $0xFFFFF086  }
0x25: {  	[simem:s6], [sflag:s4] =	dma.local [hbm:s3], $0xF7A  }
0x26: {  	[smem:$0x3F9F] =	sst s1;
	(tag) =	ssettag s2;
	_ =	strace s9  }
0x27: {  	s1 =	sld [smem:$0x3FAF]  }
0x28: {  	s2 =	sld [smem:$0x3FB0]  }
0x29: {  	s4 =	sld [smem:$0x3FB2]  }
0x2a: {  	p0 =	seq.s32 s5, $0x0;
	s5 =	sld [smem:$0x3FB3]  }
0x2b: {  	s6 =	sld [smem:$0x3FB4]  }
0x2c: {  	s7 =	sld [smem:$0x3FB5]  }
0x2d: {  	s3 =	simm.s32 $0x108;
	s8 =	sld [smem:$0x3FB6]  }
0x2e: {  	s3 =	simm.s32 @!p0 $0x1082;
	s9 =	sld [smem:$0x3FB7]  }
0x2f: {  	lr =	sadd.s32 s0, s3;
	s0 =	sld [smem:$0x3FAE]  }
0x30: {  	s3 =	sld [smem:$0x3FB1]  }
0x31: {  	[smem:$0x3FBA] =	sst s10  }
0x32: {  	s10 =	sld [smem:$0x3FB8];
	_ =	sdelay $0x3  }
0x33: {  	p0 =	seq.s32 s10, $0x1;
	s10 =	sld [smem:$0x3FBA];
	_ =	sdelay $0x3  }
0x34: {  	[smem:$0x3FBA] =	sst s10  }
0x35: {  	s10 =	sld [smem:$0x3FB9];
	_ =	sdelay $0x3  }
0x36: {  	p1 =	seq.s32 s10, $0x1;
	s10 =	sld [smem:$0x3FBA];
	_ =	sdelay $0x3  }
0x37: {  	[smem:$0x3FBA] =	sst s10  }
0x38: {  	s10 =	sld [smem:$0x3FBB]  }
0x39: {  	_ = 	snop;
	(pc) =	sbr.ind lr, $3  }
0x3a: {  	_ = 	snop  }
0x3b: {  	_ = 	snop  }
0x3c: {  	p2 =	seq.s32 s10, $0x1;
	s10 =	sld [smem:$0x3FBA]  }
0x3d: {  	_ =	shalt  }
0x3e: {  	_ =	shalt  }
0x3f: {  	_ =	shalt  }
0x40: {  	_ =	shalt  }
0x41: {  	_ =	shalt  }
0x42: {  	_ =	shalt  }
0x43: {  	_ =	shalt  }
0x44: {  	_ =	shalt  }
0x45: {  	_ =	shalt  }
0x46: {  	_ =	shalt  }
0x47: {  	_ =	shalt  }
0x48: {  	_ =	shalt  }
0x49: {  	_ =	shalt  }
0x4a: {  	_ =	shalt  }
0x4b: {  	_ =	shalt  }
0x4c: {  	_ =	shalt  }
0x4d: {  	_ =	shalt  }
0x4e: {  	_ =	shalt  }
0x4f: {  	_ =	shalt  }
0x50: {  	_ =	shalt  }
0x51: {  	_ =	shalt  }
0x52: {  	_ =	shalt  }
0x53: {  	_ =	shalt  }
0x54: {  	_ =	shalt  }
0x55: {  	_ =	shalt  }
0x56: {  	_ =	shalt  }
0x57: {  	_ =	shalt  }
0x58: {  	_ =	shalt  }
0x59: {  	_ =	shalt  }
0x5a: {  	_ =	shalt  }
0x5b: {  	_ =	shalt  }
0x5c: {  	_ =	shalt  }
0x5d: {  	_ =	shalt  }
0x5e: {  	_ =	shalt  }
0x5f: {  	_ =	shalt  }
0x60: {  	_ =	shalt  }
0x61: {  	_ =	shalt  }
0x62: {  	_ =	shalt  }
0x63: {  	_ =	shalt  }
0x64: {  	_ =	shalt  }
0x65: {  	_ =	shalt  }
0x66: {  	_ =	shalt  }
0x67: {  	_ =	shalt  }
0x68: {  	_ =	shalt  }
0x69: {  	_ =	shalt  }
0x6a: {  	_ =	shalt  }
0x6b: {  	_ =	shalt  }
0x6c: {  	_ =	shalt  }
0x6d: {  	_ =	shalt  }
0x6e: {  	_ =	shalt  }
0x6f: {  	_ =	shalt  }
0x70: {  	_ =	shalt  }
0x71: {  	_ =	shalt  }
0x72: {  	_ =	shalt  }
0x73: {  	_ =	shalt  }
0x74: {  	_ =	shalt  }
0x75: {  	_ =	shalt  }
0x76: {  	_ =	shalt  }
0x77: {  	_ =	shalt  }
0x78: {  	_ =	shalt  }
0x79: {  	_ =	shalt  }
0x7a: {  	_ =	shalt  }
0x7b: {  	_ =	shalt  }
0x7c: {  	_ =	shalt  }
0x7d: {  	_ =	shalt  }
0x7e: {  	_ =	shalt  }
0x7f: {  	_ =	shalt  }
0x80: {  	_ =	shalt  }
0x81: {  	_ =	shalt  }
0x82: {  	_ =	shalt  }
0x83: {  	_ =	shalt  }
0x84: {  	_ =	shalt  }
0x85: {  	_ =	shalt  }
0x86: {  	_ =	shalt  }
0x87: {  	_ =	shalt  }
.Lfunc_end0:
.L_simem_size_0:
called_computation.1_lowered:
.L_overlay_start_0:
0x88: {  	s2 =	sld [smem:$0x3FD9]  }
0x89: {  	s3 =	sld [smem:$0x3FFE];
	_ =	sdelay $0x1  }
0x8a: {  	s1 =	srdreg.scid  }
0x8b: {  	s0 =	sand.u32 $0x1, s1  }
0x8c: {  	s17 =	sshll.u32 s0, $0xA;
	s2 =	sadd.s32 s3, s2  }
0x8d: {  	s2 =	sadd.s32 s2, s17  }
0x8e: {  	[smem:$0x3FC6] =	sst s2  }
0x8f: {  	_ = 	snop  }
0x90: {  	s2 =	sld [smem:$0x3FD0];
	(tm) =	ssettm $0x1  }
0x91: {  	s18 =	sld [smem:$0x3FFB];
	_ =	sdelay $0x3  }
0x92: {  	_ =	strace s18  }
0x93: {  	s3 =	sld [smem:$0x3FFC];
	_ =	sdelay $0x3  }
0x94: {  	_ =	strace s3  }
0x95: {  	s3 =	sld [smem:$0x3FFD];
	_ =	sdelay $0x3  }
0x96: {  	_ =	strace s3  }
0x97: {  	_ =	strace $0x8FFFFFFF  }
0x98: {  	s19 =	sld [smem:$0x3FDB];
	_ =	sdelay $0x1  }
0x99: {  	s4 =	simm.s32 $_scs_section_size  }
0x9a: {  	s5 =	simm.s32 $_size__tile_overlayer_lowered;
	s6 =	simm.s32 $_tile_overlayer_lowered  }
0x9b: {  	s22 =	simm.s32 $0x1BFF;
	s21 =	sshll.u32 s6, $0x1;
	s3 =	sadd.s32 s4, s19  }
0x9c: {  	s7 =	simm.s32 $0x0;
	s20 =	sshll.u32 s5, $0x1;
	s5 =	sadd.s32 s21, s3  }
0x9d: {  	[timem:s7], [sflag:s22] =	dma.local [hbm:s5], s20  }
0x9e: {  	_ =	swait.ge [sflag:s22], s20  }
0x9f: {  	s4 =	ssub.s32 $0x0, s20;
	[sflag:s22] =	ssyncset.done $0x0  }
0xa0: {  	[sflag:s22] =	ssyncadd.s32 s4;
	_ =	sdelay $0x1  }
0xa1: {  	s23 =	simm.s32 $0x1B8B  }
0xa2: {  	_ =	swait.ge [sflag:s23], $0x1  }
0xa3: {  	[sflag:s23] =	ssyncset.done $0x0  }
0xa4: {  	s25 =	simm.s32 $0x1B8E;
	s24 =	sld [smem:$0x3FFE];
	[sflag:s23] =	ssyncadd.s32 $0xFFFFFFFF  }
0xa5: {  	s26 =	simm.s32 $execute0_lowered;
	[smem:$0x3FD2] =	sst s25  }
0xa6: {  	s5 =	sshll.u32 s26, $0x1;
	_ =	strace $0x80000049;
	[dreg:$0x1] =	wrdreg $0xFFFFFFFF  }
0xa7: {  	s28 =	simm.s32 $_size_execute0_lowered;
	s3 =	sadd.s32 s3, s5;
	[dreg:$0x0] =	wrdreg $0x0  }
0xa8: {  	s5 =	sshll.u32 s28, $0x1;
	[dreg:$0x2] =	wrdreg s3  }
0xa9: {  	[dreg:$0x3] =	wrdreg s5  }
0xaa: {  	[dreg:$0x4] =	wrdreg $0xC0  }
0xab: {  	_ =	task [dreg:s7], $0x5FFFF  }
0xac: {  	[dreg:$0x1] =	wrdreg $0xFFFFFFFF  }
0xad: {  	[dreg:$0x0] =	wrdreg $0x60  }
0xae: {  	[dreg:$0x2] =	wrdreg s24  }
0xaf: {  	[dreg:$0x3] =	wrdreg s2  }
0xb0: {  	[dreg:$0x4] =	wrdreg $0x9  }
0xb1: {  	_ =	task.clear_ibuf [dreg:s7], $0x5FFFF;
	_ =	strace $0x90000049  }
0xb2: {  	s29 =	simm.s32 $0x9;
	_ =	strace $0x8000004B  }
0xb3: {  	_ =	swait.ge [sflag:s29], $0x1  }
0xb4: {  	[sflag:s29] =	ssyncadd.s32 $0xFFFFFFFF  }
0xb5: {  	_ =	strace $0x9000004B  }
0xb6: {  	_ =	sfence  }
0xb7: {  	s30 =	sld [smem:$0x0];
	_ =	sdelay $0x2  }
0xb8: {  	s31 =	sshll.u32 s1, $0xD;
	s1 =	sshrl.u32 s1, $0x2  }
0xb9: {  	s3 =	sand.u32 $0x4000, s31;
	s1 =	sadd.s32 s1, s30  }
0xba: {  	s0 =	sor.u32 s3, s0;
	s1 =	sshll.u32 s1, $0x11  }
0xbb: {  	s0 =	sor.u32 s1, s0  }
0xbc: {  	s0 =	sadd.s32 $0x8F2B, s0  }
0xbd: {  	[sflag:s0] =	ssyncadd.remote.s32 $0x1  }
0xbe: {  	_ =	sfence.sel $0xFFFF  }
0xbf: {  	[dreg:$0x0] =	wrdreg $0xFFFFFFFF;
	(pc) =	sbr.abs _section_cstart, $3  }
0xc0: {  	[dreg:$0x1] =	wrdreg $0xFFFFFFFF  }
0xc1: {  	_ =	task.clear_ibuf [dreg:s7], $0x2FFFF;
	_ =	strace $0x9FFFFFFF  }
0xc2: {  	(tm) =	ssettm $0x7FFFFFFF  }
0xc3: {  	_ =	shalt  }
tec
execute0_lowered:
.L_overlay_start_1:
0x0: {  	(tag) =	ssettag $0x1  }
0x1: {  	v0 =	vimm.s32 $0xC4834201  }
0x2: {  	vm11 =	vcmask $0xF00;
	vm10 =	vcmask $0x1310;
	vm9 =	vcmask $0x1714  }
0x3: {  	vm8 =	vcmask $0x1B18;
	v1 =	vlaneseq.u32;
	vm7 =	vcmask $0x1F1C  }
0x4: {  	vm3 =	vcmask $0x2320;
	vm1 =	vcmask $0x2724;
	v3 =	vimm.s32 $0xF  }
0x5: {  	vm15 =	vcmask $0x300;
	vm0 =	vcmask $0x2B28;
	vm14 =	vcmask $0x704  }
0x6: {  	vm13 =	vcmask $0xB08;
	v4 =	vimm.s32 $0xC5844302;
	vm12 =	vcmask $0xF0C  }
0x7: {  	vm2 =	vcmask $0x2F2C;
	vm4 =	vcmask $0x3330;
	vm5 =	vcmask $0x3734  }
0x8: {  	vm6 =	vcmask $0x3B38;
	v5 =	vimm.s32 $0x8F;
	v6 =	vimm.s32 $0xC6854403  }
0x9: {  	v7 =	vimm.s32 $0x10F;
	v8 =	vimm.s32 $0xC7864504;
	v9 =	vimm.s32 $0x18F  }
0xa: {  	v10 =	vimm.s32 $0xC8874605;
	v11 =	vimm.s32 $0x20F;
	v12 =	vimm.s32 $0xC9884706  }
0xb: {  	v13 =	vimm.s32 $0x28F;
	v14 =	vimm.s32 $0xCA894807;
	v15 =	vimm.s32 $0x30F  }
0xc: {  	v16 =	vimm.s32 $0xCB8A4908;
	v17 =	vimm.s32 $0x38F;
	v18 =	vimm.s32 $0xCC8B4A09  }
0xd: {  	v19 =	vimm.s32 $0x40F;
	v20 =	vimm.s32 $0xCD8C4B0A;
	v21 =	vimm.s32 $0x48F  }
0xe: {  	v22 =	vimm.s32 $0xCE8D4C0B;
	v23 =	vimm.s32 $0x50F;
	v24 =	vimm.s32 $0xCF8E4D0C  }
0xf: {  	v25 =	vimm.s32 $0x58F;
	v26 =	vimm.s32 $0xC08F4E0D;
	v27 =	vimm.s32 $0x60F  }
0x10: {  	v28 =	vimm.s32 $0xC1804F0E;
	v29 =	vimm.s32 $0x68F;
	v30 =	vimm.s32 $0x70F  }
0x11: {  	v31 =	vimm.s32 $0xC281400F;
	v0 =	vunpack.c.0.s8.s32 v0;
	v3 =	vsel vm15, $0x80, v3  }
0x12: {  	v4 =	vunpack.c.0.s8.s32 v4;
	v5 =	vsel vm15, $0x100, v5;
	v6 =	vunpack.c.0.s8.s32 v6  }
0x13: {  	v7 =	vsel vm15, $0x180, v7;
	v8 =	vunpack.c.0.s8.s32 v8;
	v9 =	vsel vm15, $0x200, v9  }
0x14: {  	v10 =	vunpack.c.0.s8.s32 v10;
	v11 =	vsel vm15, $0x280, v11;
	v12 =	vunpack.c.0.s8.s32 v12  }
0x15: {  	v13 =	vsel vm15, $0x300, v13;
	v14 =	vunpack.c.0.s8.s32 v14;
	v15 =	vsel vm15, $0x380, v15  }
0x16: {  	v16 =	vunpack.c.0.s8.s32 v16;
	v17 =	vsel vm15, $0x400, v17;
	v18 =	vunpack.c.0.s8.s32 v18  }
0x17: {  	v19 =	vsel vm15, $0x480, v19;
	v20 =	vunpack.c.0.s8.s32 v20;
	v21 =	vsel vm15, $0x500, v21  }
0x18: {  	v22 =	vunpack.c.0.s8.s32 v22;
	v23 =	vsel vm15, $0x580, v23;
	v24 =	vunpack.c.0.s8.s32 v24  }
0x19: {  	v25 =	vsel vm15, $0x600, v25;
	v26 =	vunpack.c.0.s8.s32 v26;
	v27 =	vsel vm15, $0x680, v27  }
0x1a: {  	v28 =	vunpack.c.0.s8.s32 v28;
	v29 =	vsel vm15, $0x700, v29;
	v30 =	vsel vm15, $0x780, v30  }
0x1b: {  	v31 =	vunpack.c.0.s8.s32 v31;
	v3 =	vsel vm14, $0x101, v3;
	v5 =	vsel vm14, $0x181, v5  }
0x1c: {  	v7 =	vsel vm14, $0x201, v7;
	v9 =	vsel vm14, $0x281, v9;
	v11 =	vsel vm14, $0x301, v11  }
0x1d: {  	v13 =	vsel vm14, $0x381, v13;
	v15 =	vsel vm14, $0x401, v15;
	v17 =	vsel vm14, $0x481, v17  }
0x1e: {  	v19 =	vsel vm14, $0x501, v19;
	v21 =	vsel vm14, $0x581, v21;
	v23 =	vsel vm14, $0x601, v23  }
0x1f: {  	v25 =	vsel vm14, $0x681, v25;
	v27 =	vsel vm14, $0x701, v27;
	v29 =	vsel vm14, $0x781, v29  }
0x20: {  	v30 =	vsel vm14, $0x1, v30;
	v0 =	vand.u32 $0xFF, v0;
	v3 =	vsel vm13, $0x182, v3  }
0x21: {  	v4 =	vand.u32 $0xFF, v4;
	v5 =	vsel vm13, $0x202, v5;
	v6 =	vand.u32 $0xFF, v6  }
0x22: {  	v7 =	vsel vm13, $0x282, v7;
	v8 =	vand.u32 $0xFF, v8;
	v9 =	vsel vm13, $0x302, v9  }
0x23: {  	v10 =	vand.u32 $0xFF, v10;
	v11 =	vsel vm13, $0x382, v11;
	v12 =	vand.u32 $0xFF, v12  }
0x24: {  	v13 =	vsel vm13, $0x402, v13;
	v14 =	vand.u32 $0xFF, v14;
	v15 =	vsel vm13, $0x482, v15  }
0x25: {  	v16 =	vand.u32 $0xFF, v16;
	v17 =	vsel vm13, $0x502, v17;
	v18 =	vand.u32 $0xFF, v18  }
0x26: {  	v19 =	vsel vm13, $0x582, v19;
	v20 =	vand.u32 $0xFF, v20;
	v21 =	vsel vm13, $0x602, v21  }
0x27: {  	v22 =	vand.u32 $0xFF, v22;
	v23 =	vsel vm13, $0x682, v23;
	v24 =	vand.u32 $0xFF, v24  }
0x28: {  	v25 =	vsel vm13, $0x702, v25;
	v26 =	vand.u32 $0xFF, v26;
	v27 =	vsel vm13, $0x782, v27  }
0x29: {  	v28 =	vand.u32 $0xFF, v28;
	v29 =	vsel vm13, $0x2, v29;
	v31 =	vand.u32 $0xFF, v31  }
0x2a: {  	v30 =	vsel vm13, $0x82, v30;
	v0 =	vnsel vm11, $0x3C0, v0;
	v3 =	vsel vm12, $0x203, v3  }
0x2b: {  	v4 =	vnsel vm11, $0x3C1, v4;
	v5 =	vsel vm12, $0x283, v5;
	v6 =	vnsel vm11, $0x3C2, v6  }
0x2c: {  	v7 =	vsel vm12, $0x303, v7;
	v8 =	vnsel vm11, $0x3C3, v8;
	v9 =	vsel vm12, $0x383, v9  }
0x2d: {  	v10 =	vnsel vm11, $0x3C4, v10;
	v11 =	vsel vm12, $0x403, v11;
	v12 =	vnsel vm11, $0x3C5, v12  }
0x2e: {  	v13 =	vsel vm12, $0x483, v13;
	v14 =	vnsel vm11, $0x3C6, v14;
	v15 =	vsel vm12, $0x503, v15  }
0x2f: {  	v16 =	vnsel vm11, $0x3C7, v16;
	v17 =	vsel vm12, $0x583, v17;
	v18 =	vnsel vm11, $0x3C8, v18  }
0x30: {  	v19 =	vsel vm12, $0x603, v19;
	v20 =	vnsel vm11, $0x3C9, v20;
	v21 =	vsel vm12, $0x683, v21  }
0x31: {  	v22 =	vnsel vm11, $0x3CA, v22;
	v23 =	vsel vm12, $0x703, v23;
	v24 =	vnsel vm11, $0x3CB, v24  }
0x32: {  	v25 =	vsel vm12, $0x783, v25;
	v26 =	vnsel vm11, $0x3CC, v26;
	v27 =	vsel vm12, $0x3, v27  }
0x33: {  	v28 =	vnsel vm11, $0x3CD, v28;
	v29 =	vsel vm12, $0x83, v29;
	v31 =	vnsel vm11, $0x3CE, v31  }
0x34: {  	v30 =	vsel vm12, $0x103, v30;
	v0 =	vsel vm10, $0x105, v0;
	v3 =	vsel vm10, $0x284, v3  }
0x35: {  	v4 =	vsel vm10, $0x106, v4;
	v5 =	vsel vm10, $0x304, v5;
	v6 =	vsel vm10, $0x107, v6  }
0x36: {  	v7 =	vsel vm10, $0x384, v7;
	v8 =	vsel vm10, $0x108, v8;
	v9 =	vsel vm10, $0x404, v9  }
0x37: {  	v10 =	vsel vm10, $0x109, v10;
	v11 =	vsel vm10, $0x484, v11;
	v12 =	vsel vm10, $0x10A, v12  }
0x38: {  	v13 =	vsel vm10, $0x504, v13;
	v14 =	vsel vm10, $0x10B, v14;
	v15 =	vsel vm10, $0x584, v15  }
0x39: {  	v16 =	vsel vm10, $0x10C, v16;
	v17 =	vsel vm10, $0x604, v17;
	v18 =	vsel vm10, $0x10D, v18  }
0x3a: {  	v19 =	vsel vm10, $0x684, v19;
	v20 =	vsel vm10, $0x10E, v20;
	v21 =	vsel vm10, $0x704, v21  }
0x3b: {  	v22 =	vsel vm10, $0x10F, v22;
	v23 =	vsel vm10, $0x784, v23;
	v24 =	vsel vm10, $0x100, v24  }
0x3c: {  	v25 =	vsel vm10, $0x4, v25;
	v26 =	vsel vm10, $0x101, v26;
	v27 =	vsel vm10, $0x84, v27  }
0x3d: {  	v28 =	vsel vm10, $0x102, v28;
	v29 =	vsel vm10, $0x104, v29;
	v31 =	vsel vm10, $0x103, v31  }
0x3e: {  	v30 =	vsel vm10, $0x184, v30;
	v0 =	vsel vm9, $0x146, v0;
	v3 =	vsel vm9, $0x305, v3  }
0x3f: {  	v4 =	vsel vm9, $0x147, v4;
	v5 =	vsel vm9, $0x385, v5;
	v6 =	vsel vm9, $0x148, v6  }
0x40: {  	v7 =	vsel vm9, $0x405, v7;
	v8 =	vsel vm9, $0x149, v8;
	v9 =	vsel vm9, $0x485, v9  }
0x41: {  	v10 =	vsel vm9, $0x14A, v10;
	v11 =	vsel vm9, $0x505, v11;
	v12 =	vsel vm9, $0x14B, v12  }
0x42: {  	v13 =	vsel vm9, $0x585, v13;
	v14 =	vsel vm9, $0x14C, v14;
	v15 =	vsel vm9, $0x605, v15  }
0x43: {  	v16 =	vsel vm9, $0x14D, v16;
	v17 =	vsel vm9, $0x685, v17;
	v18 =	vsel vm9, $0x14E, v18  }
0x44: {  	v19 =	vsel vm9, $0x705, v19;
	v20 =	vsel vm9, $0x14F, v20;
	v21 =	vsel vm9, $0x785, v21  }
0x45: {  	v22 =	vsel vm9, $0x140, v22;
	v23 =	vsel vm9, $0x5, v23;
	v24 =	vsel vm9, $0x141, v24  }
0x46: {  	v25 =	vsel vm9, $0x85, v25;
	v26 =	vsel vm9, $0x142, v26;
	v27 =	vsel vm9, $0x105, v27  }
0x47: {  	v28 =	vsel vm9, $0x143, v28;
	v29 =	vsel vm9, $0x185, v29;
	v31 =	vsel vm9, $0x144, v31  }
0x48: {  	v30 =	vsel vm9, $0x205, v30;
	v2 =	vsel vm8, $0x187, v0;
	v0 =	vmul.u32 $0x41, v1  }
0x49: {  	v1 =	vmul.u32 $0x81, v1;
	v3 =	vsel vm8, $0x386, v3;
	v4 =	vsel vm8, $0x188, v4  }
0x4a: {  	v5 =	vsel vm8, $0x406, v5;
	v6 =	vsel vm8, $0x189, v6;
	v7 =	vsel vm8, $0x486, v7  }
0x4b: {  	v8 =	vsel vm8, $0x18A, v8;
	v9 =	vsel vm8, $0x506, v9;
	v10 =	vsel vm8, $0x18B, v10  }
0x4c: {  	v11 =	vsel vm8, $0x586, v11;
	v12 =	vsel vm8, $0x18C, v12;
	v13 =	vsel vm8, $0x606, v13  }
0x4d: {  	v14 =	vsel vm8, $0x18D, v14;
	v15 =	vsel vm8, $0x686, v15;
	v16 =	vsel vm8, $0x18E, v16  }
0x4e: {  	v17 =	vsel vm8, $0x706, v17;
	v18 =	vsel vm8, $0x18F, v18;
	v19 =	vsel vm8, $0x786, v19  }
0x4f: {  	v20 =	vsel vm8, $0x180, v20;
	v21 =	vsel vm8, $0x6, v21;
	v22 =	vsel vm8, $0x181, v22  }
0x50: {  	v23 =	vsel vm8, $0x86, v23;
	v24 =	vsel vm8, $0x182, v24;
	v25 =	vsel vm8, $0x106, v25  }
0x51: {  	v26 =	vsel vm8, $0x183, v26;
	v27 =	vsel vm8, $0x186, v27;
	v28 =	vsel vm8, $0x184, v28  }
0x52: {  	v29 =	vsel vm8, $0x206, v29;
	v31 =	vsel vm8, $0x185, v31;
	v30 =	vsel vm8, $0x286, v30  }
0x53: {  	v2 =	vsel vm7, $0x1C8, v2;
	v3 =	vsel vm7, $0x407, v3;
	v4 =	vsel vm7, $0x1C9, v4  }
0x54: {  	v5 =	vsel vm7, $0x487, v5;
	v6 =	vsel vm7, $0x1CA, v6;
	v7 =	vsel vm7, $0x507, v7  }
0x55: {  	v8 =	vsel vm7, $0x1CB, v8;
	v9 =	vsel vm7, $0x587, v9;
	v10 =	vsel vm7, $0x1CC, v10  }
0x56: {  	v11 =	vsel vm7, $0x607, v11;
	v12 =	vsel vm7, $0x1CD, v12;
	v13 =	vsel vm7, $0x687, v13  }
0x57: {  	v14 =	vsel vm7, $0x1CE, v14;
	v15 =	vsel vm7, $0x707, v15;
	v16 =	vsel vm7, $0x1CF, v16  }
0x58: {  	v17 =	vsel vm7, $0x787, v17;
	v18 =	vsel vm7, $0x1C0, v18;
	v19 =	vsel vm7, $0x7, v19  }
0x59: {  	v20 =	vsel vm7, $0x1C1, v20;
	v21 =	vsel vm7, $0x87, v21;
	v22 =	vsel vm7, $0x1C2, v22  }
0x5a: {  	v23 =	vsel vm7, $0x107, v23;
	v24 =	vsel vm7, $0x1C3, v24;
	v25 =	vsel vm7, $0x187, v25  }
0x5b: {  	v26 =	vsel vm7, $0x1C4, v26;
	v27 =	vsel vm7, $0x207, v27;
	v28 =	vsel vm7, $0x1C5, v28  }
0x5c: {  	v29 =	vsel vm7, $0x287, v29;
	v31 =	vsel vm7, $0x1C6, v31;
	v30 =	vsel vm7, $0x307, v30  }
0x5d: {  	v2 =	vsel vm3, $0x209, v2;
	v3 =	vsel vm3, $0x488, v3;
	v4 =	vsel vm3, $0x20A, v4  }
0x5e: {  	v5 =	vsel vm3, $0x508, v5;
	v6 =	vsel vm3, $0x20B, v6;
	v7 =	vsel vm3, $0x588, v7  }
0x5f: {  	v8 =	vsel vm3, $0x20C, v8;
	v9 =	vsel vm3, $0x608, v9;
	v10 =	vsel vm3, $0x20D, v10  }
0x60: {  	v11 =	vsel vm3, $0x688, v11;
	v12 =	vsel vm3, $0x20E, v12;
	v13 =	vsel vm3, $0x708, v13  }
0x61: {  	v14 =	vsel vm3, $0x20F, v14;
	v15 =	vsel vm3, $0x788, v15;
	v16 =	vsel vm3, $0x200, v16  }
0x62: {  	v17 =	vsel vm3, $0x8, v17;
	v18 =	vsel vm3, $0x201, v18;
	v19 =	vsel vm3, $0x88, v19  }
0x63: {  	v20 =	vsel vm3, $0x202, v20;
	v21 =	vsel vm3, $0x108, v21;
	v22 =	vsel vm3, $0x203, v22  }
0x64: {  	v23 =	vsel vm3, $0x188, v23;
	v24 =	vsel vm3, $0x204, v24;
	v25 =	vsel vm3, $0x208, v25  }
0x65: {  	v26 =	vsel vm3, $0x205, v26;
	v27 =	vsel vm3, $0x288, v27;
	v28 =	vsel vm3, $0x206, v28  }
0x66: {  	v29 =	vsel vm3, $0x308, v29;
	v31 =	vsel vm3, $0x207, v31;
	v30 =	vsel vm3, $0x388, v30  }
0x67: {  	v2 =	vsel vm1, $0x24A, v2;
	v3 =	vsel vm1, $0x509, v3;
	v4 =	vsel vm1, $0x24B, v4  }
0x68: {  	v5 =	vsel vm1, $0x589, v5;
	v6 =	vsel vm1, $0x24C, v6;
	v7 =	vsel vm1, $0x609, v7  }
0x69: {  	v8 =	vsel vm1, $0x24D, v8;
	v9 =	vsel vm1, $0x689, v9;
	v10 =	vsel vm1, $0x24E, v10  }
0x6a: {  	v11 =	vsel vm1, $0x709, v11;
	v12 =	vsel vm1, $0x24F, v12;
	v13 =	vsel vm1, $0x789, v13  }
0x6b: {  	v14 =	vsel vm1, $0x240, v14;
	v15 =	vsel vm1, $0x9, v15;
	v16 =	vsel vm1, $0x241, v16  }
0x6c: {  	v17 =	vsel vm1, $0x89, v17;
	v18 =	vsel vm1, $0x242, v18;
	v19 =	vsel vm1, $0x109, v19  }
0x6d: {  	v20 =	vsel vm1, $0x243, v20;
	v21 =	vsel vm1, $0x189, v21;
	v22 =	vsel vm1, $0x244, v22  }
0x6e: {  	v23 =	vsel vm1, $0x209, v23;
	v24 =	vsel vm1, $0x245, v24;
	v25 =	vsel vm1, $0x289, v25  }
0x6f: {  	v26 =	vsel vm1, $0x246, v26;
	v27 =	vsel vm1, $0x309, v27;
	v28 =	vsel vm1, $0x247, v28  }
0x70: {  	v29 =	vsel vm1, $0x389, v29;
	v31 =	vsel vm1, $0x248, v31;
	v30 =	vsel vm1, $0x409, v30  }
0x71: {  	v2 =	vsel vm0, $0x28B, v2;
	v3 =	vsel vm0, $0x58A, v3;
	v4 =	vsel vm0, $0x28C, v4  }
0x72: {  	v5 =	vsel vm0, $0x60A, v5;
	v6 =	vsel vm0, $0x28D, v6;
	v7 =	vsel vm0, $0x68A, v7  }
0x73: {  	v8 =	vsel vm0, $0x28E, v8;
	v9 =	vsel vm0, $0x70A, v9;
	v10 =	vsel vm0, $0x28F, v10  }
0x74: {  	v11 =	vsel vm0, $0x78A, v11;
	v12 =	vsel vm0, $0x280, v12;
	v13 =	vsel vm0, $0xA, v13  }
0x75: {  	v14 =	vsel vm0, $0x281, v14;
	v15 =	vsel vm0, $0x8A, v15;
	v16 =	vsel vm0, $0x282, v16  }
0x76: {  	v17 =	vsel vm0, $0x10A, v17;
	v18 =	vsel vm0, $0x283, v18;
	v19 =	vsel vm0, $0x18A, v19  }
0x77: {  	v20 =	vsel vm0, $0x284, v20;
	v21 =	vsel vm0, $0x20A, v21;
	v22 =	vsel vm0, $0x285, v22  }
0x78: {  	v23 =	vsel vm0, $0x28A, v23;
	v24 =	vsel vm0, $0x286, v24;
	v25 =	vsel vm0, $0x30A, v25  }
0x79: {  	v26 =	vsel vm0, $0x287, v26;
	v27 =	vsel vm0, $0x38A, v27;
	v28 =	vsel vm0, $0x288, v28  }
0x7a: {  	v29 =	vsel vm0, $0x40A, v29;
	v31 =	vsel vm0, $0x289, v31;
	v30 =	vsel vm0, $0x48A, v30  }
0x7b: {  	v2 =	vsel vm2, $0x2CC, v2;
	v3 =	vsel vm2, $0x60B, v3;
	v4 =	vsel vm2, $0x2CD, v4  }
0x7c: {  	v5 =	vsel vm2, $0x68B, v5;
	v6 =	vsel vm2, $0x2CE, v6;
	v7 =	vsel vm2, $0x70B, v7  }
0x7d: {  	v8 =	vsel vm2, $0x2CF, v8;
	v9 =	vsel vm2, $0x78B, v9;
	v10 =	vsel vm2, $0x2C0, v10  }
0x7e: {  	v11 =	vsel vm2, $0xB, v11;
	v12 =	vsel vm2, $0x2C1, v12;
	v13 =	vsel vm2, $0x8B, v13  }
0x7f: {  	v14 =	vsel vm2, $0x2C2, v14;
	v15 =	vsel vm2, $0x10B, v15;
	v16 =	vsel vm2, $0x2C3, v16  }
0x80: {  	v17 =	vsel vm2, $0x18B, v17;
	v18 =	vsel vm2, $0x2C4, v18;
	v19 =	vsel vm2, $0x20B, v19  }
0x81: {  	v20 =	vsel vm2, $0x2C5, v20;
	v21 =	vsel vm2, $0x28B, v21;
	v22 =	vsel vm2, $0x2C6, v22  }
0x82: {  	v23 =	vsel vm2, $0x30B, v23;
	v24 =	vsel vm2, $0x2C7, v24;
	v25 =	vsel vm2, $0x38B, v25  }
0x83: {  	v26 =	vsel vm2, $0x2C8, v26;
	v27 =	vsel vm2, $0x40B, v27;
	v28 =	vsel vm2, $0x2C9, v28  }
0x84: {  	v29 =	vsel vm2, $0x48B, v29;
	v31 =	vsel vm2, $0x2CA, v31;
	v30 =	vsel vm2, $0x50B, v30  }
0x85: {  	v2 =	vsel vm4, $0x30D, v2;
	v3 =	vsel vm4, $0x68C, v3;
	v4 =	vsel vm4, $0x30E, v4  }
0x86: {  	v5 =	vsel vm4, $0x70C, v5;
	v6 =	vsel vm4, $0x30F, v6;
	v7 =	vsel vm4, $0x78C, v7  }
0x87: {  	v8 =	vsel vm4, $0x300, v8;
	v9 =	vsel vm4, $0xC, v9;
	v10 =	vsel vm4, $0x301, v10  }
0x88: {  	v11 =	vsel vm4, $0x8C, v11;
	v12 =	vsel vm4, $0x302, v12;
	v13 =	vsel vm4, $0x10C, v13  }
0x89: {  	v14 =	vsel vm4, $0x303, v14;
	v15 =	vsel vm4, $0x18C, v15;
	v16 =	vsel vm4, $0x304, v16  }
0x8a: {  	v17 =	vsel vm4, $0x20C, v17;
	v18 =	vsel vm4, $0x305, v18;
	v19 =	vsel vm4, $0x28C, v19  }
0x8b: {  	v20 =	vsel vm4, $0x306, v20;
	v21 =	vsel vm4, $0x30C, v21;
	v22 =	vsel vm4, $0x307, v22  }
0x8c: {  	v23 =	vsel vm4, $0x38C, v23;
	v24 =	vsel vm4, $0x308, v24;
	v25 =	vsel vm4, $0x40C, v25  }
0x8d: {  	v26 =	vsel vm4, $0x309, v26;
	v27 =	vsel vm4, $0x48C, v27;
	v28 =	vsel vm4, $0x30A, v28  }
0x8e: {  	v29 =	vsel vm4, $0x50C, v29;
	v31 =	vsel vm4, $0x30B, v31;
	v30 =	vsel vm4, $0x58C, v30  }
0x8f: {  	v2 =	vsel vm5, $0x34E, v2;
	v3 =	vsel vm5, $0x70D, v3;
	v4 =	vsel vm5, $0x34F, v4  }
0x90: {  	v5 =	vsel vm5, $0x78D, v5;
	v6 =	vsel vm5, $0x340, v6;
	v7 =	vsel vm5, $0xD, v7  }
0x91: {  	v8 =	vsel vm5, $0x341, v8;
	v9 =	vsel vm5, $0x8D, v9;
	v10 =	vsel vm5, $0x342, v10  }
0x92: {  	v11 =	vsel vm5, $0x10D, v11;
	v12 =	vsel vm5, $0x343, v12;
	v13 =	vsel vm5, $0x18D, v13  }
0x93: {  	v14 =	vsel vm5, $0x344, v14;
	v15 =	vsel vm5, $0x20D, v15;
	v16 =	vsel vm5, $0x345, v16  }
0x94: {  	v17 =	vsel vm5, $0x28D, v17;
	v18 =	vsel vm5, $0x346, v18;
	v19 =	vsel vm5, $0x30D, v19  }
0x95: {  	s0 =	rddreg [dreg:$0x0];
	v20 =	vsel vm5, $0x347, v20;
	v21 =	vsel vm5, $0x38D, v21;
	v22 =	vsel vm5, $0x348, v22  }
0x96: {  	s1 =	rddreg [dreg:$0x1];
	s2 =	srdreg.scid;
	v23 =	vsel vm5, $0x40D, v23;
	v24 =	vsel vm5, $0x349, v24;
	v25 =	vsel vm5, $0x48D, v25  }
0x97: {  	s3 =	stileid.u32;
	s4 =	simm.s32 $0x0;
	s14 =	simm.s32 $0x6400;
	v26 =	vsel vm5, $0x34A, v26;
	v27 =	vsel vm5, $0x50D, v27;
	v28 =	vsel vm5, $0x34B, v28  }
0x98: {  	s15 =	simm.s32 $0x8400;
	s2 =	sand.u32 $0x1, s2;
	s3 =	sshll.u32 s3, $0x1;
	v29 =	vsel vm5, $0x58D, v29;
	v31 =	vsel vm5, $0x34C, v31;
	v32 =	vsel vm5, $0x60D, v30  }
0x99: {  	s17 =	simm.s32 $0xA400;
	s19 =	simm.s32 $0xC400;
	s3 =	sor.u32 s2, s3;
	v2 =	vsel vm6, $0x38F, v2;
	v3 =	vsel vm6, $0x78E, v3;
	v4 =	vsel vm6, $0x380, v4  }
0x9a: {  	s21 =	simm.s32 $0xE400;
	[smem:$0x7FF] =	sst s4;
	s26 =	sshll.u32 s3, $0x6;
	v5 =	vsel vm6, $0xE, v5;
	v6 =	vsel vm6, $0x381, v6;
	v7 =	vsel vm6, $0x8E, v7  }
0x9b: {  	s5 =	sshll.u32 s3, $0x9;
	s4 =	sadd.s32 s26, s0;
	s0 =	sadd.s32 $0xF5BE00, s0;
	v8 =	vsel vm6, $0x382, v8;
	v9 =	vsel vm6, $0x10E, v9;
	v10 =	vsel vm6, $0x383, v10  }
0x9c: {  	_ =	strace $0x8000004A;
	s1 =	sadd.s32 s1, s5;
	[dreg:$0x3] =	wrdreg s0;
	v11 =	vsel vm6, $0x18E, v11;
	v12 =	vsel vm6, $0x384, v12;
	v13 =	vsel vm6, $0x20E, v13  }
0x9d: {  	s2 =	ssub.s32 $0x2, s2;
	s29 =	sadd.s32 $0xF42E00, s4;
	[dreg:$0x4] =	wrdreg s1;
	v14 =	vsel vm6, $0x385, v14;
	v15 =	vsel vm6, $0x28E, v15;
	v16 =	vsel vm6, $0x386, v16  }
.Ltmp0:
0x9e: {  	s30 =	sadd.s32 $0x80, s1;
	[dreg:$0x5] =	wrdreg s29;
	v17 =	vsel vm6, $0x30E, v17;
	v18 =	vsel vm6, $0x387, v18;
	v19 =	vsel vm6, $0x38E, v19;
	(pc) =	sbr.rel .LBB2_1-.Ltmp0, $4  }
0x9f: {  	s28 =	sshrl.u32 s2, $0x1;
	s31 =	sadd.s32 $0x100, s1;
	[dreg:$0x6] =	wrdreg s30;
	v20 =	vsel vm6, $0x388, v20;
	v21 =	vsel vm6, $0x40E, v21;
	v22 =	vsel vm6, $0x389, v22  }
0xa0: {  	s0 =	ssub.s32 s2, s28;
	s1 =	sadd.s32 $0x180, s1;
	[dreg:$0x7] =	wrdreg s31;
	v23 =	vsel vm6, $0x48E, v23;
	v24 =	vsel vm6, $0x38A, v24;
	v25 =	vsel vm6, $0x50E, v25  }
0xa1: {  	s25 =	simm.s32 $0x400;
	[dreg:$0x8] =	wrdreg s1;
	s0 =	smax.u32 s0, $0x1;
	v26 =	vsel vm6, $0x38B, v26;
	v27 =	vsel vm6, $0x58E, v27;
	v28 =	vsel vm6, $0x38C, v28  }
0xa2: {  	s26 =	simm.s32 $0x10400;
	s2 =	simm.s32 $0x0;
	[dreg:$0x9] =	wrdreg s0;
	v29 =	vsel vm6, $0x60E, v29;
	v30 =	vsel vm6, $0x38D, v31;
	v31 =	vsel vm6, $0x68E, v32  }
.LBB2_16:
0xa3: {  	s0 =	simm.s32 $0x5  }
0xa4: {  	_ =	swait.ge [sflag:s0], $0x2000  }
0xa5: {  	[sflag:s0] =	ssyncset.done $0x0  }
0xa6: {  	s1 =	simm.s32 $0x6;
	[sflag:s0] =	ssyncadd.s32 $0xFFFFE000  }
0xa7: {  	_ =	swait.ge [sflag:s1], $0x2000  }
0xa8: {  	s2 =	rddreg [dreg:$0xa]  }
0xa9: {  	s31 =	rddreg [dreg:$0x9];
	s2 =	sadd.s32 $0x1, s2  }
0xaa: {  	p0 =	sne.s32 s2, s31  }
.Ltmp1:
0xab: {  	_ = 	snop;
	(pc) =	sbr.rel @!p0 .LBB2_17-.Ltmp1, $3  }
0xac: {  	_ =	sdelay $0x1  }
0xad: {  	[sflag:s1] =	ssyncset.done $0x0  }
0xae: {  	[sflag:s1] =	ssyncadd.s32 $0xFFFFE000  }
.LBB2_1:
0xaf: {  	[dreg:$0xa] =	wrdreg s2  }
0xb0: {  	s0 =	simm.s32 $0x0;
	s1 =	rddreg [dreg:$0x5]  }
0xb1: {  	s23 =	simm.s32 $0x200;
	s3 =	simm.s32 $0x4000;
	s24 =	simm.s32 $0x7  }
0xb2: {  	[tilespmem:s0], [sflag:$0x7] =	stream.strided.gather [hbm4b:s1+s23], $0x6400, s3, s23, $0x38;
	[tilespmem:$0x12400] =	vst v63  }
0xb3: {  	_ =	swait.ge [sflag:s24], $0x6400  }
0xb4: {  	[sflag:s24] =	ssyncset.done $0x0  }
0xb5: {  	s29 =	simm.s32 $0x80;
	s28 =	rddreg [dreg:$0x3];
	[sflag:s24] =	ssyncadd.s32 $0xFFFF9C00  }
0xb6: {  	[tilespmem:s14], [sflag:$0x1] =	stream.indirect.gather [hbm4b:s28+s29], $0x40, s0, s29, $0xb8;
	[tilespmem:$0x12400] =	vst v63  }
0xb7: {  	_ = 	snop  }
0xb8: {  	[tilespmem:s15], [sflag:$0x2] =	stream.indirect.gather [hbm4b:s28+s29], $0x40, s29, s29, $0xb8;
	[tilespmem:$0x12400] =	vst v63  }
0xb9: {  	s30 =	simm.s32 $0x100  }
0xba: {  	[tilespmem:s17], [sflag:$0x3] =	stream.indirect.gather [hbm4b:s28+s29], $0x40, s30, s29, $0xb8;
	[tilespmem:$0x12400] =	vst v63  }
0xbb: {  	s31 =	simm.s32 $0x180;
	s0 =	simm.s32 $0x0  }
0xbc: {  	[tilespmem:s19], [sflag:$0x4] =	stream.indirect.gather [hbm4b:s28+s29], $0x40, s31, s29, $0xb8;
	[tilespmem:$0x12400] =	vst v63  }
.LBB2_2:
0xbd: {  	s1 =	simm.s32 $0x0  }
0xbe: {  	s2 =	sand.u32 $0x2, s1  }
0xbf: {  	s4 =	sor.u32 $0x1, s2  }
0xc0: {  	s5 =	simm.s32 $0x0;
	s3 =	simm.s32 $0x1;
	s30 =	sshll.u32 s4, $0x4  }
0xc1: {  	_ =	swait.ge [sflag:s3], $0x2000;
	s1 =	sor.u32 s5, s30  }
0xc2: {  	p0 =	seq.s32 s0, $0x0;
	[sflag:s3] =	ssyncset.done $0x0;
	v32 =	vor.u32 s1, v0  }
0xc3: {  	s7 =	simm.s32 @!p0 $0x5;
	s6 =	sshll.u32 s2, $0x4;
	[sflag:s3] =	ssyncadd.s32 $0xFFFFE000  }
0xc4: {  	s28 =	sor.u32 s6, s5;
	_ =	swait.ge @!p0 [sflag:s7], $0x2000  }
0xc5: {  	s4 =	sshll.u32 s4, $0xB;
	v33 =	vor.u32 s28, v0;
	[sflag:s7] =	ssyncset.done @!p0 $0x0  }
0xc6: {  	s6 =	sadd.s32 $0x0, s4;
	[sflag:s7] =	ssyncadd.s32 @!p0 $0xFFFFE000  }
0xc7: {  	v34 =	vor.u32 s6, v1;
	v32 =	vld.idx.msk [tilespmem:v32+s14+$0x0], $0xffff  }
0xc8: {  	s2 =	sshll.u32 s2, $0xB;
	v35 =	vor.u32 s1, v2  }
0xc9: {  	s9 =	sadd.s32 $0x0, s2  }
0xca: {  	v36 =	vor.u32 s9, v1;
	v33 =	vld.idx.msk [tilespmem:v33+s14+$0x0], $0xffff  }
0xcb: {  	v37 =	vor.u32 s28, v2  }
0xcc: {  	[tilespmem:v34+s21+$0x0] =	vst.idx.msk $0xffff, v32  }
0xcd: {  	v40 =	vor.u32 s6, v3;
	v32 =	vld.idx.msk [tilespmem:v35+s14+$0x0], $0xffff  }
0xce: {  	v41 =	vor.u32 s1, v4  }
0xcf: {  	[tilespmem:v36+s21+$0x0] =	vst.idx.msk $0xffff, v33  }
0xd0: {  	v42 =	vor.u32 s9, v3;
	v33 =	vld.idx.msk [tilespmem:v37+s14+$0x0], $0xffff  }
0xd1: {  	v43 =	vor.u32 s28, v4  }
0xd2: {  	[tilespmem:v40+s21+$0x0] =	vst.idx.msk $0xffff, v32  }
0xd3: {  	s31 =	simm.s32 $0x2;
	v44 =	vor.u32 s6, v5;
	v32 =	vld.idx.msk [tilespmem:v41+s14+$0x0], $0xffff  }
0xd4: {  	s3 =	sand.u32 $0x2, s31;
	v45 =	vor.u32 s1, v6  }
0xd5: {  	s8 =	sor.u32 $0x1, s3;
	[tilespmem:v42+s21+$0x0] =	vst.idx.msk $0xffff, v33  }
0xd6: {  	s10 =	simm.s32 $0x0;
	v46 =	vor.u32 s9, v5;
	s11 =	sshll.u32 s8, $0x4;
	v33 =	vld.idx.msk [tilespmem:v43+s14+$0x0], $0xffff  }
0xd7: {  	v47 =	vor.u32 s28, v6;
	s11 =	sor.u32 s10, s11  }
0xd8: {  	v48 =	vor.u32 s11, v0;
	[tilespmem:v44+s21+$0x0] =	vst.idx.msk $0xffff, v32  }
0xd9: {  	s12 =	sshll.u32 s3, $0x4;
	v49 =	vor.u32 s6, v7;
	v35 =	vld.idx.msk [tilespmem:v45+s14+$0x0], $0xffff  }
0xda: {  	v38 =	vor.u32 s1, v8;
	s2 =	sor.u32 s12, s10  }
0xdb: {  	s5 =	sshll.u32 s8, $0xB;
	v51 =	vor.u32 s2, v0;
	[tilespmem:v46+s21+$0x0] =	vst.idx.msk $0xffff, v33  }
0xdc: {  	v50 =	vor.u32 s9, v7;
	s10 =	sadd.s32 $0x0, s5;
	v33 =	vld.idx.msk [tilespmem:v47+s14+$0x0], $0xffff  }
0xdd: {  	v39 =	vor.u32 s28, v8;
	v40 =	vor.u32 s10, v1;
	v32 =	vld.idx.msk [tilespmem:v48+s14+$0x0], $0xffff  }
0xde: {  	s4 =	sshll.u32 s3, $0xB;
	v52 =	vor.u32 s11, v2;
	[tilespmem:v49+s21+$0x0] =	vst.idx.msk $0xffff, v35  }
0xdf: {  	s16 =	sadd.s32 $0x0, s4;
	v53 =	vor.u32 s6, v9;
	v35 =	vld.idx.msk [tilespmem:v38+s14+$0x0], $0xffff  }
0xe0: {  	v55 =	vor.u32 s16, v1;
	v54 =	vld.idx.msk [tilespmem:v51+s14+$0x0], $0xffff;
	v41 =	vor.u32 s1, v10  }
0xe1: {  	v42 =	vor.u32 s2, v2;
	[tilespmem:v50+s21+$0x0] =	vst.idx.msk $0xffff, v33  }
0xe2: {  	v57 =	vor.u32 s9, v9;
	[tilespmem:v40+s21+$0x0] =	vst.idx.msk $0xffff, v32;
	v56 =	vld.idx.msk [tilespmem:v39+s14+$0x0], $0xffff  }
0xe3: {  	v58 =	vor.u32 s10, v3;
	v43 =	vor.u32 s28, v10;
	v32 =	vld.idx.msk [tilespmem:v52+s14+$0x0], $0xffff  }
0xe4: {  	v59 =	vor.u32 s11, v4;
	[tilespmem:v53+s21+$0x0] =	vst.idx.msk $0xffff, v35  }
0xe5: {  	v60 =	vor.u32 s6, v11;
	[tilespmem:v55+s21+$0x0] =	vst.idx.msk $0xffff, v54;
	v38 =	vld.idx.msk [tilespmem:v41+s14+$0x0], $0xffff  }
0xe6: {  	v61 =	vor.u32 s1, v12;
	v62 =	vor.u32 s16, v3;
	v36 =	vld.idx.msk [tilespmem:v42+s14+$0x0], $0xffff  }
0xe7: {  	v45 =	vor.u32 s2, v4;
	[tilespmem:v57+s21+$0x0] =	vst.idx.msk $0xffff, v56  }
0xe8: {  	v63 =	vor.u32 s9, v11;
	[tilespmem:v58+s21+$0x0] =	vst.idx.msk $0xffff, v32;
	v39 =	vld.idx.msk [tilespmem:v43+s14+$0x0], $0xffff  }
0xe9: {  	v46 =	vor.u32 s28, v12;
	v47 =	vor.u32 s10, v5;
	v32 =	vld.idx.msk [tilespmem:v59+s14+$0x0], $0xffff  }
0xea: {  	v48 =	vor.u32 s11, v6;
	[tilespmem:v60+s21+$0x0] =	vst.idx.msk $0xffff, v38  }
0xeb: {  	[tilespmem:v62+s21+$0x0] =	vst.idx.msk $0xffff, v36;
	v49 =	vor.u32 s6, v13;
	v33 =	vld.idx.msk [tilespmem:v61+s14+$0x0], $0xffff  }
0xec: {  	s13 =	simm.s32 $0x4;
	v51 =	vor.u32 s16, v5;
	v50 =	vor.u32 s1, v14;
	v37 =	vld.idx.msk [tilespmem:v45+s14+$0x0], $0xffff  }
0xed: {  	s4 =	sand.u32 $0x2, s13;
	v54 =	vor.u32 s2, v6;
	[tilespmem:v63+s21+$0x0] =	vst.idx.msk $0xffff, v39  }
0xee: {  	s18 =	sor.u32 $0x1, s4;
	v53 =	vor.u32 s9, v13;
	[tilespmem:v47+s21+$0x0] =	vst.idx.msk $0xffff, v32;
	v52 =	vld.idx.msk [tilespmem:v46+s14+$0x0], $0xffff  }
0xef: {  	s8 =	simm.s32 $0x400;
	s20 =	sshll.u32 s18, $0x4;
	v55 =	vor.u32 s28, v14;
	v56 =	vor.u32 s10, v7;
	v34 =	vld.idx.msk [tilespmem:v48+s14+$0x0], $0xffff  }
0xf0: {  	s5 =	sor.u32 s8, s20;
	v57 =	vor.u32 s11, v8;
	[tilespmem:v49+s21+$0x0] =	vst.idx.msk $0xffff, v33  }
0xf1: {  	[tilespmem:v51+s21+$0x0] =	vst.idx.msk $0xffff, v37;
	v59 =	vor.u32 s6, v15;
	v60 =	vor.u32 s5, v0;
	v58 =	vld.idx.msk [tilespmem:v50+s14+$0x0], $0xffff  }
0xf2: {  	s12 =	sshll.u32 s4, $0x4;
	v62 =	vor.u32 s16, v7;
	v39 =	vld.idx.msk [tilespmem:v54+s14+$0x0], $0xffff;
	v61 =	vor.u32 s1, v16  }
0xf3: {  	s13 =	sor.u32 s12, s8;
	v48 =	vor.u32 s2, v8;
	[tilespmem:v53+s21+$0x0] =	vst.idx.msk $0xffff, v52  }
0xf4: {  	s7 =	sshll.u32 s18, $0xB;
	v63 =	vor.u32 s9, v15;
	[tilespmem:v56+s21+$0x0] =	vst.idx.msk $0xffff, v34;
	v41 =	vld.idx.msk [tilespmem:v55+s14+$0x0], $0xffff;
	v49 =	vor.u32 s13, v0  }
0xf5: {  	s18 =	sadd.s32 $0x10, s7;
	v44 =	vor.u32 s28, v16;
	v33 =	vld.idx.msk [tilespmem:v57+s14+$0x0], $0xffff;
	v50 =	vor.u32 s10, v9  }
0xf6: {  	v51 =	vor.u32 s11, v10;
	v52 =	vld.idx.msk [tilespmem:v60+s14+$0x0], $0xffff;
	v53 =	vor.u32 s18, v1;
	[tilespmem:v59+s21+$0x0] =	vst.idx.msk $0xffff, v58  }
0xf7: {  	s4 =	sshll.u32 s4, $0xB;
	v45 =	vor.u32 s6, v17;
	v54 =	vor.u32 s5, v2;
	[tilespmem:v62+s21+$0x0] =	vst.idx.msk $0xffff, v39;
	v38 =	vld.idx.msk [tilespmem:v61+s14+$0x0], $0xffff  }
0xf8: {  	s12 =	sadd.s32 $0x10, s4;
	v56 =	vld.idx.msk [tilespmem:v48+s14+$0x0], $0xffff;
	v55 =	vor.u32 s1, v18;
	v57 =	vor.u32 s16, v9  }
0xf9: {  	v46 =	vor.u32 s2, v10;
	[tilespmem:v63+s21+$0x0] =	vst.idx.msk $0xffff, v41;
	v32 =	vld.idx.msk [tilespmem:v49+s14+$0x0], $0xffff;
	v61 =	vor.u32 s12, v1  }
0xfa: {  	v62 =	vor.u32 s13, v2;
	v58 =	vld.idx.msk [tilespmem:v44+s14+$0x0], $0xffff;
	v59 =	vor.u32 s9, v17;
	[tilespmem:v50+s21+$0x0] =	vst.idx.msk $0xffff, v33  }
0xfb: {  	v47 =	vor.u32 s10, v11;
	v60 =	vor.u32 s28, v18;
	[tilespmem:v53+s21+$0x0] =	vst.idx.msk $0xffff, v52;
	v35 =	vld.idx.msk [tilespmem:v51+s14+$0x0], $0xffff  }
0xfc: {  	v63 =	vor.u32 s11, v12;
	v48 =	vld.idx.msk [tilespmem:v54+s14+$0x0], $0xffff;
	v49 =	vor.u32 s18, v3;
	[tilespmem:v45+s21+$0x0] =	vst.idx.msk $0xffff, v38  }
0xfd: {  	[tilespmem:v57+s21+$0x0] =	vst.idx.msk $0xffff, v56;
	v50 =	vor.u32 s6, v19;
	v51 =	vor.u32 s5, v4;
	v40 =	vld.idx.msk [tilespmem:v55+s14+$0x0], $0xffff  }
0xfe: {  	v52 =	vor.u32 s1, v20;
	v54 =	vor.u32 s16, v11;
	v53 =	vld.idx.msk [tilespmem:v46+s14+$0x0], $0xffff;
	[tilespmem:v61+s21+$0x0] =	vst.idx.msk $0xffff, v32  }
0xff: {  	v56 =	vor.u32 s2, v12;
	v57 =	vor.u32 s12, v3;
	[tilespmem:v59+s21+$0x0] =	vst.idx.msk $0xffff, v58;
	v34 =	vld.idx.msk [tilespmem:v62+s14+$0x0], $0xffff  }
0x100: {  	v33 =	vld.idx.msk [tilespmem:v60+s14+$0x0], $0xffff;
	[tilespmem:v47+s21+$0x0] =	vst.idx.msk $0xffff, v35;
	v55 =	vor.u32 s9, v19;
	v62 =	vor.u32 s13, v4  }
0x101: {  	[tilespmem:v49+s21+$0x0] =	vst.idx.msk $0xffff, v48;
	v58 =	vor.u32 s28, v20;
	v61 =	vor.u32 s10, v13;
	v37 =	vld.idx.msk [tilespmem:v63+s14+$0x0], $0xffff  }
0x102: {  	v59 =	vor.u32 s11, v14;
	v39 =	vld.idx.msk [tilespmem:v51+s14+$0x0], $0xffff;
	v63 =	vor.u32 s18, v5;
	[tilespmem:v50+s21+$0x0] =	vst.idx.msk $0xffff, v40  }
0x103: {  	v48 =	vor.u32 s5, v6;
	[tilespmem:v54+s21+$0x0] =	vst.idx.msk $0xffff, v53;
	v60 =	vor.u32 s6, v21;
	v42 =	vld.idx.msk [tilespmem:v52+s14+$0x0], $0xffff  }
0x104: {  	v32 =	vld.idx.msk [tilespmem:v56+s14+$0x0], $0xffff;
	v51 =	vor.u32 s1, v22;
	[tilespmem:v57+s21+$0x0] =	vst.idx.msk $0xffff, v34;
	v52 =	vor.u32 s16, v13  }
0x105: {  	v54 =	vor.u32 s2, v14;
	[tilespmem:v55+s21+$0x0] =	vst.idx.msk $0xffff, v33;
	v57 =	vor.u32 s12, v5;
	v56 =	vld.idx.msk [tilespmem:v62+s14+$0x0], $0xffff  }
0x106: {  	s24 =	simm.s32 $0x6;
	v55 =	vor.u32 s9, v21;
	[tilespmem:v61+s21+$0x0] =	vst.idx.msk $0xffff, v37;
	v61 =	vor.u32 s13, v6;
	v53 =	vld.idx.msk [tilespmem:v58+s14+$0x0], $0xffff  }
0x107: {  	s22 =	sand.u32 $0x2, s24;
	[tilespmem:v63+s21+$0x0] =	vst.idx.msk $0xffff, v39;
	v59 =	vld.idx.msk [tilespmem:v59+s14+$0x0], $0xffff  }
0x108: {  	s23 =	sor.u32 $0x1, s22;
	v58 =	vor.u32 s28, v22;
	v62 =	vor.u32 s10, v15;
	v50 =	vld.idx.msk [tilespmem:v48+s14+$0x0], $0xffff;
	[tilespmem:v60+s21+$0x0] =	vst.idx.msk $0xffff, v42  }
0x109: {  	s30 =	sshll.u32 s23, $0x4;
	s20 =	simm.s32 $0x400;
	v49 =	vor.u32 s18, v7;
	v63 =	vor.u32 s11, v16;
	[tilespmem:v52+s21+$0x0] =	vst.idx.msk $0xffff, v32;
	v33 =	vld.idx.msk [tilespmem:v51+s14+$0x0], $0xffff  }
0x10a: {  	s4 =	sor.u32 s20, s30;
	v52 =	vor.u32 s5, v8;
	[tilespmem:v57+s21+$0x0] =	vst.idx.msk $0xffff, v56;
	v51 =	vor.u32 s6, v23;
	v35 =	vld.idx.msk [tilespmem:v54+s14+$0x0], $0xffff  }
0x10b: {  	[tilespmem:v55+s21+$0x0] =	vst.idx.msk $0xffff, v53;
	v53 =	vor.u32 s16, v15;
	v40 =	vld.idx.msk [tilespmem:v61+s14+$0x0], $0xffff;
	v61 =	vor.u32 s4, v0  }
0x10c: {  	v60 =	vor.u32 s12, v7;
	v54 =	vor.u32 s1, v24  }
0x10d: {  	v55 =	vor.u32 s2, v16;
	[tilespmem:v62+s21+$0x0] =	vst.idx.msk $0xffff, v59;
	v62 =	vor.u32 s9, v23;
	v37 =	vld.idx.msk [tilespmem:v58+s14+$0x0], $0xffff  }
0x10e: {  	s7 =	sshll.u32 s23, $0xB;
	[tilespmem:v49+s21+$0x0] =	vst.idx.msk $0xffff, v50;
	v56 =	vor.u32 s13, v8;
	v57 =	vor.u32 s10, v17;
	v42 =	vld.idx.msk [tilespmem:v63+s14+$0x0], $0xffff  }
0x10f: {  	s7 =	sadd.s32 $0x10, s7;
	v59 =	vor.u32 s18, v9;
	v63 =	vor.u32 s11, v18;
	v32 =	vld.idx.msk [tilespmem:v52+s14+$0x0], $0xffff;
	[tilespmem:v51+s21+$0x0] =	vst.idx.msk $0xffff, v33  }
0x110: {  	s29 =	sshll.u32 s22, $0x4;
	v58 =	vor.u32 s28, v24;
	[tilespmem:v53+s21+$0x0] =	vst.idx.msk $0xffff, v35;
	v39 =	vld.idx.msk [tilespmem:v61+s14+$0x0], $0xffff;
	v61 =	vor.u32 s7, v1  }
0x111: {  	s20 =	sor.u32 s29, s20;
	v53 =	vor.u32 s5, v10;
	[tilespmem:v60+s21+$0x0] =	vst.idx.msk $0xffff, v40;
	v52 =	vld.idx.msk [tilespmem:v54+s14+$0x0], $0xffff;
	v54 =	vor.u32 s6, v25  }
0x112: {  	v60 =	vor.u32 s16, v17;
	[tilespmem:v62+s21+$0x0] =	vst.idx.msk $0xffff, v37;
	v38 =	vld.idx.msk [tilespmem:v55+s14+$0x0], $0xffff;
	v55 =	vor.u32 s20, v0  }
0x113: {  	[tilespmem:v57+s21+$0x0] =	vst.idx.msk $0xffff, v42;
	v57 =	vor.u32 s12, v9;
	v41 =	vld.idx.msk [tilespmem:v56+s14+$0x0], $0xffff;
	v56 =	vor.u32 s4, v2  }
0x114: {  	v49 =	vor.u32 s10, v19;
	v62 =	vor.u32 s1, v26;
	v34 =	vld.idx.msk [tilespmem:v63+s14+$0x0], $0xffff;
	[tilespmem:v59+s21+$0x0] =	vst.idx.msk $0xffff, v32  }
0x115: {  	s8 =	sshll.u32 s22, $0xB;
	v33 =	vld.idx.msk [tilespmem:v58+s14+$0x0], $0xffff;
	v58 =	vor.u32 s2, v18;
	v59 =	vor.u32 s9, v25;
	[tilespmem:v61+s21+$0x0] =	vst.idx.msk $0xffff, v39  }
0x116: {  	s8 =	sadd.s32 $0x10, s8;
	v50 =	vor.u32 s28, v26;
	v63 =	vld.idx.msk [tilespmem:v53+s14+$0x0], $0xffff;
	v53 =	vor.u32 s18, v11;
	[tilespmem:v54+s21+$0x0] =	vst.idx.msk $0xffff, v52  }
0x117: {  	v47 =	vld.idx.msk [tilespmem:v55+s14+$0x0], $0xffff;
	v52 =	vor.u32 s13, v10;
	[tilespmem:v60+s21+$0x0] =	vst.idx.msk $0xffff, v38;
	v54 =	vor.u32 s8, v1  }
0x118: {  	v55 =	vor.u32 s5, v12;
	v42 =	vld.idx.msk [tilespmem:v56+s14+$0x0], $0xffff;
	[tilespmem:v57+s21+$0x0] =	vst.idx.msk $0xffff, v41;
	v56 =	vor.u32 s7, v3  }
0x119: {  	v43 =	vor.u32 s11, v22;
	v57 =	vor.u32 s11, v20;
	[tilespmem:v49+s21+$0x0] =	vst.idx.msk $0xffff, v34;
	v60 =	vld.idx.msk [tilespmem:v62+s14+$0x0], $0xffff;
	v62 =	vor.u32 s6, v27  }
0x11a: {  	v44 =	vor.u32 s16, v21;
	v61 =	vor.u32 s20, v2;
	v32 =	vld.idx.msk [tilespmem:v58+s14+$0x0], $0xffff;
	[tilespmem:v59+s21+$0x0] =	vst.idx.msk $0xffff, v33;
	v59 =	vor.u32 s16, v19  }
0x11b: {  	v46 =	vor.u32 s9, v27;
	v45 =	vor.u32 s9, v29;
	v58 =	vor.u32 s4, v4;
	v34 =	vld.idx.msk [tilespmem:v50+s14+$0x0], $0xffff;
	[tilespmem:v53+s21+$0x0] =	vst.idx.msk $0xffff, v63  }
0x11c: {  	v63 =	vor.u32 s1, v28;
	v49 =	vld.idx.msk [tilespmem:v52+s14+$0x0], $0xffff;
	[tilespmem:v54+s21+$0x0] =	vst.idx.msk $0xffff, v47;
	v47 =	vor.u32 s12, v11  }
0x11d: {  	v51 =	vor.u32 s28, v28;
	v53 =	vor.u32 s18, v13;
	v50 =	vld.idx.msk [tilespmem:v55+s14+$0x0], $0xffff;
	[tilespmem:v56+s21+$0x0] =	vst.idx.msk $0xffff, v42  }
0x11e: {  	v52 =	vor.u32 s13, v12;
	v54 =	vld.idx.msk [tilespmem:v57+s14+$0x0], $0xffff;
	v55 =	vor.u32 s10, v21;
	[tilespmem:v62+s21+$0x0] =	vst.idx.msk $0xffff, v60  }
0x11f: {  	v40 =	vld.idx.msk [tilespmem:v61+s14+$0x0], $0xffff;
	v60 =	vor.u32 s8, v3;
	v61 =	vor.u32 s2, v20;
	[tilespmem:v59+s21+$0x0] =	vst.idx.msk $0xffff, v32  }
0x120: {  	v36 =	vor.u32 s5, v16;
	v56 =	vor.u32 s7, v5;
	v57 =	vor.u32 s5, v14;
	v33 =	vld.idx.msk [tilespmem:v58+s14+$0x0], $0xffff;
	[tilespmem:v46+s21+$0x0] =	vst.idx.msk $0xffff, v34  }
0x121: {  	v48 =	vor.u32 s18, v15;
	v62 =	vor.u32 s20, v4;
	v58 =	vld.idx.msk [tilespmem:v63+s14+$0x0], $0xffff;
	[tilespmem:v47+s21+$0x0] =	vst.idx.msk $0xffff, v49  }
0x122: {  	v59 =	vor.u32 s6, v29;
	v63 =	vor.u32 s4, v6;
	v41 =	vld.idx.msk [tilespmem:v51+s14+$0x0], $0xffff;
	[tilespmem:v53+s21+$0x0] =	vst.idx.msk $0xffff, v50  }
0x123: {  	v35 =	vor.u32 s28, v30;
	v37 =	vor.u32 s4, v16;
	[tilespmem:v55+s21+$0x0] =	vst.idx.msk $0xffff, v54;
	v47 =	vld.idx.msk [tilespmem:v52+s14+$0x0], $0xffff  }
0x124: {  	v42 =	vor.u32 s1, v30;
	v49 =	vor.u32 s12, v13;
	[tilespmem:v60+s21+$0x0] =	vst.idx.msk $0xffff, v40;
	v40 =	vld.idx.msk [tilespmem:v61+s14+$0x0], $0xffff  }
0x125: {  	s31 =	sshll.u32 s0, $0xB;
	v39 =	vor.u32 s2, v22;
	v50 =	vor.u32 s13, v14;
	[tilespmem:v56+s21+$0x0] =	vst.idx.msk $0xffff, v33;
	v46 =	vld.idx.msk [tilespmem:v57+s14+$0x0], $0xffff  }
0x126: {  	v38 =	vor.u32 s7, v7;
	v32 =	vor.u32 s13, v30;
	v53 =	vor.u32 s8, v5;
	v51 =	vld.idx.msk [tilespmem:v62+s14+$0x0], $0xffff;
	[dreg:$0xb] =	wrdreg s31  }
0x127: {  	v34 =	vor.u32 s2, v30;
	v54 =	vor.u32 s20, v6;
	v33 =	vor.u32 s20, v30;
	v52 =	vld.idx.msk [tilespmem:v63+s14+$0x0], $0xffff;
	[tilespmem:v59+s21+$0x0] =	vst.idx.msk $0xffff, v58  }
.LBB2_3:
0x128: {  	s24 =	sadd.s32 $0x2, s24;
	v43 =	vld.idx.msk [tilespmem:v43+s14+$0x0], $0xffff;
	[tilespmem:v45+s21+$0x0] =	vst.idx.msk $0xffff, v41;
	v41 =	vor.u32 s10, v23;
	v45 =	vor.u32 s6, v31  }
0x129: {  	v56 =	vor.u32 s20, v8;
	s28 =	sshrl.u32 s24, $0x2;
	s29 =	sand.u32 $0x2, s24;
	p1 =	slt.u32 s24, $0x1E;
	[tilespmem:v49+s21+$0x0] =	vst.idx.msk $0xffff, v47;
	v42 =	vld.idx.msk [tilespmem:v42+s14+$0x0], $0xffff;
	v47 =	vor.u32 s4, v8  }
0x12a: {  	s6 =	sshll.u32 s29, $0xB;
	s31 =	sshll.u32 s28, $0x4;
	s22 =	sor.u32 $0x1, s29;
	v49 =	vld.idx.msk [tilespmem:v50+s14+$0x0], $0xffff;
	[tilespmem:v44+s21+$0x0] =	vst.idx.msk $0xffff, v40;
	v40 =	vor.u32 s9, v31;
	v44 =	vor.u32 s12, v15  }
0x12b: {  	s9 =	sshll.u32 s28, $0xA;
	s28 =	sshll.u32 s29, $0x4;
	v50 =	vor.u32 s11, v24;
	s29 =	sshll.u32 s22, $0x4;
	[tilespmem:v53+s21+$0x0] =	vst.idx.msk $0xffff, v51;
	v39 =	vld.idx.msk [tilespmem:v39+s14+$0x0], $0xffff;
	v53 =	vor.u32 s8, v7  }
0x12c: {  	s30 =	sor.u32 s28, s9;
	s28 =	sor.u32 s9, s29;
	s9 =	sshll.u32 s22, $0xB;
	v51 =	vld.idx.msk [tilespmem:v54+s14+$0x0], $0xffff;
	v54 =	vor.u32 s13, v16;
	[tilespmem:v48+s21+$0x0] =	vst.idx.msk $0xffff, v46;
	v46 =	vor.u32 s16, v23  }
0x12d: {  	s6 =	sadd.s32 s31, s6;
	v48 =	vor.u32 s30, v0;
	s22 =	sadd.s32 s31, s9;
	v55 =	vor.u32 s28, v0;
	[tilespmem:v38+s21+$0x0] =	vst.idx.msk $0xffff, v52;
	v52 =	vld.idx.msk [tilespmem:v36+s14+$0x0], $0xffff;
	v36 =	vmovc v37;
	v37 =	vor.u32 s28, v16;
	s9 =	smov.u32 s16  }
0x12e: {  	v57 =	vor.u32 s18, v17;
	s16 =	smov.u32 s12;
	s12 =	smov.u32 s8;
	s8 =	smov.u32 s6;
	v38 =	vor.u32 s22, v7;
	[tilespmem:v41+s21+$0x0] =	vst.idx.msk $0xffff, v43;
	v41 =	vld.idx.msk [tilespmem:v35+s14+$0x0], $0xffff;
	v35 =	vmov v34  }
0x12f: {  	s6 =	smov.u32 s10;
	s10 =	smov.u32 s18;
	s18 =	smov.u32 s7;
	v34 =	vmovc v32;
	v32 =	vmov v33;
	v33 =	vor.u32 s30, v30;
	v43 =	vld.idx.msk [tilespmem:v47+s14+$0x0], $0xffff;
	v47 =	vor.u32 s2, v24;
	[tilespmem:v45+s21+$0x0] =	vst.idx.msk $0xffff, v42  }
0x130: {  	s7 =	smov.u32 s22;
	v42 =	vor.u32 s18, v9;
	[tilespmem:v44+s21+$0x0] =	vst.idx.msk $0xffff, v49;
	v44 =	vor.u32 s5, v18;
	v45 =	vld.idx.msk [tilespmem:v50+s14+$0x0], $0xffff  }
0x131: {  	v49 =	vor.u32 s4, v10;
	v50 =	vld.idx.msk [tilespmem:v54+s14+$0x0], $0xffff;
	[tilespmem:v46+s21+$0x0] =	vst.idx.msk $0xffff, v39;
	v39 =	vor.u32 s6, v25  }
0x132: {  	v46 =	vld.idx.msk [tilespmem:v55+s14+$0x0], $0xffff;
	[tilespmem:v53+s21+$0x0] =	vst.idx.msk $0xffff, v51;
	v51 =	vor.u32 s16, v17  }
0x133: {  	v53 =	vor.u32 s7, v1;
	v54 =	vld.idx.msk [tilespmem:v56+s14+$0x0], $0xffff;
	[tilespmem:v57+s21+$0x0] =	vst.idx.msk $0xffff, v52;
	v52 =	vor.u32 s11, v26  }
0x134: {  	v55 =	vor.u32 s28, v2;
	v56 =	vor.u32 s12, v9;
	v47 =	vld.idx.msk [tilespmem:v47+s14+$0x0], $0xffff;
	[tilespmem:v40+s21+$0x0] =	vst.idx.msk $0xffff, v41  }
0x135: {  	v40 =	vor.u32 s13, v18;
	[tilespmem:v42+s21+$0x0] =	vst.idx.msk $0xffff, v43;
	v41 =	vld.idx.msk [tilespmem:v44+s14+$0x0], $0xffff;
	v42 =	vor.u32 s9, v25  }
0x136: {  	v44 =	vor.u32 s10, v19;
	v43 =	vld.idx.msk [tilespmem:v49+s14+$0x0], $0xffff;
	v49 =	vor.u32 s2, v26;
	[tilespmem:v39+s21+$0x0] =	vst.idx.msk $0xffff, v45  }
0x137: {  	v45 =	vor.u32 s20, v10;
	v39 =	vld.idx.msk [tilespmem:v48+s14+$0x0], $0xffff;
	v48 =	vor.u32 s18, v11;
	[tilespmem:v51+s21+$0x0] =	vst.idx.msk $0xffff, v50  }
0x138: {  	v50 =	vor.u32 s8, v1;
	[tilespmem:v53+s21+$0x0] =	vst.idx.msk $0xffff, v46;
	v46 =	vor.u32 s4, v12;
	v51 =	vld.idx.msk [tilespmem:v52+s14+$0x0], $0xffff  }
0x139: {  	v52 =	vor.u32 s30, v2;
	v53 =	vld.idx.msk [tilespmem:v55+s14+$0x0], $0xffff;
	[tilespmem:v56+s21+$0x0] =	vst.idx.msk $0xffff, v54;
	v54 =	vor.u32 s6, v27  }
0x13a: {  	v55 =	vor.u32 s7, v3;
	v56 =	vor.u32 s5, v20;
	v40 =	vld.idx.msk [tilespmem:v40+s14+$0x0], $0xffff;
	[tilespmem:v42+s21+$0x0] =	vst.idx.msk $0xffff, v47  }
0x13b: {  	v42 =	vor.u32 s28, v4;
	v47 =	vor.u32 s16, v19;
	[tilespmem:v44+s21+$0x0] =	vst.idx.msk $0xffff, v41;
	v41 =	vld.idx.msk [tilespmem:v49+s14+$0x0], $0xffff  }
0x13c: {  	v44 =	vld.idx.msk [tilespmem:v45+s14+$0x0], $0xffff;
	[tilespmem:v48+s21+$0x0] =	vst.idx.msk $0xffff, v43;
	v43 =	vor.u32 s9, v27;
	v45 =	vor.u32 s11, v28  }
0x13d: {  	v48 =	vor.u32 s2, v28;
	s2 =	smov.u32 s13;
	s13 =	smov.u32 s20;
	s20 =	smov.u32 s30;
	[tilespmem:v50+s21+$0x0] =	vst.idx.msk $0xffff, v39;
	v39 =	vor.u32 s12, v11;
	v46 =	vld.idx.msk [tilespmem:v46+s14+$0x0], $0xffff  }
0x13e: {  	v50 =	vor.u32 s13, v12;
	v49 =	vld.idx.msk [tilespmem:v52+s14+$0x0], $0xffff;
	v52 =	vor.u32 s18, v13;
	[tilespmem:v54+s21+$0x0] =	vst.idx.msk $0xffff, v51  }
0x13f: {  	v51 =	vor.u32 s8, v3;
	[tilespmem:v55+s21+$0x0] =	vst.idx.msk $0xffff, v53;
	v53 =	vor.u32 s2, v20;
	v54 =	vld.idx.msk [tilespmem:v56+s14+$0x0], $0xffff  }
0x140: {  	v57 =	vor.u32 s10, v21;
	v55 =	vor.u32 s20, v4;
	v56 =	vld.idx.msk [tilespmem:v42+s14+$0x0], $0xffff;
	[tilespmem:v47+s21+$0x0] =	vst.idx.msk $0xffff, v40  }
0x141: {  	v59 =	vor.u32 s4, v14;
	v58 =	vor.u32 s7, v5;
	[tilespmem:v43+s21+$0x0] =	vst.idx.msk $0xffff, v41;
	v60 =	vld.idx.msk [tilespmem:v45+s14+$0x0], $0xffff  }
0x142: {  	v61 =	vor.u32 s28, v6;
	v62 =	vor.u32 s6, v29;
	[tilespmem:v39+s21+$0x0] =	vst.idx.msk $0xffff, v44;
	v41 =	vld.idx.msk [tilespmem:v48+s14+$0x0], $0xffff  }
.Ltmp2:
0x143: {  	v43 =	vor.u32 s5, v22;
	v45 =	vor.u32 s9, v29;
	v47 =	vld.idx.msk [tilespmem:v50+s14+$0x0], $0xffff;
	[tilespmem:v52+s21+$0x0] =	vst.idx.msk $0xffff, v46;
	(pc) =	sbr.rel @p1 .LBB2_3-.Ltmp2, $4  }
0x144: {  	v42 =	vor.u32 s11, v30;
	s11 =	smov.u32 s5;
	s5 =	smov.u32 s4;
	s4 =	smov.u32 s28;
	[tilespmem:v51+s21+$0x0] =	vst.idx.msk $0xffff, v49;
	v49 =	vor.u32 s12, v13;
	v40 =	vld.idx.msk [tilespmem:v53+s14+$0x0], $0xffff  }
0x145: {  	v44 =	vor.u32 s16, v21;
	v50 =	vor.u32 s13, v14;
	v51 =	vld.idx.msk [tilespmem:v55+s14+$0x0], $0xffff;
	[tilespmem:v57+s21+$0x0] =	vst.idx.msk $0xffff, v54  }
0x146: {  	v39 =	vor.u32 s2, v22;
	v53 =	vor.u32 s8, v5;
	[tilespmem:v58+s21+$0x0] =	vst.idx.msk $0xffff, v56;
	v46 =	vld.idx.msk [tilespmem:v59+s14+$0x0], $0xffff  }
0x147: {  	v48 =	vor.u32 s18, v15;
	v54 =	vor.u32 s20, v6;
	v52 =	vld.idx.msk [tilespmem:v61+s14+$0x0], $0xffff;
	[tilespmem:v62+s21+$0x0] =	vst.idx.msk $0xffff, v60  }
0x148: {  	_ =	sdelay $0x3  }
0x149: {  	[tilespmem:v53+s21+$0x0] =	vst.idx.msk $0xffff, v51  }
0x14a: {  	v57 =	vor.u32 s4, v8;
	v58 =	vor.u32 s8, v7;
	v53 =	vld.idx.msk [tilespmem:v54+s14+$0x0], $0xffff  }
0x14b: {  	v55 =	vor.u32 s20, v8;
	_ =	sdelay $0x2  }
0x14c: {  	[tilespmem:v38+s21+$0x0] =	vst.idx.msk $0xffff, v52  }
0x14d: {  	v59 =	vor.u32 s7, v9;
	v38 =	vld.idx.msk [tilespmem:v57+s14+$0x0], $0xffff;
	[tilespmem:v58+s21+$0x0] =	vst.idx.msk $0xffff, v53  }
0x14e: {  	v60 =	vor.u32 s4, v10;
	v61 =	vor.u32 s8, v9;
	v53 =	vld.idx.msk [tilespmem:v55+s14+$0x0], $0xffff  }
0x14f: {  	v62 =	vor.u32 s20, v10;
	_ =	sdelay $0x2  }
0x150: {  	[tilespmem:v59+s21+$0x0] =	vst.idx.msk $0xffff, v38  }
0x151: {  	v63 =	vor.u32 s7, v11;
	v38 =	vld.idx.msk [tilespmem:v60+s14+$0x0], $0xffff;
	[tilespmem:v61+s21+$0x0] =	vst.idx.msk $0xffff, v53  }
0x152: {  	v57 =	vor.u32 s4, v12;
	v58 =	vor.u32 s8, v11;
	v53 =	vld.idx.msk [tilespmem:v62+s14+$0x0], $0xffff  }
0x153: {  	v59 =	vor.u32 s20, v12;
	_ =	sdelay $0x2  }
0x154: {  	[tilespmem:v63+s21+$0x0] =	vst.idx.msk $0xffff, v38  }
0x155: {  	v60 =	vor.u32 s7, v13;
	v38 =	vld.idx.msk [tilespmem:v57+s14+$0x0], $0xffff;
	[tilespmem:v58+s21+$0x0] =	vst.idx.msk $0xffff, v53  }
0x156: {  	v61 =	vor.u32 s4, v14;
	v62 =	vor.u32 s8, v13;
	v53 =	vld.idx.msk [tilespmem:v59+s14+$0x0], $0xffff  }
0x157: {  	v63 =	vor.u32 s20, v14;
	_ =	sdelay $0x1  }
0x158: {  	[tilespmem:v49+s21+$0x0] =	vst.idx.msk $0xffff, v47  }
0x159: {  	v47 =	vld.idx.msk [tilespmem:v50+s14+$0x0], $0xffff;
	v57 =	vor.u32 s12, v15;
	[tilespmem:v60+s21+$0x0] =	vst.idx.msk $0xffff, v38  }
0x15a: {  	v58 =	vor.u32 s13, v16;
	v60 =	vor.u32 s7, v15;
	v59 =	vld.idx.msk [tilespmem:v61+s14+$0x0], $0xffff;
	[tilespmem:v62+s21+$0x0] =	vst.idx.msk $0xffff, v53  }
0x15b: {  	v62 =	vor.u32 s8, v15;
	v61 =	vld.idx.msk [tilespmem:v63+s14+$0x0], $0xffff  }
0x15c: {  	v63 =	vor.u32 s20, v16  }
0x15d: {  	[tilespmem:v48+s21+$0x0] =	vst.idx.msk $0xffff, v46  }
0x15e: {  	v46 =	vor.u32 s18, v17;
	v36 =	vld.idx.msk [tilespmem:v36+s14+$0x0], $0xffff;
	[tilespmem:v57+s21+$0x0] =	vst.idx.msk $0xffff, v47  }
0x15f: {  	v57 =	vor.u32 s5, v18;
	v38 =	vld.idx.msk [tilespmem:v58+s14+$0x0], $0xffff;
	v58 =	vor.u32 s12, v17;
	[tilespmem:v60+s21+$0x0] =	vst.idx.msk $0xffff, v59  }
0x160: {  	v59 =	vor.u32 s13, v18;
	v60 =	vor.u32 s7, v17;
	v37 =	vld.idx.msk [tilespmem:v37+s14+$0x0], $0xffff;
	[tilespmem:v62+s21+$0x0] =	vst.idx.msk $0xffff, v61  }
0x161: {  	v61 =	vor.u32 s4, v18;
	v62 =	vor.u32 s8, v17;
	v52 =	vld.idx.msk [tilespmem:v63+s14+$0x0], $0xffff  }
0x162: {  	v63 =	vor.u32 s20, v18  }
0x163: {  	[tilespmem:v46+s21+$0x0] =	vst.idx.msk $0xffff, v36  }
0x164: {  	v46 =	vor.u32 s18, v19;
	v36 =	vld.idx.msk [tilespmem:v57+s14+$0x0], $0xffff;
	[tilespmem:v58+s21+$0x0] =	vst.idx.msk $0xffff, v38  }
0x165: {  	v57 =	vor.u32 s5, v20;
	v58 =	vor.u32 s12, v19;
	v38 =	vld.idx.msk [tilespmem:v59+s14+$0x0], $0xffff;
	[tilespmem:v60+s21+$0x0] =	vst.idx.msk $0xffff, v37  }
0x166: {  	v59 =	vor.u32 s13, v20;
	v60 =	vor.u32 s7, v19;
	v49 =	vld.idx.msk [tilespmem:v61+s14+$0x0], $0xffff;
	[tilespmem:v62+s21+$0x0] =	vst.idx.msk $0xffff, v52  }
0x167: {  	[tilespmem:v45+s21+$0x0] =	vst.idx.msk $0xffff, v41;
	v61 =	vor.u32 s4, v20;
	v62 =	vor.u32 s8, v19;
	v41 =	vld.idx.msk [tilespmem:v63+s14+$0x0], $0xffff  }
0x168: {  	v42 =	vld.idx.msk [tilespmem:v42+s14+$0x0], $0xffff;
	v56 =	vor.u32 s6, v31;
	[tilespmem:v44+s21+$0x0] =	vst.idx.msk $0xffff, v40;
	v55 =	vor.u32 s20, v20  }
0x169: {  	v43 =	vld.idx.msk [tilespmem:v43+s14+$0x0], $0xffff;
	[tilespmem:v46+s21+$0x0] =	vst.idx.msk $0xffff, v36;
	v63 =	vor.u32 s10, v23  }
0x16a: {  	v36 =	vld.idx.msk [tilespmem:v57+s14+$0x0], $0xffff;
	v57 =	vor.u32 s18, v21;
	[tilespmem:v58+s21+$0x0] =	vst.idx.msk $0xffff, v38  }
0x16b: {  	v58 =	vor.u32 s5, v22;
	v37 =	vld.idx.msk [tilespmem:v59+s14+$0x0], $0xffff;
	v59 =	vor.u32 s12, v21;
	[tilespmem:v60+s21+$0x0] =	vst.idx.msk $0xffff, v49  }
0x16c: {  	v60 =	vor.u32 s13, v22;
	v45 =	vld.idx.msk [tilespmem:v61+s14+$0x0], $0xffff;
	v61 =	vor.u32 s7, v21;
	[tilespmem:v62+s21+$0x0] =	vst.idx.msk $0xffff, v41  }
0x16d: {  	[tilespmem:v56+s21+$0x0] =	vst.idx.msk $0xffff, v42;
	v49 =	vor.u32 s8, v21;
	v62 =	vor.u32 s4, v22;
	v40 =	vld.idx.msk [tilespmem:v55+s14+$0x0], $0xffff  }
0x16e: {  	v39 =	vld.idx.msk [tilespmem:v39+s14+$0x0], $0xffff;
	v54 =	vor.u32 s20, v22;
	[tilespmem:v63+s21+$0x0] =	vst.idx.msk $0xffff, v43;
	v63 =	vor.u32 s16, v23  }
0x16f: {  	v35 =	vld.idx.msk [tilespmem:v35+s14+$0x0], $0xffff;
	v56 =	vor.u32 s11, v24;
	[tilespmem:v57+s21+$0x0] =	vst.idx.msk $0xffff, v36;
	v55 =	vor.u32 s9, v31  }
0x170: {  	v57 =	vor.u32 s2, v24;
	v38 =	vld.idx.msk [tilespmem:v58+s14+$0x0], $0xffff;
	v58 =	vor.u32 s18, v23;
	[tilespmem:v59+s21+$0x0] =	vst.idx.msk $0xffff, v37  }
0x171: {  	v59 =	vor.u32 s5, v24;
	v37 =	vld.idx.msk [tilespmem:v60+s14+$0x0], $0xffff;
	v60 =	vor.u32 s12, v23;
	[tilespmem:v61+s21+$0x0] =	vst.idx.msk $0xffff, v45  }
0x172: {  	v61 =	vor.u32 s13, v24;
	v43 =	vld.idx.msk [tilespmem:v62+s14+$0x0], $0xffff;
	v62 =	vor.u32 s7, v23;
	[tilespmem:v49+s21+$0x0] =	vst.idx.msk $0xffff, v40  }
0x173: {  	[tilespmem:v63+s21+$0x0] =	vst.idx.msk $0xffff, v39;
	v63 =	vor.u32 s8, v23;
	v40 =	vor.u32 s4, v24;
	v39 =	vld.idx.msk [tilespmem:v54+s14+$0x0], $0xffff  }
0x174: {  	v49 =	vld.idx.msk [tilespmem:v56+s14+$0x0], $0xffff;
	[tilespmem:v55+s21+$0x0] =	vst.idx.msk $0xffff, v35;
	v55 =	vor.u32 s20, v24;
	v54 =	vor.u32 s10, v25  }
0x175: {  	[tilespmem:v58+s21+$0x0] =	vst.idx.msk $0xffff, v38;
	v56 =	vor.u32 s11, v26;
	v36 =	vld.idx.msk [tilespmem:v57+s14+$0x0], $0xffff;
	v57 =	vor.u32 s16, v25  }
0x176: {  	v58 =	vor.u32 s2, v26;
	v46 =	vld.idx.msk [tilespmem:v59+s14+$0x0], $0xffff;
	v59 =	vor.u32 s18, v25;
	[tilespmem:v60+s21+$0x0] =	vst.idx.msk $0xffff, v37  }
0x177: {  	v60 =	vor.u32 s5, v26;
	v41 =	vld.idx.msk [tilespmem:v61+s14+$0x0], $0xffff;
	v61 =	vor.u32 s12, v25;
	[tilespmem:v62+s21+$0x0] =	vst.idx.msk $0xffff, v43  }
0x178: {  	v62 =	vor.u32 s13, v26;
	v40 =	vld.idx.msk [tilespmem:v40+s14+$0x0], $0xffff;
	[tilespmem:v63+s21+$0x0] =	vst.idx.msk $0xffff, v39;
	v63 =	vor.u32 s7, v25  }
0x179: {  	v42 =	vor.u32 s4, v26;
	[tilespmem:v54+s21+$0x0] =	vst.idx.msk $0xffff, v49;
	v54 =	vor.u32 s8, v25;
	v35 =	vld.idx.msk [tilespmem:v55+s14+$0x0], $0xffff  }
0x17a: {  	[tilespmem:v57+s21+$0x0] =	vst.idx.msk $0xffff, v36;
	v44 =	vld.idx.msk [tilespmem:v56+s14+$0x0], $0xffff;
	v55 =	vor.u32 s10, v27;
	v56 =	vor.u32 s20, v26  }
0x17b: {  	[tilespmem:v59+s21+$0x0] =	vst.idx.msk $0xffff, v46;
	v57 =	vor.u32 s16, v27;
	v38 =	vld.idx.msk [tilespmem:v58+s14+$0x0], $0xffff;
	v58 =	vor.u32 s11, v28  }
0x17c: {  	v59 =	vor.u32 s2, v28;
	v46 =	vld.idx.msk [tilespmem:v60+s14+$0x0], $0xffff;
	v60 =	vor.u32 s18, v27;
	[tilespmem:v61+s21+$0x0] =	vst.idx.msk $0xffff, v41  }
0x17d: {  	v61 =	vor.u32 s12, v27;
	v41 =	vld.idx.msk [tilespmem:v62+s14+$0x0], $0xffff;
	v62 =	vor.u32 s5, v28;
	[tilespmem:v63+s21+$0x0] =	vst.idx.msk $0xffff, v40  }
0x17e: {  	v63 =	vor.u32 s13, v28;
	v40 =	vld.idx.msk [tilespmem:v42+s14+$0x0], $0xffff;
	v42 =	vor.u32 s7, v27;
	[tilespmem:v54+s21+$0x0] =	vst.idx.msk $0xffff, v35  }
0x17f: {  	v36 =	vor.u32 s8, v27;
	[tilespmem:v55+s21+$0x0] =	vst.idx.msk $0xffff, v44;
	v54 =	vor.u32 s4, v28;
	v35 =	vld.idx.msk [tilespmem:v56+s14+$0x0], $0xffff  }
0x180: {  	[tilespmem:v57+s21+$0x0] =	vst.idx.msk $0xffff, v38;
	v57 =	vor.u32 s20, v28;
	v55 =	vld.idx.msk [tilespmem:v58+s14+$0x0], $0xffff;
	v56 =	vor.u32 s10, v29  }
0x181: {  	v37 =	vld.idx.msk [tilespmem:v59+s14+$0x0], $0xffff;
	v59 =	vor.u32 s11, v30;
	[tilespmem:v60+s21+$0x0] =	vst.idx.msk $0xffff, v46;
	v58 =	vor.u32 s16, v29  }
0x182: {  	[tilespmem:v61+s21+$0x0] =	vst.idx.msk $0xffff, v41;
	v60 =	vld.idx.msk [tilespmem:v62+s14+$0x0], $0xffff;
	v61 =	vor.u32 s18, v29  }
0x183: {  	v62 =	vor.u32 s12, v29;
	v39 =	vld.idx.msk [tilespmem:v63+s14+$0x0], $0xffff;
	v63 =	vor.u32 s5, v30;
	[tilespmem:v42+s21+$0x0] =	vst.idx.msk $0xffff, v40  }
0x184: {  	v52 =	vor.u32 s7, v29;
	[tilespmem:v36+s21+$0x0] =	vst.idx.msk $0xffff, v35;
	v48 =	vld.idx.msk [tilespmem:v54+s14+$0x0], $0xffff  }
0x185: {  	[tilespmem:v56+s21+$0x0] =	vst.idx.msk $0xffff, v55;
	v54 =	vor.u32 s8, v29;
	v55 =	vor.u32 s4, v30;
	v53 =	vld.idx.msk [tilespmem:v57+s14+$0x0], $0xffff  }
0x186: {  	[tilespmem:v58+s21+$0x0] =	vst.idx.msk $0xffff, v37;
	v56 =	vld.idx.msk [tilespmem:v59+s14+$0x0], $0xffff;
	v57 =	vor.u32 s10, v31  }
0x187: {  	v58 =	vor.u32 s16, v31;
	v34 =	vld.idx.msk [tilespmem:v34+s14+$0x0], $0xffff;
	[tilespmem:v61+s21+$0x0] =	vst.idx.msk $0xffff, v60  }
0x188: {  	v60 =	vor.u32 s18, v31;
	[tilespmem:v62+s21+$0x0] =	vst.idx.msk $0xffff, v39;
	v59 =	vld.idx.msk [tilespmem:v63+s14+$0x0], $0xffff  }
0x189: {  	v61 =	vor.u32 s12, v31;
	v32 =	vld.idx.msk [tilespmem:v32+s14+$0x0], $0xffff;
	[tilespmem:v52+s21+$0x0] =	vst.idx.msk $0xffff, v48  }
0x18a: {  	v62 =	vor.u32 s7, v31;
	[tilespmem:v54+s21+$0x0] =	vst.idx.msk $0xffff, v53;
	v35 =	vld.idx.msk [tilespmem:v55+s14+$0x0], $0xffff  }
0x18b: {  	v63 =	vor.u32 s8, v31;
	[tilespmem:v57+s21+$0x0] =	vst.idx.msk $0xffff, v56;
	v33 =	vld.idx.msk [tilespmem:v33+s14+$0x0], $0xffff  }
0x18c: {  	[tilespmem:v58+s21+$0x0] =	vst.idx.msk $0xffff, v34  }
0x18d: {  	[tilespmem:v60+s21+$0x0] =	vst.idx.msk $0xffff, v59  }
0x18e: {  	p1 =	sne.s32 s0, $0x31;
	[tilespmem:v61+s21+$0x0] =	vst.idx.msk $0xffff, v32  }
.Ltmp3:
0x18f: {  	[tilespmem:v62+s21+$0x0] =	vst.idx.msk $0xffff, v35;
	(pc) =	sbr.rel @p1 .LBB2_6-.Ltmp3, $4  }
0x190: {  	[tilespmem:v63+s21+$0x0] =	vst.idx.msk $0xffff, v33  }
0x191: {  	s10 =	sshll.u32 s0, $0x11;
	s31 =	rddreg [dreg:$0x4]  }
0x192: {  	s1 =	simm.s32 $0x20000;
	s2 =	sadd.s32 s10, s31  }
0x193: {  	[hbm4b:s2+s25] =	stream.strided.scatter [tilespmem:s21], [sflag:$0x5], $0x2000, s1, s25, $0x38;
	[tilespmem:$0x12400] =	vst v63  }
.Ltmp4:
0x194: {  	(pc) =	sbr.rel .LBB2_7-.Ltmp4, $4  }
0x195: {  	s1 =	simm.s32 $0x2  }
0x196: {  	_ =	swait.ge [sflag:s1], $0x2000  }
0x197: {  	[sflag:s1] =	ssyncset.done $0x0  }
0x198: {  	[sflag:s1] =	ssyncadd.s32 $0xFFFFE000  }
.LBB2_6:
0x199: {  	s1 =	rddreg [dreg:$0xb]  }
0x19a: {  	s3 =	rddreg [dreg:$0x3];
	s4 =	simm.s32 $0x80;
	s2 =	sshrl.u32 s1, $0x2  }
.Ltmp5:
0x19b: {  	s31 =	simm.s32 $0x2;
	s2 =	sadd.s32 $0x200, s2;
	(pc) =	sbr.rel @p0 .LBB2_8-.Ltmp5, $4  }
0x19c: {  	[tilespmem:s14], [sflag:$0x1] =	stream.indirect.gather [hbm4b:s3+s4], $0x40, s2, s4, $0xb8;
	[tilespmem:$0x12400] =	vst v63  }
0x19d: {  	_ =	swait.ge [sflag:s31], $0x2000  }
0x19e: {  	[sflag:s31] =	ssyncset.done $0x0  }
0x19f: {  	[sflag:s31] =	ssyncadd.s32 $0xFFFFE000  }
.LBB2_7:
0x1a0: {  	s1 =	simm.s32 $0x6  }
0x1a1: {  	_ =	swait.ge [sflag:s1], $0x2000  }
0x1a2: {  	[sflag:s1] =	ssyncset.done $0x0  }
0x1a3: {  	[sflag:s1] =	ssyncadd.s32 $0xFFFFE000  }
.LBB2_8:
0x1a4: {  	s2 =	simm.s32 $0x0  }
0x1a5: {  	s2 =	sand.u32 $0x2, s2  }
0x1a6: {  	s4 =	sor.u32 $0x1, s2  }
0x1a7: {  	s5 =	simm.s32 $0x0;
	s6 =	sshll.u32 s4, $0x4  }
0x1a8: {  	s28 =	sor.u32 s5, s6  }
0x1a9: {  	v32 =	vor.u32 s28, v0  }
0x1aa: {  	s13 =	sshll.u32 s2, $0x4  }
0x1ab: {  	s30 =	sor.u32 s13, s5  }
0x1ac: {  	s4 =	sshll.u32 s4, $0xB;
	v33 =	vor.u32 s30, v0  }
0x1ad: {  	s6 =	sadd.s32 $0x0, s4  }
0x1ae: {  	v34 =	vor.u32 s6, v1;
	v32 =	vld.idx.msk [tilespmem:v32+s15+$0x0], $0xffff  }
0x1af: {  	s2 =	sshll.u32 s2, $0xB;
	v35 =	vor.u32 s28, v2  }
0x1b0: {  	s12 =	sadd.s32 $0x0, s2  }
0x1b1: {  	v36 =	vor.u32 s12, v1;
	v33 =	vld.idx.msk [tilespmem:v33+s15+$0x0], $0xffff  }
0x1b2: {  	v37 =	vor.u32 s30, v2  }
0x1b3: {  	[tilespmem:v34+s26+$0x0] =	vst.idx.msk $0xffff, v32  }
0x1b4: {  	v40 =	vor.u32 s6, v3;
	v32 =	vld.idx.msk [tilespmem:v35+s15+$0x0], $0xffff  }
0x1b5: {  	v41 =	vor.u32 s28, v4  }
0x1b6: {  	[tilespmem:v36+s26+$0x0] =	vst.idx.msk $0xffff, v33  }
0x1b7: {  	v42 =	vor.u32 s12, v3;
	v33 =	vld.idx.msk [tilespmem:v37+s15+$0x0], $0xffff  }
0x1b8: {  	v43 =	vor.u32 s30, v4  }
0x1b9: {  	[tilespmem:v40+s26+$0x0] =	vst.idx.msk $0xffff, v32  }
0x1ba: {  	s16 =	simm.s32 $0x2;
	v44 =	vor.u32 s6, v5;
	v32 =	vld.idx.msk [tilespmem:v41+s15+$0x0], $0xffff  }
0x1bb: {  	s18 =	sand.u32 $0x2, s16;
	v45 =	vor.u32 s28, v6  }
0x1bc: {  	s20 =	sor.u32 $0x1, s18;
	[tilespmem:v42+s26+$0x0] =	vst.idx.msk $0xffff, v33  }
0x1bd: {  	s22 =	simm.s32 $0x0;
	s7 =	sshll.u32 s20, $0x4;
	v46 =	vor.u32 s12, v5;
	v33 =	vld.idx.msk [tilespmem:v43+s15+$0x0], $0xffff  }
0x1be: {  	v47 =	vor.u32 s30, v6;
	s16 =	sor.u32 s22, s7  }
0x1bf: {  	v48 =	vor.u32 s16, v0;
	[tilespmem:v44+s26+$0x0] =	vst.idx.msk $0xffff, v32  }
0x1c0: {  	s23 =	sshll.u32 s18, $0x4;
	v49 =	vor.u32 s6, v7;
	v35 =	vld.idx.msk [tilespmem:v45+s15+$0x0], $0xffff  }
0x1c1: {  	s2 =	sor.u32 s23, s22;
	v38 =	vor.u32 s28, v8  }
0x1c2: {  	s5 =	sshll.u32 s20, $0xB;
	v51 =	vor.u32 s2, v0;
	[tilespmem:v46+s26+$0x0] =	vst.idx.msk $0xffff, v33  }
0x1c3: {  	v50 =	vor.u32 s12, v7;
	s11 =	sadd.s32 $0x0, s5;
	v33 =	vld.idx.msk [tilespmem:v47+s15+$0x0], $0xffff  }
0x1c4: {  	v39 =	vor.u32 s30, v8;
	v40 =	vor.u32 s11, v1;
	v32 =	vld.idx.msk [tilespmem:v48+s15+$0x0], $0xffff  }
0x1c5: {  	s4 =	sshll.u32 s18, $0xB;
	v52 =	vor.u32 s16, v2;
	[tilespmem:v49+s26+$0x0] =	vst.idx.msk $0xffff, v35  }
0x1c6: {  	s18 =	sadd.s32 $0x0, s4;
	v53 =	vor.u32 s6, v9;
	v35 =	vld.idx.msk [tilespmem:v38+s15+$0x0], $0xffff  }
0x1c7: {  	v55 =	vor.u32 s18, v1;
	v54 =	vld.idx.msk [tilespmem:v51+s15+$0x0], $0xffff;
	v41 =	vor.u32 s28, v10  }
0x1c8: {  	v42 =	vor.u32 s2, v2;
	[tilespmem:v50+s26+$0x0] =	vst.idx.msk $0xffff, v33  }
0x1c9: {  	v57 =	vor.u32 s12, v9;
	[tilespmem:v40+s26+$0x0] =	vst.idx.msk $0xffff, v32;
	v56 =	vld.idx.msk [tilespmem:v39+s15+$0x0], $0xffff  }
0x1ca: {  	v58 =	vor.u32 s11, v3;
	v43 =	vor.u32 s30, v10;
	v32 =	vld.idx.msk [tilespmem:v52+s15+$0x0], $0xffff  }
0x1cb: {  	v59 =	vor.u32 s16, v4;
	[tilespmem:v53+s26+$0x0] =	vst.idx.msk $0xffff, v35  }
0x1cc: {  	v60 =	vor.u32 s6, v11;
	[tilespmem:v55+s26+$0x0] =	vst.idx.msk $0xffff, v54;
	v38 =	vld.idx.msk [tilespmem:v41+s15+$0x0], $0xffff  }
0x1cd: {  	v61 =	vor.u32 s28, v12;
	v62 =	vor.u32 s18, v3;
	v36 =	vld.idx.msk [tilespmem:v42+s15+$0x0], $0xffff  }
0x1ce: {  	v45 =	vor.u32 s2, v4;
	[tilespmem:v57+s26+$0x0] =	vst.idx.msk $0xffff, v56  }
0x1cf: {  	v63 =	vor.u32 s12, v11;
	[tilespmem:v58+s26+$0x0] =	vst.idx.msk $0xffff, v32;
	v39 =	vld.idx.msk [tilespmem:v43+s15+$0x0], $0xffff  }
0x1d0: {  	v46 =	vor.u32 s30, v12;
	v47 =	vor.u32 s11, v5;
	v32 =	vld.idx.msk [tilespmem:v59+s15+$0x0], $0xffff  }
0x1d1: {  	v48 =	vor.u32 s16, v6;
	[tilespmem:v60+s26+$0x0] =	vst.idx.msk $0xffff, v38  }
0x1d2: {  	[tilespmem:v62+s26+$0x0] =	vst.idx.msk $0xffff, v36;
	v49 =	vor.u32 s6, v13;
	v33 =	vld.idx.msk [tilespmem:v61+s15+$0x0], $0xffff  }
0x1d3: {  	s24 =	simm.s32 $0x4;
	v51 =	vor.u32 s18, v5;
	v50 =	vor.u32 s28, v14;
	v37 =	vld.idx.msk [tilespmem:v45+s15+$0x0], $0xffff  }
0x1d4: {  	s4 =	sand.u32 $0x2, s24;
	v54 =	vor.u32 s2, v6;
	[tilespmem:v63+s26+$0x0] =	vst.idx.msk $0xffff, v39  }
0x1d5: {  	s29 =	sor.u32 $0x1, s4;
	v53 =	vor.u32 s12, v13;
	[tilespmem:v47+s26+$0x0] =	vst.idx.msk $0xffff, v32;
	v52 =	vld.idx.msk [tilespmem:v46+s15+$0x0], $0xffff  }
0x1d6: {  	s8 =	simm.s32 $0x400;
	s1 =	sshll.u32 s29, $0x4;
	v55 =	vor.u32 s30, v14;
	v56 =	vor.u32 s11, v7;
	v34 =	vld.idx.msk [tilespmem:v48+s15+$0x0], $0xffff  }
0x1d7: {  	s5 =	sor.u32 s8, s1;
	v57 =	vor.u32 s16, v8;
	[tilespmem:v49+s26+$0x0] =	vst.idx.msk $0xffff, v33  }
0x1d8: {  	[tilespmem:v51+s26+$0x0] =	vst.idx.msk $0xffff, v37;
	v59 =	vor.u32 s6, v15;
	v60 =	vor.u32 s5, v0;
	v58 =	vld.idx.msk [tilespmem:v50+s15+$0x0], $0xffff  }
0x1d9: {  	s9 =	sshll.u32 s4, $0x4;
	v62 =	vor.u32 s18, v7;
	v39 =	vld.idx.msk [tilespmem:v54+s15+$0x0], $0xffff;
	v61 =	vor.u32 s28, v16  }
0x1da: {  	s13 =	sor.u32 s9, s8;
	v48 =	vor.u32 s2, v8;
	[tilespmem:v53+s26+$0x0] =	vst.idx.msk $0xffff, v52  }
0x1db: {  	s7 =	sshll.u32 s29, $0xB;
	v63 =	vor.u32 s12, v15;
	[tilespmem:v56+s26+$0x0] =	vst.idx.msk $0xffff, v34;
	v41 =	vld.idx.msk [tilespmem:v55+s15+$0x0], $0xffff;
	v49 =	vor.u32 s13, v0  }
0x1dc: {  	s9 =	sadd.s32 $0x10, s7;
	v44 =	vor.u32 s30, v16;
	v33 =	vld.idx.msk [tilespmem:v57+s15+$0x0], $0xffff;
	v50 =	vor.u32 s11, v9  }
0x1dd: {  	v51 =	vor.u32 s16, v10;
	v52 =	vld.idx.msk [tilespmem:v60+s15+$0x0], $0xffff;
	v53 =	vor.u32 s9, v1;
	[tilespmem:v59+s26+$0x0] =	vst.idx.msk $0xffff, v58  }
0x1de: {  	s4 =	sshll.u32 s4, $0xB;
	v45 =	vor.u32 s6, v17;
	v54 =	vor.u32 s5, v2;
	[tilespmem:v62+s26+$0x0] =	vst.idx.msk $0xffff, v39;
	v38 =	vld.idx.msk [tilespmem:v61+s15+$0x0], $0xffff  }
0x1df: {  	s31 =	sadd.s32 $0x10, s4;
	v56 =	vld.idx.msk [tilespmem:v48+s15+$0x0], $0xffff;
	v55 =	vor.u32 s28, v18;
	v57 =	vor.u32 s18, v9  }
0x1e0: {  	v46 =	vor.u32 s2, v10;
	[tilespmem:v63+s26+$0x0] =	vst.idx.msk $0xffff, v41;
	v32 =	vld.idx.msk [tilespmem:v49+s15+$0x0], $0xffff;
	v61 =	vor.u32 s31, v1  }
0x1e1: {  	v62 =	vor.u32 s13, v2;
	v58 =	vld.idx.msk [tilespmem:v44+s15+$0x0], $0xffff;
	v59 =	vor.u32 s12, v17;
	[tilespmem:v50+s26+$0x0] =	vst.idx.msk $0xffff, v33  }
0x1e2: {  	v47 =	vor.u32 s11, v11;
	v60 =	vor.u32 s30, v18;
	[tilespmem:v53+s26+$0x0] =	vst.idx.msk $0xffff, v52;
	v35 =	vld.idx.msk [tilespmem:v51+s15+$0x0], $0xffff  }
0x1e3: {  	v63 =	vor.u32 s16, v12;
	v48 =	vld.idx.msk [tilespmem:v54+s15+$0x0], $0xffff;
	v49 =	vor.u32 s9, v3;
	[tilespmem:v45+s26+$0x0] =	vst.idx.msk $0xffff, v38  }
0x1e4: {  	[tilespmem:v57+s26+$0x0] =	vst.idx.msk $0xffff, v56;
	v50 =	vor.u32 s6, v19;
	v51 =	vor.u32 s5, v4;
	v40 =	vld.idx.msk [tilespmem:v55+s15+$0x0], $0xffff  }
0x1e5: {  	v52 =	vor.u32 s28, v20;
	v54 =	vor.u32 s18, v11;
	v53 =	vld.idx.msk [tilespmem:v46+s15+$0x0], $0xffff;
	[tilespmem:v61+s26+$0x0] =	vst.idx.msk $0xffff, v32  }
0x1e6: {  	v56 =	vor.u32 s2, v12;
	v57 =	vor.u32 s31, v3;
	[tilespmem:v59+s26+$0x0] =	vst.idx.msk $0xffff, v58;
	v34 =	vld.idx.msk [tilespmem:v62+s15+$0x0], $0xffff  }
0x1e7: {  	v33 =	vld.idx.msk [tilespmem:v60+s15+$0x0], $0xffff;
	[tilespmem:v47+s26+$0x0] =	vst.idx.msk $0xffff, v35;
	v55 =	vor.u32 s12, v19;
	v62 =	vor.u32 s13, v4  }
0x1e8: {  	[tilespmem:v49+s26+$0x0] =	vst.idx.msk $0xffff, v48;
	v61 =	vor.u32 s11, v13;
	v37 =	vld.idx.msk [tilespmem:v63+s15+$0x0], $0xffff  }
0x1e9: {  	v58 =	vor.u32 s30, v20;
	v39 =	vld.idx.msk [tilespmem:v51+s15+$0x0], $0xffff;
	v63 =	vor.u32 s9, v5;
	[tilespmem:v50+s26+$0x0] =	vst.idx.msk $0xffff, v40  }
0x1ea: {  	v59 =	vor.u32 s16, v14;
	[tilespmem:v54+s26+$0x0] =	vst.idx.msk $0xffff, v53;
	v60 =	vor.u32 s6, v21;
	v42 =	vld.idx.msk [tilespmem:v52+s15+$0x0], $0xffff  }
0x1eb: {  	v48 =	vor.u32 s5, v6;
	v32 =	vld.idx.msk [tilespmem:v56+s15+$0x0], $0xffff;
	[tilespmem:v57+s26+$0x0] =	vst.idx.msk $0xffff, v34;
	v52 =	vor.u32 s18, v13  }
0x1ec: {  	v51 =	vor.u32 s28, v22;
	[tilespmem:v55+s26+$0x0] =	vst.idx.msk $0xffff, v33;
	v57 =	vor.u32 s31, v5;
	v56 =	vld.idx.msk [tilespmem:v62+s15+$0x0], $0xffff  }
0x1ed: {  	s24 =	simm.s32 $0x6;
	[tilespmem:v61+s26+$0x0] =	vst.idx.msk $0xffff, v37;
	v61 =	vor.u32 s13, v6  }
0x1ee: {  	s3 =	sand.u32 $0x2, s24;
	v54 =	vor.u32 s2, v14;
	v55 =	vor.u32 s12, v21;
	[tilespmem:v63+s26+$0x0] =	vst.idx.msk $0xffff, v39;
	v53 =	vld.idx.msk [tilespmem:v58+s15+$0x0], $0xffff  }
0x1ef: {  	s23 =	sor.u32 $0x1, s3;
	v58 =	vor.u32 s30, v22;
	v59 =	vld.idx.msk [tilespmem:v59+s15+$0x0], $0xffff;
	v62 =	vor.u32 s11, v15;
	[tilespmem:v60+s26+$0x0] =	vst.idx.msk $0xffff, v42  }
0x1f0: {  	s20 =	simm.s32 $0x400;
	s29 =	sshll.u32 s23, $0x4;
	v49 =	vor.u32 s9, v7;
	v63 =	vor.u32 s16, v16;
	v50 =	vld.idx.msk [tilespmem:v48+s15+$0x0], $0xffff;
	[tilespmem:v52+s26+$0x0] =	vst.idx.msk $0xffff, v32  }
0x1f1: {  	s4 =	sor.u32 s20, s29;
	v52 =	vor.u32 s5, v8;
	[tilespmem:v57+s26+$0x0] =	vst.idx.msk $0xffff, v56;
	v33 =	vld.idx.msk [tilespmem:v51+s15+$0x0], $0xffff  }
0x1f2: {  	v51 =	vor.u32 s6, v23;
	v40 =	vld.idx.msk [tilespmem:v61+s15+$0x0], $0xffff;
	v61 =	vor.u32 s4, v0  }
0x1f3: {  	[tilespmem:v55+s26+$0x0] =	vst.idx.msk $0xffff, v53;
	v53 =	vor.u32 s18, v15;
	v35 =	vld.idx.msk [tilespmem:v54+s15+$0x0], $0xffff;
	v54 =	vor.u32 s28, v24  }
0x1f4: {  	v55 =	vor.u32 s2, v16;
	v60 =	vor.u32 s31, v7;
	[tilespmem:v62+s26+$0x0] =	vst.idx.msk $0xffff, v59;
	v37 =	vld.idx.msk [tilespmem:v58+s15+$0x0], $0xffff  }
0x1f5: {  	v62 =	vor.u32 s12, v23;
	[tilespmem:v49+s26+$0x0] =	vst.idx.msk $0xffff, v50;
	v56 =	vor.u32 s13, v8;
	v42 =	vld.idx.msk [tilespmem:v63+s15+$0x0], $0xffff  }
0x1f6: {  	s7 =	sshll.u32 s23, $0xB;
	v57 =	vor.u32 s11, v17;
	v58 =	vor.u32 s30, v24;
	v32 =	vld.idx.msk [tilespmem:v52+s15+$0x0], $0xffff  }
0x1f7: {  	s22 =	sshll.u32 s3, $0x4;
	s7 =	sadd.s32 $0x10, s7;
	v59 =	vor.u32 s9, v9;
	v63 =	vor.u32 s16, v18;
	[tilespmem:v51+s26+$0x0] =	vst.idx.msk $0xffff, v33;
	v39 =	vld.idx.msk [tilespmem:v61+s15+$0x0], $0xffff  }
0x1f8: {  	s20 =	sor.u32 s22, s20;
	[tilespmem:v53+s26+$0x0] =	vst.idx.msk $0xffff, v35;
	v53 =	vor.u32 s5, v10;
	v61 =	vor.u32 s7, v1;
	v52 =	vld.idx.msk [tilespmem:v54+s15+$0x0], $0xffff  }
0x1f9: {  	[tilespmem:v60+s26+$0x0] =	vst.idx.msk $0xffff, v40;
	v38 =	vld.idx.msk [tilespmem:v55+s15+$0x0], $0xffff;
	v54 =	vor.u32 s6, v25;
	v55 =	vor.u32 s20, v0  }
0x1fa: {  	v60 =	vor.u32 s18, v17;
	[tilespmem:v62+s26+$0x0] =	vst.idx.msk $0xffff, v37;
	v41 =	vld.idx.msk [tilespmem:v56+s15+$0x0], $0xffff;
	v56 =	vor.u32 s4, v2  }
0x1fb: {  	v62 =	vor.u32 s28, v26;
	[tilespmem:v57+s26+$0x0] =	vst.idx.msk $0xffff, v42;
	v57 =	vor.u32 s31, v9;
	v33 =	vld.idx.msk [tilespmem:v58+s15+$0x0], $0xffff  }
0x1fc: {  	v58 =	vor.u32 s2, v18;
	v34 =	vld.idx.msk [tilespmem:v63+s15+$0x0], $0xffff;
	[tilespmem:v59+s26+$0x0] =	vst.idx.msk $0xffff, v32;
	v59 =	vor.u32 s12, v25  }
0x1fd: {  	s8 =	sshll.u32 s3, $0xB;
	v49 =	vor.u32 s11, v19;
	v50 =	vor.u32 s30, v26;
	v63 =	vld.idx.msk [tilespmem:v53+s15+$0x0], $0xffff;
	[tilespmem:v61+s26+$0x0] =	vst.idx.msk $0xffff, v39  }
0x1fe: {  	s8 =	sadd.s32 $0x10, s8;
	v53 =	vor.u32 s9, v11;
	[tilespmem:v54+s26+$0x0] =	vst.idx.msk $0xffff, v52;
	v47 =	vld.idx.msk [tilespmem:v55+s15+$0x0], $0xffff;
	v52 =	vor.u32 s13, v10  }
0x1ff: {  	[tilespmem:v60+s26+$0x0] =	vst.idx.msk $0xffff, v38;
	v54 =	vor.u32 s8, v1;
	v55 =	vor.u32 s5, v12;
	v42 =	vld.idx.msk [tilespmem:v56+s15+$0x0], $0xffff  }
0x200: {  	v43 =	vor.u32 s16, v22;
	[tilespmem:v57+s26+$0x0] =	vst.idx.msk $0xffff, v41;
	v56 =	vor.u32 s7, v3;
	v57 =	vor.u32 s16, v20;
	v60 =	vld.idx.msk [tilespmem:v62+s15+$0x0], $0xffff  }
0x201: {  	v61 =	vor.u32 s20, v2;
	v62 =	vor.u32 s6, v27;
	v32 =	vld.idx.msk [tilespmem:v58+s15+$0x0], $0xffff;
	[tilespmem:v59+s26+$0x0] =	vst.idx.msk $0xffff, v33  }
0x202: {  	v44 =	vor.u32 s18, v21;
	[tilespmem:v49+s26+$0x0] =	vst.idx.msk $0xffff, v34;
	v58 =	vor.u32 s4, v4;
	v59 =	vor.u32 s18, v19;
	v34 =	vld.idx.msk [tilespmem:v50+s15+$0x0], $0xffff  }
0x203: {  	v46 =	vor.u32 s12, v27;
	v45 =	vor.u32 s12, v29;
	[tilespmem:v53+s26+$0x0] =	vst.idx.msk $0xffff, v63;
	v63 =	vor.u32 s28, v28;
	v49 =	vld.idx.msk [tilespmem:v52+s15+$0x0], $0xffff  }
0x204: {  	v35 =	vor.u32 s30, v30;
	v51 =	vor.u32 s30, v28;
	[tilespmem:v54+s26+$0x0] =	vst.idx.msk $0xffff, v47;
	v47 =	vor.u32 s31, v11;
	v50 =	vld.idx.msk [tilespmem:v55+s15+$0x0], $0xffff  }
0x205: {  	v48 =	vor.u32 s9, v15;
	v53 =	vor.u32 s9, v13;
	v52 =	vor.u32 s13, v12;
	[tilespmem:v56+s26+$0x0] =	vst.idx.msk $0xffff, v42;
	v54 =	vld.idx.msk [tilespmem:v57+s15+$0x0], $0xffff  }
0x206: {  	v40 =	vld.idx.msk [tilespmem:v61+s15+$0x0], $0xffff;
	[tilespmem:v62+s26+$0x0] =	vst.idx.msk $0xffff, v60;
	v60 =	vor.u32 s8, v3;
	v61 =	vor.u32 s2, v20  }
0x207: {  	v36 =	vor.u32 s5, v16;
	v55 =	vor.u32 s11, v21;
	v57 =	vor.u32 s5, v14;
	v33 =	vld.idx.msk [tilespmem:v58+s15+$0x0], $0xffff;
	[tilespmem:v59+s26+$0x0] =	vst.idx.msk $0xffff, v32  }
0x208: {  	v56 =	vor.u32 s7, v5;
	v62 =	vor.u32 s20, v4;
	[tilespmem:v46+s26+$0x0] =	vst.idx.msk $0xffff, v34;
	v58 =	vld.idx.msk [tilespmem:v63+s15+$0x0], $0xffff  }
0x209: {  	v59 =	vor.u32 s6, v29;
	v63 =	vor.u32 s4, v6;
	[tilespmem:v47+s26+$0x0] =	vst.idx.msk $0xffff, v49;
	v41 =	vld.idx.msk [tilespmem:v51+s15+$0x0], $0xffff  }
0x20a: {  	v37 =	vor.u32 s4, v16;
	v39 =	vor.u32 s2, v22;
	[tilespmem:v53+s26+$0x0] =	vst.idx.msk $0xffff, v50;
	v47 =	vld.idx.msk [tilespmem:v52+s15+$0x0], $0xffff  }
0x20b: {  	v42 =	vor.u32 s28, v30;
	v49 =	vor.u32 s31, v13;
	[tilespmem:v60+s26+$0x0] =	vst.idx.msk $0xffff, v40;
	v40 =	vld.idx.msk [tilespmem:v61+s15+$0x0], $0xffff  }
0x20c: {  	v38 =	vor.u32 s7, v7;
	v50 =	vor.u32 s13, v14;
	[tilespmem:v55+s26+$0x0] =	vst.idx.msk $0xffff, v54;
	v46 =	vld.idx.msk [tilespmem:v57+s15+$0x0], $0xffff  }
0x20d: {  	v32 =	vor.u32 s13, v30;
	v53 =	vor.u32 s8, v5;
	[tilespmem:v56+s26+$0x0] =	vst.idx.msk $0xffff, v33;
	v52 =	vld.idx.msk [tilespmem:v62+s15+$0x0], $0xffff  }
0x20e: {  	v34 =	vor.u32 s2, v30;
	v54 =	vor.u32 s20, v6;
	v33 =	vor.u32 s20, v30;
	v51 =	vld.idx.msk [tilespmem:v63+s15+$0x0], $0xffff;
	[tilespmem:v59+s26+$0x0] =	vst.idx.msk $0xffff, v58  }
.LBB2_9:
0x20f: {  	s24 =	sadd.s32 $0x2, s24;
	v43 =	vld.idx.msk [tilespmem:v43+s15+$0x0], $0xffff;
	[tilespmem:v45+s26+$0x0] =	vst.idx.msk $0xffff, v41;
	v41 =	vor.u32 s11, v23;
	v45 =	vor.u32 s6, v31  }
0x210: {  	v56 =	vor.u32 s20, v8;
	s22 =	sshrl.u32 s24, $0x2;
	s28 =	sand.u32 $0x2, s24;
	p0 =	slt.u32 s24, $0x1E;
	[tilespmem:v49+s26+$0x0] =	vst.idx.msk $0xffff, v47;
	v42 =	vld.idx.msk [tilespmem:v42+s15+$0x0], $0xffff;
	v47 =	vor.u32 s4, v8  }
0x211: {  	s6 =	sshll.u32 s28, $0xB;
	s29 =	sshll.u32 s22, $0x4;
	s23 =	sor.u32 $0x1, s28;
	v49 =	vld.idx.msk [tilespmem:v50+s15+$0x0], $0xffff;
	[tilespmem:v44+s26+$0x0] =	vst.idx.msk $0xffff, v40;
	v40 =	vor.u32 s12, v31;
	v44 =	vor.u32 s31, v15  }
0x212: {  	s12 =	sshll.u32 s22, $0xA;
	s22 =	sshll.u32 s28, $0x4;
	v50 =	vor.u32 s16, v24;
	s28 =	sshll.u32 s23, $0x4;
	[tilespmem:v53+s26+$0x0] =	vst.idx.msk $0xffff, v52;
	v39 =	vld.idx.msk [tilespmem:v39+s15+$0x0], $0xffff;
	v53 =	vor.u32 s8, v7  }
0x213: {  	s30 =	sor.u32 s22, s12;
	s28 =	sor.u32 s12, s28;
	s12 =	sshll.u32 s23, $0xB;
	v52 =	vld.idx.msk [tilespmem:v54+s15+$0x0], $0xffff;
	v54 =	vor.u32 s13, v16;
	[tilespmem:v48+s26+$0x0] =	vst.idx.msk $0xffff, v46;
	v46 =	vor.u32 s18, v23  }
0x214: {  	s6 =	sadd.s32 s29, s6;
	v48 =	vor.u32 s30, v0;
	s22 =	sadd.s32 s29, s12;
	v55 =	vor.u32 s28, v0;
	[tilespmem:v38+s26+$0x0] =	vst.idx.msk $0xffff, v51;
	v51 =	vld.idx.msk [tilespmem:v36+s15+$0x0], $0xffff;
	v36 =	vmovc v37;
	v37 =	vor.u32 s28, v16;
	s12 =	smov.u32 s18  }
0x215: {  	v57 =	vor.u32 s9, v17;
	s18 =	smov.u32 s31;
	s31 =	smov.u32 s8;
	s8 =	smov.u32 s6;
	v38 =	vor.u32 s22, v7;
	[tilespmem:v41+s26+$0x0] =	vst.idx.msk $0xffff, v43;
	v41 =	vld.idx.msk [tilespmem:v35+s15+$0x0], $0xffff;
	v35 =	vmov v34  }
0x216: {  	s6 =	smov.u32 s11;
	s11 =	smov.u32 s9;
	s9 =	smov.u32 s7;
	v34 =	vmovc v32;
	v32 =	vmov v33;
	v33 =	vor.u32 s30, v30;
	v43 =	vld.idx.msk [tilespmem:v47+s15+$0x0], $0xffff;
	v47 =	vor.u32 s2, v24;
	[tilespmem:v45+s26+$0x0] =	vst.idx.msk $0xffff, v42  }
0x217: {  	s7 =	smov.u32 s22;
	v42 =	vor.u32 s9, v9;
	[tilespmem:v44+s26+$0x0] =	vst.idx.msk $0xffff, v49;
	v44 =	vor.u32 s5, v18;
	v45 =	vld.idx.msk [tilespmem:v50+s15+$0x0], $0xffff  }
0x218: {  	v49 =	vor.u32 s4, v10;
	v50 =	vld.idx.msk [tilespmem:v54+s15+$0x0], $0xffff;
	[tilespmem:v46+s26+$0x0] =	vst.idx.msk $0xffff, v39;
	v39 =	vor.u32 s6, v25  }
0x219: {  	v46 =	vld.idx.msk [tilespmem:v55+s15+$0x0], $0xffff;
	[tilespmem:v53+s26+$0x0] =	vst.idx.msk $0xffff, v52;
	v52 =	vor.u32 s18, v17  }
0x21a: {  	v53 =	vor.u32 s7, v1;
	v54 =	vld.idx.msk [tilespmem:v56+s15+$0x0], $0xffff;
	[tilespmem:v57+s26+$0x0] =	vst.idx.msk $0xffff, v51;
	v51 =	vor.u32 s16, v26  }
0x21b: {  	v55 =	vor.u32 s28, v2;
	v56 =	vor.u32 s31, v9;
	v47 =	vld.idx.msk [tilespmem:v47+s15+$0x0], $0xffff;
	[tilespmem:v40+s26+$0x0] =	vst.idx.msk $0xffff, v41  }
0x21c: {  	v40 =	vor.u32 s13, v18;
	[tilespmem:v42+s26+$0x0] =	vst.idx.msk $0xffff, v43;
	v41 =	vld.idx.msk [tilespmem:v44+s15+$0x0], $0xffff;
	v42 =	vor.u32 s12, v25  }
0x21d: {  	v44 =	vor.u32 s11, v19;
	v43 =	vld.idx.msk [tilespmem:v49+s15+$0x0], $0xffff;
	v49 =	vor.u32 s2, v26;
	[tilespmem:v39+s26+$0x0] =	vst.idx.msk $0xffff, v45  }
0x21e: {  	v45 =	vor.u32 s20, v10;
	v39 =	vld.idx.msk [tilespmem:v48+s15+$0x0], $0xffff;
	v48 =	vor.u32 s9, v11;
	[tilespmem:v52+s26+$0x0] =	vst.idx.msk $0xffff, v50  }
0x21f: {  	v50 =	vor.u32 s8, v1;
	[tilespmem:v53+s26+$0x0] =	vst.idx.msk $0xffff, v46;
	v46 =	vor.u32 s4, v12;
	v51 =	vld.idx.msk [tilespmem:v51+s15+$0x0], $0xffff  }
0x220: {  	v52 =	vor.u32 s30, v2;
	v53 =	vld.idx.msk [tilespmem:v55+s15+$0x0], $0xffff;
	[tilespmem:v56+s26+$0x0] =	vst.idx.msk $0xffff, v54;
	v54 =	vor.u32 s6, v27  }
0x221: {  	v55 =	vor.u32 s7, v3;
	v56 =	vor.u32 s5, v20;
	v40 =	vld.idx.msk [tilespmem:v40+s15+$0x0], $0xffff;
	[tilespmem:v42+s26+$0x0] =	vst.idx.msk $0xffff, v47  }
0x222: {  	v42 =	vor.u32 s28, v4;
	v47 =	vor.u32 s18, v19;
	[tilespmem:v44+s26+$0x0] =	vst.idx.msk $0xffff, v41;
	v41 =	vld.idx.msk [tilespmem:v49+s15+$0x0], $0xffff  }
0x223: {  	v44 =	vld.idx.msk [tilespmem:v45+s15+$0x0], $0xffff;
	[tilespmem:v48+s26+$0x0] =	vst.idx.msk $0xffff, v43;
	v43 =	vor.u32 s12, v27;
	v45 =	vor.u32 s16, v28  }
0x224: {  	v48 =	vor.u32 s2, v28;
	s2 =	smov.u32 s13;
	s13 =	smov.u32 s20;
	s20 =	smov.u32 s30;
	[tilespmem:v50+s26+$0x0] =	vst.idx.msk $0xffff, v39;
	v39 =	vor.u32 s31, v11;
	v46 =	vld.idx.msk [tilespmem:v46+s15+$0x0], $0xffff  }
0x225: {  	v50 =	vor.u32 s13, v12;
	v49 =	vld.idx.msk [tilespmem:v52+s15+$0x0], $0xffff;
	v52 =	vor.u32 s9, v13;
	[tilespmem:v54+s26+$0x0] =	vst.idx.msk $0xffff, v51  }
0x226: {  	v51 =	vor.u32 s8, v3;
	[tilespmem:v55+s26+$0x0] =	vst.idx.msk $0xffff, v53;
	v53 =	vor.u32 s2, v20;
	v54 =	vld.idx.msk [tilespmem:v56+s15+$0x0], $0xffff  }
0x227: {  	v57 =	vor.u32 s11, v21;
	v55 =	vor.u32 s20, v4;
	v56 =	vld.idx.msk [tilespmem:v42+s15+$0x0], $0xffff;
	[tilespmem:v47+s26+$0x0] =	vst.idx.msk $0xffff, v40  }
0x228: {  	v59 =	vor.u32 s4, v14;
	v58 =	vor.u32 s7, v5;
	[tilespmem:v43+s26+$0x0] =	vst.idx.msk $0xffff, v41;
	v60 =	vld.idx.msk [tilespmem:v45+s15+$0x0], $0xffff  }
0x229: {  	v61 =	vor.u32 s28, v6;
	v62 =	vor.u32 s6, v29;
	[tilespmem:v39+s26+$0x0] =	vst.idx.msk $0xffff, v44;
	v41 =	vld.idx.msk [tilespmem:v48+s15+$0x0], $0xffff  }
.Ltmp6:
0x22a: {  	v43 =	vor.u32 s5, v22;
	v45 =	vor.u32 s12, v29;
	v47 =	vld.idx.msk [tilespmem:v50+s15+$0x0], $0xffff;
	[tilespmem:v52+s26+$0x0] =	vst.idx.msk $0xffff, v46;
	(pc) =	sbr.rel @p0 .LBB2_9-.Ltmp6, $4  }
0x22b: {  	v42 =	vor.u32 s16, v30;
	s16 =	smov.u32 s5;
	s5 =	smov.u32 s4;
	s4 =	smov.u32 s28;
	[tilespmem:v51+s26+$0x0] =	vst.idx.msk $0xffff, v49;
	v49 =	vor.u32 s31, v13;
	v40 =	vld.idx.msk [tilespmem:v53+s15+$0x0], $0xffff  }
0x22c: {  	v44 =	vor.u32 s18, v21;
	v50 =	vor.u32 s13, v14;
	v52 =	vld.idx.msk [tilespmem:v55+s15+$0x0], $0xffff;
	[tilespmem:v57+s26+$0x0] =	vst.idx.msk $0xffff, v54  }
0x22d: {  	v39 =	vor.u32 s2, v22;
	v53 =	vor.u32 s8, v5;
	[tilespmem:v58+s26+$0x0] =	vst.idx.msk $0xffff, v56;
	v46 =	vld.idx.msk [tilespmem:v59+s15+$0x0], $0xffff  }
0x22e: {  	v48 =	vor.u32 s9, v15;
	v54 =	vor.u32 s20, v6;
	v51 =	vld.idx.msk [tilespmem:v61+s15+$0x0], $0xffff;
	[tilespmem:v62+s26+$0x0] =	vst.idx.msk $0xffff, v60  }
0x22f: {  	_ =	sdelay $0x3  }
0x230: {  	[tilespmem:v53+s26+$0x0] =	vst.idx.msk $0xffff, v52  }
0x231: {  	v58 =	vor.u32 s4, v8;
	v59 =	vor.u32 s8, v7;
	v53 =	vld.idx.msk [tilespmem:v54+s15+$0x0], $0xffff  }
0x232: {  	v55 =	vor.u32 s20, v8;
	_ =	sdelay $0x2  }
0x233: {  	[tilespmem:v38+s26+$0x0] =	vst.idx.msk $0xffff, v51  }
0x234: {  	v60 =	vor.u32 s7, v9;
	v38 =	vld.idx.msk [tilespmem:v58+s15+$0x0], $0xffff;
	[tilespmem:v59+s26+$0x0] =	vst.idx.msk $0xffff, v53  }
0x235: {  	v61 =	vor.u32 s4, v10;
	v62 =	vor.u32 s8, v9;
	v53 =	vld.idx.msk [tilespmem:v55+s15+$0x0], $0xffff  }
0x236: {  	v63 =	vor.u32 s20, v10;
	_ =	sdelay $0x2  }
0x237: {  	[tilespmem:v60+s26+$0x0] =	vst.idx.msk $0xffff, v38  }
0x238: {  	v57 =	vor.u32 s7, v11;
	v38 =	vld.idx.msk [tilespmem:v61+s15+$0x0], $0xffff;
	[tilespmem:v62+s26+$0x0] =	vst.idx.msk $0xffff, v53  }
0x239: {  	v58 =	vor.u32 s4, v12;
	v59 =	vor.u32 s8, v11;
	v53 =	vld.idx.msk [tilespmem:v63+s15+$0x0], $0xffff  }
0x23a: {  	v60 =	vor.u32 s20, v12;
	_ =	sdelay $0x2  }
0x23b: {  	[tilespmem:v57+s26+$0x0] =	vst.idx.msk $0xffff, v38  }
0x23c: {  	v61 =	vor.u32 s7, v13;
	v38 =	vld.idx.msk [tilespmem:v58+s15+$0x0], $0xffff;
	[tilespmem:v59+s26+$0x0] =	vst.idx.msk $0xffff, v53  }
0x23d: {  	v62 =	vor.u32 s4, v14;
	v63 =	vor.u32 s8, v13;
	v53 =	vld.idx.msk [tilespmem:v60+s15+$0x0], $0xffff  }
0x23e: {  	v57 =	vor.u32 s20, v14;
	_ =	sdelay $0x1  }
0x23f: {  	[tilespmem:v49+s26+$0x0] =	vst.idx.msk $0xffff, v47  }
0x240: {  	v47 =	vld.idx.msk [tilespmem:v50+s15+$0x0], $0xffff;
	v58 =	vor.u32 s31, v15;
	[tilespmem:v61+s26+$0x0] =	vst.idx.msk $0xffff, v38  }
0x241: {  	v59 =	vor.u32 s13, v16;
	v61 =	vor.u32 s7, v15;
	v60 =	vld.idx.msk [tilespmem:v62+s15+$0x0], $0xffff;
	[tilespmem:v63+s26+$0x0] =	vst.idx.msk $0xffff, v53  }
0x242: {  	v63 =	vor.u32 s8, v15;
	v62 =	vld.idx.msk [tilespmem:v57+s15+$0x0], $0xffff  }
0x243: {  	[tilespmem:v48+s26+$0x0] =	vst.idx.msk $0xffff, v46;
	v57 =	vor.u32 s20, v16  }
0x244: {  	v46 =	vor.u32 s9, v17;
	v36 =	vld.idx.msk [tilespmem:v36+s15+$0x0], $0xffff  }
0x245: {  	[tilespmem:v58+s26+$0x0] =	vst.idx.msk $0xffff, v47;
	v58 =	vor.u32 s5, v18  }
0x246: {  	v38 =	vld.idx.msk [tilespmem:v59+s15+$0x0], $0xffff;
	v59 =	vor.u32 s31, v17;
	[tilespmem:v61+s26+$0x0] =	vst.idx.msk $0xffff, v60  }
0x247: {  	v60 =	vor.u32 s13, v18;
	v61 =	vor.u32 s7, v17;
	v37 =	vld.idx.msk [tilespmem:v37+s15+$0x0], $0xffff;
	[tilespmem:v63+s26+$0x0] =	vst.idx.msk $0xffff, v62  }
0x248: {  	v62 =	vor.u32 s4, v18;
	v63 =	vor.u32 s8, v17;
	v52 =	vld.idx.msk [tilespmem:v57+s15+$0x0], $0xffff  }
0x249: {  	[tilespmem:v46+s26+$0x0] =	vst.idx.msk $0xffff, v36;
	v57 =	vor.u32 s20, v18  }
0x24a: {  	v46 =	vor.u32 s9, v19;
	v36 =	vld.idx.msk [tilespmem:v58+s15+$0x0], $0xffff  }
0x24b: {  	v58 =	vor.u32 s5, v20;
	[tilespmem:v59+s26+$0x0] =	vst.idx.msk $0xffff, v38  }
0x24c: {  	v59 =	vor.u32 s31, v19;
	v38 =	vld.idx.msk [tilespmem:v60+s15+$0x0], $0xffff;
	[tilespmem:v61+s26+$0x0] =	vst.idx.msk $0xffff, v37  }
0x24d: {  	v60 =	vor.u32 s7, v19;
	v37 =	vor.u32 s13, v20;
	v49 =	vld.idx.msk [tilespmem:v62+s15+$0x0], $0xffff;
	[tilespmem:v63+s26+$0x0] =	vst.idx.msk $0xffff, v52  }
0x24e: {  	[tilespmem:v45+s26+$0x0] =	vst.idx.msk $0xffff, v41;
	v61 =	vor.u32 s4, v20;
	v62 =	vor.u32 s8, v19;
	v41 =	vld.idx.msk [tilespmem:v57+s15+$0x0], $0xffff  }
0x24f: {  	v43 =	vld.idx.msk [tilespmem:v43+s15+$0x0], $0xffff;
	v56 =	vor.u32 s20, v20;
	[tilespmem:v46+s26+$0x0] =	vst.idx.msk $0xffff, v36;
	v63 =	vor.u32 s11, v23  }
0x250: {  	[tilespmem:v44+s26+$0x0] =	vst.idx.msk $0xffff, v40;
	v36 =	vld.idx.msk [tilespmem:v58+s15+$0x0], $0xffff;
	v58 =	vor.u32 s9, v21  }
0x251: {  	v42 =	vld.idx.msk [tilespmem:v42+s15+$0x0], $0xffff;
	[tilespmem:v59+s26+$0x0] =	vst.idx.msk $0xffff, v38;
	v57 =	vor.u32 s6, v31  }
0x252: {  	v47 =	vor.u32 s31, v21;
	v59 =	vor.u32 s5, v22;
	v37 =	vld.idx.msk [tilespmem:v37+s15+$0x0], $0xffff;
	[tilespmem:v60+s26+$0x0] =	vst.idx.msk $0xffff, v49  }
0x253: {  	v60 =	vor.u32 s13, v22;
	v45 =	vld.idx.msk [tilespmem:v61+s15+$0x0], $0xffff;
	v61 =	vor.u32 s7, v21;
	[tilespmem:v62+s26+$0x0] =	vst.idx.msk $0xffff, v41  }
0x254: {  	[tilespmem:v63+s26+$0x0] =	vst.idx.msk $0xffff, v43;
	v63 =	vor.u32 s8, v21;
	v62 =	vor.u32 s4, v22;
	v40 =	vld.idx.msk [tilespmem:v56+s15+$0x0], $0xffff  }
0x255: {  	v39 =	vld.idx.msk [tilespmem:v39+s15+$0x0], $0xffff;
	v54 =	vor.u32 s18, v23;
	v55 =	vor.u32 s20, v22;
	[tilespmem:v58+s26+$0x0] =	vst.idx.msk $0xffff, v36  }
0x256: {  	v35 =	vld.idx.msk [tilespmem:v35+s15+$0x0], $0xffff;
	[tilespmem:v57+s26+$0x0] =	vst.idx.msk $0xffff, v42;
	v57 =	vor.u32 s16, v24;
	v56 =	vor.u32 s12, v31  }
0x257: {  	v58 =	vor.u32 s2, v24;
	v38 =	vld.idx.msk [tilespmem:v59+s15+$0x0], $0xffff;
	v59 =	vor.u32 s9, v23;
	[tilespmem:v47+s26+$0x0] =	vst.idx.msk $0xffff, v37  }
0x258: {  	v47 =	vor.u32 s5, v24;
	v37 =	vld.idx.msk [tilespmem:v60+s15+$0x0], $0xffff;
	v60 =	vor.u32 s31, v23;
	[tilespmem:v61+s26+$0x0] =	vst.idx.msk $0xffff, v45  }
0x259: {  	v61 =	vor.u32 s13, v24;
	v43 =	vld.idx.msk [tilespmem:v62+s15+$0x0], $0xffff;
	v62 =	vor.u32 s7, v23;
	[tilespmem:v63+s26+$0x0] =	vst.idx.msk $0xffff, v40  }
0x25a: {  	[tilespmem:v54+s26+$0x0] =	vst.idx.msk $0xffff, v39;
	v40 =	vor.u32 s4, v24;
	v63 =	vor.u32 s8, v23;
	v39 =	vld.idx.msk [tilespmem:v55+s15+$0x0], $0xffff  }
0x25b: {  	v54 =	vld.idx.msk [tilespmem:v57+s15+$0x0], $0xffff;
	[tilespmem:v56+s26+$0x0] =	vst.idx.msk $0xffff, v35;
	v56 =	vor.u32 s20, v24;
	v55 =	vor.u32 s11, v25  }
0x25c: {  	v36 =	vld.idx.msk [tilespmem:v58+s15+$0x0], $0xffff;
	v58 =	vor.u32 s18, v25;
	[tilespmem:v59+s26+$0x0] =	vst.idx.msk $0xffff, v38;
	v57 =	vor.u32 s16, v26  }
0x25d: {  	v59 =	vor.u32 s2, v26;
	v46 =	vld.idx.msk [tilespmem:v47+s15+$0x0], $0xffff;
	[tilespmem:v60+s26+$0x0] =	vst.idx.msk $0xffff, v37;
	v60 =	vor.u32 s9, v25  }
0x25e: {  	v47 =	vor.u32 s5, v26;
	v41 =	vld.idx.msk [tilespmem:v61+s15+$0x0], $0xffff;
	v61 =	vor.u32 s31, v25;
	[tilespmem:v62+s26+$0x0] =	vst.idx.msk $0xffff, v43  }
0x25f: {  	v62 =	vor.u32 s13, v26;
	v40 =	vld.idx.msk [tilespmem:v40+s15+$0x0], $0xffff;
	[tilespmem:v63+s26+$0x0] =	vst.idx.msk $0xffff, v39;
	v63 =	vor.u32 s7, v25  }
0x260: {  	[tilespmem:v55+s26+$0x0] =	vst.idx.msk $0xffff, v54;
	v54 =	vor.u32 s4, v26;
	v55 =	vor.u32 s8, v25;
	v35 =	vld.idx.msk [tilespmem:v56+s15+$0x0], $0xffff  }
0x261: {  	[tilespmem:v58+s26+$0x0] =	vst.idx.msk $0xffff, v36;
	v44 =	vld.idx.msk [tilespmem:v57+s15+$0x0], $0xffff;
	v56 =	vor.u32 s11, v27;
	v57 =	vor.u32 s20, v26  }
0x262: {  	v58 =	vor.u32 s18, v27;
	v38 =	vld.idx.msk [tilespmem:v59+s15+$0x0], $0xffff;
	v59 =	vor.u32 s16, v28;
	[tilespmem:v60+s26+$0x0] =	vst.idx.msk $0xffff, v46  }
0x263: {  	v60 =	vor.u32 s2, v28;
	v46 =	vld.idx.msk [tilespmem:v47+s15+$0x0], $0xffff;
	v47 =	vor.u32 s9, v27;
	[tilespmem:v61+s26+$0x0] =	vst.idx.msk $0xffff, v41  }
0x264: {  	v61 =	vor.u32 s31, v27;
	v41 =	vld.idx.msk [tilespmem:v62+s15+$0x0], $0xffff;
	v62 =	vor.u32 s5, v28;
	[tilespmem:v63+s26+$0x0] =	vst.idx.msk $0xffff, v40  }
0x265: {  	v42 =	vor.u32 s7, v27;
	v63 =	vor.u32 s13, v28;
	v40 =	vld.idx.msk [tilespmem:v54+s15+$0x0], $0xffff;
	[tilespmem:v55+s26+$0x0] =	vst.idx.msk $0xffff, v35  }
0x266: {  	[tilespmem:v56+s26+$0x0] =	vst.idx.msk $0xffff, v44;
	v54 =	vor.u32 s8, v27;
	v55 =	vor.u32 s4, v28;
	v35 =	vld.idx.msk [tilespmem:v57+s15+$0x0], $0xffff  }
0x267: {  	[tilespmem:v58+s26+$0x0] =	vst.idx.msk $0xffff, v38;
	v58 =	vor.u32 s20, v28;
	v56 =	vld.idx.msk [tilespmem:v59+s15+$0x0], $0xffff;
	v57 =	vor.u32 s11, v29  }
0x268: {  	v37 =	vld.idx.msk [tilespmem:v60+s15+$0x0], $0xffff;
	v60 =	vor.u32 s16, v30;
	v59 =	vor.u32 s18, v29;
	[tilespmem:v47+s26+$0x0] =	vst.idx.msk $0xffff, v46  }
0x269: {  	[tilespmem:v61+s26+$0x0] =	vst.idx.msk $0xffff, v41;
	v61 =	vld.idx.msk [tilespmem:v62+s15+$0x0], $0xffff;
	v62 =	vor.u32 s9, v29  }
0x26a: {  	v48 =	vor.u32 s5, v30;
	v39 =	vld.idx.msk [tilespmem:v63+s15+$0x0], $0xffff;
	v63 =	vor.u32 s31, v29;
	[tilespmem:v42+s26+$0x0] =	vst.idx.msk $0xffff, v40  }
0x26b: {  	v53 =	vor.u32 s7, v29;
	[tilespmem:v54+s26+$0x0] =	vst.idx.msk $0xffff, v35;
	v52 =	vld.idx.msk [tilespmem:v55+s15+$0x0], $0xffff  }
0x26c: {  	[tilespmem:v57+s26+$0x0] =	vst.idx.msk $0xffff, v56;
	v55 =	vor.u32 s8, v29;
	v56 =	vor.u32 s4, v30;
	v54 =	vld.idx.msk [tilespmem:v58+s15+$0x0], $0xffff  }
0x26d: {  	[tilespmem:v59+s26+$0x0] =	vst.idx.msk $0xffff, v37;
	v57 =	vld.idx.msk [tilespmem:v60+s15+$0x0], $0xffff;
	v58 =	vor.u32 s11, v31  }
0x26e: {  	v59 =	vor.u32 s18, v31;
	v34 =	vld.idx.msk [tilespmem:v34+s15+$0x0], $0xffff;
	[tilespmem:v62+s26+$0x0] =	vst.idx.msk $0xffff, v61  }
0x26f: {  	v61 =	vor.u32 s9, v31;
	v60 =	vld.idx.msk [tilespmem:v48+s15+$0x0], $0xffff;
	[tilespmem:v63+s26+$0x0] =	vst.idx.msk $0xffff, v39  }
0x270: {  	v62 =	vor.u32 s31, v31;
	v32 =	vld.idx.msk [tilespmem:v32+s15+$0x0], $0xffff;
	[tilespmem:v53+s26+$0x0] =	vst.idx.msk $0xffff, v52  }
0x271: {  	v63 =	vor.u32 s7, v31;
	[tilespmem:v55+s26+$0x0] =	vst.idx.msk $0xffff, v54;
	v35 =	vld.idx.msk [tilespmem:v56+s15+$0x0], $0xffff  }
0x272: {  	v40 =	vor.u32 s8, v31;
	[tilespmem:v58+s26+$0x0] =	vst.idx.msk $0xffff, v57;
	v33 =	vld.idx.msk [tilespmem:v33+s15+$0x0], $0xffff  }
0x273: {  	[tilespmem:v59+s26+$0x0] =	vst.idx.msk $0xffff, v34  }
0x274: {  	[tilespmem:v61+s26+$0x0] =	vst.idx.msk $0xffff, v60  }
0x275: {  	[tilespmem:v62+s26+$0x0] =	vst.idx.msk $0xffff, v32  }
0x276: {  	[tilespmem:v63+s26+$0x0] =	vst.idx.msk $0xffff, v35  }
0x277: {  	[tilespmem:v40+s26+$0x0] =	vst.idx.msk $0xffff, v33  }
0x278: {  	s13 =	rddreg [dreg:$0x6]  }
0x279: {  	s3 =	simm.s32 $0x20000;
	s2 =	sadd.s32 s10, s13  }
0x27a: {  	[hbm4b:s2+s25] =	stream.strided.scatter [tilespmem:s26], [sflag:$0x6], $0x2000, s3, s25, $0x38;
	[tilespmem:$0x12400] =	vst v63  }
0x27b: {  	p0 =	seq.s32 s0, $0x31;
	s2 =	rddreg [dreg:$0xb]  }
0x27c: {  	s5 =	simm.s32 @!p0 $0x8400;
	s16 =	simm.s32 $0x0;
	s11 =	sshrl.u32 @!p0 s2, $0x2  }
0x27d: {  	s4 =	simm.s32 @!p0 $0x80;
	s3 =	rddreg [dreg:$0x3];
	s2 =	sadd.s32 @!p0 $0x280, s11  }
0x27e: {  	[tilespmem:s5], [sflag:$0x2] =	stream.indirect.gather @!p0 [hbm4b:s3+s4], $0x40, s2, s4, $0xb8;
	[tilespmem:$0x12400] =	vst v63  }
0x27f: {  	s2 =	sand.u32 $0x2, s16  }
0x280: {  	s18 =	sor.u32 $0x1, s2  }
0x281: {  	s23 =	simm.s32 $0x3;
	s20 =	simm.s32 $0x0;
	s22 =	sshll.u32 s18, $0x4  }
0x282: {  	_ =	swait.ge [sflag:s23], $0x2000;
	s30 =	sor.u32 s20, s22  }
0x283: {  	[sflag:s23] =	ssyncset.done $0x0;
	v42 =	vor.u32 s30, v0  }
0x284: {  	s25 =	simm.s32 $0x5;
	s24 =	sshll.u32 s2, $0x4;
	[sflag:s23] =	ssyncadd.s32 $0xFFFFE000  }
0x285: {  	s20 =	sor.u32 s24, s20;
	_ =	swait.ge [sflag:s25], $0x2000  }
0x286: {  	s4 =	sshll.u32 s18, $0xB;
	v43 =	vor.u32 s20, v0;
	[sflag:s25] =	ssyncset.done $0x0  }
0x287: {  	s4 =	sadd.s32 $0x0, s4;
	[sflag:s25] =	ssyncadd.s32 $0xFFFFE000  }
0x288: {  	v44 =	vor.u32 s4, v1;
	v32 =	vld.idx.msk [tilespmem:v42+s17+$0x0], $0xffff  }
0x289: {  	s2 =	sshll.u32 s2, $0xB;
	v45 =	vor.u32 s30, v2  }
0x28a: {  	s31 =	sadd.s32 $0x0, s2  }
0x28b: {  	v46 =	vor.u32 s31, v1;
	v33 =	vld.idx.msk [tilespmem:v43+s17+$0x0], $0xffff  }
0x28c: {  	v47 =	vor.u32 s20, v2  }
0x28d: {  	[tilespmem:v44+s21+$0x0] =	vst.idx.msk $0xffff, v32  }
0x28e: {  	v48 =	vor.u32 s4, v3;
	v32 =	vld.idx.msk [tilespmem:v45+s17+$0x0], $0xffff  }
0x28f: {  	v49 =	vor.u32 s30, v4  }
0x290: {  	[tilespmem:v46+s21+$0x0] =	vst.idx.msk $0xffff, v33  }
0x291: {  	v50 =	vor.u32 s31, v3;
	v33 =	vld.idx.msk [tilespmem:v47+s17+$0x0], $0xffff  }
0x292: {  	v51 =	vor.u32 s20, v4  }
0x293: {  	[tilespmem:v48+s21+$0x0] =	vst.idx.msk $0xffff, v32  }
0x294: {  	s29 =	simm.s32 $0x2;
	v52 =	vor.u32 s4, v5;
	v32 =	vld.idx.msk [tilespmem:v49+s17+$0x0], $0xffff  }
0x295: {  	s2 =	sand.u32 $0x2, s29;
	v53 =	vor.u32 s30, v6  }
0x296: {  	s3 =	sor.u32 $0x1, s2;
	[tilespmem:v50+s21+$0x0] =	vst.idx.msk $0xffff, v33  }
0x297: {  	s8 =	simm.s32 $0x0;
	v54 =	vor.u32 s31, v5;
	s9 =	sshll.u32 s3, $0x4;
	v33 =	vld.idx.msk [tilespmem:v51+s17+$0x0], $0xffff  }
0x298: {  	v55 =	vor.u32 s20, v6;
	s18 =	sor.u32 s8, s9  }
0x299: {  	v56 =	vor.u32 s18, v0;
	[tilespmem:v52+s21+$0x0] =	vst.idx.msk $0xffff, v32  }
0x29a: {  	s12 =	sshll.u32 s2, $0x4;
	v57 =	vor.u32 s4, v7;
	v35 =	vld.idx.msk [tilespmem:v53+s17+$0x0], $0xffff  }
0x29b: {  	v58 =	vor.u32 s30, v8;
	s5 =	sor.u32 s12, s8  }
0x29c: {  	s6 =	sshll.u32 s3, $0xB;
	v60 =	vor.u32 s5, v0;
	[tilespmem:v54+s21+$0x0] =	vst.idx.msk $0xffff, v33  }
0x29d: {  	v59 =	vor.u32 s31, v7;
	s16 =	sadd.s32 $0x0, s6;
	v33 =	vld.idx.msk [tilespmem:v55+s17+$0x0], $0xffff  }
0x29e: {  	v61 =	vor.u32 s20, v8;
	v62 =	vor.u32 s16, v1;
	v32 =	vld.idx.msk [tilespmem:v56+s17+$0x0], $0xffff  }
0x29f: {  	s2 =	sshll.u32 s2, $0xB;
	v63 =	vor.u32 s18, v2;
	[tilespmem:v57+s21+$0x0] =	vst.idx.msk $0xffff, v35  }
0x2a0: {  	s2 =	sadd.s32 $0x0, s2;
	v45 =	vor.u32 s4, v9;
	v35 =	vld.idx.msk [tilespmem:v58+s17+$0x0], $0xffff  }
0x2a1: {  	v46 =	vor.u32 s30, v10;
	v47 =	vld.idx.msk [tilespmem:v60+s17+$0x0], $0xffff;
	v48 =	vor.u32 s2, v1  }
0x2a2: {  	v51 =	vor.u32 s5, v2;
	[tilespmem:v59+s21+$0x0] =	vst.idx.msk $0xffff, v33  }
0x2a3: {  	v50 =	vor.u32 s31, v9;
	[tilespmem:v62+s21+$0x0] =	vst.idx.msk $0xffff, v32;
	v49 =	vld.idx.msk [tilespmem:v61+s17+$0x0], $0xffff  }
0x2a4: {  	v52 =	vor.u32 s20, v10;
	v53 =	vor.u32 s16, v3;
	v32 =	vld.idx.msk [tilespmem:v63+s17+$0x0], $0xffff  }
0x2a5: {  	v54 =	vor.u32 s18, v4;
	[tilespmem:v45+s21+$0x0] =	vst.idx.msk $0xffff, v35  }
0x2a6: {  	[tilespmem:v48+s21+$0x0] =	vst.idx.msk $0xffff, v47;
	v55 =	vor.u32 s4, v11;
	v38 =	vld.idx.msk [tilespmem:v46+s17+$0x0], $0xffff  }
0x2a7: {  	v56 =	vor.u32 s30, v12;
	v36 =	vld.idx.msk [tilespmem:v51+s17+$0x0], $0xffff;
	v57 =	vor.u32 s2, v3  }
0x2a8: {  	v59 =	vor.u32 s5, v4;
	[tilespmem:v50+s21+$0x0] =	vst.idx.msk $0xffff, v49  }
0x2a9: {  	v58 =	vor.u32 s31, v11;
	[tilespmem:v53+s21+$0x0] =	vst.idx.msk $0xffff, v32;
	v39 =	vld.idx.msk [tilespmem:v52+s17+$0x0], $0xffff  }
0x2aa: {  	v60 =	vor.u32 s20, v12;
	v61 =	vor.u32 s16, v5;
	v32 =	vld.idx.msk [tilespmem:v54+s17+$0x0], $0xffff  }
0x2ab: {  	v62 =	vor.u32 s18, v6;
	[tilespmem:v55+s21+$0x0] =	vst.idx.msk $0xffff, v38  }
0x2ac: {  	v63 =	vor.u32 s4, v13;
	[tilespmem:v57+s21+$0x0] =	vst.idx.msk $0xffff, v36;
	v33 =	vld.idx.msk [tilespmem:v56+s17+$0x0], $0xffff  }
0x2ad: {  	s13 =	simm.s32 $0x4;
	v45 =	vor.u32 s30, v14;
	v37 =	vld.idx.msk [tilespmem:v59+s17+$0x0], $0xffff;
	v46 =	vor.u32 s2, v5  }
0x2ae: {  	s22 =	sand.u32 $0x2, s13;
	v49 =	vor.u32 s5, v6;
	[tilespmem:v58+s21+$0x0] =	vst.idx.msk $0xffff, v39  }
0x2af: {  	s23 =	sor.u32 $0x1, s22;
	v48 =	vor.u32 s31, v13;
	[tilespmem:v61+s21+$0x0] =	vst.idx.msk $0xffff, v32;
	v47 =	vld.idx.msk [tilespmem:v60+s17+$0x0], $0xffff  }
0x2b0: {  	s24 =	simm.s32 $0x400;
	s25 =	sshll.u32 s23, $0x4;
	v51 =	vor.u32 s16, v7;
	v50 =	vor.u32 s20, v14;
	v34 =	vld.idx.msk [tilespmem:v62+s17+$0x0], $0xffff  }
0x2b1: {  	s9 =	sor.u32 s24, s25;
	v52 =	vor.u32 s18, v8;
	[tilespmem:v63+s21+$0x0] =	vst.idx.msk $0xffff, v33  }
0x2b2: {  	v54 =	vor.u32 s4, v15;
	[tilespmem:v46+s21+$0x0] =	vst.idx.msk $0xffff, v37;
	v55 =	vor.u32 s9, v0;
	v53 =	vld.idx.msk [tilespmem:v45+s17+$0x0], $0xffff  }
0x2b3: {  	s29 =	sshll.u32 s22, $0x4;
	v57 =	vor.u32 s2, v7;
	v56 =	vor.u32 s30, v16;
	v39 =	vld.idx.msk [tilespmem:v49+s17+$0x0], $0xffff  }
0x2b4: {  	s6 =	sor.u32 s29, s24;
	v59 =	vor.u32 s5, v8;
	[tilespmem:v48+s21+$0x0] =	vst.idx.msk $0xffff, v47  }
0x2b5: {  	s8 =	sshll.u32 s23, $0xB;
	v61 =	vor.u32 s6, v0;
	v58 =	vor.u32 s31, v15;
	[tilespmem:v51+s21+$0x0] =	vst.idx.msk $0xffff, v34;
	v41 =	vld.idx.msk [tilespmem:v50+s17+$0x0], $0xffff  }
0x2b6: {  	s12 =	sadd.s32 $0x10, s8;
	v62 =	vor.u32 s16, v9;
	v60 =	vor.u32 s20, v16;
	v33 =	vld.idx.msk [tilespmem:v52+s17+$0x0], $0xffff  }
0x2b7: {  	v49 =	vor.u32 s12, v1;
	v63 =	vor.u32 s18, v10;
	v48 =	vld.idx.msk [tilespmem:v55+s17+$0x0], $0xffff;
	[tilespmem:v54+s21+$0x0] =	vst.idx.msk $0xffff, v53  }
0x2b8: {  	s7 =	sshll.u32 s22, $0xB;
	v51 =	vor.u32 s9, v2;
	[tilespmem:v57+s21+$0x0] =	vst.idx.msk $0xffff, v39;
	v50 =	vor.u32 s4, v17;
	v38 =	vld.idx.msk [tilespmem:v56+s17+$0x0], $0xffff  }
0x2b9: {  	s13 =	sadd.s32 $0x10, s7;
	v52 =	vor.u32 s30, v18;
	v53 =	vld.idx.msk [tilespmem:v59+s17+$0x0], $0xffff;
	v54 =	vor.u32 s2, v9  }
0x2ba: {  	v32 =	vld.idx.msk [tilespmem:v61+s17+$0x0], $0xffff;
	v57 =	vor.u32 s5, v10;
	[tilespmem:v58+s21+$0x0] =	vst.idx.msk $0xffff, v41;
	v59 =	vor.u32 s13, v1  }
0x2bb: {  	v61 =	vor.u32 s6, v2;
	[tilespmem:v62+s21+$0x0] =	vst.idx.msk $0xffff, v33;
	v55 =	vld.idx.msk [tilespmem:v60+s17+$0x0], $0xffff;
	v56 =	vor.u32 s31, v17  }
0x2bc: {  	[tilespmem:v49+s21+$0x0] =	vst.idx.msk $0xffff, v48;
	v58 =	vor.u32 s20, v18;
	v35 =	vld.idx.msk [tilespmem:v63+s17+$0x0], $0xffff;
	v60 =	vor.u32 s16, v11  }
0x2bd: {  	v62 =	vor.u32 s18, v12;
	v48 =	vor.u32 s12, v3;
	v63 =	vld.idx.msk [tilespmem:v51+s17+$0x0], $0xffff;
	[tilespmem:v50+s21+$0x0] =	vst.idx.msk $0xffff, v38  }
0x2be: {  	v49 =	vor.u32 s4, v19;
	[tilespmem:v54+s21+$0x0] =	vst.idx.msk $0xffff, v53;
	v50 =	vor.u32 s9, v4;
	v40 =	vld.idx.msk [tilespmem:v52+s17+$0x0], $0xffff  }
0x2bf: {  	v51 =	vor.u32 s30, v20;
	v53 =	vor.u32 s2, v11;
	[tilespmem:v59+s21+$0x0] =	vst.idx.msk $0xffff, v32;
	v52 =	vld.idx.msk [tilespmem:v57+s17+$0x0], $0xffff  }
0x2c0: {  	[tilespmem:v56+s21+$0x0] =	vst.idx.msk $0xffff, v55;
	v55 =	vor.u32 s5, v12;
	v34 =	vld.idx.msk [tilespmem:v61+s17+$0x0], $0xffff;
	v56 =	vor.u32 s13, v3  }
0x2c1: {  	v54 =	vor.u32 s31, v19;
	v59 =	vor.u32 s6, v4;
	[tilespmem:v60+s21+$0x0] =	vst.idx.msk $0xffff, v35;
	v33 =	vld.idx.msk [tilespmem:v58+s17+$0x0], $0xffff  }
0x2c2: {  	[tilespmem:v48+s21+$0x0] =	vst.idx.msk $0xffff, v63;
	v37 =	vld.idx.msk [tilespmem:v62+s17+$0x0], $0xffff;
	v58 =	vor.u32 s16, v13  }
0x2c3: {  	v60 =	vor.u32 s12, v5;
	v57 =	vor.u32 s20, v20;
	v39 =	vld.idx.msk [tilespmem:v50+s17+$0x0], $0xffff;
	[tilespmem:v49+s21+$0x0] =	vst.idx.msk $0xffff, v40  }
0x2c4: {  	v61 =	vor.u32 s18, v14;
	v62 =	vor.u32 s4, v21;
	[tilespmem:v53+s21+$0x0] =	vst.idx.msk $0xffff, v52;
	v42 =	vld.idx.msk [tilespmem:v51+s17+$0x0], $0xffff  }
0x2c5: {  	v63 =	vor.u32 s9, v6;
	v50 =	vor.u32 s2, v13;
	[tilespmem:v56+s21+$0x0] =	vst.idx.msk $0xffff, v34;
	v32 =	vld.idx.msk [tilespmem:v55+s17+$0x0], $0xffff  }
0x2c6: {  	s28 =	simm.s32 $0x6;
	[tilespmem:v54+s21+$0x0] =	vst.idx.msk $0xffff, v33;
	v49 =	vor.u32 s30, v22;
	v54 =	vld.idx.msk [tilespmem:v59+s17+$0x0], $0xffff;
	v55 =	vor.u32 s13, v5  }
0x2c7: {  	s22 =	sand.u32 $0x2, s28;
	v52 =	vor.u32 s5, v14;
	[tilespmem:v58+s21+$0x0] =	vst.idx.msk $0xffff, v37  }
0x2c8: {  	s3 =	sor.u32 $0x1, s22;
	v53 =	vor.u32 s31, v21;
	v58 =	vor.u32 s6, v6;
	v51 =	vld.idx.msk [tilespmem:v57+s17+$0x0], $0xffff;
	[tilespmem:v60+s21+$0x0] =	vst.idx.msk $0xffff, v39  }
0x2c9: {  	s23 =	simm.s32 $0x400;
	s25 =	sshll.u32 s3, $0x4;
	v56 =	vor.u32 s20, v22;
	v59 =	vor.u32 s16, v15;
	v57 =	vld.idx.msk [tilespmem:v61+s17+$0x0], $0xffff;
	[tilespmem:v62+s21+$0x0] =	vst.idx.msk $0xffff, v42  }
0x2ca: {  	s7 =	sor.u32 s23, s25;
	v61 =	vor.u32 s12, v7;
	v60 =	vor.u32 s18, v16;
	v62 =	vld.idx.msk [tilespmem:v63+s17+$0x0], $0xffff;
	[tilespmem:v50+s21+$0x0] =	vst.idx.msk $0xffff, v32  }
0x2cb: {  	v63 =	vor.u32 s4, v23;
	[tilespmem:v55+s21+$0x0] =	vst.idx.msk $0xffff, v54;
	v55 =	vor.u32 s7, v0;
	v33 =	vld.idx.msk [tilespmem:v49+s17+$0x0], $0xffff  }
0x2cc: {  	v48 =	vor.u32 s9, v8;
	v35 =	vld.idx.msk [tilespmem:v52+s17+$0x0], $0xffff;
	v49 =	vor.u32 s2, v15  }
0x2cd: {  	[tilespmem:v53+s21+$0x0] =	vst.idx.msk $0xffff, v51;
	v50 =	vor.u32 s30, v24;
	v54 =	vor.u32 s13, v7;
	v40 =	vld.idx.msk [tilespmem:v58+s17+$0x0], $0xffff  }
0x2ce: {  	v51 =	vor.u32 s5, v16;
	[tilespmem:v59+s21+$0x0] =	vst.idx.msk $0xffff, v57;
	v37 =	vld.idx.msk [tilespmem:v56+s17+$0x0], $0xffff  }
0x2cf: {  	v57 =	vor.u32 s6, v8;
	v56 =	vor.u32 s31, v23;
	v42 =	vld.idx.msk [tilespmem:v60+s17+$0x0], $0xffff;
	[tilespmem:v61+s21+$0x0] =	vst.idx.msk $0xffff, v62  }
0x2d0: {  	s8 =	sshll.u32 s3, $0xB;
	v59 =	vor.u32 s20, v24;
	v58 =	vor.u32 s16, v17;
	v39 =	vld.idx.msk [tilespmem:v55+s17+$0x0], $0xffff;
	[tilespmem:v63+s21+$0x0] =	vst.idx.msk $0xffff, v33  }
0x2d1: {  	s24 =	sshll.u32 s22, $0x4;
	s8 =	sadd.s32 $0x10, s8;
	v52 =	vor.u32 s18, v18;
	v62 =	vor.u32 s12, v9;
	v32 =	vld.idx.msk [tilespmem:v48+s17+$0x0], $0xffff;
	[tilespmem:v49+s21+$0x0] =	vst.idx.msk $0xffff, v35  }
0x2d2: {  	s24 =	sor.u32 s24, s23;
	v53 =	vor.u32 s9, v10;
	[tilespmem:v54+s21+$0x0] =	vst.idx.msk $0xffff, v40;
	v54 =	vor.u32 s8, v1;
	v36 =	vld.idx.msk [tilespmem:v50+s17+$0x0], $0xffff  }
0x2d3: {  	v46 =	vor.u32 s20, v26;
	v60 =	vor.u32 s24, v0;
	v63 =	vor.u32 s4, v25;
	v38 =	vld.idx.msk [tilespmem:v51+s17+$0x0], $0xffff  }
0x2d4: {  	v61 =	vor.u32 s2, v17;
	[tilespmem:v56+s21+$0x0] =	vst.idx.msk $0xffff, v37;
	v55 =	vld.idx.msk [tilespmem:v57+s17+$0x0], $0xffff;
	v57 =	vor.u32 s7, v2  }
0x2d5: {  	v56 =	vor.u32 s30, v26;
	v33 =	vld.idx.msk [tilespmem:v59+s17+$0x0], $0xffff;
	[tilespmem:v58+s21+$0x0] =	vst.idx.msk $0xffff, v42;
	v58 =	vor.u32 s13, v9  }
0x2d6: {  	v59 =	vor.u32 s5, v18;
	v35 =	vld.idx.msk [tilespmem:v52+s17+$0x0], $0xffff;
	[tilespmem:v62+s21+$0x0] =	vst.idx.msk $0xffff, v32;
	v62 =	vor.u32 s31, v25  }
0x2d7: {  	s29 =	sshll.u32 s22, $0xB;
	v48 =	vor.u32 s6, v10;
	v51 =	vor.u32 s16, v19;
	[tilespmem:v54+s21+$0x0] =	vst.idx.msk $0xffff, v39;
	v47 =	vld.idx.msk [tilespmem:v53+s17+$0x0], $0xffff  }
0x2d8: {  	v34 =	vor.u32 s20, v30;
	v50 =	vor.u32 s20, v28;
	s20 =	sadd.s32 $0x10, s29;
	[tilespmem:v63+s21+$0x0] =	vst.idx.msk $0xffff, v36;
	v36 =	vld.idx.msk [tilespmem:v60+s17+$0x0], $0xffff;
	v63 =	vor.u32 s12, v11  }
0x2d9: {  	v37 =	vor.u32 s9, v12;
	[tilespmem:v61+s21+$0x0] =	vst.idx.msk $0xffff, v38;
	v38 =	vor.u32 s20, v1;
	v42 =	vld.idx.msk [tilespmem:v57+s17+$0x0], $0xffff  }
0x2da: {  	v61 =	vor.u32 s24, v2;
	v57 =	vor.u32 s8, v3;
	v60 =	vld.idx.msk [tilespmem:v56+s17+$0x0], $0xffff;
	[tilespmem:v58+s21+$0x0] =	vst.idx.msk $0xffff, v55  }
0x2db: {  	v43 =	vor.u32 s18, v22;
	v56 =	vor.u32 s4, v27;
	v32 =	vld.idx.msk [tilespmem:v59+s17+$0x0], $0xffff;
	v58 =	vor.u32 s18, v20;
	[tilespmem:v62+s21+$0x0] =	vst.idx.msk $0xffff, v33  }
0x2dc: {  	v59 =	vor.u32 s7, v4;
	[tilespmem:v51+s21+$0x0] =	vst.idx.msk $0xffff, v35;
	v62 =	vor.u32 s2, v19;
	v35 =	vld.idx.msk [tilespmem:v46+s17+$0x0], $0xffff  }
0x2dd: {  	v45 =	vor.u32 s31, v29;
	v46 =	vld.idx.msk [tilespmem:v48+s17+$0x0], $0xffff;
	[tilespmem:v63+s21+$0x0] =	vst.idx.msk $0xffff, v47;
	v47 =	vor.u32 s31, v27;
	v63 =	vor.u32 s30, v28  }
0x2de: {  	v41 =	vor.u32 s5, v20;
	[tilespmem:v38+s21+$0x0] =	vst.idx.msk $0xffff, v36;
	v38 =	vor.u32 s13, v11;
	v49 =	vld.idx.msk [tilespmem:v37+s17+$0x0], $0xffff  }
0x2df: {  	v40 =	vor.u32 s20, v3;
	v53 =	vor.u32 s12, v13;
	[tilespmem:v57+s21+$0x0] =	vst.idx.msk $0xffff, v42;
	v44 =	vld.idx.msk [tilespmem:v61+s17+$0x0], $0xffff  }
0x2e0: {  	v39 =	vor.u32 s30, v30;
	v51 =	vor.u32 s6, v12;
	[tilespmem:v56+s21+$0x0] =	vst.idx.msk $0xffff, v60;
	v60 =	vld.idx.msk [tilespmem:v58+s17+$0x0], $0xffff  }
0x2e1: {  	v61 =	vor.u32 s24, v4;
	v33 =	vld.idx.msk [tilespmem:v59+s17+$0x0], $0xffff;
	v56 =	vor.u32 s8, v5;
	[tilespmem:v62+s21+$0x0] =	vst.idx.msk $0xffff, v32  }
0x2e2: {  	v57 =	vor.u32 s9, v14;
	v62 =	vor.u32 s16, v21;
	[tilespmem:v47+s21+$0x0] =	vst.idx.msk $0xffff, v35;
	v58 =	vld.idx.msk [tilespmem:v63+s17+$0x0], $0xffff  }
0x2e3: {  	v36 =	vor.u32 s7, v16;
	v59 =	vor.u32 s4, v29;
	v63 =	vor.u32 s7, v6;
	[tilespmem:v38+s21+$0x0] =	vst.idx.msk $0xffff, v46;
	v41 =	vld.idx.msk [tilespmem:v41+s17+$0x0], $0xffff  }
0x2e4: {  	v48 =	vor.u32 s12, v15;
	v37 =	vor.u32 s9, v16;
	v42 =	vld.idx.msk [tilespmem:v50+s17+$0x0], $0xffff;
	[tilespmem:v53+s21+$0x0] =	vst.idx.msk $0xffff, v49  }
0x2e5: {  	v38 =	vor.u32 s8, v7;
	v47 =	vld.idx.msk [tilespmem:v51+s17+$0x0], $0xffff;
	[tilespmem:v40+s21+$0x0] =	vst.idx.msk $0xffff, v44;
	v49 =	vor.u32 s13, v13  }
0x2e6: {  	v32 =	vor.u32 s6, v30;
	v50 =	vor.u32 s6, v14;
	v44 =	vor.u32 s2, v21;
	[tilespmem:v56+s21+$0x0] =	vst.idx.msk $0xffff, v33;
	v52 =	vld.idx.msk [tilespmem:v61+s17+$0x0], $0xffff  }
0x2e7: {  	v53 =	vor.u32 s20, v5;
	v40 =	vor.u32 s5, v22;
	v46 =	vld.idx.msk [tilespmem:v57+s17+$0x0], $0xffff;
	[tilespmem:v62+s21+$0x0] =	vst.idx.msk $0xffff, v60  }
0x2e8: {  	s1 =	simm.s32 $0x400;
	v54 =	vor.u32 s24, v6;
	v35 =	vor.u32 s5, v30;
	v33 =	vor.u32 s24, v30;
	v51 =	vld.idx.msk [tilespmem:v63+s17+$0x0], $0xffff;
	[tilespmem:v59+s21+$0x0] =	vst.idx.msk $0xffff, v58  }
.LBB2_11:
0x2e9: {  	s28 =	sadd.s32 $0x2, s28;
	v43 =	vld.idx.msk [tilespmem:v43+s17+$0x0], $0xffff;
	[tilespmem:v45+s21+$0x0] =	vst.idx.msk $0xffff, v42;
	v42 =	vor.u32 s16, v23;
	v45 =	vor.u32 s4, v31  }
0x2ea: {  	v56 =	vor.u32 s24, v8;
	s22 =	sshrl.u32 s28, $0x2;
	s23 =	sand.u32 $0x2, s28;
	p1 =	slt.u32 s28, $0x1E;
	[tilespmem:v49+s21+$0x0] =	vst.idx.msk $0xffff, v47;
	v39 =	vld.idx.msk [tilespmem:v39+s17+$0x0], $0xffff;
	v47 =	vor.u32 s7, v8  }
0x2eb: {  	s4 =	sshll.u32 s23, $0xB;
	s25 =	sshll.u32 s22, $0x4;
	s3 =	sor.u32 $0x1, s23;
	v49 =	vld.idx.msk [tilespmem:v50+s17+$0x0], $0xffff;
	[tilespmem:v44+s21+$0x0] =	vst.idx.msk $0xffff, v41;
	v41 =	vor.u32 s31, v31;
	v44 =	vor.u32 s13, v15  }
0x2ec: {  	s22 =	sshll.u32 s22, $0xA;
	s23 =	sshll.u32 s23, $0x4;
	v50 =	vor.u32 s18, v24;
	s30 =	sshll.u32 s3, $0x4;
	[tilespmem:v53+s21+$0x0] =	vst.idx.msk $0xffff, v52;
	v40 =	vld.idx.msk [tilespmem:v40+s17+$0x0], $0xffff;
	v53 =	vor.u32 s20, v7  }
0x2ed: {  	s29 =	sor.u32 s23, s22;
	s3 =	sshll.u32 s3, $0xB;
	s30 =	sor.u32 s22, s30;
	v52 =	vld.idx.msk [tilespmem:v54+s17+$0x0], $0xffff;
	v54 =	vor.u32 s6, v16;
	[tilespmem:v48+s21+$0x0] =	vst.idx.msk $0xffff, v46;
	v46 =	vor.u32 s2, v23  }
0x2ee: {  	s31 =	smov.u32 s2;
	s4 =	sadd.s32 s25, s4;
	v48 =	vor.u32 s29, v0;
	s3 =	sadd.s32 s25, s3;
	v55 =	vor.u32 s30, v0;
	[tilespmem:v38+s21+$0x0] =	vst.idx.msk $0xffff, v51;
	v51 =	vld.idx.msk [tilespmem:v37+s17+$0x0], $0xffff;
	v37 =	vmovc v36;
	v36 =	vor.u32 s30, v16  }
0x2ef: {  	v57 =	vor.u32 s12, v17;
	s2 =	smov.u32 s13;
	s13 =	smov.u32 s20;
	s20 =	smov.u32 s4;
	v38 =	vor.u32 s3, v7;
	[tilespmem:v42+s21+$0x0] =	vst.idx.msk $0xffff, v43;
	v42 =	vld.idx.msk [tilespmem:v34+s17+$0x0], $0xffff;
	v34 =	vmov v35  }
0x2f0: {  	s4 =	smov.u32 s16;
	s16 =	smov.u32 s12;
	s12 =	smov.u32 s8;
	v35 =	vmovc v32;
	v32 =	vmov v33;
	v33 =	vor.u32 s29, v30;
	v43 =	vld.idx.msk [tilespmem:v47+s17+$0x0], $0xffff;
	v47 =	vor.u32 s5, v24;
	[tilespmem:v45+s21+$0x0] =	vst.idx.msk $0xffff, v39  }
0x2f1: {  	s8 =	smov.u32 s3;
	v39 =	vor.u32 s12, v9;
	[tilespmem:v44+s21+$0x0] =	vst.idx.msk $0xffff, v49;
	v44 =	vor.u32 s9, v18;
	v45 =	vld.idx.msk [tilespmem:v50+s17+$0x0], $0xffff  }
0x2f2: {  	v49 =	vor.u32 s7, v10;
	v50 =	vld.idx.msk [tilespmem:v54+s17+$0x0], $0xffff;
	[tilespmem:v46+s21+$0x0] =	vst.idx.msk $0xffff, v40;
	v40 =	vor.u32 s4, v25  }
0x2f3: {  	v46 =	vld.idx.msk [tilespmem:v55+s17+$0x0], $0xffff;
	[tilespmem:v53+s21+$0x0] =	vst.idx.msk $0xffff, v52;
	v52 =	vor.u32 s2, v17  }
0x2f4: {  	v53 =	vor.u32 s8, v1;
	v54 =	vld.idx.msk [tilespmem:v56+s17+$0x0], $0xffff;
	[tilespmem:v57+s21+$0x0] =	vst.idx.msk $0xffff, v51;
	v51 =	vor.u32 s18, v26  }
0x2f5: {  	v55 =	vor.u32 s30, v2;
	v56 =	vor.u32 s13, v9;
	v47 =	vld.idx.msk [tilespmem:v47+s17+$0x0], $0xffff;
	[tilespmem:v41+s21+$0x0] =	vst.idx.msk $0xffff, v42  }
0x2f6: {  	v42 =	vor.u32 s31, v25;
	[tilespmem:v39+s21+$0x0] =	vst.idx.msk $0xffff, v43;
	v39 =	vor.u32 s6, v18;
	v41 =	vld.idx.msk [tilespmem:v44+s17+$0x0], $0xffff  }
0x2f7: {  	v44 =	vor.u32 s16, v19;
	v43 =	vld.idx.msk [tilespmem:v49+s17+$0x0], $0xffff;
	v49 =	vor.u32 s5, v26;
	[tilespmem:v40+s21+$0x0] =	vst.idx.msk $0xffff, v45  }
0x2f8: {  	v45 =	vor.u32 s24, v10;
	v40 =	vld.idx.msk [tilespmem:v48+s17+$0x0], $0xffff;
	v48 =	vor.u32 s12, v11;
	[tilespmem:v52+s21+$0x0] =	vst.idx.msk $0xffff, v50  }
0x2f9: {  	v50 =	vor.u32 s20, v1;
	[tilespmem:v53+s21+$0x0] =	vst.idx.msk $0xffff, v46;
	v46 =	vor.u32 s7, v12;
	v51 =	vld.idx.msk [tilespmem:v51+s17+$0x0], $0xffff  }
0x2fa: {  	v52 =	vor.u32 s29, v2;
	v53 =	vld.idx.msk [tilespmem:v55+s17+$0x0], $0xffff;
	[tilespmem:v56+s21+$0x0] =	vst.idx.msk $0xffff, v54;
	v54 =	vor.u32 s4, v27  }
0x2fb: {  	v55 =	vor.u32 s8, v3;
	v56 =	vor.u32 s9, v20;
	v39 =	vld.idx.msk [tilespmem:v39+s17+$0x0], $0xffff;
	[tilespmem:v42+s21+$0x0] =	vst.idx.msk $0xffff, v47  }
0x2fc: {  	v42 =	vor.u32 s30, v4;
	v47 =	vor.u32 s2, v19;
	[tilespmem:v44+s21+$0x0] =	vst.idx.msk $0xffff, v41;
	v41 =	vld.idx.msk [tilespmem:v49+s17+$0x0], $0xffff  }
0x2fd: {  	v44 =	vld.idx.msk [tilespmem:v45+s17+$0x0], $0xffff;
	[tilespmem:v48+s21+$0x0] =	vst.idx.msk $0xffff, v43;
	v43 =	vor.u32 s31, v27;
	v45 =	vor.u32 s18, v28  }
0x2fe: {  	v48 =	vor.u32 s5, v28;
	s5 =	smov.u32 s6;
	s6 =	smov.u32 s24;
	s24 =	smov.u32 s29;
	[tilespmem:v50+s21+$0x0] =	vst.idx.msk $0xffff, v40;
	v40 =	vor.u32 s13, v11;
	v46 =	vld.idx.msk [tilespmem:v46+s17+$0x0], $0xffff  }
0x2ff: {  	v50 =	vor.u32 s6, v12;
	v49 =	vld.idx.msk [tilespmem:v52+s17+$0x0], $0xffff;
	v52 =	vor.u32 s12, v13;
	[tilespmem:v54+s21+$0x0] =	vst.idx.msk $0xffff, v51  }
0x300: {  	v51 =	vor.u32 s20, v3;
	[tilespmem:v55+s21+$0x0] =	vst.idx.msk $0xffff, v53;
	v53 =	vor.u32 s5, v20;
	v54 =	vld.idx.msk [tilespmem:v56+s17+$0x0], $0xffff  }
0x301: {  	v57 =	vor.u32 s16, v21;
	v55 =	vor.u32 s24, v4;
	v56 =	vld.idx.msk [tilespmem:v42+s17+$0x0], $0xffff;
	[tilespmem:v47+s21+$0x0] =	vst.idx.msk $0xffff, v39  }
0x302: {  	v59 =	vor.u32 s7, v14;
	v58 =	vor.u32 s8, v5;
	[tilespmem:v43+s21+$0x0] =	vst.idx.msk $0xffff, v41;
	v60 =	vld.idx.msk [tilespmem:v45+s17+$0x0], $0xffff  }
0x303: {  	v61 =	vor.u32 s30, v6;
	v62 =	vor.u32 s4, v29;
	[tilespmem:v40+s21+$0x0] =	vst.idx.msk $0xffff, v44;
	v42 =	vld.idx.msk [tilespmem:v48+s17+$0x0], $0xffff  }
.Ltmp7:
0x304: {  	v43 =	vor.u32 s9, v22;
	v45 =	vor.u32 s31, v29;
	v47 =	vld.idx.msk [tilespmem:v50+s17+$0x0], $0xffff;
	[tilespmem:v52+s21+$0x0] =	vst.idx.msk $0xffff, v46;
	(pc) =	sbr.rel @p1 .LBB2_11-.Ltmp7, $4  }
0x305: {  	v39 =	vor.u32 s18, v30;
	s18 =	smov.u32 s9;
	s9 =	smov.u32 s7;
	s7 =	smov.u32 s30;
	[tilespmem:v51+s21+$0x0] =	vst.idx.msk $0xffff, v49;
	v49 =	vor.u32 s13, v13;
	v41 =	vld.idx.msk [tilespmem:v53+s17+$0x0], $0xffff  }
0x306: {  	v44 =	vor.u32 s2, v21;
	v50 =	vor.u32 s6, v14;
	v52 =	vld.idx.msk [tilespmem:v55+s17+$0x0], $0xffff;
	[tilespmem:v57+s21+$0x0] =	vst.idx.msk $0xffff, v54  }
0x307: {  	v40 =	vor.u32 s5, v22;
	v53 =	vor.u32 s20, v5;
	[tilespmem:v58+s21+$0x0] =	vst.idx.msk $0xffff, v56;
	v46 =	vld.idx.msk [tilespmem:v59+s17+$0x0], $0xffff  }
0x308: {  	v48 =	vor.u32 s12, v15;
	v54 =	vor.u32 s24, v6;
	v51 =	vld.idx.msk [tilespmem:v61+s17+$0x0], $0xffff;
	[tilespmem:v62+s21+$0x0] =	vst.idx.msk $0xffff, v60  }
0x309: {  	_ =	sdelay $0x3  }
0x30a: {  	[tilespmem:v53+s21+$0x0] =	vst.idx.msk $0xffff, v52  }
0x30b: {  	v59 =	vor.u32 s7, v8;
	v60 =	vor.u32 s20, v7;
	v53 =	vld.idx.msk [tilespmem:v54+s17+$0x0], $0xffff  }
0x30c: {  	v55 =	vor.u32 s24, v8;
	_ =	sdelay $0x2  }
0x30d: {  	[tilespmem:v38+s21+$0x0] =	vst.idx.msk $0xffff, v51  }
0x30e: {  	v61 =	vor.u32 s8, v9;
	v38 =	vld.idx.msk [tilespmem:v59+s17+$0x0], $0xffff;
	[tilespmem:v60+s21+$0x0] =	vst.idx.msk $0xffff, v53  }
0x30f: {  	v62 =	vor.u32 s7, v10;
	v63 =	vor.u32 s20, v9;
	v53 =	vld.idx.msk [tilespmem:v55+s17+$0x0], $0xffff  }
0x310: {  	v57 =	vor.u32 s24, v10;
	_ =	sdelay $0x2  }
0x311: {  	[tilespmem:v61+s21+$0x0] =	vst.idx.msk $0xffff, v38  }
0x312: {  	v58 =	vor.u32 s8, v11;
	v38 =	vld.idx.msk [tilespmem:v62+s17+$0x0], $0xffff;
	[tilespmem:v63+s21+$0x0] =	vst.idx.msk $0xffff, v53  }
0x313: {  	v59 =	vor.u32 s7, v12;
	v60 =	vor.u32 s20, v11;
	v53 =	vld.idx.msk [tilespmem:v57+s17+$0x0], $0xffff  }
0x314: {  	v61 =	vor.u32 s24, v12;
	_ =	sdelay $0x2  }
0x315: {  	[tilespmem:v58+s21+$0x0] =	vst.idx.msk $0xffff, v38  }
0x316: {  	v62 =	vor.u32 s8, v13;
	v38 =	vld.idx.msk [tilespmem:v59+s17+$0x0], $0xffff;
	[tilespmem:v60+s21+$0x0] =	vst.idx.msk $0xffff, v53  }
0x317: {  	v63 =	vor.u32 s7, v14;
	v57 =	vor.u32 s20, v13;
	v53 =	vld.idx.msk [tilespmem:v61+s17+$0x0], $0xffff  }
0x318: {  	v58 =	vor.u32 s24, v14;
	_ =	sdelay $0x1  }
0x319: {  	[tilespmem:v49+s21+$0x0] =	vst.idx.msk $0xffff, v47  }
0x31a: {  	v47 =	vld.idx.msk [tilespmem:v50+s17+$0x0], $0xffff;
	v59 =	vor.u32 s13, v15;
	[tilespmem:v62+s21+$0x0] =	vst.idx.msk $0xffff, v38  }
0x31b: {  	v60 =	vor.u32 s6, v16;
	v62 =	vor.u32 s8, v15;
	v61 =	vld.idx.msk [tilespmem:v63+s17+$0x0], $0xffff;
	[tilespmem:v57+s21+$0x0] =	vst.idx.msk $0xffff, v53  }
0x31c: {  	v57 =	vor.u32 s20, v15;
	v63 =	vld.idx.msk [tilespmem:v58+s17+$0x0], $0xffff  }
0x31d: {  	[tilespmem:v48+s21+$0x0] =	vst.idx.msk $0xffff, v46;
	v58 =	vor.u32 s24, v16  }
0x31e: {  	v46 =	vor.u32 s12, v17;
	v37 =	vld.idx.msk [tilespmem:v37+s17+$0x0], $0xffff  }
0x31f: {  	[tilespmem:v59+s21+$0x0] =	vst.idx.msk $0xffff, v47;
	v59 =	vor.u32 s9, v18  }
0x320: {  	v38 =	vld.idx.msk [tilespmem:v60+s17+$0x0], $0xffff;
	v60 =	vor.u32 s13, v17;
	[tilespmem:v62+s21+$0x0] =	vst.idx.msk $0xffff, v61  }
0x321: {  	v61 =	vor.u32 s6, v18;
	v62 =	vor.u32 s8, v17;
	v36 =	vld.idx.msk [tilespmem:v36+s17+$0x0], $0xffff;
	[tilespmem:v57+s21+$0x0] =	vst.idx.msk $0xffff, v63  }
0x322: {  	v63 =	vor.u32 s7, v18;
	v57 =	vor.u32 s20, v17;
	v52 =	vld.idx.msk [tilespmem:v58+s17+$0x0], $0xffff  }
0x323: {  	[tilespmem:v46+s21+$0x0] =	vst.idx.msk $0xffff, v37;
	v58 =	vor.u32 s24, v18  }
0x324: {  	v46 =	vor.u32 s12, v19;
	v37 =	vld.idx.msk [tilespmem:v59+s17+$0x0], $0xffff  }
0x325: {  	v59 =	vor.u32 s9, v20;
	[tilespmem:v60+s21+$0x0] =	vst.idx.msk $0xffff, v38  }
0x326: {  	v60 =	vor.u32 s13, v19;
	v38 =	vld.idx.msk [tilespmem:v61+s17+$0x0], $0xffff;
	[tilespmem:v62+s21+$0x0] =	vst.idx.msk $0xffff, v36  }
0x327: {  	v61 =	vor.u32 s8, v19;
	v36 =	vor.u32 s6, v20;
	v49 =	vld.idx.msk [tilespmem:v63+s17+$0x0], $0xffff;
	[tilespmem:v57+s21+$0x0] =	vst.idx.msk $0xffff, v52  }
0x328: {  	[tilespmem:v45+s21+$0x0] =	vst.idx.msk $0xffff, v42;
	v62 =	vor.u32 s7, v20;
	v63 =	vor.u32 s20, v19;
	v42 =	vld.idx.msk [tilespmem:v58+s17+$0x0], $0xffff  }
0x329: {  	v43 =	vld.idx.msk [tilespmem:v43+s17+$0x0], $0xffff;
	v56 =	vor.u32 s16, v23;
	[tilespmem:v46+s21+$0x0] =	vst.idx.msk $0xffff, v37;
	v57 =	vor.u32 s24, v20  }
0x32a: {  	[tilespmem:v44+s21+$0x0] =	vst.idx.msk $0xffff, v41;
	v37 =	vld.idx.msk [tilespmem:v59+s17+$0x0], $0xffff;
	v59 =	vor.u32 s12, v21  }
0x32b: {  	v39 =	vld.idx.msk [tilespmem:v39+s17+$0x0], $0xffff;
	[tilespmem:v60+s21+$0x0] =	vst.idx.msk $0xffff, v38;
	v58 =	vor.u32 s4, v31  }
0x32c: {  	v47 =	vor.u32 s13, v21;
	v60 =	vor.u32 s9, v22;
	v36 =	vld.idx.msk [tilespmem:v36+s17+$0x0], $0xffff;
	[tilespmem:v61+s21+$0x0] =	vst.idx.msk $0xffff, v49  }
0x32d: {  	v61 =	vor.u32 s6, v22;
	v45 =	vld.idx.msk [tilespmem:v62+s17+$0x0], $0xffff;
	v62 =	vor.u32 s8, v21;
	[tilespmem:v63+s21+$0x0] =	vst.idx.msk $0xffff, v42  }
0x32e: {  	v54 =	vor.u32 s20, v21;
	[tilespmem:v56+s21+$0x0] =	vst.idx.msk $0xffff, v43;
	v63 =	vor.u32 s7, v22;
	v41 =	vld.idx.msk [tilespmem:v57+s17+$0x0], $0xffff  }
0x32f: {  	v40 =	vld.idx.msk [tilespmem:v40+s17+$0x0], $0xffff;
	v56 =	vor.u32 s24, v22;
	v55 =	vor.u32 s2, v23;
	[tilespmem:v59+s21+$0x0] =	vst.idx.msk $0xffff, v37  }
0x330: {  	v34 =	vld.idx.msk [tilespmem:v34+s17+$0x0], $0xffff;
	[tilespmem:v58+s21+$0x0] =	vst.idx.msk $0xffff, v39;
	v58 =	vor.u32 s18, v24;
	v57 =	vor.u32 s31, v31  }
0x331: {  	v59 =	vor.u32 s5, v24;
	v38 =	vld.idx.msk [tilespmem:v60+s17+$0x0], $0xffff;
	v60 =	vor.u32 s12, v23;
	[tilespmem:v47+s21+$0x0] =	vst.idx.msk $0xffff, v36  }
0x332: {  	v47 =	vor.u32 s9, v24;
	v36 =	vld.idx.msk [tilespmem:v61+s17+$0x0], $0xffff;
	v61 =	vor.u32 s13, v23;
	[tilespmem:v62+s21+$0x0] =	vst.idx.msk $0xffff, v45  }
0x333: {  	v62 =	vor.u32 s6, v24;
	v43 =	vld.idx.msk [tilespmem:v63+s17+$0x0], $0xffff;
	v63 =	vor.u32 s8, v23;
	[tilespmem:v54+s21+$0x0] =	vst.idx.msk $0xffff, v41  }
0x334: {  	[tilespmem:v55+s21+$0x0] =	vst.idx.msk $0xffff, v40;
	v40 =	vor.u32 s7, v24;
	v54 =	vor.u32 s20, v23;
	v39 =	vld.idx.msk [tilespmem:v56+s17+$0x0], $0xffff  }
0x335: {  	v55 =	vld.idx.msk [tilespmem:v58+s17+$0x0], $0xffff;
	[tilespmem:v57+s21+$0x0] =	vst.idx.msk $0xffff, v34;
	v57 =	vor.u32 s24, v24;
	v56 =	vor.u32 s16, v25  }
0x336: {  	v37 =	vld.idx.msk [tilespmem:v59+s17+$0x0], $0xffff;
	v59 =	vor.u32 s2, v25;
	[tilespmem:v60+s21+$0x0] =	vst.idx.msk $0xffff, v38;
	v58 =	vor.u32 s18, v26  }
0x337: {  	v60 =	vor.u32 s5, v26;
	v46 =	vld.idx.msk [tilespmem:v47+s17+$0x0], $0xffff;
	[tilespmem:v61+s21+$0x0] =	vst.idx.msk $0xffff, v36;
	v61 =	vor.u32 s12, v25  }
0x338: {  	v47 =	vor.u32 s9, v26;
	v42 =	vld.idx.msk [tilespmem:v62+s17+$0x0], $0xffff;
	v62 =	vor.u32 s13, v25;
	[tilespmem:v63+s21+$0x0] =	vst.idx.msk $0xffff, v43  }
0x339: {  	v63 =	vor.u32 s6, v26;
	v40 =	vld.idx.msk [tilespmem:v40+s17+$0x0], $0xffff;
	[tilespmem:v54+s21+$0x0] =	vst.idx.msk $0xffff, v39;
	v54 =	vor.u32 s8, v25  }
0x33a: {  	[tilespmem:v56+s21+$0x0] =	vst.idx.msk $0xffff, v55;
	v55 =	vor.u32 s7, v26;
	v56 =	vor.u32 s20, v25;
	v34 =	vld.idx.msk [tilespmem:v57+s17+$0x0], $0xffff  }
0x33b: {  	[tilespmem:v59+s21+$0x0] =	vst.idx.msk $0xffff, v37;
	v44 =	vld.idx.msk [tilespmem:v58+s17+$0x0], $0xffff;
	v57 =	vor.u32 s16, v27;
	v58 =	vor.u32 s24, v26  }
0x33c: {  	v59 =	vor.u32 s2, v27;
	v38 =	vld.idx.msk [tilespmem:v60+s17+$0x0], $0xffff;
	v60 =	vor.u32 s18, v28;
	[tilespmem:v61+s21+$0x0] =	vst.idx.msk $0xffff, v46  }
0x33d: {  	v61 =	vor.u32 s5, v28;
	v46 =	vld.idx.msk [tilespmem:v47+s17+$0x0], $0xffff;
	v47 =	vor.u32 s12, v27;
	[tilespmem:v62+s21+$0x0] =	vst.idx.msk $0xffff, v42  }
0x33e: {  	v62 =	vor.u32 s13, v27;
	v42 =	vld.idx.msk [tilespmem:v63+s17+$0x0], $0xffff;
	v63 =	vor.u32 s9, v28;
	[tilespmem:v54+s21+$0x0] =	vst.idx.msk $0xffff, v40  }
0x33f: {  	v39 =	vor.u32 s6, v28;
	v54 =	vor.u32 s8, v27;
	v40 =	vld.idx.msk [tilespmem:v55+s17+$0x0], $0xffff;
	[tilespmem:v56+s21+$0x0] =	vst.idx.msk $0xffff, v34  }
0x340: {  	[tilespmem:v57+s21+$0x0] =	vst.idx.msk $0xffff, v44;
	v55 =	vor.u32 s20, v27;
	v56 =	vor.u32 s7, v28;
	v34 =	vld.idx.msk [tilespmem:v58+s17+$0x0], $0xffff  }
0x341: {  	[tilespmem:v59+s21+$0x0] =	vst.idx.msk $0xffff, v38;
	v59 =	vor.u32 s24, v28;
	v57 =	vld.idx.msk [tilespmem:v60+s17+$0x0], $0xffff;
	v58 =	vor.u32 s16, v29  }
0x342: {  	v36 =	vld.idx.msk [tilespmem:v61+s17+$0x0], $0xffff;
	v61 =	vor.u32 s18, v30;
	v60 =	vor.u32 s2, v29;
	[tilespmem:v47+s21+$0x0] =	vst.idx.msk $0xffff, v46  }
0x343: {  	[tilespmem:v62+s21+$0x0] =	vst.idx.msk $0xffff, v42;
	v62 =	vld.idx.msk [tilespmem:v63+s17+$0x0], $0xffff;
	v63 =	vor.u32 s12, v29  }
0x344: {  	v48 =	vor.u32 s13, v29;
	v52 =	vor.u32 s9, v30;
	v39 =	vld.idx.msk [tilespmem:v39+s17+$0x0], $0xffff;
	[tilespmem:v54+s21+$0x0] =	vst.idx.msk $0xffff, v40  }
0x345: {  	v54 =	vor.u32 s8, v29;
	[tilespmem:v55+s21+$0x0] =	vst.idx.msk $0xffff, v34;
	v53 =	vld.idx.msk [tilespmem:v56+s17+$0x0], $0xffff  }
0x346: {  	[tilespmem:v58+s21+$0x0] =	vst.idx.msk $0xffff, v57;
	v56 =	vor.u32 s20, v29;
	v57 =	vor.u32 s7, v30;
	v55 =	vld.idx.msk [tilespmem:v59+s17+$0x0], $0xffff  }
0x347: {  	[tilespmem:v60+s21+$0x0] =	vst.idx.msk $0xffff, v36;
	v58 =	vld.idx.msk [tilespmem:v61+s17+$0x0], $0xffff;
	v59 =	vor.u32 s16, v31  }
0x348: {  	v60 =	vor.u32 s2, v31;
	v35 =	vld.idx.msk [tilespmem:v35+s17+$0x0], $0xffff;
	[tilespmem:v63+s21+$0x0] =	vst.idx.msk $0xffff, v62  }
0x349: {  	v62 =	vor.u32 s12, v31;
	[tilespmem:v48+s21+$0x0] =	vst.idx.msk $0xffff, v39;
	v61 =	vld.idx.msk [tilespmem:v52+s17+$0x0], $0xffff  }
0x34a: {  	v63 =	vor.u32 s13, v31;
	v32 =	vld.idx.msk [tilespmem:v32+s17+$0x0], $0xffff;
	[tilespmem:v54+s21+$0x0] =	vst.idx.msk $0xffff, v53  }
0x34b: {  	v40 =	vor.u32 s8, v31;
	[tilespmem:v56+s21+$0x0] =	vst.idx.msk $0xffff, v55;
	v34 =	vld.idx.msk [tilespmem:v57+s17+$0x0], $0xffff  }
0x34c: {  	v41 =	vor.u32 s20, v31;
	[tilespmem:v59+s21+$0x0] =	vst.idx.msk $0xffff, v58;
	v33 =	vld.idx.msk [tilespmem:v33+s17+$0x0], $0xffff  }
0x34d: {  	[tilespmem:v60+s21+$0x0] =	vst.idx.msk $0xffff, v35  }
0x34e: {  	[tilespmem:v62+s21+$0x0] =	vst.idx.msk $0xffff, v61  }
0x34f: {  	[tilespmem:v63+s21+$0x0] =	vst.idx.msk $0xffff, v32  }
0x350: {  	[tilespmem:v40+s21+$0x0] =	vst.idx.msk $0xffff, v34  }
0x351: {  	[tilespmem:v41+s21+$0x0] =	vst.idx.msk $0xffff, v33  }
0x352: {  	s3 =	simm.s32 $0x20000;
	s20 =	rddreg [dreg:$0x7]  }
0x353: {  	s22 =	simm.s32 $0x0;
	s4 =	simm.s32 @!p0 $0xA400;
	s2 =	sadd.s32 s10, s20  }
0x354: {  	[hbm4b:s2+s1] =	stream.strided.scatter [tilespmem:s21], [sflag:$0x5], $0x2000, s3, s1, $0x38;
	[tilespmem:$0x12400] =	vst v63  }
0x355: {  	s5 =	rddreg [dreg:$0x3];
	s2 =	sadd.s32 @!p0 $0x300, s11;
	s3 =	simm.s32 @!p0 $0x80  }
0x356: {  	[tilespmem:s4], [sflag:$0x3] =	stream.indirect.gather @!p0 [hbm4b:s5+s3], $0x40, s2, s3, $0xb8;
	[tilespmem:$0x12400] =	vst v63  }
0x357: {  	s2 =	sand.u32 $0x2, s22  }
0x358: {  	s23 =	sor.u32 $0x1, s2  }
0x359: {  	s29 =	simm.s32 $0x4;
	s24 =	simm.s32 $0x0;
	s25 =	sshll.u32 s23, $0x4  }
0x35a: {  	_ =	swait.ge [sflag:s29], $0x2000;
	s30 =	sor.u32 s24, s25  }
0x35b: {  	[sflag:s29] =	ssyncset.done $0x0;
	v42 =	vor.u32 s30, v0  }
0x35c: {  	s5 =	simm.s32 $0x6;
	s31 =	sshll.u32 s2, $0x4;
	[sflag:s29] =	ssyncadd.s32 $0xFFFFE000  }
0x35d: {  	s20 =	sor.u32 s31, s24;
	_ =	swait.ge [sflag:s5], $0x2000  }
0x35e: {  	s3 =	sshll.u32 s23, $0xB;
	v43 =	vor.u32 s20, v0;
	[sflag:s5] =	ssyncset.done $0x0  }
0x35f: {  	s4 =	sadd.s32 $0x0, s3;
	[sflag:s5] =	ssyncadd.s32 $0xFFFFE000  }
0x360: {  	v44 =	vor.u32 s4, v1;
	v32 =	vld.idx.msk [tilespmem:v42+s19+$0x0], $0xffff  }
0x361: {  	s2 =	sshll.u32 s2, $0xB;
	v45 =	vor.u32 s30, v2  }
0x362: {  	s18 =	sadd.s32 $0x0, s2  }
0x363: {  	v46 =	vor.u32 s18, v1;
	v33 =	vld.idx.msk [tilespmem:v43+s19+$0x0], $0xffff  }
0x364: {  	v47 =	vor.u32 s20, v2  }
0x365: {  	[tilespmem:v44+s26+$0x0] =	vst.idx.msk $0xffff, v32  }
0x366: {  	v48 =	vor.u32 s4, v3;
	v32 =	vld.idx.msk [tilespmem:v45+s19+$0x0], $0xffff  }
0x367: {  	v49 =	vor.u32 s30, v4  }
0x368: {  	[tilespmem:v46+s26+$0x0] =	vst.idx.msk $0xffff, v33  }
0x369: {  	v50 =	vor.u32 s18, v3;
	v33 =	vld.idx.msk [tilespmem:v47+s19+$0x0], $0xffff  }
0x36a: {  	v51 =	vor.u32 s20, v4  }
0x36b: {  	[tilespmem:v48+s26+$0x0] =	vst.idx.msk $0xffff, v32  }
0x36c: {  	s6 =	simm.s32 $0x2;
	v52 =	vor.u32 s4, v5;
	v32 =	vld.idx.msk [tilespmem:v49+s19+$0x0], $0xffff  }
0x36d: {  	s2 =	sand.u32 $0x2, s6;
	v53 =	vor.u32 s30, v6  }
0x36e: {  	s7 =	sor.u32 $0x1, s2;
	[tilespmem:v50+s26+$0x0] =	vst.idx.msk $0xffff, v33  }
0x36f: {  	s8 =	simm.s32 $0x0;
	v54 =	vor.u32 s18, v5;
	s9 =	sshll.u32 s7, $0x4;
	v33 =	vld.idx.msk [tilespmem:v51+s19+$0x0], $0xffff  }
0x370: {  	v55 =	vor.u32 s20, v6;
	s16 =	sor.u32 s8, s9  }
0x371: {  	v56 =	vor.u32 s16, v0;
	[tilespmem:v52+s26+$0x0] =	vst.idx.msk $0xffff, v32  }
0x372: {  	s11 =	sshll.u32 s2, $0x4;
	v57 =	vor.u32 s4, v7;
	v35 =	vld.idx.msk [tilespmem:v53+s19+$0x0], $0xffff  }
0x373: {  	v58 =	vor.u32 s30, v8;
	s5 =	sor.u32 s11, s8  }
0x374: {  	s3 =	sshll.u32 s7, $0xB;
	v60 =	vor.u32 s5, v0;
	[tilespmem:v54+s26+$0x0] =	vst.idx.msk $0xffff, v33  }
0x375: {  	v59 =	vor.u32 s18, v7;
	s11 =	sadd.s32 $0x0, s3;
	v33 =	vld.idx.msk [tilespmem:v55+s19+$0x0], $0xffff  }
0x376: {  	v61 =	vor.u32 s20, v8;
	v62 =	vor.u32 s11, v1;
	v32 =	vld.idx.msk [tilespmem:v56+s19+$0x0], $0xffff  }
0x377: {  	s2 =	sshll.u32 s2, $0xB;
	v63 =	vor.u32 s16, v2;
	[tilespmem:v57+s26+$0x0] =	vst.idx.msk $0xffff, v35  }
0x378: {  	s2 =	sadd.s32 $0x0, s2;
	v45 =	vor.u32 s4, v9;
	v35 =	vld.idx.msk [tilespmem:v58+s19+$0x0], $0xffff  }
0x379: {  	v46 =	vor.u32 s30, v10;
	v47 =	vld.idx.msk [tilespmem:v60+s19+$0x0], $0xffff;
	v48 =	vor.u32 s2, v1  }
0x37a: {  	v51 =	vor.u32 s5, v2;
	[tilespmem:v59+s26+$0x0] =	vst.idx.msk $0xffff, v33  }
0x37b: {  	v50 =	vor.u32 s18, v9;
	[tilespmem:v62+s26+$0x0] =	vst.idx.msk $0xffff, v32;
	v49 =	vld.idx.msk [tilespmem:v61+s19+$0x0], $0xffff  }
0x37c: {  	v52 =	vor.u32 s20, v10;
	v53 =	vor.u32 s11, v3;
	v32 =	vld.idx.msk [tilespmem:v63+s19+$0x0], $0xffff  }
0x37d: {  	v54 =	vor.u32 s16, v4;
	[tilespmem:v45+s26+$0x0] =	vst.idx.msk $0xffff, v35  }
0x37e: {  	[tilespmem:v48+s26+$0x0] =	vst.idx.msk $0xffff, v47;
	v55 =	vor.u32 s4, v11;
	v38 =	vld.idx.msk [tilespmem:v46+s19+$0x0], $0xffff  }
0x37f: {  	v56 =	vor.u32 s30, v12;
	v36 =	vld.idx.msk [tilespmem:v51+s19+$0x0], $0xffff;
	v57 =	vor.u32 s2, v3  }
0x380: {  	v59 =	vor.u32 s5, v4;
	[tilespmem:v50+s26+$0x0] =	vst.idx.msk $0xffff, v49  }
0x381: {  	v58 =	vor.u32 s18, v11;
	[tilespmem:v53+s26+$0x0] =	vst.idx.msk $0xffff, v32;
	v39 =	vld.idx.msk [tilespmem:v52+s19+$0x0], $0xffff  }
0x382: {  	v60 =	vor.u32 s20, v12;
	v61 =	vor.u32 s11, v5;
	v32 =	vld.idx.msk [tilespmem:v54+s19+$0x0], $0xffff  }
0x383: {  	v62 =	vor.u32 s16, v6;
	[tilespmem:v55+s26+$0x0] =	vst.idx.msk $0xffff, v38  }
0x384: {  	v63 =	vor.u32 s4, v13;
	[tilespmem:v57+s26+$0x0] =	vst.idx.msk $0xffff, v36;
	v33 =	vld.idx.msk [tilespmem:v56+s19+$0x0], $0xffff  }
0x385: {  	s12 =	simm.s32 $0x4;
	v45 =	vor.u32 s30, v14;
	v37 =	vld.idx.msk [tilespmem:v59+s19+$0x0], $0xffff;
	v46 =	vor.u32 s2, v5  }
0x386: {  	s3 =	sand.u32 $0x2, s12;
	v49 =	vor.u32 s5, v6;
	[tilespmem:v58+s26+$0x0] =	vst.idx.msk $0xffff, v39  }
0x387: {  	s13 =	sor.u32 $0x1, s3;
	v48 =	vor.u32 s18, v13;
	[tilespmem:v61+s26+$0x0] =	vst.idx.msk $0xffff, v32;
	v47 =	vld.idx.msk [tilespmem:v60+s19+$0x0], $0xffff  }
0x388: {  	s22 =	simm.s32 $0x400;
	s23 =	sshll.u32 s13, $0x4;
	v51 =	vor.u32 s11, v7;
	v50 =	vor.u32 s20, v14;
	v34 =	vld.idx.msk [tilespmem:v62+s19+$0x0], $0xffff  }
0x389: {  	s9 =	sor.u32 s22, s23;
	v52 =	vor.u32 s16, v8;
	[tilespmem:v63+s26+$0x0] =	vst.idx.msk $0xffff, v33  }
0x38a: {  	v54 =	vor.u32 s4, v15;
	[tilespmem:v46+s26+$0x0] =	vst.idx.msk $0xffff, v37;
	v55 =	vor.u32 s9, v0;
	v53 =	vld.idx.msk [tilespmem:v45+s19+$0x0], $0xffff  }
0x38b: {  	s24 =	sshll.u32 s3, $0x4;
	v57 =	vor.u32 s2, v7;
	v56 =	vor.u32 s30, v16;
	v39 =	vld.idx.msk [tilespmem:v49+s19+$0x0], $0xffff  }
0x38c: {  	s6 =	sor.u32 s24, s22;
	v59 =	vor.u32 s5, v8;
	[tilespmem:v48+s26+$0x0] =	vst.idx.msk $0xffff, v47  }
0x38d: {  	s7 =	sshll.u32 s13, $0xB;
	v58 =	vor.u32 s18, v15;
	v61 =	vor.u32 s6, v0;
	[tilespmem:v51+s26+$0x0] =	vst.idx.msk $0xffff, v34;
	v41 =	vld.idx.msk [tilespmem:v50+s19+$0x0], $0xffff  }
0x38e: {  	s12 =	sadd.s32 $0x10, s7;
	v60 =	vor.u32 s20, v16;
	v62 =	vor.u32 s11, v9;
	v33 =	vld.idx.msk [tilespmem:v52+s19+$0x0], $0xffff  }
0x38f: {  	v49 =	vor.u32 s12, v1;
	v48 =	vld.idx.msk [tilespmem:v55+s19+$0x0], $0xffff;
	v63 =	vor.u32 s16, v10;
	[tilespmem:v54+s26+$0x0] =	vst.idx.msk $0xffff, v53  }
0x390: {  	s3 =	sshll.u32 s3, $0xB;
	v51 =	vor.u32 s9, v2;
	v50 =	vor.u32 s4, v17;
	[tilespmem:v57+s26+$0x0] =	vst.idx.msk $0xffff, v39;
	v38 =	vld.idx.msk [tilespmem:v56+s19+$0x0], $0xffff  }
0x391: {  	s13 =	sadd.s32 $0x10, s3;
	v52 =	vor.u32 s30, v18;
	v53 =	vld.idx.msk [tilespmem:v59+s19+$0x0], $0xffff;
	v54 =	vor.u32 s2, v9  }
0x392: {  	v32 =	vld.idx.msk [tilespmem:v61+s19+$0x0], $0xffff;
	v57 =	vor.u32 s5, v10;
	[tilespmem:v58+s26+$0x0] =	vst.idx.msk $0xffff, v41;
	v59 =	vor.u32 s13, v1  }
0x393: {  	v61 =	vor.u32 s6, v2;
	[tilespmem:v62+s26+$0x0] =	vst.idx.msk $0xffff, v33;
	v55 =	vld.idx.msk [tilespmem:v60+s19+$0x0], $0xffff;
	v56 =	vor.u32 s18, v17  }
0x394: {  	[tilespmem:v49+s26+$0x0] =	vst.idx.msk $0xffff, v48;
	v58 =	vor.u32 s20, v18;
	v35 =	vld.idx.msk [tilespmem:v63+s19+$0x0], $0xffff;
	v60 =	vor.u32 s11, v11  }
0x395: {  	v48 =	vor.u32 s12, v3;
	v62 =	vor.u32 s16, v12;
	v63 =	vld.idx.msk [tilespmem:v51+s19+$0x0], $0xffff;
	[tilespmem:v50+s26+$0x0] =	vst.idx.msk $0xffff, v38  }
0x396: {  	v49 =	vor.u32 s4, v19;
	[tilespmem:v54+s26+$0x0] =	vst.idx.msk $0xffff, v53;
	v50 =	vor.u32 s9, v4;
	v40 =	vld.idx.msk [tilespmem:v52+s19+$0x0], $0xffff  }
0x397: {  	v51 =	vor.u32 s30, v20;
	v53 =	vor.u32 s2, v11;
	[tilespmem:v59+s26+$0x0] =	vst.idx.msk $0xffff, v32;
	v52 =	vld.idx.msk [tilespmem:v57+s19+$0x0], $0xffff  }
0x398: {  	[tilespmem:v56+s26+$0x0] =	vst.idx.msk $0xffff, v55;
	v55 =	vor.u32 s5, v12;
	v34 =	vld.idx.msk [tilespmem:v61+s19+$0x0], $0xffff;
	v56 =	vor.u32 s13, v3  }
0x399: {  	v54 =	vor.u32 s18, v19;
	[tilespmem:v60+s26+$0x0] =	vst.idx.msk $0xffff, v35;
	v59 =	vor.u32 s6, v4;
	v33 =	vld.idx.msk [tilespmem:v58+s19+$0x0], $0xffff  }
0x39a: {  	[tilespmem:v48+s26+$0x0] =	vst.idx.msk $0xffff, v63;
	v37 =	vld.idx.msk [tilespmem:v62+s19+$0x0], $0xffff;
	v58 =	vor.u32 s11, v13  }
0x39b: {  	v60 =	vor.u32 s12, v5;
	v57 =	vor.u32 s20, v20;
	v39 =	vld.idx.msk [tilespmem:v50+s19+$0x0], $0xffff;
	[tilespmem:v49+s26+$0x0] =	vst.idx.msk $0xffff, v40  }
0x39c: {  	v61 =	vor.u32 s16, v14;
	v62 =	vor.u32 s4, v21;
	[tilespmem:v53+s26+$0x0] =	vst.idx.msk $0xffff, v52;
	v42 =	vld.idx.msk [tilespmem:v51+s19+$0x0], $0xffff  }
0x39d: {  	v63 =	vor.u32 s9, v6;
	v50 =	vor.u32 s2, v13;
	[tilespmem:v56+s26+$0x0] =	vst.idx.msk $0xffff, v34;
	v32 =	vld.idx.msk [tilespmem:v55+s19+$0x0], $0xffff  }
0x39e: {  	s28 =	simm.s32 $0x6;
	[tilespmem:v54+s26+$0x0] =	vst.idx.msk $0xffff, v33;
	v49 =	vor.u32 s30, v22;
	v54 =	vld.idx.msk [tilespmem:v59+s19+$0x0], $0xffff;
	v55 =	vor.u32 s13, v5  }
0x39f: {  	s25 =	sand.u32 $0x2, s28;
	v52 =	vor.u32 s5, v14;
	[tilespmem:v58+s26+$0x0] =	vst.idx.msk $0xffff, v37  }
0x3a0: {  	s29 =	sor.u32 $0x1, s25;
	v53 =	vor.u32 s18, v21;
	v58 =	vor.u32 s6, v6;
	v51 =	vld.idx.msk [tilespmem:v57+s19+$0x0], $0xffff;
	[tilespmem:v60+s26+$0x0] =	vst.idx.msk $0xffff, v39  }
0x3a1: {  	s31 =	sshll.u32 s29, $0x4;
	s22 =	simm.s32 $0x400;
	v56 =	vor.u32 s20, v22;
	v59 =	vor.u32 s11, v15;
	v57 =	vld.idx.msk [tilespmem:v61+s19+$0x0], $0xffff;
	[tilespmem:v62+s26+$0x0] =	vst.idx.msk $0xffff, v42  }
0x3a2: {  	s7 =	sor.u32 s22, s31;
	v61 =	vor.u32 s12, v7;
	v60 =	vor.u32 s16, v16;
	v62 =	vld.idx.msk [tilespmem:v63+s19+$0x0], $0xffff;
	[tilespmem:v50+s26+$0x0] =	vst.idx.msk $0xffff, v32  }
0x3a3: {  	v63 =	vor.u32 s4, v23;
	[tilespmem:v55+s26+$0x0] =	vst.idx.msk $0xffff, v54;
	v55 =	vor.u32 s7, v0;
	v33 =	vld.idx.msk [tilespmem:v49+s19+$0x0], $0xffff  }
0x3a4: {  	v48 =	vor.u32 s9, v8;
	v35 =	vld.idx.msk [tilespmem:v52+s19+$0x0], $0xffff;
	v49 =	vor.u32 s2, v15  }
0x3a5: {  	[tilespmem:v53+s26+$0x0] =	vst.idx.msk $0xffff, v51;
	v50 =	vor.u32 s30, v24;
	v54 =	vor.u32 s13, v7;
	v40 =	vld.idx.msk [tilespmem:v58+s19+$0x0], $0xffff  }
0x3a6: {  	v51 =	vor.u32 s5, v16;
	[tilespmem:v59+s26+$0x0] =	vst.idx.msk $0xffff, v57;
	v37 =	vld.idx.msk [tilespmem:v56+s19+$0x0], $0xffff  }
0x3a7: {  	v57 =	vor.u32 s6, v8;
	v56 =	vor.u32 s18, v23;
	v42 =	vld.idx.msk [tilespmem:v60+s19+$0x0], $0xffff;
	[tilespmem:v61+s26+$0x0] =	vst.idx.msk $0xffff, v62  }
0x3a8: {  	s8 =	sshll.u32 s29, $0xB;
	v59 =	vor.u32 s20, v24;
	v58 =	vor.u32 s11, v17;
	v39 =	vld.idx.msk [tilespmem:v55+s19+$0x0], $0xffff;
	[tilespmem:v63+s26+$0x0] =	vst.idx.msk $0xffff, v33  }
0x3a9: {  	s8 =	sadd.s32 $0x10, s8;
	s23 =	sshll.u32 s25, $0x4;
	v52 =	vor.u32 s16, v18;
	v62 =	vor.u32 s12, v9;
	v32 =	vld.idx.msk [tilespmem:v48+s19+$0x0], $0xffff;
	[tilespmem:v49+s26+$0x0] =	vst.idx.msk $0xffff, v35  }
0x3aa: {  	s24 =	sor.u32 s23, s22;
	v53 =	vor.u32 s9, v10;
	[tilespmem:v54+s26+$0x0] =	vst.idx.msk $0xffff, v40;
	v54 =	vor.u32 s8, v1;
	v36 =	vld.idx.msk [tilespmem:v50+s19+$0x0], $0xffff  }
0x3ab: {  	v46 =	vor.u32 s20, v26;
	v60 =	vor.u32 s24, v0;
	v63 =	vor.u32 s4, v25;
	v38 =	vld.idx.msk [tilespmem:v51+s19+$0x0], $0xffff  }
0x3ac: {  	v61 =	vor.u32 s2, v17;
	[tilespmem:v56+s26+$0x0] =	vst.idx.msk $0xffff, v37;
	v55 =	vld.idx.msk [tilespmem:v57+s19+$0x0], $0xffff;
	v57 =	vor.u32 s7, v2  }
0x3ad: {  	v56 =	vor.u32 s30, v26;
	v33 =	vld.idx.msk [tilespmem:v59+s19+$0x0], $0xffff;
	[tilespmem:v58+s26+$0x0] =	vst.idx.msk $0xffff, v42;
	v58 =	vor.u32 s13, v9  }
0x3ae: {  	v59 =	vor.u32 s5, v18;
	v35 =	vld.idx.msk [tilespmem:v52+s19+$0x0], $0xffff;
	[tilespmem:v62+s26+$0x0] =	vst.idx.msk $0xffff, v32;
	v62 =	vor.u32 s18, v25  }
0x3af: {  	s3 =	sshll.u32 s25, $0xB;
	v48 =	vor.u32 s6, v10;
	v51 =	vor.u32 s11, v19;
	[tilespmem:v54+s26+$0x0] =	vst.idx.msk $0xffff, v39;
	v47 =	vld.idx.msk [tilespmem:v53+s19+$0x0], $0xffff  }
0x3b0: {  	v34 =	vor.u32 s20, v30;
	v50 =	vor.u32 s20, v28;
	s20 =	sadd.s32 $0x10, s3;
	[tilespmem:v63+s26+$0x0] =	vst.idx.msk $0xffff, v36;
	v36 =	vld.idx.msk [tilespmem:v60+s19+$0x0], $0xffff;
	v63 =	vor.u32 s12, v11  }
0x3b1: {  	v37 =	vor.u32 s9, v12;
	[tilespmem:v61+s26+$0x0] =	vst.idx.msk $0xffff, v38;
	v38 =	vor.u32 s20, v1;
	v42 =	vld.idx.msk [tilespmem:v57+s19+$0x0], $0xffff  }
0x3b2: {  	v61 =	vor.u32 s24, v2;
	v57 =	vor.u32 s8, v3;
	v60 =	vld.idx.msk [tilespmem:v56+s19+$0x0], $0xffff;
	[tilespmem:v58+s26+$0x0] =	vst.idx.msk $0xffff, v55  }
0x3b3: {  	v43 =	vor.u32 s16, v22;
	v56 =	vor.u32 s4, v27;
	v32 =	vld.idx.msk [tilespmem:v59+s19+$0x0], $0xffff;
	v58 =	vor.u32 s16, v20;
	[tilespmem:v62+s26+$0x0] =	vst.idx.msk $0xffff, v33  }
0x3b4: {  	v59 =	vor.u32 s7, v4;
	[tilespmem:v51+s26+$0x0] =	vst.idx.msk $0xffff, v35;
	v62 =	vor.u32 s2, v19;
	v35 =	vld.idx.msk [tilespmem:v46+s19+$0x0], $0xffff  }
0x3b5: {  	v45 =	vor.u32 s18, v29;
	v46 =	vld.idx.msk [tilespmem:v48+s19+$0x0], $0xffff;
	[tilespmem:v63+s26+$0x0] =	vst.idx.msk $0xffff, v47;
	v47 =	vor.u32 s18, v27;
	v63 =	vor.u32 s30, v28  }
0x3b6: {  	v41 =	vor.u32 s5, v20;
	[tilespmem:v38+s26+$0x0] =	vst.idx.msk $0xffff, v36;
	v38 =	vor.u32 s13, v11;
	v49 =	vld.idx.msk [tilespmem:v37+s19+$0x0], $0xffff  }
0x3b7: {  	v40 =	vor.u32 s20, v3;
	v53 =	vor.u32 s12, v13;
	[tilespmem:v57+s26+$0x0] =	vst.idx.msk $0xffff, v42;
	v44 =	vld.idx.msk [tilespmem:v61+s19+$0x0], $0xffff  }
0x3b8: {  	v39 =	vor.u32 s30, v30;
	v51 =	vor.u32 s6, v12;
	[tilespmem:v56+s26+$0x0] =	vst.idx.msk $0xffff, v60;
	v60 =	vld.idx.msk [tilespmem:v58+s19+$0x0], $0xffff  }
0x3b9: {  	v61 =	vor.u32 s24, v4;
	v33 =	vld.idx.msk [tilespmem:v59+s19+$0x0], $0xffff;
	v56 =	vor.u32 s8, v5;
	[tilespmem:v62+s26+$0x0] =	vst.idx.msk $0xffff, v32  }
0x3ba: {  	v57 =	vor.u32 s9, v14;
	v62 =	vor.u32 s11, v21;
	[tilespmem:v47+s26+$0x0] =	vst.idx.msk $0xffff, v35;
	v58 =	vld.idx.msk [tilespmem:v63+s19+$0x0], $0xffff  }
0x3bb: {  	v36 =	vor.u32 s7, v16;
	v59 =	vor.u32 s4, v29;
	v63 =	vor.u32 s7, v6;
	[tilespmem:v38+s26+$0x0] =	vst.idx.msk $0xffff, v46;
	v41 =	vld.idx.msk [tilespmem:v41+s19+$0x0], $0xffff  }
0x3bc: {  	v48 =	vor.u32 s12, v15;
	v37 =	vor.u32 s9, v16;
	v42 =	vld.idx.msk [tilespmem:v50+s19+$0x0], $0xffff;
	[tilespmem:v53+s26+$0x0] =	vst.idx.msk $0xffff, v49  }
0x3bd: {  	v38 =	vor.u32 s8, v7;
	v47 =	vld.idx.msk [tilespmem:v51+s19+$0x0], $0xffff;
	[tilespmem:v40+s26+$0x0] =	vst.idx.msk $0xffff, v44;
	v49 =	vor.u32 s13, v13  }
0x3be: {  	v32 =	vor.u32 s6, v30;
	v50 =	vor.u32 s6, v14;
	v44 =	vor.u32 s2, v21;
	[tilespmem:v56+s26+$0x0] =	vst.idx.msk $0xffff, v33;
	v52 =	vld.idx.msk [tilespmem:v61+s19+$0x0], $0xffff  }
0x3bf: {  	v53 =	vor.u32 s20, v5;
	v40 =	vor.u32 s5, v22;
	v46 =	vld.idx.msk [tilespmem:v57+s19+$0x0], $0xffff;
	[tilespmem:v62+s26+$0x0] =	vst.idx.msk $0xffff, v60  }
0x3c0: {  	v54 =	vor.u32 s24, v6;
	v35 =	vor.u32 s5, v30;
	v33 =	vor.u32 s24, v30;
	v51 =	vld.idx.msk [tilespmem:v63+s19+$0x0], $0xffff;
	[tilespmem:v59+s26+$0x0] =	vst.idx.msk $0xffff, v58  }
.LBB2_13:
0x3c1: {  	s28 =	sadd.s32 $0x2, s28;
	v43 =	vld.idx.msk [tilespmem:v43+s19+$0x0], $0xffff;
	[tilespmem:v45+s26+$0x0] =	vst.idx.msk $0xffff, v42;
	v42 =	vor.u32 s11, v23;
	v45 =	vor.u32 s4, v31  }
0x3c2: {  	v56 =	vor.u32 s24, v8;
	s3 =	sshrl.u32 s28, $0x2;
	s22 =	sand.u32 $0x2, s28;
	p1 =	slt.u32 s28, $0x1E;
	[tilespmem:v49+s26+$0x0] =	vst.idx.msk $0xffff, v47;
	v39 =	vld.idx.msk [tilespmem:v39+s19+$0x0], $0xffff;
	v47 =	vor.u32 s7, v8  }
0x3c3: {  	s4 =	sshll.u32 s22, $0xB;
	s23 =	sshll.u32 s3, $0x4;
	s25 =	sor.u32 $0x1, s22;
	v49 =	vld.idx.msk [tilespmem:v50+s19+$0x0], $0xffff;
	[tilespmem:v44+s26+$0x0] =	vst.idx.msk $0xffff, v41;
	v41 =	vor.u32 s18, v31;
	v44 =	vor.u32 s13, v15  }
0x3c4: {  	s3 =	sshll.u32 s3, $0xA;
	s18 =	sshll.u32 s22, $0x4;
	v50 =	vor.u32 s16, v24;
	s22 =	sshll.u32 s25, $0x4;
	[tilespmem:v53+s26+$0x0] =	vst.idx.msk $0xffff, v52;
	v40 =	vld.idx.msk [tilespmem:v40+s19+$0x0], $0xffff;
	v53 =	vor.u32 s20, v7  }
0x3c5: {  	s29 =	sor.u32 s18, s3;
	s30 =	sor.u32 s3, s22;
	s3 =	sshll.u32 s25, $0xB;
	v52 =	vld.idx.msk [tilespmem:v54+s19+$0x0], $0xffff;
	v54 =	vor.u32 s6, v16;
	[tilespmem:v48+s26+$0x0] =	vst.idx.msk $0xffff, v46;
	v46 =	vor.u32 s2, v23  }
0x3c6: {  	s4 =	sadd.s32 s23, s4;
	s18 =	smov.u32 s2;
	v48 =	vor.u32 s29, v0;
	s3 =	sadd.s32 s23, s3;
	v55 =	vor.u32 s30, v0;
	[tilespmem:v38+s26+$0x0] =	vst.idx.msk $0xffff, v51;
	v51 =	vld.idx.msk [tilespmem:v37+s19+$0x0], $0xffff;
	v37 =	vmovc v36;
	v36 =	vor.u32 s30, v16  }
0x3c7: {  	v57 =	vor.u32 s12, v17;
	s2 =	smov.u32 s13;
	s13 =	smov.u32 s20;
	s20 =	smov.u32 s4;
	v38 =	vor.u32 s3, v7;
	[tilespmem:v42+s26+$0x0] =	vst.idx.msk $0xffff, v43;
	v42 =	vld.idx.msk [tilespmem:v34+s19+$0x0], $0xffff;
	v34 =	vmov v35  }
0x3c8: {  	s4 =	smov.u32 s11;
	s11 =	smov.u32 s12;
	s12 =	smov.u32 s8;
	v35 =	vmovc v32;
	v32 =	vmov v33;
	v33 =	vor.u32 s29, v30;
	v43 =	vld.idx.msk [tilespmem:v47+s19+$0x0], $0xffff;
	v47 =	vor.u32 s5, v24;
	[tilespmem:v45+s26+$0x0] =	vst.idx.msk $0xffff, v39  }
0x3c9: {  	s8 =	smov.u32 s3;
	v39 =	vor.u32 s12, v9;
	[tilespmem:v44+s26+$0x0] =	vst.idx.msk $0xffff, v49;
	v44 =	vor.u32 s9, v18;
	v45 =	vld.idx.msk [tilespmem:v50+s19+$0x0], $0xffff  }
0x3ca: {  	v49 =	vor.u32 s7, v10;
	v50 =	vld.idx.msk [tilespmem:v54+s19+$0x0], $0xffff;
	[tilespmem:v46+s26+$0x0] =	vst.idx.msk $0xffff, v40;
	v40 =	vor.u32 s4, v25  }
0x3cb: {  	v46 =	vld.idx.msk [tilespmem:v55+s19+$0x0], $0xffff;
	[tilespmem:v53+s26+$0x0] =	vst.idx.msk $0xffff, v52;
	v52 =	vor.u32 s2, v17  }
0x3cc: {  	v53 =	vor.u32 s8, v1;
	v54 =	vld.idx.msk [tilespmem:v56+s19+$0x0], $0xffff;
	[tilespmem:v57+s26+$0x0] =	vst.idx.msk $0xffff, v51;
	v51 =	vor.u32 s16, v26  }
0x3cd: {  	v55 =	vor.u32 s30, v2;
	v56 =	vor.u32 s13, v9;
	v47 =	vld.idx.msk [tilespmem:v47+s19+$0x0], $0xffff;
	[tilespmem:v41+s26+$0x0] =	vst.idx.msk $0xffff, v42  }
0x3ce: {  	v42 =	vor.u32 s18, v25;
	[tilespmem:v39+s26+$0x0] =	vst.idx.msk $0xffff, v43;
	v39 =	vor.u32 s6, v18;
	v41 =	vld.idx.msk [tilespmem:v44+s19+$0x0], $0xffff  }
0x3cf: {  	v44 =	vor.u32 s11, v19;
	v43 =	vld.idx.msk [tilespmem:v49+s19+$0x0], $0xffff;
	v49 =	vor.u32 s5, v26;
	[tilespmem:v40+s26+$0x0] =	vst.idx.msk $0xffff, v45  }
0x3d0: {  	v45 =	vor.u32 s24, v10;
	v40 =	vld.idx.msk [tilespmem:v48+s19+$0x0], $0xffff;
	v48 =	vor.u32 s12, v11;
	[tilespmem:v52+s26+$0x0] =	vst.idx.msk $0xffff, v50  }
0x3d1: {  	v50 =	vor.u32 s20, v1;
	[tilespmem:v53+s26+$0x0] =	vst.idx.msk $0xffff, v46;
	v46 =	vor.u32 s7, v12;
	v51 =	vld.idx.msk [tilespmem:v51+s19+$0x0], $0xffff  }
0x3d2: {  	v52 =	vor.u32 s29, v2;
	v53 =	vld.idx.msk [tilespmem:v55+s19+$0x0], $0xffff;
	[tilespmem:v56+s26+$0x0] =	vst.idx.msk $0xffff, v54;
	v54 =	vor.u32 s4, v27  }
0x3d3: {  	v55 =	vor.u32 s8, v3;
	v56 =	vor.u32 s9, v20;
	v39 =	vld.idx.msk [tilespmem:v39+s19+$0x0], $0xffff;
	[tilespmem:v42+s26+$0x0] =	vst.idx.msk $0xffff, v47  }
0x3d4: {  	v42 =	vor.u32 s30, v4;
	v47 =	vor.u32 s2, v19;
	[tilespmem:v44+s26+$0x0] =	vst.idx.msk $0xffff, v41;
	v41 =	vld.idx.msk [tilespmem:v49+s19+$0x0], $0xffff  }
0x3d5: {  	v44 =	vld.idx.msk [tilespmem:v45+s19+$0x0], $0xffff;
	[tilespmem:v48+s26+$0x0] =	vst.idx.msk $0xffff, v43;
	v43 =	vor.u32 s18, v27;
	v45 =	vor.u32 s16, v28  }
0x3d6: {  	v48 =	vor.u32 s5, v28;
	s5 =	smov.u32 s6;
	s6 =	smov.u32 s24;
	s24 =	smov.u32 s29;
	[tilespmem:v50+s26+$0x0] =	vst.idx.msk $0xffff, v40;
	v40 =	vor.u32 s13, v11;
	v46 =	vld.idx.msk [tilespmem:v46+s19+$0x0], $0xffff  }
0x3d7: {  	v50 =	vor.u32 s6, v12;
	v49 =	vld.idx.msk [tilespmem:v52+s19+$0x0], $0xffff;
	v52 =	vor.u32 s12, v13;
	[tilespmem:v54+s26+$0x0] =	vst.idx.msk $0xffff, v51  }
0x3d8: {  	v51 =	vor.u32 s20, v3;
	[tilespmem:v55+s26+$0x0] =	vst.idx.msk $0xffff, v53;
	v53 =	vor.u32 s5, v20;
	v54 =	vld.idx.msk [tilespmem:v56+s19+$0x0], $0xffff  }
0x3d9: {  	v57 =	vor.u32 s11, v21;
	v55 =	vor.u32 s24, v4;
	v56 =	vld.idx.msk [tilespmem:v42+s19+$0x0], $0xffff;
	[tilespmem:v47+s26+$0x0] =	vst.idx.msk $0xffff, v39  }
0x3da: {  	v59 =	vor.u32 s7, v14;
	v58 =	vor.u32 s8, v5;
	[tilespmem:v43+s26+$0x0] =	vst.idx.msk $0xffff, v41;
	v60 =	vld.idx.msk [tilespmem:v45+s19+$0x0], $0xffff  }
0x3db: {  	v61 =	vor.u32 s30, v6;
	v62 =	vor.u32 s4, v29;
	[tilespmem:v40+s26+$0x0] =	vst.idx.msk $0xffff, v44;
	v42 =	vld.idx.msk [tilespmem:v48+s19+$0x0], $0xffff  }
.Ltmp8:
0x3dc: {  	v43 =	vor.u32 s9, v22;
	v45 =	vor.u32 s18, v29;
	v47 =	vld.idx.msk [tilespmem:v50+s19+$0x0], $0xffff;
	[tilespmem:v52+s26+$0x0] =	vst.idx.msk $0xffff, v46;
	(pc) =	sbr.rel @p1 .LBB2_13-.Ltmp8, $4  }
0x3dd: {  	v39 =	vor.u32 s16, v30;
	s16 =	smov.u32 s9;
	s9 =	smov.u32 s7;
	s7 =	smov.u32 s30;
	[tilespmem:v51+s26+$0x0] =	vst.idx.msk $0xffff, v49;
	v49 =	vor.u32 s13, v13;
	v41 =	vld.idx.msk [tilespmem:v53+s19+$0x0], $0xffff  }
0x3de: {  	v44 =	vor.u32 s2, v21;
	v50 =	vor.u32 s6, v14;
	v52 =	vld.idx.msk [tilespmem:v55+s19+$0x0], $0xffff;
	[tilespmem:v57+s26+$0x0] =	vst.idx.msk $0xffff, v54  }
0x3df: {  	v40 =	vor.u32 s5, v22;
	v53 =	vor.u32 s20, v5;
	[tilespmem:v58+s26+$0x0] =	vst.idx.msk $0xffff, v56;
	v46 =	vld.idx.msk [tilespmem:v59+s19+$0x0], $0xffff  }
0x3e0: {  	v48 =	vor.u32 s12, v15;
	v54 =	vor.u32 s24, v6;
	v51 =	vld.idx.msk [tilespmem:v61+s19+$0x0], $0xffff;
	[tilespmem:v62+s26+$0x0] =	vst.idx.msk $0xffff, v60  }
0x3e1: {  	_ =	sdelay $0x3  }
0x3e2: {  	[tilespmem:v53+s26+$0x0] =	vst.idx.msk $0xffff, v52  }
0x3e3: {  	v57 =	vor.u32 s7, v8;
	v58 =	vor.u32 s20, v7;
	v53 =	vld.idx.msk [tilespmem:v54+s19+$0x0], $0xffff  }
0x3e4: {  	v55 =	vor.u32 s24, v8;
	_ =	sdelay $0x2  }
0x3e5: {  	[tilespmem:v38+s26+$0x0] =	vst.idx.msk $0xffff, v51  }
0x3e6: {  	v59 =	vor.u32 s8, v9;
	v38 =	vld.idx.msk [tilespmem:v57+s19+$0x0], $0xffff;
	[tilespmem:v58+s26+$0x0] =	vst.idx.msk $0xffff, v53  }
0x3e7: {  	v60 =	vor.u32 s7, v10;
	v61 =	vor.u32 s20, v9;
	v53 =	vld.idx.msk [tilespmem:v55+s19+$0x0], $0xffff  }
0x3e8: {  	v62 =	vor.u32 s24, v10;
	_ =	sdelay $0x2  }
0x3e9: {  	[tilespmem:v59+s26+$0x0] =	vst.idx.msk $0xffff, v38  }
0x3ea: {  	v63 =	vor.u32 s8, v11;
	v38 =	vld.idx.msk [tilespmem:v60+s19+$0x0], $0xffff;
	[tilespmem:v61+s26+$0x0] =	vst.idx.msk $0xffff, v53  }
0x3eb: {  	v57 =	vor.u32 s7, v12;
	v58 =	vor.u32 s20, v11;
	v53 =	vld.idx.msk [tilespmem:v62+s19+$0x0], $0xffff  }
0x3ec: {  	v59 =	vor.u32 s24, v12;
	_ =	sdelay $0x2  }
0x3ed: {  	[tilespmem:v63+s26+$0x0] =	vst.idx.msk $0xffff, v38  }
0x3ee: {  	v60 =	vor.u32 s8, v13;
	v38 =	vld.idx.msk [tilespmem:v57+s19+$0x0], $0xffff;
	[tilespmem:v58+s26+$0x0] =	vst.idx.msk $0xffff, v53  }
0x3ef: {  	v61 =	vor.u32 s7, v14;
	v62 =	vor.u32 s20, v13;
	v53 =	vld.idx.msk [tilespmem:v59+s19+$0x0], $0xffff  }
0x3f0: {  	v63 =	vor.u32 s24, v14;
	_ =	sdelay $0x1  }
0x3f1: {  	[tilespmem:v49+s26+$0x0] =	vst.idx.msk $0xffff, v47  }
0x3f2: {  	v47 =	vld.idx.msk [tilespmem:v50+s19+$0x0], $0xffff;
	v57 =	vor.u32 s13, v15;
	[tilespmem:v60+s26+$0x0] =	vst.idx.msk $0xffff, v38  }
0x3f3: {  	v58 =	vor.u32 s6, v16;
	v60 =	vor.u32 s8, v15;
	v59 =	vld.idx.msk [tilespmem:v61+s19+$0x0], $0xffff;
	[tilespmem:v62+s26+$0x0] =	vst.idx.msk $0xffff, v53  }
0x3f4: {  	v62 =	vor.u32 s20, v15;
	v61 =	vld.idx.msk [tilespmem:v63+s19+$0x0], $0xffff  }
0x3f5: {  	v63 =	vor.u32 s24, v16  }
0x3f6: {  	[tilespmem:v48+s26+$0x0] =	vst.idx.msk $0xffff, v46  }
0x3f7: {  	v46 =	vor.u32 s12, v17;
	v37 =	vld.idx.msk [tilespmem:v37+s19+$0x0], $0xffff;
	[tilespmem:v57+s26+$0x0] =	vst.idx.msk $0xffff, v47  }
0x3f8: {  	v57 =	vor.u32 s9, v18;
	v38 =	vld.idx.msk [tilespmem:v58+s19+$0x0], $0xffff;
	v58 =	vor.u32 s13, v17;
	[tilespmem:v60+s26+$0x0] =	vst.idx.msk $0xffff, v59  }
0x3f9: {  	v59 =	vor.u32 s6, v18;
	v60 =	vor.u32 s8, v17;
	v36 =	vld.idx.msk [tilespmem:v36+s19+$0x0], $0xffff;
	[tilespmem:v62+s26+$0x0] =	vst.idx.msk $0xffff, v61  }
0x3fa: {  	v61 =	vor.u32 s7, v18;
	v62 =	vor.u32 s20, v17;
	v52 =	vld.idx.msk [tilespmem:v63+s19+$0x0], $0xffff  }
0x3fb: {  	v63 =	vor.u32 s24, v18  }
0x3fc: {  	[tilespmem:v46+s26+$0x0] =	vst.idx.msk $0xffff, v37  }
0x3fd: {  	v46 =	vor.u32 s12, v19;
	v37 =	vld.idx.msk [tilespmem:v57+s19+$0x0], $0xffff;
	[tilespmem:v58+s26+$0x0] =	vst.idx.msk $0xffff, v38  }
0x3fe: {  	v57 =	vor.u32 s9, v20;
	v58 =	vor.u32 s13, v19;
	v38 =	vld.idx.msk [tilespmem:v59+s19+$0x0], $0xffff;
	[tilespmem:v60+s26+$0x0] =	vst.idx.msk $0xffff, v36  }
0x3ff: {  	v59 =	vor.u32 s6, v20;
	v60 =	vor.u32 s8, v19;
	v49 =	vld.idx.msk [tilespmem:v61+s19+$0x0], $0xffff;
	[tilespmem:v62+s26+$0x0] =	vst.idx.msk $0xffff, v52  }
0x400: {  	[tilespmem:v45+s26+$0x0] =	vst.idx.msk $0xffff, v42;
	v61 =	vor.u32 s7, v20;
	v62 =	vor.u32 s20, v19;
	v42 =	vld.idx.msk [tilespmem:v63+s19+$0x0], $0xffff  }
0x401: {  	v39 =	vld.idx.msk [tilespmem:v39+s19+$0x0], $0xffff;
	v56 =	vor.u32 s4, v31;
	[tilespmem:v44+s26+$0x0] =	vst.idx.msk $0xffff, v41;
	v55 =	vor.u32 s24, v20  }
0x402: {  	v43 =	vld.idx.msk [tilespmem:v43+s19+$0x0], $0xffff;
	[tilespmem:v46+s26+$0x0] =	vst.idx.msk $0xffff, v37;
	v63 =	vor.u32 s11, v23  }
0x403: {  	v37 =	vld.idx.msk [tilespmem:v57+s19+$0x0], $0xffff;
	v57 =	vor.u32 s12, v21;
	[tilespmem:v58+s26+$0x0] =	vst.idx.msk $0xffff, v38  }
0x404: {  	v58 =	vor.u32 s9, v22;
	v36 =	vld.idx.msk [tilespmem:v59+s19+$0x0], $0xffff;
	v59 =	vor.u32 s13, v21;
	[tilespmem:v60+s26+$0x0] =	vst.idx.msk $0xffff, v49  }
0x405: {  	v60 =	vor.u32 s6, v22;
	v45 =	vld.idx.msk [tilespmem:v61+s19+$0x0], $0xffff;
	v61 =	vor.u32 s8, v21;
	[tilespmem:v62+s26+$0x0] =	vst.idx.msk $0xffff, v42  }
0x406: {  	[tilespmem:v56+s26+$0x0] =	vst.idx.msk $0xffff, v39;
	v49 =	vor.u32 s20, v21;
	v62 =	vor.u32 s7, v22;
	v41 =	vld.idx.msk [tilespmem:v55+s19+$0x0], $0xffff  }
0x407: {  	v40 =	vld.idx.msk [tilespmem:v40+s19+$0x0], $0xffff;
	v54 =	vor.u32 s24, v22;
	[tilespmem:v63+s26+$0x0] =	vst.idx.msk $0xffff, v43;
	v63 =	vor.u32 s2, v23  }
0x408: {  	v34 =	vld.idx.msk [tilespmem:v34+s19+$0x0], $0xffff;
	v56 =	vor.u32 s16, v24;
	[tilespmem:v57+s26+$0x0] =	vst.idx.msk $0xffff, v37;
	v55 =	vor.u32 s18, v31  }
0x409: {  	v57 =	vor.u32 s5, v24;
	v38 =	vld.idx.msk [tilespmem:v58+s19+$0x0], $0xffff;
	v58 =	vor.u32 s12, v23;
	[tilespmem:v59+s26+$0x0] =	vst.idx.msk $0xffff, v36  }
0x40a: {  	v59 =	vor.u32 s9, v24;
	v36 =	vld.idx.msk [tilespmem:v60+s19+$0x0], $0xffff;
	v60 =	vor.u32 s13, v23;
	[tilespmem:v61+s26+$0x0] =	vst.idx.msk $0xffff, v45  }
0x40b: {  	v61 =	vor.u32 s6, v24;
	v43 =	vld.idx.msk [tilespmem:v62+s19+$0x0], $0xffff;
	v62 =	vor.u32 s8, v23;
	[tilespmem:v49+s26+$0x0] =	vst.idx.msk $0xffff, v41  }
0x40c: {  	[tilespmem:v63+s26+$0x0] =	vst.idx.msk $0xffff, v40;
	v40 =	vor.u32 s7, v24;
	v63 =	vor.u32 s20, v23;
	v39 =	vld.idx.msk [tilespmem:v54+s19+$0x0], $0xffff  }
0x40d: {  	v49 =	vld.idx.msk [tilespmem:v56+s19+$0x0], $0xffff;
	[tilespmem:v55+s26+$0x0] =	vst.idx.msk $0xffff, v34;
	v55 =	vor.u32 s24, v24;
	v54 =	vor.u32 s11, v25  }
0x40e: {  	[tilespmem:v58+s26+$0x0] =	vst.idx.msk $0xffff, v38;
	v56 =	vor.u32 s16, v26;
	v37 =	vld.idx.msk [tilespmem:v57+s19+$0x0], $0xffff;
	v57 =	vor.u32 s2, v25  }
0x40f: {  	v58 =	vor.u32 s5, v26;
	v46 =	vld.idx.msk [tilespmem:v59+s19+$0x0], $0xffff;
	v59 =	vor.u32 s12, v25;
	[tilespmem:v60+s26+$0x0] =	vst.idx.msk $0xffff, v36  }
0x410: {  	v60 =	vor.u32 s9, v26;
	v42 =	vld.idx.msk [tilespmem:v61+s19+$0x0], $0xffff;
	v61 =	vor.u32 s13, v25;
	[tilespmem:v62+s26+$0x0] =	vst.idx.msk $0xffff, v43  }
0x411: {  	v62 =	vor.u32 s6, v26;
	v40 =	vld.idx.msk [tilespmem:v40+s19+$0x0], $0xffff;
	[tilespmem:v63+s26+$0x0] =	vst.idx.msk $0xffff, v39;
	v63 =	vor.u32 s8, v25  }
0x412: {  	v41 =	vor.u32 s7, v26;
	[tilespmem:v54+s26+$0x0] =	vst.idx.msk $0xffff, v49;
	v54 =	vor.u32 s20, v25;
	v34 =	vld.idx.msk [tilespmem:v55+s19+$0x0], $0xffff  }
0x413: {  	[tilespmem:v57+s26+$0x0] =	vst.idx.msk $0xffff, v37;
	v44 =	vld.idx.msk [tilespmem:v56+s19+$0x0], $0xffff;
	v55 =	vor.u32 s11, v27;
	v56 =	vor.u32 s24, v26  }
0x414: {  	[tilespmem:v59+s26+$0x0] =	vst.idx.msk $0xffff, v46;
	v57 =	vor.u32 s2, v27;
	v38 =	vld.idx.msk [tilespmem:v58+s19+$0x0], $0xffff;
	v58 =	vor.u32 s16, v28  }
0x415: {  	v59 =	vor.u32 s5, v28;
	v46 =	vld.idx.msk [tilespmem:v60+s19+$0x0], $0xffff;
	v60 =	vor.u32 s12, v27;
	[tilespmem:v61+s26+$0x0] =	vst.idx.msk $0xffff, v42  }
0x416: {  	v61 =	vor.u32 s13, v27;
	v42 =	vld.idx.msk [tilespmem:v62+s19+$0x0], $0xffff;
	v62 =	vor.u32 s9, v28;
	[tilespmem:v63+s26+$0x0] =	vst.idx.msk $0xffff, v40  }
0x417: {  	v63 =	vor.u32 s6, v28;
	v40 =	vld.idx.msk [tilespmem:v41+s19+$0x0], $0xffff;
	v41 =	vor.u32 s8, v27;
	[tilespmem:v54+s26+$0x0] =	vst.idx.msk $0xffff, v34  }
0x418: {  	v37 =	vor.u32 s20, v27;
	[tilespmem:v55+s26+$0x0] =	vst.idx.msk $0xffff, v44;
	v54 =	vor.u32 s7, v28;
	v34 =	vld.idx.msk [tilespmem:v56+s19+$0x0], $0xffff  }
0x419: {  	[tilespmem:v57+s26+$0x0] =	vst.idx.msk $0xffff, v38;
	v57 =	vor.u32 s24, v28;
	v55 =	vld.idx.msk [tilespmem:v58+s19+$0x0], $0xffff;
	v56 =	vor.u32 s11, v29  }
0x41a: {  	v36 =	vld.idx.msk [tilespmem:v59+s19+$0x0], $0xffff;
	v59 =	vor.u32 s16, v30;
	[tilespmem:v60+s26+$0x0] =	vst.idx.msk $0xffff, v46;
	v58 =	vor.u32 s2, v29  }
0x41b: {  	[tilespmem:v61+s26+$0x0] =	vst.idx.msk $0xffff, v42;
	v60 =	vld.idx.msk [tilespmem:v62+s19+$0x0], $0xffff;
	v61 =	vor.u32 s12, v29  }
0x41c: {  	v62 =	vor.u32 s13, v29;
	v39 =	vld.idx.msk [tilespmem:v63+s19+$0x0], $0xffff;
	v63 =	vor.u32 s9, v30;
	[tilespmem:v41+s26+$0x0] =	vst.idx.msk $0xffff, v40  }
0x41d: {  	v52 =	vor.u32 s8, v29;
	[tilespmem:v37+s26+$0x0] =	vst.idx.msk $0xffff, v34;
	v48 =	vld.idx.msk [tilespmem:v54+s19+$0x0], $0xffff  }
0x41e: {  	[tilespmem:v56+s26+$0x0] =	vst.idx.msk $0xffff, v55;
	v54 =	vor.u32 s20, v29;
	v55 =	vor.u32 s7, v30;
	v53 =	vld.idx.msk [tilespmem:v57+s19+$0x0], $0xffff  }
0x41f: {  	[tilespmem:v58+s26+$0x0] =	vst.idx.msk $0xffff, v36;
	v56 =	vld.idx.msk [tilespmem:v59+s19+$0x0], $0xffff;
	v57 =	vor.u32 s11, v31  }
0x420: {  	v58 =	vor.u32 s2, v31;
	v35 =	vld.idx.msk [tilespmem:v35+s19+$0x0], $0xffff;
	[tilespmem:v61+s26+$0x0] =	vst.idx.msk $0xffff, v60  }
0x421: {  	v60 =	vor.u32 s12, v31;
	[tilespmem:v62+s26+$0x0] =	vst.idx.msk $0xffff, v39;
	v59 =	vld.idx.msk [tilespmem:v63+s19+$0x0], $0xffff  }
0x422: {  	v61 =	vor.u32 s13, v31;
	v32 =	vld.idx.msk [tilespmem:v32+s19+$0x0], $0xffff;
	[tilespmem:v52+s26+$0x0] =	vst.idx.msk $0xffff, v48  }
0x423: {  	v62 =	vor.u32 s8, v31;
	[tilespmem:v54+s26+$0x0] =	vst.idx.msk $0xffff, v53;
	v34 =	vld.idx.msk [tilespmem:v55+s19+$0x0], $0xffff  }
0x424: {  	v63 =	vor.u32 s20, v31;
	[tilespmem:v57+s26+$0x0] =	vst.idx.msk $0xffff, v56;
	v33 =	vld.idx.msk [tilespmem:v33+s19+$0x0], $0xffff  }
0x425: {  	[tilespmem:v58+s26+$0x0] =	vst.idx.msk $0xffff, v35  }
0x426: {  	[tilespmem:v60+s26+$0x0] =	vst.idx.msk $0xffff, v59  }
0x427: {  	[tilespmem:v61+s26+$0x0] =	vst.idx.msk $0xffff, v32  }
.Ltmp9:
0x428: {  	[tilespmem:v62+s26+$0x0] =	vst.idx.msk $0xffff, v34;
	(pc) =	sbr.rel @p0 .LBB2_16-.Ltmp9, $4  }
0x429: {  	[tilespmem:v63+s26+$0x0] =	vst.idx.msk $0xffff, v33  }
0x42a: {  	s31 =	rddreg [dreg:$0x8]  }
0x42b: {  	s25 =	simm.s32 $0x400;
	s1 =	simm.s32 $0x20000;
	s2 =	sadd.s32 s10, s31  }
0x42c: {  	[hbm4b:s2+s25] =	stream.strided.scatter [tilespmem:s26], [sflag:$0x6], $0x2000, s1, s25, $0x38;
	[tilespmem:$0x12400] =	vst v63  }
.Ltmp10:
0x42d: {  	(pc) =	sbr.rel .LBB2_2-.Ltmp10, $4  }
0x42e: {  	s1 =	rddreg [dreg:$0xb]  }
0x42f: {  	s2 =	rddreg [dreg:$0x3];
	s1 =	sshrl.u32 s1, $0x2  }
0x430: {  	s3 =	simm.s32 $0x80;
	s0 =	sadd.s32 $0x1, s0;
	s1 =	sadd.s32 $0x380, s1  }
0x431: {  	[tilespmem:s19], [sflag:$0x4] =	stream.indirect.gather [hbm4b:s2+s3], $0x40, s1, s3, $0xb8;
	[tilespmem:$0x12400] =	vst v63  }
.LBB2_17:
0x432: {  	_ =	sfence.sel $0x180000  }
0x433: {  	[bflag:$0x0] =	sbarrier.arrive $0xFFFF  }
0x434: {  	_ =	strace $0x9000004A  }
0x435: {  	s0 =	stileid.u32;
	[bflag:$0x2] =	sbarrier.arrive $0xFFFF  }
0x436: {  	p0 =	sne.s32 s0, $0x0;
	s0 =	rddreg [dreg:$0x2]  }
0x437: {  	s0 =	sadd.s32 @!p0 $0x100000, s0  }
0x438: {  	[sflag:s0] =	ssyncadd.tile.s32 @!p0 $0x1;
	_ =	shalt  }
.Lfunc_end2:
_tile_overlayer_lowered:
.L_overlay_start_2:
0x439: {  	(tag) =	ssettag $0x2  }
0x43a: {  	s0 =	rddreg [dreg:$0x0];
	s2 =	stileid.u32  }
0x43b: {  	s1 =	rddreg [dreg:$0x1];
	p0 =	sne.s32 s2, $0x0  }
0x43c: {  	s3 =	rddreg [dreg:$0x2];
	[bflag:$0x3] =	sbarrier.arrive $0xFFFF;
	s2 =	simm.s32 @!p0 $0x1C07  }
0x43d: {  	[timem:s3], [sflag:s2] =	dma.local @!p0 [hbm:s0], s1  }
0x43e: {  	s0 =	simm.s32 @!p0 $0x7  }
0x43f: {  	_ =	swait.ge @!p0 [sflag:s0], s1  }
0x440: {  	s1 =	ssub.s32 @!p0 $0x0, s1;
	[sflag:s0] =	ssyncset.done @!p0 $0x0  }
0x441: {  	[sflag:s0] =	ssyncadd.s32 @!p0 s1  }
0x442: {  	[bflag:$0x3] =	sbarrier.arrive $0xFFFF  }
0x443: {  	_ =	shalt  }

// kernel: sparse-core-data-format-call.cloned.1.call-start
scs
called_computation_lowered:
.L_overlay_start_0:
0x0: {  	s2 =	sld [smem:$0x3FD9]  }
0x1: {  	s3 =	sld [smem:$0x3FFE];
	_ =	sdelay $0x1  }
0x2: {  	s1 =	srdreg.scid  }
0x3: {  	s0 =	sand.u32 $0x1, s1  }
0x4: {  	s18 =	sshll.u32 s0, $0xA;
	s2 =	sadd.s32 s3, s2  }
0x5: {  	s2 =	sadd.s32 s2, s18  }
0x6: {  	[smem:$0x3FC6] =	sst s2  }
0x7: {  	_ = 	snop  }
0x8: {  	s2 =	sld [smem:$0x3FC8];
	(tm) =	ssettm $0x1  }
0x9: {  	s19 =	sld [smem:$0x3FFB];
	_ =	sdelay $0x3  }
0xa: {  	_ =	strace s19  }
0xb: {  	s3 =	sld [smem:$0x3FFC];
	_ =	sdelay $0x3  }
0xc: {  	_ =	strace s3  }
0xd: {  	s3 =	sld [smem:$0x3FFD];
	_ =	sdelay $0x3  }
0xe: {  	_ =	strace s3  }
0xf: {  	_ =	strace $0x8FFFFFFF  }
0x10: {  	s20 =	sld [smem:$0x3FDB];
	_ =	sdelay $0x1  }
0x11: {  	s4 =	simm.s32 $_scs_section_size  }
0x12: {  	s5 =	simm.s32 $_size__tile_overlayer_lowered;
	s6 =	simm.s32 $_tile_overlayer_lowered  }
0x13: {  	s23 =	simm.s32 $0x1BFF;
	s22 =	sshll.u32 s6, $0x1;
	s3 =	sadd.s32 s4, s20  }
0x14: {  	s7 =	simm.s32 $0x0;
	s21 =	sshll.u32 s5, $0x1;
	s5 =	sadd.s32 s22, s3  }
0x15: {  	[timem:s7], [sflag:s23] =	dma.local [hbm:s5], s21  }
0x16: {  	_ =	swait.ge [sflag:s23], s21  }
0x17: {  	s4 =	ssub.s32 $0x0, s21;
	[sflag:s23] =	ssyncset.done $0x0  }
0x18: {  	[sflag:s23] =	ssyncadd.s32 s4;
	_ =	sdelay $0x1  }
0x19: {  	s24 =	simm.s32 $0x1B8B  }
0x1a: {  	_ =	swait.ge [sflag:s24], $0x1  }
0x1b: {  	[sflag:s24] =	ssyncset.done $0x0  }
0x1c: {  	s26 =	simm.s32 $0x1B8E;
	s25 =	sld [smem:$0x3FFE];
	[sflag:s24] =	ssyncadd.s32 $0xFFFFFFFF  }
0x1d: {  	s27 =	simm.s32 $execute0_lowered;
	[smem:$0x3FD2] =	sst s26  }
0x1e: {  	s5 =	sshll.u32 s27, $0x1;
	_ =	strace $0x80000046;
	[dreg:$0x1] =	wrdreg $0xFFFFFFFF  }
0x1f: {  	s28 =	simm.s32 $_size_execute0_lowered;
	s3 =	sadd.s32 s3, s5;
	[dreg:$0x0] =	wrdreg $0x0  }
0x20: {  	s5 =	sshll.u32 s28, $0x1;
	[dreg:$0x2] =	wrdreg s3  }
0x21: {  	[dreg:$0x3] =	wrdreg s5  }
0x22: {  	[dreg:$0x4] =	wrdreg $0xC0  }
0x23: {  	_ =	task [dreg:s7], $0x5FFFF  }
0x24: {  	[dreg:$0x1] =	wrdreg $0xFFFFFFFF  }
0x25: {  	[dreg:$0x0] =	wrdreg $0x60  }
0x26: {  	[dreg:$0x2] =	wrdreg s2  }
0x27: {  	[dreg:$0x3] =	wrdreg s25  }
0x28: {  	[dreg:$0x4] =	wrdreg $0x9  }
0x29: {  	_ =	task.clear_ibuf [dreg:s7], $0x5FFFF;
	_ =	strace $0x90000046  }
0x2a: {  	s29 =	simm.s32 $0x9;
	_ =	strace $0x80000048  }
0x2b: {  	_ =	swait.ge [sflag:s29], $0x1  }
0x2c: {  	[sflag:s29] =	ssyncadd.s32 $0xFFFFFFFF  }
0x2d: {  	_ =	strace $0x90000048  }
0x2e: {  	_ =	sfence  }
0x2f: {  	s30 =	sld [smem:$0x0];
	_ =	sdelay $0x2  }
0x30: {  	s31 =	sshll.u32 s1, $0xD;
	s1 =	sshrl.u32 s1, $0x2  }
0x31: {  	s3 =	sand.u32 $0x4000, s31;
	s1 =	sadd.s32 s1, s30  }
0x32: {  	s0 =	sor.u32 s3, s0;
	s1 =	sshll.u32 s1, $0x11  }
0x33: {  	s0 =	sor.u32 s1, s0  }
0x34: {  	s0 =	sadd.s32 $0x8F2B, s0  }
0x35: {  	[sflag:s0] =	ssyncadd.remote.s32 $0x1  }
0x36: {  	_ =	sfence.sel $0xFFFF  }
0x37: {  	[dreg:$0x0] =	wrdreg $0xFFFFFFFF;
	(pc) =	sbr.abs _section_cstart, $3  }
0x38: {  	[dreg:$0x1] =	wrdreg $0xFFFFFFFF  }
0x39: {  	_ =	task.clear_ibuf [dreg:s7], $0x2FFFF;
	_ =	strace $0x9FFFFFFF  }
0x3a: {  	(tm) =	ssettm $0x7FFFFFFF  }
0x3b: {  	_ =	shalt  }
tec
execute0_lowered:
.L_overlay_start_1:
0x0: {  	(tag) =	ssettag $0x1  }
0x1: {  	s0 =	srdreg.scid;
	s2 =	rddreg [dreg:$0x0]  }
0x2: {  	s5 =	rddreg [dreg:$0x1];
	s1 =	stileid.u32  }
0x3: {  	s4 =	simm.s32 $0x1;
	s6 =	simm.s32 $0x2;
	s15 =	simm.s32 $0x0  }
0x4: {  	p0 =	por $0x0, $0x0;
	s8 =	simm.s32 $0x80;
	s0 =	sshll.u32 s0, $0x4  }
0x5: {  	s14 =	simm.s32 $0x0;
	s9 =	simm.s32 $0x0;
	s3 =	sand.u32 $0x10, s0  }
.Ltmp0:
0x6: {  	s10 =	simm.s32 $0x0;
	s3 =	sor.u32 s1, s3;
	(pc) =	sbr.rel .LBB1_1-.Ltmp0, $4  }
0x7: {  	s0 =	rddreg [dreg:$0x2];
	_ =	strace $0x80000047;
	s3 =	sshll.u32 s3, $0x7  }
0x8: {  	s12 =	simm.s32 $0x0;
	[sflag:s4] =	ssyncpa.u1 $0x0;
	s7 =	ssub.s32 $0xF4200, s3  }
0x9: {  	s13 =	simm.s32 $0x0;
	[sflag:s6] =	ssyncpa.u1 $0x0;
	s6 =	sshrl.u32 s7, $0xC  }
0xa: {  	s5 =	sadd.s32 $0xA00, s5;
	s11 =	smov.u32 s3;
	s7 =	sadd.s32 $0x2, s6  }
.LBB1_5:
0xb: {  	p1 =	slt.u32 s13, $0x2  }
0xc: {  	s17 =	smov.u32 s15;
	p2 =	sgt.s32 @!p1 s15, $0xF41C0;
	s16 =	sshra.s32 @!p1 s15, $0x1F  }
0xd: {  	p3 =	sgt.s32 @!p1 s14, $0x40;
	s18 =	sshra.s32 @!p1 s14, $0x1F;
	p2 =	por !p2, p1  }
0xe: {  	s15 =	sand.u32 @!p1 s16, s15;
	p3 =	por !p3, p1;
	s16 =	smov.u32 s14  }
0xf: {  	s14 =	sand.u32 @!p1 s18, s14;
	s17 =	simm.s32 @p2 $0xF41C0;
	s16 =	simm.s32 @p3 $0x40  }
0x10: {  	s15 =	ssub.s32 @!p1 s17, s15;
	s14 =	ssub.s32 @!p1 s16, s14  }
0x11: {  	s18 =	smov.u32 s12;
	s16 =	sadd.s32 @!p1 $0xFFF0BE40, s15;
	s17 =	sadd.s32 @!p1 $0xFFFFFFC0, s14  }
0x12: {  	s15 =	ssub.s32 @!p1 $0xF4240, s15;
	p2 =	sgt.s32 @!p1 s16, $0x7F;
	p3 =	sgt.s32 @!p1 s17, $0x3F  }
0x13: {  	s14 =	ssub.s32 @!p1 $0x80, s14;
	p2 =	por !p2, p1;
	p3 =	por !p3, p1  }
0x14: {  	s16 =	sadd.s32 $0x1000, s11;
	s15 =	simm.s32 @!p2 $0x0;
	s14 =	simm.s32 @!p3 $0x0  }
0x15: {  	p2 =	sgt.s32 s16, $0xF423F;
	s14 =	smul.u32 @!p1 s14, s15;
	s15 =	sadd.s32 $0x40, s12  }
0x16: {  	s18 =	smov.u32 @p2 s15  }
0x17: {  	s16 =	smov.u32 @p2 s3;
	p2 =	sgt.s32 s18, $0x3F  }
0x18: {  	s18 =	simm.s32 @p2 $0x0;
	p2 =	sne.s32 s13, s7  }
.Ltmp1:
0x19: {  	p0 =	por !p0, !p0;
	s17 =	simm.s32 @!p1 $0x2;
	(pc) =	sbr.rel @!p2 .LBB1_6-.Ltmp1, $4  }
0x1a: {  	s15 =	smov.u32 s9;
	s9 =	smov.u32 s11;
	s14 =	sand.u32 @!p1 $0x3FFFFFFF, s14  }
0x1b: {  	s11 =	smov.u32 s16;
	_ =	swait.ge @!p1 [sflag:s17], s14;
	s19 =	ssub.s32 @!p1 $0x0, s14  }
0x1c: {  	s14 =	smov.u32 s10;
	s13 =	sadd.s32 $0x1, s13;
	[sflag:s17] =	ssyncset.done @!p1 $0x0  }
0x1d: {  	s10 =	smov.u32 s12;
	s12 =	smov.u32 s18;
	[sflag:s17] =	ssyncadd.s32 @!p1 s19  }
.LBB1_1:
0x1e: {  	p1 =	sgt.u32 s13, s6  }
0x1f: {  	s16 =	sshrl.u32 @!p1 s12, $0x3  }
0x20: {  	s17 =	sshll.u32 @!p1 s11, $0x3;
	s16 =	smul.u32 @!p1 $0x7A1400, s16  }
0x21: {  	s18 =	sshll.u32 @!p1 s12, $0x7;
	s17 =	sand.u32 @!p1 $0xFFFFFC00, s17  }
0x22: {  	s16 =	sadd.s32 @!p1 s16, s17;
	s17 =	sand.u32 @!p1 $0x380, s18  }
0x23: {  	s18 =	sand.u32 @!p1 $0x7F, s11;
	s16 =	sor.u32 @!p1 s17, s16  }
0x24: {  	s17 =	sor.u32 @!p1 s18, s16  }
0x25: {  	s18 =	smulhi.u32 @!p1 $0x218D6287, s17;
	_ =	sdelay $0x1  }
0x26: {  	s16 =	smulhi.u32 @!p1 $0x218D6287, s16;
	s18 =	sshrl.u32 @!p1 s18, $0x11  }
0x27: {  	s18 =	smul.u32 @!p1 $0xF4280, s18  }
0x28: {  	s19 =	sxor.u32 @!p1 $0xFFFFFFFF, s13;
	s16 =	sshrl.u32 @!p1 s16, $0x11  }
0x29: {  	s19 =	sshll.u32 @!p1 s19, $0xD;
	s16 =	sand.u32 @!p1 $0x3F, s16;
	s17 =	ssub.s32 @!p1 s17, s18  }
0x2a: {  	s16 =	smul.u32 @!p1 $0x1E850, s16;
	s18 =	sshrl.u32 @!p1 s17, $0x3;
	s17 =	sand.u32 @!p1 $0x7, s17  }
0x2b: {  	s19 =	sand.u32 @!p1 $0x2000, s19;
	s18 =	sadd.s32 @!p1 s2, s18;
	s17 =	sshll.u32 @!p1 s17, $0x12  }
0x2c: {  	s16 =	sadd.s32 @!p1 s16, s18;
	s17 =	sor.u32 @!p1 $0x400, s17;
	s18 =	simm.s32 @!p1 $0x7A1400  }
0x2d: {  	[tilespmem:s19], [sflag:$0x1] =	stream.strided.gather @!p1 [hbm4b:s16+s17], $0x2000, s18, s17, $0x38;
	[tilespmem:$0x8100] =	vst v63  }
0x2e: {  	p1 =	seq.s32 s13, $0x0  }
0x2f: {  	p2 =	sge.u32 @!p1 s13, s7  }
0x30: {  	p1 =	por p1, p2  }
.Ltmp2:
0x31: {  	_ = 	snop;
	(pc) =	sbr.rel @p1 .LBB1_5-.Ltmp2, $1  }
0x32: {  	_ =	sdelay $0x3  }
0x33: {  	s16 =	simm.s32 $0x1  }
0x34: {  	_ =	swait.ge [sflag:s4], $0x2000;
	s16 =	simm.s32 @!p0 $0x0  }
0x35: {  	[sflag:s4] =	ssyncset.done $0x0;
	s17 =	sshll.u32 s16, $0xD  }
0x36: {  	[sflag:s4] =	ssyncadd.s32 $0xFFFFE000;
	s17 =	sor.u32 $0x40, s17  }
0x37: {  	s16 =	smul.u32 $0x8200, s16;
	v0 =	vld [tilespmem:s17+$0x30]  }
0x38: {  	v1 =	vld [tilespmem:s17+$0xFFFFFFD0]  }
0x39: {  	s16 =	sshrl.u32 s16, $0x2;
	v5 =	vld [tilespmem:s17+$0xFFFFFFE0]  }
0x3a: {  	v6 =	vld [tilespmem:s17+$0xFFFFFFF0];
	s19 =	sor.u32 $0x4000, s16  }
0x3b: {  	s31 =	sand.u32 $0x1, s13;
	v4 =	vld [tilespmem:s17+$0x0];
	s18 =	sadd.s32 $0x0, s19  }
0x3c: {  	v3 =	vld [tilespmem:s17+$0x10];
	s16 =	smul.u32 $0x8200, s31;
	[tilespmem:s18+$0x1C70 ss:$0x41] =	vst.msk $0xffff, v0  }
0x3d: {  	v2 =	vld [tilespmem:s17+$0x20];
	[tilespmem:s18+$0x410 ss:$0x41] =	vst.msk $0xffff, v1  }
0x3e: {  	s16 =	sshrl.u32 s16, $0x2;
	v1 =	vld [tilespmem:s17+$0xFFFFFFC0];
	[tilespmem:s18+$0x820 ss:$0x41] =	vst.msk $0xffff, v5;
	s17 =	sadd.s32 $0x80, s17  }
0x3f: {  	s20 =	simm.s32 $0x4;
	s21 =	simm.s32 $0x8;
	s16 =	sor.u32 $0x4000, s16;
	[tilespmem:s18+$0xC30 ss:$0x41] =	vst.msk $0xffff, v6;
	v0 =	vld [tilespmem:s17+$0x30]  }
.LBB1_3:
0x40: {  	p1 =	sne.s32 s21, $0xFC;
	v5 =	vld [tilespmem:s17+$0xFFFFFFD0];
	[tilespmem:s18+$0x1040 ss:$0x41] =	vst.msk $0xffff, v4  }
0x41: {  	v6 =	vld [tilespmem:s17+$0xFFFFFFE0];
	[tilespmem:s18+$0x1450 ss:$0x41] =	vst.msk $0xffff, v3  }
0x42: {  	s22 =	sshra.s32 s20, $0x2;
	s20 =	smov.u32 s21;
	v7 =	vld [tilespmem:s17+$0xFFFFFFF0];
	[tilespmem:s18+$0x1860 ss:$0x41] =	vst.msk $0xffff, v2  }
.Ltmp3:
0x43: {  	v4 =	vld [tilespmem:s17+$0x0];
	[tilespmem:s18+$0x0 ss:$0x41] =	vst.msk $0xffff, v1;
	s18 =	sadd.s32 s22, s19;
	(pc) =	sbr.rel @p1 .LBB1_3-.Ltmp3, $4  }
0x44: {  	v3 =	vld [tilespmem:s17+$0x10];
	[tilespmem:s18+$0x1C70 ss:$0x41] =	vst.msk $0xffff, v0  }
0x45: {  	[tilespmem:s18+$0x410 ss:$0x41] =	vst.msk $0xffff, v5;
	v2 =	vld [tilespmem:s17+$0x20]  }
0x46: {  	v1 =	vld [tilespmem:s17+$0xFFFFFFC0];
	[tilespmem:s18+$0x820 ss:$0x41] =	vst.msk $0xffff, v6;
	s17 =	sadd.s32 $0x80, s17  }
0x47: {  	s21 =	sadd.s32 $0x4, s21;
	v0 =	vld [tilespmem:s17+$0x30];
	[tilespmem:s18+$0xC30 ss:$0x41] =	vst.msk $0xffff, v7  }
0x48: {  	s21 =	sshll.u32 s9, $0x7;
	s22 =	sshll.u32 s10, $0x3;
	s20 =	sshra.s32 s20, $0x2  }
0x49: {  	p1 =	sgt.s32 s9, $0xF41C0;
	s30 =	sshra.s32 s9, $0x1F;
	s25 =	sshra.s32 s10, $0x1F  }
0x4a: {  	v5 =	vld [tilespmem:s17+$0xFFFFFFD0];
	s28 =	sshrl.u32 s10, $0x3;
	s23 =	sand.u32 $0xFFFFFC00, s21;
	s22 =	sand.u32 $0xFFFFFC00, s22  }
0x4b: {  	[tilespmem:s18+$0x1040 ss:$0x41] =	vst.msk $0xffff, v4;
	v58 =	vld [tilespmem:s17+$0xFFFFFFE0];
	s21 =	sand.u32 $0x380, s21;
	s19 =	sadd.s32 s20, s19;
	s22 =	sadd.s32 s22, s23  }
0x4c: {  	v59 =	vld [tilespmem:s17+$0xFFFFFFF0];
	[tilespmem:s18+$0x1450 ss:$0x41] =	vst.msk $0xffff, v3;
	s29 =	sor.u32 s21, s22;
	s21 =	smov.u32 s9;
	s22 =	sand.u32 s30, s9  }
0x4d: {  	v60 =	vld [tilespmem:s17+$0x0];
	[tilespmem:s18+$0x1860 ss:$0x41] =	vst.msk $0xffff, v2;
	s30 =	sand.u32 $0x7, s10;
	s20 =	sshrl.u32 s29, $0x7;
	s21 =	simm.s32 @!p1 $0xF41C0  }
0x4e: {  	v61 =	vld [tilespmem:s17+$0x10];
	[tilespmem:s18+$0x0 ss:$0x41] =	vst.msk $0xffff, v1;
	p1 =	sgt.s32 s10, $0x40;
	s24 =	ssub.s32 s21, s22;
	s21 =	smov.u32 s10  }
0x4f: {  	v62 =	vld [tilespmem:s17+$0x20];
	[tilespmem:s19+$0x1C70 ss:$0x41] =	vst.msk $0xffff, v0;
	s31 =	smulhi.u32 $0x218DEF5, s20;
	s22 =	sand.u32 s25, s10;
	s21 =	simm.s32 @!p1 $0x40  }
0x50: {  	v63 =	vld [tilespmem:s17+$0xFFFFFFC0];
	[tilespmem:s19+$0x410 ss:$0x41] =	vst.msk $0xffff, v5;
	s26 =	sadd.s32 $0xFFF0BE40, s24;
	s17 =	ssub.s32 $0xF4240, s24;
	s21 =	ssub.s32 s21, s22  }
0x51: {  	[tilespmem:s19+$0x820 ss:$0x41] =	vst.msk $0xffff, v58;
	s23 =	sshrl.u32 s31, $0xD;
	p1 =	sgt.s32 s26, $0x7F;
	s27 =	sadd.s32 $0xFFFFFFC0, s21  }
0x52: {  	[tilespmem:s19+$0xC30 ss:$0x41] =	vst.msk $0xffff, v59;
	s23 =	smul.u32 $0xF4240, s23;
	s18 =	ssub.s32 $0x80, s21;
	p2 =	sgt.s32 s27, $0x3F  }
.Ltmp4:
0x53: {  	[tilespmem:s19+$0x1040 ss:$0x41] =	vst.msk $0xffff, v60;
	s17 =	simm.s32 @p1 $0x0;
	s18 =	simm.s32 @p2 $0x0;
	(pc) =	sbr.rel .LBB1_5-.Ltmp4, $4  }
0x54: {  	s29 =	sand.u32 $0xF, s28;
	[tilespmem:s19+$0x1450 ss:$0x41] =	vst.msk $0xffff, v61;
	s20 =	ssub.s32 s20, s23;
	s17 =	smul.u32 s18, s17  }
0x55: {  	[tilespmem:s19+$0x1860 ss:$0x41] =	vst.msk $0xffff, v62;
	s21 =	sshll.u32 s30, $0x12;
	s20 =	sshll.u32 s20, $0x4;
	s18 =	sadd.s32 s5, s29  }
0x56: {  	[tilespmem:s19+$0x0 ss:$0x41] =	vst.msk $0xffff, v63;
	s31 =	sor.u32 $0x40, s21;
	s18 =	sadd.s32 s20, s18;
	s17 =	sand.u32 $0x3FFFFFFF, s17  }
0x57: {  	[hbm4b:s18+s31] =	stream.strided.scatter [tilespmem:s16], [sflag:$0x2], s17, s8, s31, $0x18;
	[tilespmem:$0x8100] =	vst v63  }
.LBB1_6:
0x58: {  	_ =	sfence.sel $0x180000  }
0x59: {  	s2 =	simm.s32 $0x1;
	[bflag:$0x0] =	sbarrier.arrive $0xFFFF  }
0x5a: {  	s31 =	simm.s32 $0x2;
	[sflag:s2] =	ssyncpa.u1 $0x1  }
0x5b: {  	[sflag:s31] =	ssyncpa.u1 $0x1  }
0x5c: {  	p0 =	sne.s32 s1, $0x0;
	_ =	strace $0x90000047  }
0x5d: {  	s0 =	sadd.s32 @!p0 $0x100000, s0;
	[bflag:$0x2] =	sbarrier.arrive $0xFFFF  }
0x5e: {  	[sflag:s0] =	ssyncadd.tile.s32 @!p0 $0x1;
	_ =	shalt  }
.Lfunc_end1:
_tile_overlayer_lowered:
.L_overlay_start_2:
0x5f: {  	(tag) =	ssettag $0x2  }
0x60: {  	s0 =	rddreg [dreg:$0x0];
	s2 =	stileid.u32  }
0x61: {  	s1 =	rddreg [dreg:$0x1];
	p0 =	sne.s32 s2, $0x0  }
0x62: {  	s3 =	rddreg [dreg:$0x2];
	[bflag:$0x3] =	sbarrier.arrive $0xFFFF;
	s2 =	simm.s32 @!p0 $0x1C01  }
0x63: {  	[timem:s3], [sflag:s2] =	dma.local @!p0 [hbm:s0], s1  }
0x64: {  	s0 =	simm.s32 @!p0 $0x1  }
0x65: {  	_ =	swait.ge @!p0 [sflag:s0], s1  }
0x66: {  	s1 =	ssub.s32 @!p0 $0x0, s1;
	[sflag:s0] =	ssyncset.done @!p0 $0x0  }
0x67: {  	[sflag:s0] =	ssyncadd.s32 @!p0 s1  }
0x68: {  	[bflag:$0x3] =	sbarrier.arrive $0xFFFF  }
0x69: {  	_ =	shalt  }

</sc_bundles>
